<compile_context>
chip_gen: v7x
topology: tpu7x:2x2x1
jax: 0.10.2.dev20260603
libtpu: 0.0.44.dev20260713+nightly
codegen_flags: <defaults>
</compile_context>

<pallas_src>
import functools

import jax
import jax.numpy as jnp
from jax import lax
from jax.experimental import pallas as pl
from jax.experimental.pallas import tpu as pltpu
from jax.experimental.pallas import tpu_sc as plsc

N = 10000
E = 320000
D_IN = 128
D_H = 128
D_OUT = 64

NC = 2
NS = 16
NW = NC * NS
EPT = E // NW
ROWS_PT = N // NS

_MESH = plsc.VectorSubcoreMesh(core_axis_name="c", subcore_axis_name="s")


def _sc_agg(d):
    chunk = 200
    nchunk = EPT // chunk

    @functools.partial(
        pl.kernel,
        out_type=jax.ShapeDtypeStruct((NC * N, d), jnp.float32),
        mesh=_MESH,
        scratch_types=[
            pltpu.VMEM((chunk,), jnp.int32),
            pltpu.VMEM((chunk,), jnp.int32),
            pltpu.VMEM((chunk, d), jnp.float32),
            pltpu.VMEM_SHARED((N, d), jnp.float32),
            pltpu.SemaphoreType.DMA,
        ],
    )
    def k(g_hbm, src_hbm, dst_hbm, out_hbm, srcv, dstv, rows, acc, sem):
        cid = lax.axis_index("c")
        sid = lax.axis_index("s")
        wid = cid * NS + sid

        zero16 = jnp.zeros((16,), jnp.float32)

        def zrow(i, _):
            for j in range(d // 16):
                rows[i, pl.ds(j * 16, 16)] = zero16
            return 0

        lax.fori_loop(0, chunk, zrow, 0)
        w0 = sid * 624
        b0 = 624 * (NS - 1)

        def _zero_acc(base, total):
            off = 0
            while off < total:
                n = min(chunk, total - off)
                pltpu.sync_copy(rows.at[pl.ds(0, n)],
                                acc.at[pl.ds(base + off, n)])
                off += n

        @pl.when(sid < NS - 1)
        def _():
            _zero_acc(w0, 624)

        @pl.when(sid == NS - 1)
        def _():
            _zero_acc(b0, 640)

        plsc.subcore_barrier()

        base = wid * EPT

        def body(ci, _):
            off = base + ci * chunk
            pltpu.sync_copy(src_hbm.at[pl.ds(off, chunk)], srcv)
            pltpu.sync_copy(dst_hbm.at[pl.ds(off, chunk)], dstv)
            pltpu.async_copy(g_hbm.at[srcv], rows, sem).wait()
            pltpu.sync_copy(rows, acc.at[dstv], add=True)
            return 0

        lax.fori_loop(0, nchunk, body, 0)
        plsc.subcore_barrier()

        def _writeout(base, total):
            off = 0
            while off < total:
                n = min(chunk, total - off)
                pltpu.sync_copy(acc.at[pl.ds(base + off, n)],
                                rows.at[pl.ds(0, n)])
                pltpu.sync_copy(rows.at[pl.ds(0, n)],
                                out_hbm.at[pl.ds(cid * N + base + off, n)])
                off += n

        @pl.when(sid < NS - 1)
        def _():
            _writeout(w0, 624)

        @pl.when(sid == NS - 1)
        def _():
            _writeout(b0, 640)

    return k


def _sc_deg():
    chunk = 2000
    nchunk = EPT // chunk

    zlen = 640

    @functools.partial(
        pl.kernel,
        out_type=jax.ShapeDtypeStruct((NC * N,), jnp.float32),
        mesh=_MESH,
        scratch_types=[
            pltpu.VMEM((chunk,), jnp.int32),
            pltpu.VMEM((chunk,), jnp.float32),
            pltpu.VMEM((zlen,), jnp.float32),
            pltpu.VMEM_SHARED((N,), jnp.float32),
        ],
    )
    def k(dst_hbm, out_hbm, dstv, ones, zbuf, acc):
        cid = lax.axis_index("c")
        sid = lax.axis_index("s")
        wid = cid * NS + sid

        one16 = jnp.ones((16,), jnp.float32)
        zero16 = jnp.zeros((16,), jnp.float32)

        def fill(i, _):
            ones[pl.ds(i * 16, 16)] = one16
            return 0

        lax.fori_loop(0, chunk // 16, fill, 0)

        def zfill(i, _):
            zbuf[pl.ds(i * 16, 16)] = zero16
            return 0

        lax.fori_loop(0, zlen // 16, zfill, 0)

        w0 = sid * 624
        wn = N - 624 * (NS - 1)

        @pl.when(sid < NS - 1)
        def _():
            pltpu.sync_copy(zbuf.at[pl.ds(0, 624)], acc.at[pl.ds(w0, 624)])

        @pl.when(sid == NS - 1)
        def _():
            pltpu.sync_copy(zbuf, acc.at[pl.ds(624 * (NS - 1), wn)])

        plsc.subcore_barrier()

        base = wid * EPT

        def body(ci, _):
            off = base + ci * chunk
            pltpu.sync_copy(dst_hbm.at[pl.ds(off, chunk)], dstv)
            pltpu.sync_copy(ones, acc.at[dstv], add=True)
            return 0

        lax.fori_loop(0, nchunk, body, 0)
        plsc.subcore_barrier()

        @pl.when(sid < NS - 1)
        def _():
            pltpu.sync_copy(acc.at[pl.ds(w0, 624)], zbuf.at[pl.ds(0, 624)])
            pltpu.sync_copy(zbuf.at[pl.ds(0, 624)],
                            out_hbm.at[pl.ds(cid * N + w0, 624)])

        @pl.when(sid == NS - 1)
        def _():
            pltpu.sync_copy(acc.at[pl.ds(624 * (NS - 1), wn)], zbuf)
            pltpu.sync_copy(zbuf,
                            out_hbm.at[pl.ds(cid * N + 624 * (NS - 1), wn)])

    return k


def _sc_reg():
    R = 128
    SHIFT = 7
    NSTRIPE = (N + R - 1) // R
    NITER = (NSTRIPE + NC - 1) // NC
    EPT2 = E // NS
    ECH = 2000
    NECH = EPT2 // ECH
    NB = NSTRIPE
    NBP = 80
    KCAP = EPT2 + 16 * NB
    KCAP = ((KCAP + 511) // 512) * 512
    DUMP = R * N
    ACCW = R * N + 64
    ZPT = 80000

    @functools.partial(
        pl.kernel,
        out_type=jax.ShapeDtypeStruct((NW * 16,), jnp.float32),
        mesh=_MESH,
        compiler_params=pltpu.CompilerParams(needs_layout_passes=False),
        scratch_types=[
            pltpu.VMEM((KCAP,), jnp.int32),
            pltpu.VMEM((KCAP,), jnp.int32),
            pltpu.VMEM((ECH,), jnp.int32),
            pltpu.VMEM((ECH,), jnp.int32),
            pltpu.VMEM((ECH,), jnp.int32),
            pltpu.VMEM((NBP,), jnp.int32),
            pltpu.VMEM((NBP,), jnp.int32),
            pltpu.VMEM((NBP,), jnp.int32),
            pltpu.VMEM((NBP,), jnp.int32),
            pltpu.VMEM((16,), jnp.int32),
            pltpu.VMEM((512,), jnp.int32),
            pltpu.VMEM((512,), jnp.float32),
            pltpu.VMEM((512,), jnp.float32),
            pltpu.VMEM((512,), jnp.float32),
            pltpu.VMEM_SHARED((ACCW,), jnp.float32),
            pltpu.SemaphoreType.DMA,
        ],
    )
    def k(src_hbm, dst_hbm, out_hbm, keyA, keyB, srcb, dstb, hidx,
          baseA, wptrA, baseB, wptrB, tmp16, idx512, ones512, zeros512,
          gbuf512, acc, sem):
        cid = lax.axis_index("c")
        sid = lax.axis_index("s")
        wid = cid * NS + sid
        iota = lax.iota(jnp.int32, 16)
        ones16 = jnp.ones((16,), jnp.float32)
        zero16 = jnp.zeros((16,), jnp.float32)

        def fill512(ref, vec):
            def fb(i, _):
                ref[pl.ds(i * 16, 16)] = vec
                return 0
            lax.fori_loop(0, 32, fb, 0)

        fill512(ones512, ones16)
        fill512(zeros512, zero16)

        z0 = sid * ZPT

        def zc(i, _):
            pltpu.sync_copy(zeros512, acc.at[pl.ds(z0 + i * 512, 512)])
            return 0

        lax.fori_loop(0, ZPT // 512, zc, 0)
        pltpu.sync_copy(zeros512.at[pl.ds(0, 128)],
                        acc.at[pl.ds(z0 + (ZPT // 512) * 512, 128)])

        @pl.when(sid == NS - 1)
        def _():
            pltpu.sync_copy(zeros512.at[pl.ds(0, 64)],
                            acc.at[pl.ds(NS * ZPT, 64)])

        plsc.subcore_barrier()

        ebase = sid * EPT2

        def hchunk(ci, _):
            off = ebase + ci * ECH
            pltpu.sync_copy(src_hbm.at[pl.ds(off, ECH)], srcb)
            pltpu.sync_copy(dst_hbm.at[pl.ds(off, ECH)], dstb)

            def hv(j, _):
                s16 = srcb[pl.ds(j * 16, 16)]
                hidx[pl.ds(j * 16, 16)] = (
                    lax.shift_right_logical(s16, SHIFT) + sid * 256)
                return 0

            lax.fori_loop(0, ECH // 16, hv, 0)
            pltpu.sync_copy(ones512, acc.at[hidx.at[pl.ds(0, 512)]], add=True)
            pltpu.sync_copy(ones512,
                            acc.at[hidx.at[pl.ds(512, 512)]], add=True)
            pltpu.sync_copy(ones512,
                            acc.at[hidx.at[pl.ds(1024, 512)]], add=True)
            pltpu.sync_copy(ones512,
                            acc.at[hidx.at[pl.ds(1536, 512)]], add=True)

            def hv2(j, _):
                d16 = dstb[pl.ds(j * 16, 16)]
                hidx[pl.ds(j * 16, 16)] = (
                    lax.shift_right_logical(d16, SHIFT) + sid * 256 + 128)
                return 0

            lax.fori_loop(0, ECH // 16, hv2, 0)
            pltpu.sync_copy(ones512, acc.at[hidx.at[pl.ds(0, 512)]], add=True)
            pltpu.sync_copy(ones512,
                            acc.at[hidx.at[pl.ds(512, 512)]], add=True)
            pltpu.sync_copy(ones512,
                            acc.at[hidx.at[pl.ds(1024, 512)]], add=True)
            pltpu.sync_copy(ones512,
                            acc.at[hidx.at[pl.ds(1536, 512)]], add=True)
            return 0

        lax.fori_loop(0, NECH, hchunk, 0)

        pltpu.sync_copy(acc.at[pl.ds(sid * 256, 128)], gbuf512.at[pl.ds(0, 128)])
        pltpu.sync_copy(acc.at[pl.ds(sid * 256 + 128, 128)],
                        gbuf512.at[pl.ds(128, 128)])

        def mkbase(goff, base_ref, wptr_ref):
            def blk(bi, run):
                h = gbuf512[pl.ds(goff + bi * 16, 16)].astype(jnp.int32)
                hp = lax.shift_left(
                    lax.shift_right_logical(h + 15, 4), 4)
                ic = plsc.cumsum(hp)
                excl = ic - hp + run
                base_ref[pl.ds(bi * 16, 16)] = excl
                wptr_ref[pl.ds(bi * 16, 16)] = excl
                return run + ic[15]
            lax.fori_loop(0, NBP // 16, blk, 0)

        mkbase(0, baseA, wptrA)
        mkbase(128, baseB, wptrB)

        pltpu.sync_copy(zeros512.at[pl.ds(0, 256)],
                        acc.at[pl.ds(sid * 256, 256)])

        def place(b16, k16, wptr_ref):
            sb, sk = plsc.sort_key_val(b16, k16)
            tmp16[...] = sb
            prev = plsc.load_gather(tmp16, [jnp.maximum(iota - 1, 0)])
            nxt = plsc.load_gather(tmp16, [jnp.minimum(iota + 1, 15)])
            is_start = (iota == 0) | (sb != prev)
            is_end = (iota == 15) | (sb != nxt)
            start_pos = plsc.cummax(jnp.where(is_start, iota, 0))
            rank = iota - start_pos
            pos = plsc.load_gather(wptr_ref, [sb]) + rank
            plsc.store_scatter(wptr_ref, [sb], pos + 1, mask=is_end)
            return pos, sk

        def pchunk(ci, _):
            off = ebase + ci * ECH
            pltpu.sync_copy(src_hbm.at[pl.ds(off, ECH)], srcb)
            pltpu.sync_copy(dst_hbm.at[pl.ds(off, ECH)], dstb)

            def pv(j, _):
                s16 = srcb[pl.ds(j * 16, 16)]
                d16 = dstb[pl.ds(j * 16, 16)]
                posA, skA = place(lax.shift_right_logical(s16, SHIFT),
                                  s16 * N + d16, wptrA)
                plsc.store_scatter(keyA, [posA], skA)
                posB, skB = place(lax.shift_right_logical(d16, SHIFT),
                                  d16 * N + s16, wptrB)
                plsc.store_scatter(keyB, [posB], skB)
                return 0

            lax.fori_loop(0, ECH // 16, pv, 0)
            return 0

        lax.fori_loop(0, NECH, pchunk, 0)
        plsc.subcore_barrier()

        def rd(ref, s):
            return plsc.load_gather(
                ref, [jnp.zeros((16,), jnp.int32) + s])[0]

        def scatter_bucket(key_ref, blo, n, sflat, valbuf, add):
            nch = (n + 511) // 512

            def ch(ci, _):
                coff = pl.multiple_of(blo + ci * 512, 16)
                cbase = ci * 512

                def cv(j, _):
                    k16 = key_ref[pl.ds(coff + j * 16, 16)]
                    valid = (cbase + j * 16 + iota) < n
                    idx512[pl.ds(j * 16, 16)] = jnp.where(
                        valid, k16 - sflat, DUMP)
                    return 0

                lax.fori_loop(0, 32, cv, 0)
                pltpu.sync_copy(valbuf, acc.at[idx512], add=add)
                return 0

            lax.fori_loop(0, nch, ch, 0)

        def stripe(i, part):
            s = i * NC + cid
            live = s < NSTRIPE

            @pl.when(live)
            def _():
                blo = rd(baseA, s)
                n = rd(wptrA, s) - blo
                scatter_bucket(keyA, blo, n, s * (R * N), ones512, True)

            plsc.subcore_barrier()

            def gather_sum(part0):
                blo = rd(baseB, s)
                n = rd(wptrB, s) - blo
                nch = (n + 511) // 512

                def ch(ci, p):
                    coff = pl.multiple_of(blo + ci * 512, 16)
                    cbase = ci * 512

                    def cv(j, _):
                        k16 = keyB[pl.ds(coff + j * 16, 16)]
                        valid = (cbase + j * 16 + iota) < n
                        idx512[pl.ds(j * 16, 16)] = jnp.where(
                            valid, k16 - s * (R * N), DUMP)
                        return 0

                    lax.fori_loop(0, 32, cv, 0)
                    pltpu.sync_copy(acc.at[idx512], gbuf512)

                    def av(j, q):
                        g16 = gbuf512[pl.ds(j * 16, 16)]
                        valid = (cbase + j * 16 + iota) < n
                        return q + jnp.where(valid, g16, 0.0)

                    return lax.fori_loop(0, 32, av, p)

                return lax.fori_loop(0, nch, ch, part0)

            part = lax.cond(live, gather_sum, lambda p: p, part)
            plsc.subcore_barrier()

            @pl.when(live)
            def _():
                blo = rd(baseA, s)
                n = rd(wptrA, s) - blo
                scatter_bucket(keyA, blo, n, s * (R * N), zeros512, False)

            plsc.subcore_barrier()
            return part

        part = lax.fori_loop(0, NITER, stripe, jnp.zeros((16,), jnp.float32))

        gbuf512[pl.ds(0, 16)] = part
        pltpu.sync_copy(gbuf512.at[pl.ds(0, 16)],
                        out_hbm.at[pl.ds(wid * 16, 16)])

    return k


_BLK = 1000
_GRID = N // _BLK


def _row_spec(d):
    return pl.BlockSpec((_BLK, d), lambda i: (i, 0))


def _full_spec(r, c):
    return pl.BlockSpec((r, c), lambda i: (0, 0))


def _tc_a_body(x_ref, w_ref, d0_ref, d1_ref, dinv_ref, h_ref, g_ref):
    deg = d0_ref[...] + d1_ref[...] + 1.0
    dinv = lax.rsqrt(deg)
    dinv_ref[...] = dinv
    h = jnp.dot(x_ref[...], w_ref[...], preferred_element_type=jnp.float32)
    h_ref[...] = h
    g_ref[...] = h * dinv


def _tc_a(x, w1, d0, d1):
    return pl.pallas_call(
        _tc_a_body,
        grid=(_GRID,),
        in_specs=[_row_spec(D_IN), _full_spec(D_IN, D_H),
                  _row_spec(1), _row_spec(1)],
        out_specs=[_row_spec(1), _row_spec(D_H), _row_spec(D_H)],
        out_shape=[
            jax.ShapeDtypeStruct((N, 1), jnp.float32),
            jax.ShapeDtypeStruct((N, D_H), jnp.float32),
            jax.ShapeDtypeStruct((N, D_H), jnp.float32),
        ],
    )(x, w1, d0, d1)


def _tc_mid_body(h_ref, p0_ref, p1_ref, dinv_ref, b_ref, w_ref, hn_ref, gn_ref):
    dinv = dinv_ref[...]
    h = h_ref[...]
    z = dinv * (p0_ref[...] + p1_ref[...]) + (dinv * dinv) * h + b_ref[...]
    z = jnp.maximum(z, 0.0)
    hn = jnp.dot(z, w_ref[...], preferred_element_type=jnp.float32)
    hn_ref[...] = hn
    gn_ref[...] = hn * dinv


def _tc_mid(h, p0, p1, dinv, b, w, d_out):
    return pl.pallas_call(
        _tc_mid_body,
        grid=(_GRID,),
        in_specs=[_row_spec(D_H), _row_spec(D_H), _row_spec(D_H),
                  _row_spec(1), _full_spec(1, D_H), _full_spec(D_H, d_out)],
        out_specs=[_row_spec(d_out), _row_spec(d_out)],
        out_shape=[
            jax.ShapeDtypeStruct((N, d_out), jnp.float32),
            jax.ShapeDtypeStruct((N, d_out), jnp.float32),
        ],
    )(h, p0, p1, dinv, b, w)


def _tc_fin_body(h_ref, p0_ref, p1_ref, dinv_ref, b_ref, o_ref):
    dinv = dinv_ref[...]
    h = h_ref[...]
    z = dinv * (p0_ref[...] + p1_ref[...]) + (dinv * dinv) * h + b_ref[...]
    z = z[:, :D_OUT]
    m = jnp.max(z, axis=1, keepdims=True)
    s = jnp.sum(jnp.exp(z - m), axis=1, keepdims=True)
    o_ref[...] = z - m - jnp.log(s)


def _tc_fin(h, p0, p1, dinv, b):
    return pl.pallas_call(
        _tc_fin_body,
        grid=(_GRID,),
        in_specs=[_row_spec(D_H), _row_spec(D_H), _row_spec(D_H),
                  _row_spec(1), _full_spec(1, D_H)],
        out_specs=_row_spec(D_OUT),
        out_shape=jax.ShapeDtypeStruct((N, D_OUT), jnp.float32),
    )(h, p0, p1, dinv, b)


def kernel(x, edge_index, W1, b1, W2, b2, W3, b3, lap_weight):
    del lap_weight
    src = edge_index[0].astype(jnp.int32)
    dst = edge_index[1].astype(jnp.int32)

    degp = _sc_deg()(dst)
    d0 = degp[:N].reshape(N, 1)
    d1 = degp[N:].reshape(N, 1)

    dinv, h1, g1 = _tc_a(x, W1, d0, d1)

    w3p = jnp.pad(W3, ((0, 0), (0, D_H - D_OUT)))
    b3p = jnp.pad(b3, (0, D_H - D_OUT))

    agg_h = _sc_agg(D_H)
    p = agg_h(g1, src, dst)
    h2, g2 = _tc_mid(h1, p[:N], p[N:], dinv, b1.reshape(1, D_H), W2, D_H)
    p = agg_h(g2, src, dst)
    h3, g3 = _tc_mid(h2, p[:N], p[N:], dinv, b2.reshape(1, D_H), w3p, D_H)
    p = agg_h(g3, src, dst)
    out = _tc_fin(h3, p[:N], p[N:], dinv, b3p.reshape(1, D_H))

    keys = src * N + dst
    rev = dst * N + src
    sk = jnp.sort(keys)
    cnt = jnp.searchsorted(sk, rev, side="right") - jnp.searchsorted(
        sk, rev, side="left")
    reg = jnp.sum(cnt).astype(jnp.float32)
    return (out, reg)

# --- scband reference (transcript-rebuilt; emitter-appended) ---
"""Pipeline reference for scband-gcnwith-reg-37426345018067 (READ-ONLY COPY).

The authoritative reference and input builder live on the scoring server;
editing this copy changes nothing except your own understanding.
"""

import jax, jax.numpy as jnp
import numpy as np

N = 10000
E = 320000
D_IN = 128
D_H = 128
D_OUT = 64


def _glorot(key, shape):
    limit = float(np.sqrt(6.0 / (shape[0] + shape[1])))
    return jax.random.uniform(key, shape, minval=-limit, maxval=limit, dtype=jnp.float32)


def setup_inputs(seed: int = 0) -> dict:
    key = jax.random.key(seed)
    ks = jax.random.split(key, 8)
    x = jax.random.normal(ks[0], (N, D_IN), dtype=jnp.float32)
    edge_index = jax.random.randint(ks[1], (2, E), 0, N)
    W1 = _glorot(ks[2], (D_IN, D_H))
    b1 = jnp.zeros((D_H,), jnp.float32)
    W2 = _glorot(ks[3], (D_H, D_H))
    b2 = jnp.zeros((D_H,), jnp.float32)
    W3 = _glorot(ks[4], (D_H, D_OUT))
    b3 = jnp.zeros((D_OUT,), jnp.float32)
    lap_weight = _glorot(ks[5], (D_H, D_H))
    return {"x": x, "edge_index": edge_index, "W1": W1, "b1": b1, "W2": W2, "b2": b2, "W3": W3, "b3": b3, "lap_weight": lap_weight}


def _gcn_conv(x, edge_index, W, b):
    # Faithful PyG GCNConv: add self-loops, symmetric deg^{-1/2} normalization,
    # linear transform, scatter-add aggregation, bias.
    n = x.shape[0]
    loop = jnp.arange(n, dtype=edge_index.dtype)
    src = jnp.concatenate([edge_index[0], loop])
    dst = jnp.concatenate([edge_index[1], loop])
    deg = jnp.zeros((n,), x.dtype).at[dst].add(1.0)
    dinv = jnp.where(deg > 0, jax.lax.rsqrt(deg), 0.0)
    norm = dinv[src] * dinv[dst]
    h = x @ W
    msg = h[src] * norm[:, None]
    out = jnp.zeros((n, W.shape[1]), x.dtype).at[dst].add(msg)
    return out + b


def reference(x, edge_index, W1, b1, W2, b2, W3, b3, lap_weight):
    h = jax.nn.relu(_gcn_conv(x, edge_index, W1, b1))
    h = jax.nn.relu(_gcn_conv(h, edge_index, W2, b2))
    h = _gcn_conv(h, edge_index, W3, b3)
    # dense Laplacian from sparse COO (duplicates are summed, matching to_dense())
    lap = jnp.zeros((N, N), jnp.float32).at[edge_index[0], edge_index[1]].add(1.0)
    # trace(L @ L) = sum_{i,j} L[i,j] * L[j,i]
    reg_loss = jnp.einsum("ij,ji->", lap, lap)
    out = jax.nn.log_softmax(h, axis=1)
    return (out, reg_loss)

if __name__ == "__main__":
    import jax
    _d = setup_inputs()
    print(jax.jit(kernel)(*tuple(_d.values())))

</pallas_src>

<mosaic_0001>
#map = affine_map<(d0, d1) -> (0)>
module attributes {stable_mosaic.version = 14 : i64} {
  func.func @k(%arg0: i32, %arg1: i32, %arg2: memref<320000xi32, #tpu.memory_space<hbm>>, %arg3: memref<20000xf32, #tpu.memory_space<hbm>>, %arg4: memref<2000xi32, #tpu.memory_space<vmem>>, %arg5: memref<2000xf32, #tpu.memory_space<vmem>>, %arg6: memref<640xf32, #tpu.memory_space<vmem>>, %arg7: memref<10000xf32, #tpu.memory_space<vmem_shared>>) attributes {dimension_semantics = [#tpu.dimension_semantics<core_parallel>, #tpu.dimension_semantics<subcore_parallel>], iteration_bounds = array<i64: 2, 16>, scalar_prefetch = 0 : i64, scratch_operands = 4 : i64, tpu.core_type = #tpu.core_type<sc_vector_subcore>, window_params = [{transform_indices = #map}, {transform_indices = #map}]} {
    %mul3A = arith.constant 16 : i32
    %mul3A_0 = arith.muli %arg0, %mul3A : i32
    %add3A = arith.addi %mul3A_0, %arg1 : i32
    %broadcast_in_dim3A = arith.constant 1.000000e+00 : f32
    %broadcast_in_dim3A_1 = vector.broadcast %broadcast_in_dim3A : f32 to vector<16xf32>
    %broadcast_in_dim3A_2 = arith.constant 0.000000e+00 : f32
    %broadcast_in_dim3A_3 = vector.broadcast %broadcast_in_dim3A_2 : f32 to vector<16xf32>
    %scan3A = arith.constant 0 : i32
    %scan3A_4 = arith.constant 0 : i32
    %scan3A_5 = arith.constant 125 : i32
    %scan3A_6 = arith.addi %scan3A_4, %scan3A_5 : i32
    %scan3A_7 = arith.constant 1 : i32
    %scan3A_8 = scf.for %scan3A_45 = %scan3A_4 to %scan3A_6 step %scan3A_7 iter_args(%scan3A_46 = %scan3A) -> (i32)  : i32 {
      %mul3A_47 = arith.constant 16 : i32
      %mul3A_48 = arith.muli %scan3A_45, %mul3A_47 : i32
      %swap3A = arith.index_cast %mul3A_48 : i32 to index
      %swap3A_49 = tpu.vector_load %arg5[%swap3A] {strides = array<i32>} : memref<2000xf32, #tpu.memory_space<vmem>>, vector<16xf32>,
      %swap3A_50 = vector.shape_cast %swap3A_49 : vector<16xf32> to vector<16xf32>
      %swap3A_51 = vector.shape_cast %broadcast_in_dim3A_1 : vector<16xf32> to vector<16xf32>
      tpu.vector_store %arg5[%swap3A], %swap3A_51 {strides = array<i32>} : memref<2000xf32, #tpu.memory_space<vmem>>, vector<16xf32>,
      %scan3A_52 = arith.constant 0 : i32
      scf.yield %scan3A_52 : i32
    }
    %scan3A_9 = arith.constant 125 : i32
    %scan3A_10 = arith.constant 0 : i32
    %scan3A_11 = arith.constant 0 : i32
    %scan3A_12 = arith.constant 40 : i32
    %scan3A_13 = arith.addi %scan3A_11, %scan3A_12 : i32
    %scan3A_14 = arith.constant 1 : i32
    %scan3A_15 = scf.for %scan3A_45 = %scan3A_11 to %scan3A_13 step %scan3A_14 iter_args(%scan3A_46 = %scan3A_10) -> (i32)  : i32 {
      %mul3A_47 = arith.constant 16 : i32
      %mul3A_48 = arith.muli %scan3A_45, %mul3A_47 : i32
      %swap3A = arith.index_cast %mul3A_48 : i32 to index
      %swap3A_49 = tpu.vector_load %arg6[%swap3A] {strides = array<i32>} : memref<640xf32, #tpu.memory_space<vmem>>, vector<16xf32>,
      %swap3A_50 = vector.shape_cast %swap3A_49 : vector<16xf32> to vector<16xf32>
      %swap3A_51 = vector.shape_cast %broadcast_in_dim3A_3 : vector<16xf32> to vector<16xf32>
      tpu.vector_store %arg6[%swap3A], %swap3A_51 {strides = array<i32>} : memref<640xf32, #tpu.memory_space<vmem>>, vector<16xf32>,
      %scan3A_52 = arith.constant 0 : i32
      scf.yield %scan3A_52 : i32
    }
    %scan3A_16 = arith.constant 40 : i32
    %mul3A_17 = arith.constant 624 : i32
    %mul3A_18 = arith.muli %arg1, %mul3A_17 : i32
    %lt3A = arith.constant 15 : i32
    %lt3A_19 = arith.cmpi slt, %arg1, %lt3A : i32
    %convert_element_type3A = arith.extui %lt3A_19 : i1 to i32
    %cond3A = arith.constant 0 : i32
    %cond3A_20 = arith.cmpi ne, %convert_element_type3A, %cond3A : i32
    scf.if %cond3A_20 {
      "tpu.region"() ({
        %run_scoped3A = tpu.sem_alloc : memref<!tpu.dma_semaphore, #tpu.memory_space<semaphore_mem>>
        %dma_start3A = arith.constant 0 : i32
        %dma_start3A_45 = tpu.memref_slice %arg6[%dma_start3A] : memref<640xf32, #tpu.memory_space<vmem>> -> memref<624xf32, #tpu.memory_space<vmem>>
        %dma_start3A_46 = tpu.memref_slice %arg7[%mul3A_18] : memref<10000xf32, #tpu.memory_space<vmem_shared>> -> memref<624xf32, #tpu.memory_space<vmem_shared>>
        %dma_start3A_47 = tpu.memref_slice %arg7[%mul3A_18] : memref<10000xf32, #tpu.memory_space<vmem_shared>> -> memref<624xf32, #tpu.memory_space<vmem_shared>>
        %dma_start3A_48 = arith.constant 0 : i32
        %dma_start3A_49 = tpu.memref_slice %arg6[%dma_start3A_48] : memref<640xf32, #tpu.memory_space<vmem>> -> memref<624xf32, #tpu.memory_space<vmem>>
        tpu.enqueue_dma source(%dma_start3A_49 : memref<624xf32, #tpu.memory_space<vmem>>) target(%dma_start3A_47 : memref<624xf32, #tpu.memory_space<vmem_shared>>) target_semaphore(%run_scoped3A : memref<!tpu.dma_semaphore, #tpu.memory_space<semaphore_mem>>)
        %dma_wait3A = arith.constant 0 : i32
        %dma_wait3A_50 = tpu.memref_slice %arg6[%dma_wait3A] : memref<640xf32, #tpu.memory_space<vmem>> -> memref<624xf32, #tpu.memory_space<vmem>>
        %dma_wait3A_51 = tpu.memref_slice %arg7[%mul3A_18] : memref<10000xf32, #tpu.memory_space<vmem_shared>> -> memref<624xf32, #tpu.memory_space<vmem_shared>>
        %dma_wait3A_52 = tpu.memref_slice %arg7[%mul3A_18] : memref<10000xf32, #tpu.memory_space<vmem_shared>> -> memref<624xf32, #tpu.memory_space<vmem_shared>>
        %dma_wait3A_53 = arith.constant 0 : i32
        %dma_wait3A_54 = tpu.memref_slice %arg6[%dma_wait3A_53] : memref<640xf32, #tpu.memory_space<vmem>> -> memref<624xf32, #tpu.memory_space<vmem>>
        tpu.wait_dma2 semaphore(%run_scoped3A : memref<!tpu.dma_semaphore, #tpu.memory_space<semaphore_mem>>) src(%dma_wait3A_54 : memref<624xf32, #tpu.memory_space<vmem>>) dst(%dma_wait3A_52 : memref<624xf32, #tpu.memory_space<vmem_shared>>)
        tpu.yield
      }) : () -> ()
    } else {
    }
    %eq3A = arith.constant 15 : i32
    %eq3A_21 = arith.cmpi eq, %arg1, %eq3A : i32
    %convert_element_type3A_22 = arith.extui %eq3A_21 : i1 to i32
    %cond3A_23 = arith.constant 0 : i32
    %cond3A_24 = arith.cmpi ne, %convert_element_type3A_22, %cond3A_23 : i32
    scf.if %cond3A_24 {
      "tpu.region"() ({
        %run_scoped3A = tpu.sem_alloc : memref<!tpu.dma_semaphore, #tpu.memory_space<semaphore_mem>>
        %dma_start3A = arith.constant 9360 : i32
        %dma_start3A_45 = tpu.memref_slice %arg7[%dma_start3A] : memref<10000xf32, #tpu.memory_space<vmem_shared>> -> memref<640xf32, #tpu.memory_space<vmem_shared>>
        %dma_start3A_46 = arith.constant 9360 : i32
        %dma_start3A_47 = tpu.memref_slice %arg7[%dma_start3A_46] : memref<10000xf32, #tpu.memory_space<vmem_shared>> -> memref<640xf32, #tpu.memory_space<vmem_shared>>
        tpu.enqueue_dma source(%arg6 : memref<640xf32, #tpu.memory_space<vmem>>) target(%dma_start3A_47 : memref<640xf32, #tpu.memory_space<vmem_shared>>) target_semaphore(%run_scoped3A : memref<!tpu.dma_semaphore, #tpu.memory_space<semaphore_mem>>)
        %dma_wait3A = arith.constant 9360 : i32
        %dma_wait3A_48 = tpu.memref_slice %arg7[%dma_wait3A] : memref<10000xf32, #tpu.memory_space<vmem_shared>> -> memref<640xf32, #tpu.memory_space<vmem_shared>>
        %dma_wait3A_49 = arith.constant 9360 : i32
        %dma_wait3A_50 = tpu.memref_slice %arg7[%dma_wait3A_49] : memref<10000xf32, #tpu.memory_space<vmem_shared>> -> memref<640xf32, #tpu.memory_space<vmem_shared>>
        tpu.wait_dma2 semaphore(%run_scoped3A : memref<!tpu.dma_semaphore, #tpu.memory_space<semaphore_mem>>) src(%arg6 : memref<640xf32, #tpu.memory_space<vmem>>) dst(%dma_wait3A_50 : memref<640xf32, #tpu.memory_space<vmem_shared>>)
        tpu.yield
      }) : () -> ()
    } else {
    }
    %barrier3A = arith.constant 0 : index
    tpu.barrier barrier_id(%barrier3A)
    %mul3A_25 = arith.constant 10000 : i32
    %mul3A_26 = arith.muli %add3A, %mul3A_25 : i32
    %scan3A_27 = arith.constant 0 : i32
    %scan3A_28 = arith.constant 0 : i32
    %scan3A_29 = arith.constant 5 : i32
    %scan3A_30 = arith.addi %scan3A_28, %scan3A_29 : i32
    %scan3A_31 = arith.constant 1 : i32
    %scan3A_32 = scf.for %scan3A_45 = %scan3A_28 to %scan3A_30 step %scan3A_31 iter_args(%scan3A_46 = %scan3A_27) -> (i32)  : i32 {
      %mul3A_47 = arith.constant 2000 : i32
      %mul3A_48 = arith.muli %scan3A_45, %mul3A_47 : i32
      %add3A_49 = arith.addi %mul3A_26, %mul3A_48 : i32
      "tpu.region"() ({
        %run_scoped3A = tpu.sem_alloc : memref<!tpu.dma_semaphore, #tpu.memory_space<semaphore_mem>>
        %dma_start3A = tpu.memref_slice %arg2[%add3A_49] : memref<320000xi32, #tpu.memory_space<hbm>> -> memref<2000xi32, #tpu.memory_space<hbm>>
        %dma_start3A_51 = tpu.memref_slice %arg2[%add3A_49] : memref<320000xi32, #tpu.memory_space<hbm>> -> memref<2000xi32, #tpu.memory_space<hbm>>
        tpu.enqueue_dma source(%dma_start3A_51 : memref<2000xi32, #tpu.memory_space<hbm>>) target(%arg4 : memref<2000xi32, #tpu.memory_space<vmem>>) target_semaphore(%run_scoped3A : memref<!tpu.dma_semaphore, #tpu.memory_space<semaphore_mem>>)
        %dma_wait3A = tpu.memref_slice %arg2[%add3A_49] : memref<320000xi32, #tpu.memory_space<hbm>> -> memref<2000xi32, #tpu.memory_space<hbm>>
        %dma_wait3A_52 = tpu.memref_slice %arg2[%add3A_49] : memref<320000xi32, #tpu.memory_space<hbm>> -> memref<2000xi32, #tpu.memory_space<hbm>>
        tpu.wait_dma2 semaphore(%run_scoped3A : memref<!tpu.dma_semaphore, #tpu.memory_space<semaphore_mem>>) src(%dma_wait3A_52 : memref<2000xi32, #tpu.memory_space<hbm>>) dst(%arg4 : memref<2000xi32, #tpu.memory_space<vmem>>)
        tpu.yield
      }) : () -> ()
      "tpu.region"() ({
        %run_scoped3A = tpu.sem_alloc : memref<!tpu.dma_semaphore, #tpu.memory_space<semaphore_mem>>
        %dma_start3A = arith.constant 0 : i32
        %dma_start3A_51 = tpu.memref_slice %arg7[%dma_start3A] : memref<10000xf32, #tpu.memory_space<vmem_shared>> -> memref<10000xf32, #tpu.memory_space<vmem_shared>>
        tpu.enqueue_indirect_dma source(%arg5 : memref<2000xf32, #tpu.memory_space<vmem>>) target(%dma_start3A_51 : memref<10000xf32, #tpu.memory_space<vmem_shared>>) offsets(%arg4 : memref<2000xi32, #tpu.memory_space<vmem>>) semaphore(%run_scoped3A : memref<!tpu.dma_semaphore, #tpu.memory_space<semaphore_mem>>) {add = true}
        %dma_wait3A = arith.constant 0 : i32
        %dma_wait3A_52 = tpu.memref_slice %arg7[%dma_wait3A] : memref<10000xf32, #tpu.memory_space<vmem_shared>> -> memref<10000xf32, #tpu.memory_space<vmem_shared>>
        tpu.wait_indirect_dma semaphore(%run_scoped3A : memref<!tpu.dma_semaphore, #tpu.memory_space<semaphore_mem>>) src(%arg5 : memref<2000xf32, #tpu.memory_space<vmem>>) dst(%dma_wait3A_52 : memref<10000xf32, #tpu.memory_space<vmem_shared>>)
        tpu.yield
      }) : () -> ()
      %scan3A_50 = arith.constant 0 : i32
      scf.yield %scan3A_50 : i32
    }
    %scan3A_33 = arith.constant 5 : i32
    %barrier3A_34 = arith.constant 0 : index
    tpu.barrier barrier_id(%barrier3A_34)
    %lt3A_35 = arith.constant 15 : i32
    %lt3A_36 = arith.cmpi slt, %arg1, %lt3A_35 : i32
    %convert_element_type3A_37 = arith.extui %lt3A_36 : i1 to i32
    %cond3A_38 = arith.constant 0 : i32
    %cond3A_39 = arith.cmpi ne, %convert_element_type3A_37, %cond3A_38 : i32
    scf.if %cond3A_39 {
      "tpu.region"() ({
        %run_scoped3A = tpu.sem_alloc : memref<!tpu.dma_semaphore, #tpu.memory_space<semaphore_mem>>
        %dma_start3A = arith.constant 0 : i32
        %dma_start3A_48 = tpu.memref_slice %arg6[%dma_start3A] : memref<640xf32, #tpu.memory_space<vmem>> -> memref<624xf32, #tpu.memory_space<vmem>>
        %dma_start3A_49 = tpu.memref_slice %arg7[%mul3A_18] : memref<10000xf32, #tpu.memory_space<vmem_shared>> -> memref<624xf32, #tpu.memory_space<vmem_shared>>
        %dma_start3A_50 = arith.constant 0 : i32
        %dma_start3A_51 = tpu.memref_slice %arg6[%dma_start3A_50] : memref<640xf32, #tpu.memory_space<vmem>> -> memref<624xf32, #tpu.memory_space<vmem>>
        %dma_start3A_52 = tpu.memref_slice %arg7[%mul3A_18] : memref<10000xf32, #tpu.memory_space<vmem_shared>> -> memref<624xf32, #tpu.memory_space<vmem_shared>>
        tpu.enqueue_dma source(%dma_start3A_52 : memref<624xf32, #tpu.memory_space<vmem_shared>>) target(%dma_start3A_51 : memref<624xf32, #tpu.memory_space<vmem>>) target_semaphore(%run_scoped3A : memref<!tpu.dma_semaphore, #tpu.memory_space<semaphore_mem>>)
        %dma_wait3A = arith.constant 0 : i32
        %dma_wait3A_53 = tpu.memref_slice %arg6[%dma_wait3A] : memref<640xf32, #tpu.memory_space<vmem>> -> memref<624xf32, #tpu.memory_space<vmem>>
        %dma_wait3A_54 = tpu.memref_slice %arg7[%mul3A_18] : memref<10000xf32, #tpu.memory_space<vmem_shared>> -> memref<624xf32, #tpu.memory_space<vmem_shared>>
        %dma_wait3A_55 = arith.constant 0 : i32
        %dma_wait3A_56 = tpu.memref_slice %arg6[%dma_wait3A_55] : memref<640xf32, #tpu.memory_space<vmem>> -> memref<624xf32, #tpu.memory_space<vmem>>
        %dma_wait3A_57 = tpu.memref_slice %arg7[%mul3A_18] : memref<10000xf32, #tpu.memory_space<vmem_shared>> -> memref<624xf32, #tpu.memory_space<vmem_shared>>
        tpu.wait_dma2 semaphore(%run_scoped3A : memref<!tpu.dma_semaphore, #tpu.memory_space<semaphore_mem>>) src(%dma_wait3A_57 : memref<624xf32, #tpu.memory_space<vmem_shared>>) dst(%dma_wait3A_56 : memref<624xf32, #tpu.memory_space<vmem>>)
        tpu.yield
      }) : () -> ()
      %mul3A_45 = arith.constant 10000 : i32
      %mul3A_46 = arith.muli %arg0, %mul3A_45 : i32
      %add3A_47 = arith.addi %mul3A_46, %mul3A_18 : i32
      "tpu.region"() ({
        %run_scoped3A = tpu.sem_alloc : memref<!tpu.dma_semaphore, #tpu.memory_space<semaphore_mem>>
        %dma_start3A = arith.constant 0 : i32
        %dma_start3A_48 = tpu.memref_slice %arg6[%dma_start3A] : memref<640xf32, #tpu.memory_space<vmem>> -> memref<624xf32, #tpu.memory_space<vmem>>
        %dma_start3A_49 = tpu.memref_slice %arg3[%add3A_47] : memref<20000xf32, #tpu.memory_space<hbm>> -> memref<624xf32, #tpu.memory_space<hbm>>
        %dma_start3A_50 = tpu.memref_slice %arg3[%add3A_47] : memref<20000xf32, #tpu.memory_space<hbm>> -> memref<624xf32, #tpu.memory_space<hbm>>
        %dma_start3A_51 = arith.constant 0 : i32
        %dma_start3A_52 = tpu.memref_slice %arg6[%dma_start3A_51] : memref<640xf32, #tpu.memory_space<vmem>> -> memref<624xf32, #tpu.memory_space<vmem>>
        tpu.enqueue_dma source(%dma_start3A_52 : memref<624xf32, #tpu.memory_space<vmem>>) target(%dma_start3A_50 : memref<624xf32, #tpu.memory_space<hbm>>) target_semaphore(%run_scoped3A : memref<!tpu.dma_semaphore, #tpu.memory_space<semaphore_mem>>)
        %dma_wait3A = arith.constant 0 : i32
        %dma_wait3A_53 = tpu.memref_slice %arg6[%dma_wait3A] : memref<640xf32, #tpu.memory_space<vmem>> -> memref<624xf32, #tpu.memory_space<vmem>>
        %dma_wait3A_54 = tpu.memref_slice %arg3[%add3A_47] : memref<20000xf32, #tpu.memory_space<hbm>> -> memref<624xf32, #tpu.memory_space<hbm>>
        %dma_wait3A_55 = tpu.memref_slice %arg3[%add3A_47] : memref<20000xf32, #tpu.memory_space<hbm>> -> memref<624xf32, #tpu.memory_space<hbm>>
        %dma_wait3A_56 = arith.constant 0 : i32
        %dma_wait3A_57 = tpu.memref_slice %arg6[%dma_wait3A_56] : memref<640xf32, #tpu.memory_space<vmem>> -> memref<624xf32, #tpu.memory_space<vmem>>
        tpu.wait_dma2 semaphore(%run_scoped3A : memref<!tpu.dma_semaphore, #tpu.memory_space<semaphore_mem>>) src(%dma_wait3A_57 : memref<624xf32, #tpu.memory_space<vmem>>) dst(%dma_wait3A_55 : memref<624xf32, #tpu.memory_space<hbm>>)
        tpu.yield
      }) : () -> ()
    } else {
    }
    %eq3A_40 = arith.constant 15 : i32
    %eq3A_41 = arith.cmpi eq, %arg1, %eq3A_40 : i32
    %convert_element_type3A_42 = arith.extui %eq3A_41 : i1 to i32
    %cond3A_43 = arith.constant 0 : i32
    %cond3A_44 = arith.cmpi ne, %convert_element_type3A_42, %cond3A_43 : i32
    scf.if %cond3A_44 {
      "tpu.region"() ({
        %run_scoped3A = tpu.sem_alloc : memref<!tpu.dma_semaphore, #tpu.memory_space<semaphore_mem>>
        %dma_start3A = arith.constant 9360 : i32
        %dma_start3A_49 = tpu.memref_slice %arg7[%dma_start3A] : memref<10000xf32, #tpu.memory_space<vmem_shared>> -> memref<640xf32, #tpu.memory_space<vmem_shared>>
        %dma_start3A_50 = arith.constant 9360 : i32
        %dma_start3A_51 = tpu.memref_slice %arg7[%dma_start3A_50] : memref<10000xf32, #tpu.memory_space<vmem_shared>> -> memref<640xf32, #tpu.memory_space<vmem_shared>>
        tpu.enqueue_dma source(%dma_start3A_51 : memref<640xf32, #tpu.memory_space<vmem_shared>>) target(%arg6 : memref<640xf32, #tpu.memory_space<vmem>>) target_semaphore(%run_scoped3A : memref<!tpu.dma_semaphore, #tpu.memory_space<semaphore_mem>>)
        %dma_wait3A = arith.constant 9360 : i32
        %dma_wait3A_52 = tpu.memref_slice %arg7[%dma_wait3A] : memref<10000xf32, #tpu.memory_space<vmem_shared>> -> memref<640xf32, #tpu.memory_space<vmem_shared>>
        %dma_wait3A_53 = arith.constant 9360 : i32
        %dma_wait3A_54 = tpu.memref_slice %arg7[%dma_wait3A_53] : memref<10000xf32, #tpu.memory_space<vmem_shared>> -> memref<640xf32, #tpu.memory_space<vmem_shared>>
        tpu.wait_dma2 semaphore(%run_scoped3A : memref<!tpu.dma_semaphore, #tpu.memory_space<semaphore_mem>>) src(%dma_wait3A_54 : memref<640xf32, #tpu.memory_space<vmem_shared>>) dst(%arg6 : memref<640xf32, #tpu.memory_space<vmem>>)
        tpu.yield
      }) : () -> ()
      %mul3A_45 = arith.constant 10000 : i32
      %mul3A_46 = arith.muli %arg0, %mul3A_45 : i32
      %add3A_47 = arith.constant 9360 : i32
      %add3A_48 = arith.addi %mul3A_46, %add3A_47 : i32
      "tpu.region"() ({
        %run_scoped3A = tpu.sem_alloc : memref<!tpu.dma_semaphore, #tpu.memory_space<semaphore_mem>>
        %dma_start3A = tpu.memref_slice %arg3[%add3A_48] : memref<20000xf32, #tpu.memory_space<hbm>> -> memref<640xf32, #tpu.memory_space<hbm>>
        %dma_start3A_49 = tpu.memref_slice %arg3[%add3A_48] : memref<20000xf32, #tpu.memory_space<hbm>> -> memref<640xf32, #tpu.memory_space<hbm>>
        tpu.enqueue_dma source(%arg6 : memref<640xf32, #tpu.memory_space<vmem>>) target(%dma_start3A_49 : memref<640xf32, #tpu.memory_space<hbm>>) target_semaphore(%run_scoped3A : memref<!tpu.dma_semaphore, #tpu.memory_space<semaphore_mem>>)
        %dma_wait3A = tpu.memref_slice %arg3[%add3A_48] : memref<20000xf32, #tpu.memory_space<hbm>> -> memref<640xf32, #tpu.memory_space<hbm>>
        %dma_wait3A_50 = tpu.memref_slice %arg3[%add3A_48] : memref<20000xf32, #tpu.memory_space<hbm>> -> memref<640xf32, #tpu.memory_space<hbm>>
        tpu.wait_dma2 semaphore(%run_scoped3A : memref<!tpu.dma_semaphore, #tpu.memory_space<semaphore_mem>>) src(%arg6 : memref<640xf32, #tpu.memory_space<vmem>>) dst(%dma_wait3A_50 : memref<640xf32, #tpu.memory_space<hbm>>)
        tpu.yield
      }) : () -> ()
    } else {
    }
    return
  }
}

#map = affine_map<(d0, d1) -> (0, 0)>
#map1 = affine_map<(d0, d1) -> (0)>
module attributes {stable_mosaic.version = 14 : i64} {
  func.func @k(%arg0: i32, %arg1: i32, %arg2: memref<10000x128xf32, #tpu.memory_space<hbm>>, %arg3: memref<320000xi32, #tpu.memory_space<hbm>>, %arg4: memref<320000xi32, #tpu.memory_space<hbm>>, %arg5: memref<20000x128xf32, #tpu.memory_space<hbm>>, %arg6: memref<200xi32, #tpu.memory_space<vmem>>, %arg7: memref<200xi32, #tpu.memory_space<vmem>>, %arg8: memref<200x128xf32, #tpu.memory_space<vmem>>, %arg9: memref<10000x128xf32, #tpu.memory_space<vmem_shared>>, %arg10: memref<!tpu.dma_semaphore, #tpu.memory_space<semaphore_mem>>) attributes {dimension_semantics = [#tpu.dimension_semantics<core_parallel>, #tpu.dimension_semantics<subcore_parallel>], iteration_bounds = array<i64: 2, 16>, scalar_prefetch = 0 : i64, scratch_operands = 5 : i64, tpu.core_type = #tpu.core_type<sc_vector_subcore>, window_params = [{transform_indices = #map}, {transform_indices = #map1}, {transform_indices = #map1}, {transform_indices = #map}]} {
    %mul3A = arith.constant 16 : i32
    %mul3A_0 = arith.muli %arg0, %mul3A : i32
    %add3A = arith.addi %mul3A_0, %arg1 : i32
    %broadcast_in_dim3A = arith.constant 0.000000e+00 : f32
    %broadcast_in_dim3A_1 = vector.broadcast %broadcast_in_dim3A : f32 to vector<16xf32>
    %scan3A = arith.constant 0 : i32
    %scan3A_2 = arith.constant 0 : i32
    %scan3A_3 = arith.constant 200 : i32
    %scan3A_4 = arith.addi %scan3A_2, %scan3A_3 : i32
    %scan3A_5 = arith.constant 1 : i32
    %scan3A_6 = scf.for %scan3A_36 = %scan3A_2 to %scan3A_4 step %scan3A_5 iter_args(%scan3A_37 = %scan3A) -> (i32)  : i32 {
      %swap3A = arith.index_cast %scan3A_36 : i32 to index
      %swap3A_38 = arith.constant 0 : index
      %swap3A_39 = tpu.vector_load %arg8[%swap3A, %swap3A_38] {strides = array<i32>} : memref<200x128xf32, #tpu.memory_space<vmem>>, vector<1x16xf32>,
      %swap3A_40 = vector.shape_cast %swap3A_39 : vector<1x16xf32> to vector<16xf32>
      %swap3A_41 = vector.shape_cast %broadcast_in_dim3A_1 : vector<16xf32> to vector<1x16xf32>
      tpu.vector_store %arg8[%swap3A, %swap3A_38], %swap3A_41 {strides = array<i32>} : memref<200x128xf32, #tpu.memory_space<vmem>>, vector<1x16xf32>,
      %swap3A_42 = arith.index_cast %scan3A_36 : i32 to index
      %swap3A_43 = arith.constant 16 : index
      %swap3A_44 = tpu.vector_load %arg8[%swap3A_42, %swap3A_43] {strides = array<i32>} : memref<200x128xf32, #tpu.memory_space<vmem>>, vector<1x16xf32>,
      %swap3A_45 = vector.shape_cast %swap3A_44 : vector<1x16xf32> to vector<16xf32>
      %swap3A_46 = vector.shape_cast %broadcast_in_dim3A_1 : vector<16xf32> to vector<1x16xf32>
      tpu.vector_store %arg8[%swap3A_42, %swap3A_43], %swap3A_46 {strides = array<i32>} : memref<200x128xf32, #tpu.memory_space<vmem>>, vector<1x16xf32>,
      %swap3A_47 = arith.index_cast %scan3A_36 : i32 to index
      %swap3A_48 = arith.constant 32 : index
      %swap3A_49 = tpu.vector_load %arg8[%swap3A_47, %swap3A_48] {strides = array<i32>} : memref<200x128xf32, #tpu.memory_space<vmem>>, vector<1x16xf32>,
      %swap3A_50 = vector.shape_cast %swap3A_49 : vector<1x16xf32> to vector<16xf32>
      %swap3A_51 = vector.shape_cast %broadcast_in_dim3A_1 : vector<16xf32> to vector<1x16xf32>
      tpu.vector_store %arg8[%swap3A_47, %swap3A_48], %swap3A_51 {strides = array<i32>} : memref<200x128xf32, #tpu.memory_space<vmem>>, vector<1x16xf32>,
      %swap3A_52 = arith.index_cast %scan3A_36 : i32 to index
      %swap3A_53 = arith.constant 48 : index
      %swap3A_54 = tpu.vector_load %arg8[%swap3A_52, %swap3A_53] {strides = array<i32>} : memref<200x128xf32, #tpu.memory_space<vmem>>, vector<1x16xf32>,
      %swap3A_55 = vector.shape_cast %swap3A_54 : vector<1x16xf32> to vector<16xf32>
      %swap3A_56 = vector.shape_cast %broadcast_in_dim3A_1 : vector<16xf32> to vector<1x16xf32>
      tpu.vector_store %arg8[%swap3A_52, %swap3A_53], %swap3A_56 {strides = array<i32>} : memref<200x128xf32, #tpu.memory_space<vmem>>, vector<1x16xf32>,
      %swap3A_57 = arith.index_cast %scan3A_36 : i32 to index
      %swap3A_58 = arith.constant 64 : index
      %swap3A_59 = tpu.vector_load %arg8[%swap3A_57, %swap3A_58] {strides = array<i32>} : memref<200x128xf32, #tpu.memory_space<vmem>>, vector<1x16xf32>,
      %swap3A_60 = vector.shape_cast %swap3A_59 : vector<1x16xf32> to vector<16xf32>
      %swap3A_61 = vector.shape_cast %broadcast_in_dim3A_1 : vector<16xf32> to vector<1x16xf32>
      tpu.vector_store %arg8[%swap3A_57, %swap3A_58], %swap3A_61 {strides = array<i32>} : memref<200x128xf32, #tpu.memory_space<vmem>>, vector<1x16xf32>,
      %swap3A_62 = arith.index_cast %scan3A_36 : i32 to index
      %swap3A_63 = arith.constant 80 : index
      %swap3A_64 = tpu.vector_load %arg8[%swap3A_62, %swap3A_63] {strides = array<i32>} : memref<200x128xf32, #tpu.memory_space<vmem>>, vector<1x16xf32>,
      %swap3A_65 = vector.shape_cast %swap3A_64 : vector<1x16xf32> to vector<16xf32>
      %swap3A_66 = vector.shape_cast %broadcast_in_dim3A_1 : vector<16xf32> to vector<1x16xf32>
      tpu.vector_store %arg8[%swap3A_62, %swap3A_63], %swap3A_66 {strides = array<i32>} : memref<200x128xf32, #tpu.memory_space<vmem>>, vector<1x16xf32>,
      %swap3A_67 = arith.index_cast %scan3A_36 : i32 to index
      %swap3A_68 = arith.constant 96 : index
      %swap3A_69 = tpu.vector_load %arg8[%swap3A_67, %swap3A_68] {strides = array<i32>} : memref<200x128xf32, #tpu.memory_space<vmem>>, vector<1x16xf32>,
      %swap3A_70 = vector.shape_cast %swap3A_69 : vector<1x16xf32> to vector<16xf32>
      %swap3A_71 = vector.shape_cast %broadcast_in_dim3A_1 : vector<16xf32> to vector<1x16xf32>
      tpu.vector_store %arg8[%swap3A_67, %swap3A_68], %swap3A_71 {strides = array<i32>} : memref<200x128xf32, #tpu.memory_space<vmem>>, vector<1x16xf32>,
      %swap3A_72 = arith.index_cast %scan3A_36 : i32 to index
      %swap3A_73 = arith.constant 112 : index
      %swap3A_74 = tpu.vector_load %arg8[%swap3A_72, %swap3A_73] {strides = array<i32>} : memref<200x128xf32, #tpu.memory_space<vmem>>, vector<1x16xf32>,
      %swap3A_75 = vector.shape_cast %swap3A_74 : vector<1x16xf32> to vector<16xf32>
      %swap3A_76 = vector.shape_cast %broadcast_in_dim3A_1 : vector<16xf32> to vector<1x16xf32>
      tpu.vector_store %arg8[%swap3A_72, %swap3A_73], %swap3A_76 {strides = array<i32>} : memref<200x128xf32, #tpu.memory_space<vmem>>, vector<1x16xf32>,
      %scan3A_77 = arith.constant 0 : i32
      scf.yield %scan3A_77 : i32
    }
    %scan3A_7 = arith.constant 200 : i32
    %mul3A_8 = arith.constant 624 : i32
    %mul3A_9 = arith.muli %arg1, %mul3A_8 : i32
    %lt3A = arith.constant 15 : i32
    %lt3A_10 = arith.cmpi slt, %arg1, %lt3A : i32
    %convert_element_type3A = arith.extui %lt3A_10 : i1 to i32
    %cond3A = arith.constant 0 : i32
    %cond3A_11 = arith.cmpi ne, %convert_element_type3A, %cond3A : i32
    scf.if %cond3A_11 {
      %add3A_36 = arith.constant 0 : i32
      %add3A_37 = arith.addi %mul3A_9, %add3A_36 : i32
      "tpu.region"() ({
        %run_scoped3A = tpu.sem_alloc : memref<!tpu.dma_semaphore, #tpu.memory_space<semaphore_mem>>
        %dma_start3A = arith.constant 0 : i32
        %dma_start3A_44 = arith.constant 0 : i32
        %dma_start3A_45 = tpu.memref_slice %arg8[%dma_start3A, %dma_start3A_44] : memref<200x128xf32, #tpu.memory_space<vmem>> -> memref<200x128xf32, #tpu.memory_space<vmem>>
        %dma_start3A_46 = arith.constant 0 : i32
        %dma_start3A_47 = tpu.memref_slice %arg9[%add3A_37, %dma_start3A_46] : memref<10000x128xf32, #tpu.memory_space<vmem_shared>> -> memref<200x128xf32, #tpu.memory_space<vmem_shared>>
        %dma_start3A_48 = arith.constant 0 : i32
        %dma_start3A_49 = tpu.memref_slice %arg9[%add3A_37, %dma_start3A_48] : memref<10000x128xf32, #tpu.memory_space<vmem_shared>> -> memref<200x128xf32, #tpu.memory_space<vmem_shared>>
        %dma_start3A_50 = arith.constant 0 : i32
        %dma_start3A_51 = arith.constant 0 : i32
        %dma_start3A_52 = tpu.memref_slice %arg8[%dma_start3A_50, %dma_start3A_51] : memref<200x128xf32, #tpu.memory_space<vmem>> -> memref<200x128xf32, #tpu.memory_space<vmem>>
        tpu.enqueue_dma source(%dma_start3A_52 : memref<200x128xf32, #tpu.memory_space<vmem>>) target(%dma_start3A_49 : memref<200x128xf32, #tpu.memory_space<vmem_shared>>) target_semaphore(%run_scoped3A : memref<!tpu.dma_semaphore, #tpu.memory_space<semaphore_mem>>)
        %dma_wait3A = arith.constant 0 : i32
        %dma_wait3A_53 = arith.constant 0 : i32
        %dma_wait3A_54 = tpu.memref_slice %arg8[%dma_wait3A, %dma_wait3A_53] : memref<200x128xf32, #tpu.memory_space<vmem>> -> memref<200x128xf32, #tpu.memory_space<vmem>>
        %dma_wait3A_55 = arith.constant 0 : i32
        %dma_wait3A_56 = tpu.memref_slice %arg9[%add3A_37, %dma_wait3A_55] : memref<10000x128xf32, #tpu.memory_space<vmem_shared>> -> memref<200x128xf32, #tpu.memory_space<vmem_shared>>
        %dma_wait3A_57 = arith.constant 0 : i32
        %dma_wait3A_58 = tpu.memref_slice %arg9[%add3A_37, %dma_wait3A_57] : memref<10000x128xf32, #tpu.memory_space<vmem_shared>> -> memref<200x128xf32, #tpu.memory_space<vmem_shared>>
        %dma_wait3A_59 = arith.constant 0 : i32
        %dma_wait3A_60 = arith.constant 0 : i32
        %dma_wait3A_61 = tpu.memref_slice %arg8[%dma_wait3A_59, %dma_wait3A_60] : memref<200x128xf32, #tpu.memory_space<vmem>> -> memref<200x128xf32, #tpu.memory_space<vmem>>
        tpu.wait_dma2 semaphore(%run_scoped3A : memref<!tpu.dma_semaphore, #tpu.memory_space<semaphore_mem>>) src(%dma_wait3A_61 : memref<200x128xf32, #tpu.memory_space<vmem>>) dst(%dma_wait3A_58 : memref<200x128xf32, #tpu.memory_space<vmem_shared>>)
        tpu.yield
      }) : () -> ()
      %add3A_38 = arith.constant 200 : i32
      %add3A_39 = arith.addi %mul3A_9, %add3A_38 : i32
      "tpu.region"() ({
        %run_scoped3A = tpu.sem_alloc : memref<!tpu.dma_semaphore, #tpu.memory_space<semaphore_mem>>
        %dma_start3A = arith.constant 0 : i32
        %dma_start3A_44 = arith.constant 0 : i32
        %dma_start3A_45 = tpu.memref_slice %arg8[%dma_start3A, %dma_start3A_44] : memref<200x128xf32, #tpu.memory_space<vmem>> -> memref<200x128xf32, #tpu.memory_space<vmem>>
        %dma_start3A_46 = arith.constant 0 : i32
        %dma_start3A_47 = tpu.memref_slice %arg9[%add3A_39, %dma_start3A_46] : memref<10000x128xf32, #tpu.memory_space<vmem_shared>> -> memref<200x128xf32, #tpu.memory_space<vmem_shared>>
        %dma_start3A_48 = arith.constant 0 : i32
        %dma_start3A_49 = tpu.memref_slice %arg9[%add3A_39, %dma_start3A_48] : memref<10000x128xf32, #tpu.memory_space<vmem_shared>> -> memref<200x128xf32, #tpu.memory_space<vmem_shared>>
        %dma_start3A_50 = arith.constant 0 : i32
        %dma_start3A_51 = arith.constant 0 : i32
        %dma_start3A_52 = tpu.memref_slice %arg8[%dma_start3A_50, %dma_start3A_51] : memref<200x128xf32, #tpu.memory_space<vmem>> -> memref<200x128xf32, #tpu.memory_space<vmem>>
        tpu.enqueue_dma source(%dma_start3A_52 : memref<200x128xf32, #tpu.memory_space<vmem>>) target(%dma_start3A_49 : memref<200x128xf32, #tpu.memory_space<vmem_shared>>) target_semaphore(%run_scoped3A : memref<!tpu.dma_semaphore, #tpu.memory_space<semaphore_mem>>)
        %dma_wait3A = arith.constant 0 : i32
        %dma_wait3A_53 = arith.constant 0 : i32
        %dma_wait3A_54 = tpu.memref_slice %arg8[%dma_wait3A, %dma_wait3A_53] : memref<200x128xf32, #tpu.memory_space<vmem>> -> memref<200x128xf32, #tpu.memory_space<vmem>>
        %dma_wait3A_55 = arith.constant 0 : i32
        %dma_wait3A_56 = tpu.memref_slice %arg9[%add3A_39, %dma_wait3A_55] : memref<10000x128xf32, #tpu.memory_space<vmem_shared>> -> memref<200x128xf32, #tpu.memory_space<vmem_shared>>
        %dma_wait3A_57 = arith.constant 0 : i32
        %dma_wait3A_58 = tpu.memref_slice %arg9[%add3A_39, %dma_wait3A_57] : memref<10000x128xf32, #tpu.memory_space<vmem_shared>> -> memref<200x128xf32, #tpu.memory_space<vmem_shared>>
        %dma_wait3A_59 = arith.constant 0 : i32
        %dma_wait3A_60 = arith.constant 0 : i32
        %dma_wait3A_61 = tpu.memref_slice %arg8[%dma_wait3A_59, %dma_wait3A_60] : memref<200x128xf32, #tpu.memory_space<vmem>> -> memref<200x128xf32, #tpu.memory_space<vmem>>
        tpu.wait_dma2 semaphore(%run_scoped3A : memref<!tpu.dma_semaphore, #tpu.memory_space<semaphore_mem>>) src(%dma_wait3A_61 : memref<200x128xf32, #tpu.memory_space<vmem>>) dst(%dma_wait3A_58 : memref<200x128xf32, #tpu.memory_space<vmem_shared>>)
        tpu.yield
      }) : () -> ()
      %add3A_40 = arith.constant 400 : i32
      %add3A_41 = arith.addi %mul3A_9, %add3A_40 : i32
      "tpu.region"() ({
        %run_scoped3A = tpu.sem_alloc : memref<!tpu.dma_semaphore, #tpu.memory_space<semaphore_mem>>
        %dma_start3A = arith.constant 0 : i32
        %dma_start3A_44 = arith.constant 0 : i32
        %dma_start3A_45 = tpu.memref_slice %arg8[%dma_start3A, %dma_start3A_44] : memref<200x128xf32, #tpu.memory_space<vmem>> -> memref<200x128xf32, #tpu.memory_space<vmem>>
        %dma_start3A_46 = arith.constant 0 : i32
        %dma_start3A_47 = tpu.memref_slice %arg9[%add3A_41, %dma_start3A_46] : memref<10000x128xf32, #tpu.memory_space<vmem_shared>> -> memref<200x128xf32, #tpu.memory_space<vmem_shared>>
        %dma_start3A_48 = arith.constant 0 : i32
        %dma_start3A_49 = tpu.memref_slice %arg9[%add3A_41, %dma_start3A_48] : memref<10000x128xf32, #tpu.memory_space<vmem_shared>> -> memref<200x128xf32, #tpu.memory_space<vmem_shared>>
        %dma_start3A_50 = arith.constant 0 : i32
        %dma_start3A_51 = arith.constant 0 : i32
        %dma_start3A_52 = tpu.memref_slice %arg8[%dma_start3A_50, %dma_start3A_51] : memref<200x128xf32, #tpu.memory_space<vmem>> -> memref<200x128xf32, #tpu.memory_space<vmem>>
        tpu.enqueue_dma source(%dma_start3A_52 : memref<200x128xf32, #tpu.memory_space<vmem>>) target(%dma_start3A_49 : memref<200x128xf32, #tpu.memory_space<vmem_shared>>) target_semaphore(%run_scoped3A : memref<!tpu.dma_semaphore, #tpu.memory_space<semaphore_mem>>)
        %dma_wait3A = arith.constant 0 : i32
        %dma_wait3A_53 = arith.constant 0 : i32
        %dma_wait3A_54 = tpu.memref_slice %arg8[%dma_wait3A, %dma_wait3A_53] : memref<200x128xf32, #tpu.memory_space<vmem>> -> memref<200x128xf32, #tpu.memory_space<vmem>>
        %dma_wait3A_55 = arith.constant 0 : i32
        %dma_wait3A_56 = tpu.memref_slice %arg9[%add3A_41, %dma_wait3A_55] : memref<10000x128xf32, #tpu.memory_space<vmem_shared>> -> memref<200x128xf32, #tpu.memory_space<vmem_shared>>
        %dma_wait3A_57 = arith.constant 0 : i32
        %dma_wait3A_58 = tpu.memref_slice %arg9[%add3A_41, %dma_wait3A_57] : memref<10000x128xf32, #tpu.memory_space<vmem_shared>> -> memref<200x128xf32, #tpu.memory_space<vmem_shared>>
        %dma_wait3A_59 = arith.constant 0 : i32
        %dma_wait3A_60 = arith.constant 0 : i32
        %dma_wait3A_61 = tpu.memref_slice %arg8[%dma_wait3A_59, %dma_wait3A_60] : memref<200x128xf32, #tpu.memory_space<vmem>> -> memref<200x128xf32, #tpu.memory_space<vmem>>
        tpu.wait_dma2 semaphore(%run_scoped3A : memref<!tpu.dma_semaphore, #tpu.memory_space<semaphore_mem>>) src(%dma_wait3A_61 : memref<200x128xf32, #tpu.memory_space<vmem>>) dst(%dma_wait3A_58 : memref<200x128xf32, #tpu.memory_space<vmem_shared>>)
        tpu.yield
      }) : () -> ()
      %add3A_42 = arith.constant 600 : i32
      %add3A_43 = arith.addi %mul3A_9, %add3A_42 : i32
      "tpu.region"() ({
        %run_scoped3A = tpu.sem_alloc : memref<!tpu.dma_semaphore, #tpu.memory_space<semaphore_mem>>
        %dma_start3A = arith.constant 0 : i32
        %dma_start3A_44 = arith.constant 0 : i32
        %dma_start3A_45 = tpu.memref_slice %arg8[%dma_start3A, %dma_start3A_44] : memref<200x128xf32, #tpu.memory_space<vmem>> -> memref<24x128xf32, #tpu.memory_space<vmem>>
        %dma_start3A_46 = arith.constant 0 : i32
        %dma_start3A_47 = tpu.memref_slice %arg9[%add3A_43, %dma_start3A_46] : memref<10000x128xf32, #tpu.memory_space<vmem_shared>> -> memref<24x128xf32, #tpu.memory_space<vmem_shared>>
        %dma_start3A_48 = arith.constant 0 : i32
        %dma_start3A_49 = tpu.memref_slice %arg9[%add3A_43, %dma_start3A_48] : memref<10000x128xf32, #tpu.memory_space<vmem_shared>> -> memref<24x128xf32, #tpu.memory_space<vmem_shared>>
        %dma_start3A_50 = arith.constant 0 : i32
        %dma_start3A_51 = arith.constant 0 : i32
        %dma_start3A_52 = tpu.memref_slice %arg8[%dma_start3A_50, %dma_start3A_51] : memref<200x128xf32, #tpu.memory_space<vmem>> -> memref<24x128xf32, #tpu.memory_space<vmem>>
        tpu.enqueue_dma source(%dma_start3A_52 : memref<24x128xf32, #tpu.memory_space<vmem>>) target(%dma_start3A_49 : memref<24x128xf32, #tpu.memory_space<vmem_shared>>) target_semaphore(%run_scoped3A : memref<!tpu.dma_semaphore, #tpu.memory_space<semaphore_mem>>)
        %dma_wait3A = arith.constant 0 : i32
        %dma_wait3A_53 = arith.constant 0 : i32
        %dma_wait3A_54 = tpu.memref_slice %arg8[%dma_wait3A, %dma_wait3A_53] : memref<200x128xf32, #tpu.memory_space<vmem>> -> memref<24x128xf32, #tpu.memory_space<vmem>>
        %dma_wait3A_55 = arith.constant 0 : i32
        %dma_wait3A_56 = tpu.memref_slice %arg9[%add3A_43, %dma_wait3A_55] : memref<10000x128xf32, #tpu.memory_space<vmem_shared>> -> memref<24x128xf32, #tpu.memory_space<vmem_shared>>
        %dma_wait3A_57 = arith.constant 0 : i32
        %dma_wait3A_58 = tpu.memref_slice %arg9[%add3A_43, %dma_wait3A_57] : memref<10000x128xf32, #tpu.memory_space<vmem_shared>> -> memref<24x128xf32, #tpu.memory_space<vmem_shared>>
        %dma_wait3A_59 = arith.constant 0 : i32
        %dma_wait3A_60 = arith.constant 0 : i32
        %dma_wait3A_61 = tpu.memref_slice %arg8[%dma_wait3A_59, %dma_wait3A_60] : memref<200x128xf32, #tpu.memory_space<vmem>> -> memref<24x128xf32, #tpu.memory_space<vmem>>
        tpu.wait_dma2 semaphore(%run_scoped3A : memref<!tpu.dma_semaphore, #tpu.memory_space<semaphore_mem>>) src(%dma_wait3A_61 : memref<24x128xf32, #tpu.memory_space<vmem>>) dst(%dma_wait3A_58 : memref<24x128xf32, #tpu.memory_space<vmem_shared>>)
        tpu.yield
      }) : () -> ()
    } else {
    }
    %eq3A = arith.constant 15 : i32
    %eq3A_12 = arith.cmpi eq, %arg1, %eq3A : i32
    %convert_element_type3A_13 = arith.extui %eq3A_12 : i1 to i32
    %cond3A_14 = arith.constant 0 : i32
    %cond3A_15 = arith.cmpi ne, %convert_element_type3A_13, %cond3A_14 : i32
    scf.if %cond3A_15 {
      "tpu.region"() ({
        %run_scoped3A = tpu.sem_alloc : memref<!tpu.dma_semaphore, #tpu.memory_space<semaphore_mem>>
        %dma_start3A = arith.constant 0 : i32
        %dma_start3A_36 = arith.constant 0 : i32
        %dma_start3A_37 = tpu.memref_slice %arg8[%dma_start3A, %dma_start3A_36] : memref<200x128xf32, #tpu.memory_space<vmem>> -> memref<200x128xf32, #tpu.memory_space<vmem>>
        %dma_start3A_38 = arith.constant 9360 : i32
        %dma_start3A_39 = arith.constant 0 : i32
        %dma_start3A_40 = tpu.memref_slice %arg9[%dma_start3A_38, %dma_start3A_39] : memref<10000x128xf32, #tpu.memory_space<vmem_shared>> -> memref<200x128xf32, #tpu.memory_space<vmem_shared>>
        %dma_start3A_41 = arith.constant 9360 : i32
        %dma_start3A_42 = arith.constant 0 : i32
        %dma_start3A_43 = tpu.memref_slice %arg9[%dma_start3A_41, %dma_start3A_42] : memref<10000x128xf32, #tpu.memory_space<vmem_shared>> -> memref<200x128xf32, #tpu.memory_space<vmem_shared>>
        %dma_start3A_44 = arith.constant 0 : i32
        %dma_start3A_45 = arith.constant 0 : i32
        %dma_start3A_46 = tpu.memref_slice %arg8[%dma_start3A_44, %dma_start3A_45] : memref<200x128xf32, #tpu.memory_space<vmem>> -> memref<200x128xf32, #tpu.memory_space<vmem>>
        tpu.enqueue_dma source(%dma_start3A_46 : memref<200x128xf32, #tpu.memory_space<vmem>>) target(%dma_start3A_43 : memref<200x128xf32, #tpu.memory_space<vmem_shared>>) target_semaphore(%run_scoped3A : memref<!tpu.dma_semaphore, #tpu.memory_space<semaphore_mem>>)
        %dma_wait3A = arith.constant 0 : i32
        %dma_wait3A_47 = arith.constant 0 : i32
        %dma_wait3A_48 = tpu.memref_slice %arg8[%dma_wait3A, %dma_wait3A_47] : memref<200x128xf32, #tpu.memory_space<vmem>> -> memref<200x128xf32, #tpu.memory_space<vmem>>
        %dma_wait3A_49 = arith.constant 9360 : i32
        %dma_wait3A_50 = arith.constant 0 : i32
        %dma_wait3A_51 = tpu.memref_slice %arg9[%dma_wait3A_49, %dma_wait3A_50] : memref<10000x128xf32, #tpu.memory_space<vmem_shared>> -> memref<200x128xf32, #tpu.memory_space<vmem_shared>>
        %dma_wait3A_52 = arith.constant 9360 : i32
        %dma_wait3A_53 = arith.constant 0 : i32
        %dma_wait3A_54 = tpu.memref_slice %arg9[%dma_wait3A_52, %dma_wait3A_53] : memref<10000x128xf32, #tpu.memory_space<vmem_shared>> -> memref<200x128xf32, #tpu.memory_space<vmem_shared>>
        %dma_wait3A_55 = arith.constant 0 : i32
        %dma_wait3A_56 = arith.constant 0 : i32
        %dma_wait3A_57 = tpu.memref_slice %arg8[%dma_wait3A_55, %dma_wait3A_56] : memref<200x128xf32, #tpu.memory_space<vmem>> -> memref<200x128xf32, #tpu.memory_space<vmem>>
        tpu.wait_dma2 semaphore(%run_scoped3A : memref<!tpu.dma_semaphore, #tpu.memory_space<semaphore_mem>>) src(%dma_wait3A_57 : memref<200x128xf32, #tpu.memory_space<vmem>>) dst(%dma_wait3A_54 : memref<200x128xf32, #tpu.memory_space<vmem_shared>>)
        tpu.yield
      }) : () -> ()
      "tpu.region"() ({
        %run_scoped3A = tpu.sem_alloc : memref<!tpu.dma_semaphore, #tpu.memory_space<semaphore_mem>>
        %dma_start3A = arith.constant 0 : i32
        %dma_start3A_36 = arith.constant 0 : i32
        %dma_start3A_37 = tpu.memref_slice %arg8[%dma_start3A, %dma_start3A_36] : memref<200x128xf32, #tpu.memory_space<vmem>> -> memref<200x128xf32, #tpu.memory_space<vmem>>
        %dma_start3A_38 = arith.constant 9560 : i32
        %dma_start3A_39 = arith.constant 0 : i32
        %dma_start3A_40 = tpu.memref_slice %arg9[%dma_start3A_38, %dma_start3A_39] : memref<10000x128xf32, #tpu.memory_space<vmem_shared>> -> memref<200x128xf32, #tpu.memory_space<vmem_shared>>
        %dma_start3A_41 = arith.constant 9560 : i32
        %dma_start3A_42 = arith.constant 0 : i32
        %dma_start3A_43 = tpu.memref_slice %arg9[%dma_start3A_41, %dma_start3A_42] : memref<10000x128xf32, #tpu.memory_space<vmem_shared>> -> memref<200x128xf32, #tpu.memory_space<vmem_shared>>
        %dma_start3A_44 = arith.constant 0 : i32
        %dma_start3A_45 = arith.constant 0 : i32
        %dma_start3A_46 = tpu.memref_slice %arg8[%dma_start3A_44, %dma_start3A_45] : memref<200x128xf32, #tpu.memory_space<vmem>> -> memref<200x128xf32, #tpu.memory_space<vmem>>
        tpu.enqueue_dma source(%dma_start3A_46 : memref<200x128xf32, #tpu.memory_space<vmem>>) target(%dma_start3A_43 : memref<200x128xf32, #tpu.memory_space<vmem_shared>>) target_semaphore(%run_scoped3A : memref<!tpu.dma_semaphore, #tpu.memory_space<semaphore_mem>>)
        %dma_wait3A = arith.constant 0 : i32
        %dma_wait3A_47 = arith.constant 0 : i32
        %dma_wait3A_48 = tpu.memref_slice %arg8[%dma_wait3A, %dma_wait3A_47] : memref<200x128xf32, #tpu.memory_space<vmem>> -> memref<200x128xf32, #tpu.memory_space<vmem>>
        %dma_wait3A_49 = arith.constant 9560 : i32
        %dma_wait3A_50 = arith.constant 0 : i32
        %dma_wait3A_51 = tpu.memref_slice %arg9[%dma_wait3A_49, %dma_wait3A_50] : memref<10000x128xf32, #tpu.memory_space<vmem_shared>> -> memref<200x128xf32, #tpu.memory_space<vmem_shared>>
        %dma_wait3A_52 = arith.constant 9560 : i32
        %dma_wait3A_53 = arith.constant 0 : i32
        %dma_wait3A_54 = tpu.memref_slice %arg9[%dma_wait3A_52, %dma_wait3A_53] : memref<10000x128xf32, #tpu.memory_space<vmem_shared>> -> memref<200x128xf32, #tpu.memory_space<vmem_shared>>
        %dma_wait3A_55 = arith.constant 0 : i32
        %dma_wait3A_56 = arith.constant 0 : i32
        %dma_wait3A_57 = tpu.memref_slice %arg8[%dma_wait3A_55, %dma_wait3A_56] : memref<200x128xf32, #tpu.memory_space<vmem>> -> memref<200x128xf32, #tpu.memory_space<vmem>>
        tpu.wait_dma2 semaphore(%run_scoped3A : memref<!tpu.dma_semaphore, #tpu.memory_space<semaphore_mem>>) src(%dma_wait3A_57 : memref<200x128xf32, #tpu.memory_space<vmem>>) dst(%dma_wait3A_54 : memref<200x128xf32, #tpu.memory_space<vmem_shared>>)
        tpu.yield
      }) : () -> ()
      "tpu.region"() ({
        %run_scoped3A = tpu.sem_alloc : memref<!tpu.dma_semaphore, #tpu.memory_space<semaphore_mem>>
        %dma_start3A = arith.constant 0 : i32
        %dma_start3A_36 = arith.constant 0 : i32
        %dma_start3A_37 = tpu.memref_slice %arg8[%dma_start3A, %dma_start3A_36] : memref<200x128xf32, #tpu.memory_space<vmem>> -> memref<200x128xf32, #tpu.memory_space<vmem>>
        %dma_start3A_38 = arith.constant 9760 : i32
        %dma_start3A_39 = arith.constant 0 : i32
        %dma_start3A_40 = tpu.memref_slice %arg9[%dma_start3A_38, %dma_start3A_39] : memref<10000x128xf32, #tpu.memory_space<vmem_shared>> -> memref<200x128xf32, #tpu.memory_space<vmem_shared>>
        %dma_start3A_41 = arith.constant 9760 : i32
        %dma_start3A_42 = arith.constant 0 : i32
        %dma_start3A_43 = tpu.memref_slice %arg9[%dma_start3A_41, %dma_start3A_42] : memref<10000x128xf32, #tpu.memory_space<vmem_shared>> -> memref<200x128xf32, #tpu.memory_space<vmem_shared>>
        %dma_start3A_44 = arith.constant 0 : i32
        %dma_start3A_45 = arith.constant 0 : i32
        %dma_start3A_46 = tpu.memref_slice %arg8[%dma_start3A_44, %dma_start3A_45] : memref<200x128xf32, #tpu.memory_space<vmem>> -> memref<200x128xf32, #tpu.memory_space<vmem>>
        tpu.enqueue_dma source(%dma_start3A_46 : memref<200x128xf32, #tpu.memory_space<vmem>>) target(%dma_start3A_43 : memref<200x128xf32, #tpu.memory_space<vmem_shared>>) target_semaphore(%run_scoped3A : memref<!tpu.dma_semaphore, #tpu.memory_space<semaphore_mem>>)
        %dma_wait3A = arith.constant 0 : i32
        %dma_wait3A_47 = arith.constant 0 : i32
        %dma_wait3A_48 = tpu.memref_slice %arg8[%dma_wait3A, %dma_wait3A_47] : memref<200x128xf32, #tpu.memory_space<vmem>> -> memref<200x128xf32, #tpu.memory_space<vmem>>
        %dma_wait3A_49 = arith.constant 9760 : i32
        %dma_wait3A_50 = arith.constant 0 : i32
        %dma_wait3A_51 = tpu.memref_slice %arg9[%dma_wait3A_49, %dma_wait3A_50] : memref<10000x128xf32, #tpu.memory_space<vmem_shared>> -> memref<200x128xf32, #tpu.memory_space<vmem_shared>>
        %dma_wait3A_52 = arith.constant 9760 : i32
        %dma_wait3A_53 = arith.constant 0 : i32
        %dma_wait3A_54 = tpu.memref_slice %arg9[%dma_wait3A_52, %dma_wait3A_53] : memref<10000x128xf32, #tpu.memory_space<vmem_shared>> -> memref<200x128xf32, #tpu.memory_space<vmem_shared>>
        %dma_wait3A_55 = arith.constant 0 : i32
        %dma_wait3A_56 = arith.constant 0 : i32
        %dma_wait3A_57 = tpu.memref_slice %arg8[%dma_wait3A_55, %dma_wait3A_56] : memref<200x128xf32, #tpu.memory_space<vmem>> -> memref<200x128xf32, #tpu.memory_space<vmem>>
        tpu.wait_dma2 semaphore(%run_scoped3A : memref<!tpu.dma_semaphore, #tpu.memory_space<semaphore_mem>>) src(%dma_wait3A_57 : memref<200x128xf32, #tpu.memory_space<vmem>>) dst(%dma_wait3A_54 : memref<200x128xf32, #tpu.memory_space<vmem_shared>>)
        tpu.yield
      }) : () -> ()
      "tpu.region"() ({
        %run_scoped3A = tpu.sem_alloc : memref<!tpu.dma_semaphore, #tpu.memory_space<semaphore_mem>>
        %dma_start3A = arith.constant 0 : i32
        %dma_start3A_36 = arith.constant 0 : i32
        %dma_start3A_37 = tpu.memref_slice %arg8[%dma_start3A, %dma_start3A_36] : memref<200x128xf32, #tpu.memory_space<vmem>> -> memref<40x128xf32, #tpu.memory_space<vmem>>
        %dma_start3A_38 = arith.constant 9960 : i32
        %dma_start3A_39 = arith.constant 0 : i32
        %dma_start3A_40 = tpu.memref_slice %arg9[%dma_start3A_38, %dma_start3A_39] : memref<10000x128xf32, #tpu.memory_space<vmem_shared>> -> memref<40x128xf32, #tpu.memory_space<vmem_shared>>
        %dma_start3A_41 = arith.constant 9960 : i32
        %dma_start3A_42 = arith.constant 0 : i32
        %dma_start3A_43 = tpu.memref_slice %arg9[%dma_start3A_41, %dma_start3A_42] : memref<10000x128xf32, #tpu.memory_space<vmem_shared>> -> memref<40x128xf32, #tpu.memory_space<vmem_shared>>
        %dma_start3A_44 = arith.constant 0 : i32
        %dma_start3A_45 = arith.constant 0 : i32
        %dma_start3A_46 = tpu.memref_slice %arg8[%dma_start3A_44, %dma_start3A_45] : memref<200x128xf32, #tpu.memory_space<vmem>> -> memref<40x128xf32, #tpu.memory_space<vmem>>
        tpu.enqueue_dma source(%dma_start3A_46 : memref<40x128xf32, #tpu.memory_space<vmem>>) target(%dma_start3A_43 : memref<40x128xf32, #tpu.memory_space<vmem_shared>>) target_semaphore(%run_scoped3A : memref<!tpu.dma_semaphore, #tpu.memory_space<semaphore_mem>>)
        %dma_wait3A = arith.constant 0 : i32
        %dma_wait3A_47 = arith.constant 0 : i32
        %dma_wait3A_48 = tpu.memref_slice %arg8[%dma_wait3A, %dma_wait3A_47] : memref<200x128xf32, #tpu.memory_space<vmem>> -> memref<40x128xf32, #tpu.memory_space<vmem>>
        %dma_wait3A_49 = arith.constant 9960 : i32
        %dma_wait3A_50 = arith.constant 0 : i32
        %dma_wait3A_51 = tpu.memref_slice %arg9[%dma_wait3A_49, %dma_wait3A_50] : memref<10000x128xf32, #tpu.memory_space<vmem_shared>> -> memref<40x128xf32, #tpu.memory_space<vmem_shared>>
        %dma_wait3A_52 = arith.constant 9960 : i32
        %dma_wait3A_53 = arith.constant 0 : i32
        %dma_wait3A_54 = tpu.memref_slice %arg9[%dma_wait3A_52, %dma_wait3A_53] : memref<10000x128xf32, #tpu.memory_space<vmem_shared>> -> memref<40x128xf32, #tpu.memory_space<vmem_shared>>
        %dma_wait3A_55 = arith.constant 0 : i32
        %dma_wait3A_56 = arith.constant 0 : i32
        %dma_wait3A_57 = tpu.memref_slice %arg8[%dma_wait3A_55, %dma_wait3A_56] : memref<200x128xf32, #tpu.memory_space<vmem>> -> memref<40x128xf32, #tpu.memory_space<vmem>>
        tpu.wait_dma2 semaphore(%run_scoped3A : memref<!tpu.dma_semaphore, #tpu.memory_space<semaphore_mem>>) src(%dma_wait3A_57 : memref<40x128xf32, #tpu.memory_space<vmem>>) dst(%dma_wait3A_54 : memref<40x128xf32, #tpu.memory_space<vmem_shared>>)
        tpu.yield
      }) : () -> ()
    } else {
    }
    %barrier3A = arith.constant 0 : index
    tpu.barrier barrier_id(%barrier3A)
    %mul3A_16 = arith.constant 10000 : i32
    %mul3A_17 = arith.muli %add3A, %mul3A_16 : i32
    %scan3A_18 = arith.constant 0 : i32
    %scan3A_19 = arith.constant 0 : i32
    %scan3A_20 = arith.constant 50 : i32
    %scan3A_21 = arith.addi %scan3A_19, %scan3A_20 : i32
    %scan3A_22 = arith.constant 1 : i32
    %scan3A_23 = scf.for %scan3A_36 = %scan3A_19 to %scan3A_21 step %scan3A_22 iter_args(%scan3A_37 = %scan3A_18) -> (i32)  : i32 {
      %mul3A_38 = arith.constant 200 : i32
      %mul3A_39 = arith.muli %scan3A_36, %mul3A_38 : i32
      %add3A_40 = arith.addi %mul3A_17, %mul3A_39 : i32
      "tpu.region"() ({
        %run_scoped3A = tpu.sem_alloc : memref<!tpu.dma_semaphore, #tpu.memory_space<semaphore_mem>>
        %dma_start3A_46 = tpu.memref_slice %arg3[%add3A_40] : memref<320000xi32, #tpu.memory_space<hbm>> -> memref<200xi32, #tpu.memory_space<hbm>>
        %dma_start3A_47 = tpu.memref_slice %arg3[%add3A_40] : memref<320000xi32, #tpu.memory_space<hbm>> -> memref<200xi32, #tpu.memory_space<hbm>>
        tpu.enqueue_dma source(%dma_start3A_47 : memref<200xi32, #tpu.memory_space<hbm>>) target(%arg6 : memref<200xi32, #tpu.memory_space<vmem>>) target_semaphore(%run_scoped3A : memref<!tpu.dma_semaphore, #tpu.memory_space<semaphore_mem>>)
        %dma_wait3A_48 = tpu.memref_slice %arg3[%add3A_40] : memref<320000xi32, #tpu.memory_space<hbm>> -> memref<200xi32, #tpu.memory_space<hbm>>
        %dma_wait3A_49 = tpu.memref_slice %arg3[%add3A_40] : memref<320000xi32, #tpu.memory_space<hbm>> -> memref<200xi32, #tpu.memory_space<hbm>>
        tpu.wait_dma2 semaphore(%run_scoped3A : memref<!tpu.dma_semaphore, #tpu.memory_space<semaphore_mem>>) src(%dma_wait3A_49 : memref<200xi32, #tpu.memory_space<hbm>>) dst(%arg6 : memref<200xi32, #tpu.memory_space<vmem>>)
        tpu.yield
      }) : () -> ()
      "tpu.region"() ({
        %run_scoped3A = tpu.sem_alloc : memref<!tpu.dma_semaphore, #tpu.memory_space<semaphore_mem>>
        %dma_start3A_46 = tpu.memref_slice %arg4[%add3A_40] : memref<320000xi32, #tpu.memory_space<hbm>> -> memref<200xi32, #tpu.memory_space<hbm>>
        %dma_start3A_47 = tpu.memref_slice %arg4[%add3A_40] : memref<320000xi32, #tpu.memory_space<hbm>> -> memref<200xi32, #tpu.memory_space<hbm>>
        tpu.enqueue_dma source(%dma_start3A_47 : memref<200xi32, #tpu.memory_space<hbm>>) target(%arg7 : memref<200xi32, #tpu.memory_space<vmem>>) target_semaphore(%run_scoped3A : memref<!tpu.dma_semaphore, #tpu.memory_space<semaphore_mem>>)
        %dma_wait3A_48 = tpu.memref_slice %arg4[%add3A_40] : memref<320000xi32, #tpu.memory_space<hbm>> -> memref<200xi32, #tpu.memory_space<hbm>>
        %dma_wait3A_49 = tpu.memref_slice %arg4[%add3A_40] : memref<320000xi32, #tpu.memory_space<hbm>> -> memref<200xi32, #tpu.memory_space<hbm>>
        tpu.wait_dma2 semaphore(%run_scoped3A : memref<!tpu.dma_semaphore, #tpu.memory_space<semaphore_mem>>) src(%dma_wait3A_49 : memref<200xi32, #tpu.memory_space<hbm>>) dst(%arg7 : memref<200xi32, #tpu.memory_space<vmem>>)
        tpu.yield
      }) : () -> ()
      %dma_start3A = arith.constant 0 : i32
      %dma_start3A_41 = arith.constant 0 : i32
      %dma_start3A_42 = tpu.memref_slice %arg2[%dma_start3A, %dma_start3A_41] : memref<10000x128xf32, #tpu.memory_space<hbm>> -> memref<10000x128xf32, #tpu.memory_space<hbm>>
      tpu.enqueue_indirect_dma source(%dma_start3A_42 : memref<10000x128xf32, #tpu.memory_space<hbm>>) target(%arg8 : memref<200x128xf32, #tpu.memory_space<vmem>>) offsets(%arg6 : memref<200xi32, #tpu.memory_space<vmem>>) semaphore(%arg10 : memref<!tpu.dma_semaphore, #tpu.memory_space<semaphore_mem>>)
      %dma_wait3A = arith.constant 0 : i32
      %dma_wait3A_43 = arith.constant 0 : i32
      %dma_wait3A_44 = tpu.memref_slice %arg2[%dma_wait3A, %dma_wait3A_43] : memref<10000x128xf32, #tpu.memory_space<hbm>> -> memref<10000x128xf32, #tpu.memory_space<hbm>>
      tpu.wait_indirect_dma semaphore(%arg10 : memref<!tpu.dma_semaphore, #tpu.memory_space<semaphore_mem>>) src(%dma_wait3A_44 : memref<10000x128xf32, #tpu.memory_space<hbm>>) dst(%arg8 : memref<200x128xf32, #tpu.memory_space<vmem>>)
      "tpu.region"() ({
        %run_scoped3A = tpu.sem_alloc : memref<!tpu.dma_semaphore, #tpu.memory_space<semaphore_mem>>
        %dma_start3A_46 = arith.constant 0 : i32
        %dma_start3A_47 = arith.constant 0 : i32
        %dma_start3A_48 = tpu.memref_slice %arg9[%dma_start3A_46, %dma_start3A_47] : memref<10000x128xf32, #tpu.memory_space<vmem_shared>> -> memref<10000x128xf32, #tpu.memory_space<vmem_shared>>
        tpu.enqueue_indirect_dma source(%arg8 : memref<200x128xf32, #tpu.memory_space<vmem>>) target(%dma_start3A_48 : memref<10000x128xf32, #tpu.memory_space<vmem_shared>>) offsets(%arg7 : memref<200xi32, #tpu.memory_space<vmem>>) semaphore(%run_scoped3A : memref<!tpu.dma_semaphore, #tpu.memory_space<semaphore_mem>>) {add = true}
        %dma_wait3A_49 = arith.constant 0 : i32
        %dma_wait3A_50 = arith.constant 0 : i32
        %dma_wait3A_51 = tpu.memref_slice %arg9[%dma_wait3A_49, %dma_wait3A_50] : memref<10000x128xf32, #tpu.memory_space<vmem_shared>> -> memref<10000x128xf32, #tpu.memory_space<vmem_shared>>
        tpu.wait_indirect_dma semaphore(%run_scoped3A : memref<!tpu.dma_semaphore, #tpu.memory_space<semaphore_mem>>) src(%arg8 : memref<200x128xf32, #tpu.memory_space<vmem>>) dst(%dma_wait3A_51 : memref<10000x128xf32, #tpu.memory_space<vmem_shared>>)
        tpu.yield
      }) : () -> ()
      %scan3A_45 = arith.constant 0 : i32
      scf.yield %scan3A_45 : i32
    }
    %scan3A_24 = arith.constant 50 : i32
    %barrier3A_25 = arith.constant 0 : index
    tpu.barrier barrier_id(%barrier3A_25)
    %lt3A_26 = arith.constant 15 : i32
    %lt3A_27 = arith.cmpi slt, %arg1, %lt3A_26 : i32
    %convert_element_type3A_28 = arith.extui %lt3A_27 : i1 to i32
    %cond3A_29 = arith.constant 0 : i32
    %cond3A_30 = arith.cmpi ne, %convert_element_type3A_28, %cond3A_29 : i32
    scf.if %cond3A_30 {
      %add3A_36 = arith.constant 0 : i32
      %add3A_37 = arith.addi %mul3A_9, %add3A_36 : i32
      "tpu.region"() ({
        %run_scoped3A = tpu.sem_alloc : memref<!tpu.dma_semaphore, #tpu.memory_space<semaphore_mem>>
        %dma_start3A = arith.constant 0 : i32
        %dma_start3A_64 = arith.constant 0 : i32
        %dma_start3A_65 = tpu.memref_slice %arg8[%dma_start3A, %dma_start3A_64] : memref<200x128xf32, #tpu.memory_space<vmem>> -> memref<200x128xf32, #tpu.memory_space<vmem>>
        %dma_start3A_66 = arith.constant 0 : i32
        %dma_start3A_67 = tpu.memref_slice %arg9[%add3A_37, %dma_start3A_66] : memref<10000x128xf32, #tpu.memory_space<vmem_shared>> -> memref<200x128xf32, #tpu.memory_space<vmem_shared>>
        %dma_start3A_68 = arith.constant 0 : i32
        %dma_start3A_69 = arith.constant 0 : i32
        %dma_start3A_70 = tpu.memref_slice %arg8[%dma_start3A_68, %dma_start3A_69] : memref<200x128xf32, #tpu.memory_space<vmem>> -> memref<200x128xf32, #tpu.memory_space<vmem>>
        %dma_start3A_71 = arith.constant 0 : i32
        %dma_start3A_72 = tpu.memref_slice %arg9[%add3A_37, %dma_start3A_71] : memref<10000x128xf32, #tpu.memory_space<vmem_shared>> -> memref<200x128xf32, #tpu.memory_space<vmem_shared>>
        tpu.enqueue_dma source(%dma_start3A_72 : memref<200x128xf32, #tpu.memory_space<vmem_shared>>) target(%dma_start3A_70 : memref<200x128xf32, #tpu.memory_space<vmem>>) target_semaphore(%run_scoped3A : memref<!tpu.dma_semaphore, #tpu.memory_space<semaphore_mem>>)
        %dma_wait3A = arith.constant 0 : i32
        %dma_wait3A_73 = arith.constant 0 : i32
        %dma_wait3A_74 = tpu.memref_slice %arg8[%dma_wait3A, %dma_wait3A_73] : memref<200x128xf32, #tpu.memory_space<vmem>> -> memref<200x128xf32, #tpu.memory_space<vmem>>
        %dma_wait3A_75 = arith.constant 0 : i32
        %dma_wait3A_76 = tpu.memref_slice %arg9[%add3A_37, %dma_wait3A_75] : memref<10000x128xf32, #tpu.memory_space<vmem_shared>> -> memref<200x128xf32, #tpu.memory_space<vmem_shared>>
        %dma_wait3A_77 = arith.constant 0 : i32
        %dma_wait3A_78 = arith.constant 0 : i32
        %dma_wait3A_79 = tpu.memref_slice %arg8[%dma_wait3A_77, %dma_wait3A_78] : memref<200x128xf32, #tpu.memory_space<vmem>> -> memref<200x128xf32, #tpu.memory_space<vmem>>
        %dma_wait3A_80 = arith.constant 0 : i32
        %dma_wait3A_81 = tpu.memref_slice %arg9[%add3A_37, %dma_wait3A_80] : memref<10000x128xf32, #tpu.memory_space<vmem_shared>> -> memref<200x128xf32, #tpu.memory_space<vmem_shared>>
        tpu.wait_dma2 semaphore(%run_scoped3A : memref<!tpu.dma_semaphore, #tpu.memory_space<semaphore_mem>>) src(%dma_wait3A_81 : memref<200x128xf32, #tpu.memory_space<vmem_shared>>) dst(%dma_wait3A_79 : memref<200x128xf32, #tpu.memory_space<vmem>>)
        tpu.yield
      }) : () -> ()
      %mul3A_38 = arith.constant 10000 : i32
      %mul3A_39 = arith.muli %arg0, %mul3A_38 : i32
      %add3A_40 = arith.addi %mul3A_39, %mul3A_9 : i32
      %add3A_41 = arith.constant 0 : i32
      %add3A_42 = arith.addi %add3A_40, %add3A_41 : i32
      "tpu.region"() ({
        %run_scoped3A = tpu.sem_alloc : memref<!tpu.dma_semaphore, #tpu.memory_space<semaphore_mem>>
        %dma_start3A = arith.constant 0 : i32
        %dma_start3A_64 = arith.constant 0 : i32
        %dma_start3A_65 = tpu.memref_slice %arg8[%dma_start3A, %dma_start3A_64] : memref<200x128xf32, #tpu.memory_space<vmem>> -> memref<200x128xf32, #tpu.memory_space<vmem>>
        %dma_start3A_66 = arith.constant 0 : i32
        %dma_start3A_67 = tpu.memref_slice %arg5[%add3A_42, %dma_start3A_66] : memref<20000x128xf32, #tpu.memory_space<hbm>> -> memref<200x128xf32, #tpu.memory_space<hbm>>
        %dma_start3A_68 = arith.constant 0 : i32
        %dma_start3A_69 = tpu.memref_slice %arg5[%add3A_42, %dma_start3A_68] : memref<20000x128xf32, #tpu.memory_space<hbm>> -> memref<200x128xf32, #tpu.memory_space<hbm>>
        %dma_start3A_70 = arith.constant 0 : i32
        %dma_start3A_71 = arith.constant 0 : i32
        %dma_start3A_72 = tpu.memref_slice %arg8[%dma_start3A_70, %dma_start3A_71] : memref<200x128xf32, #tpu.memory_space<vmem>> -> memref<200x128xf32, #tpu.memory_space<vmem>>
        tpu.enqueue_dma source(%dma_start3A_72 : memref<200x128xf32, #tpu.memory_space<vmem>>) target(%dma_start3A_69 : memref<200x128xf32, #tpu.memory_space<hbm>>) target_semaphore(%run_scoped3A : memref<!tpu.dma_semaphore, #tpu.memory_space<semaphore_mem>>)
        %dma_wait3A = arith.constant 0 : i32
        %dma_wait3A_73 = arith.constant 0 : i32
        %dma_wait3A_74 = tpu.memref_slice %arg8[%dma_wait3A, %dma_wait3A_73] : memref<200x128xf32, #tpu.memory_space<vmem>> -> memref<200x128xf32, #tpu.memory_space<vmem>>
        %dma_wait3A_75 = arith.constant 0 : i32
        %dma_wait3A_76 = tpu.memref_slice %arg5[%add3A_42, %dma_wait3A_75] : memref<20000x128xf32, #tpu.memory_space<hbm>> -> memref<200x128xf32, #tpu.memory_space<hbm>>
        %dma_wait3A_77 = arith.constant 0 : i32
        %dma_wait3A_78 = tpu.memref_slice %arg5[%add3A_42, %dma_wait3A_77] : memref<20000x128xf32, #tpu.memory_space<hbm>> -> memref<200x128xf32, #tpu.memory_space<hbm>>
        %dma_wait3A_79 = arith.constant 0 : i32
        %dma_wait3A_80 = arith.constant 0 : i32
        %dma_wait3A_81 = tpu.memref_slice %arg8[%dma_wait3A_79, %dma_wait3A_80] : memref<200x128xf32, #tpu.memory_space<vmem>> -> memref<200x128xf32, #tpu.memory_space<vmem>>
        tpu.wait_dma2 semaphore(%run_scoped3A : memref<!tpu.dma_semaphore, #tpu.memory_space<semaphore_mem>>) src(%dma_wait3A_81 : memref<200x128xf32, #tpu.memory_space<vmem>>) dst(%dma_wait3A_78 : memref<200x128xf32, #tpu.memory_space<hbm>>)
        tpu.yield
      }) : () -> ()
      %add3A_43 = arith.constant 200 : i32
      %add3A_44 = arith.addi %mul3A_9, %add3A_43 : i32
      "tpu.region"() ({
        %run_scoped3A = tpu.sem_alloc : memref<!tpu.dma_semaphore, #tpu.memory_space<semaphore_mem>>
        %dma_start3A = arith.constant 0 : i32
        %dma_start3A_64 = arith.constant 0 : i32
        %dma_start3A_65 = tpu.memref_slice %arg8[%dma_start3A, %dma_start3A_64] : memref<200x128xf32, #tpu.memory_space<vmem>> -> memref<200x128xf32, #tpu.memory_space<vmem>>
        %dma_start3A_66 = arith.constant 0 : i32
        %dma_start3A_67 = tpu.memref_slice %arg9[%add3A_44, %dma_start3A_66] : memref<10000x128xf32, #tpu.memory_space<vmem_shared>> -> memref<200x128xf32, #tpu.memory_space<vmem_shared>>
        %dma_start3A_68 = arith.constant 0 : i32
        %dma_start3A_69 = arith.constant 0 : i32
        %dma_start3A_70 = tpu.memref_slice %arg8[%dma_start3A_68, %dma_start3A_69] : memref<200x128xf32, #tpu.memory_space<vmem>> -> memref<200x128xf32, #tpu.memory_space<vmem>>
        %dma_start3A_71 = arith.constant 0 : i32
        %dma_start3A_72 = tpu.memref_slice %arg9[%add3A_44, %dma_start3A_71] : memref<10000x128xf32, #tpu.memory_space<vmem_shared>> -> memref<200x128xf32, #tpu.memory_space<vmem_shared>>
        tpu.enqueue_dma source(%dma_start3A_72 : memref<200x128xf32, #tpu.memory_space<vmem_shared>>) target(%dma_start3A_70 : memref<200x128xf32, #tpu.memory_space<vmem>>) target_semaphore(%run_scoped3A : memref<!tpu.dma_semaphore, #tpu.memory_space<semaphore_mem>>)
        %dma_wait3A = arith.constant 0 : i32
        %dma_wait3A_73 = arith.constant 0 : i32
        %dma_wait3A_74 = tpu.memref_slice %arg8[%dma_wait3A, %dma_wait3A_73] : memref<200x128xf32, #tpu.memory_space<vmem>> -> memref<200x128xf32, #tpu.memory_space<vmem>>
        %dma_wait3A_75 = arith.constant 0 : i32
        %dma_wait3A_76 = tpu.memref_slice %arg9[%add3A_44, %dma_wait3A_75] : memref<10000x128xf32, #tpu.memory_space<vmem_shared>> -> memref<200x128xf32, #tpu.memory_space<vmem_shared>>
        %dma_wait3A_77 = arith.constant 0 : i32
        %dma_wait3A_78 = arith.constant 0 : i32
        %dma_wait3A_79 = tpu.memref_slice %arg8[%dma_wait3A_77, %dma_wait3A_78] : memref<200x128xf32, #tpu.memory_space<vmem>> -> memref<200x128xf32, #tpu.memory_space<vmem>>
        %dma_wait3A_80 = arith.constant 0 : i32
        %dma_wait3A_81 = tpu.memref_slice %arg9[%add3A_44, %dma_wait3A_80] : memref<10000x128xf32, #tpu.memory_space<vmem_shared>> -> memref<200x128xf32, #tpu.memory_space<vmem_shared>>
        tpu.wait_dma2 semaphore(%run_scoped3A : memref<!tpu.dma_semaphore, #tpu.memory_space<semaphore_mem>>) src(%dma_wait3A_81 : memref<200x128xf32, #tpu.memory_space<vmem_shared>>) dst(%dma_wait3A_79 : memref<200x128xf32, #tpu.memory_space<vmem>>)
        tpu.yield
      }) : () -> ()
      %mul3A_45 = arith.constant 10000 : i32
      %mul3A_46 = arith.muli %arg0, %mul3A_45 : i32
      %add3A_47 = arith.addi %mul3A_46, %mul3A_9 : i32
      %add3A_48 = arith.constant 200 : i32
      %add3A_49 = arith.addi %add3A_47, %add3A_48 : i32
      "tpu.region"() ({
        %run_scoped3A = tpu.sem_alloc : memref<!tpu.dma_semaphore, #tpu.memory_space<semaphore_mem>>
        %dma_start3A = arith.constant 0 : i32
        %dma_start3A_64 = arith.constant 0 : i32
        %dma_start3A_65 = tpu.memref_slice %arg8[%dma_start3A, %dma_start3A_64] : memref<200x128xf32, #tpu.memory_space<vmem>> -> memref<200x128xf32, #tpu.memory_space<vmem>>
        %dma_start3A_66 = arith.constant 0 : i32
        %dma_start3A_67 = tpu.memref_slice %arg5[%add3A_49, %dma_start3A_66] : memref<20000x128xf32, #tpu.memory_space<hbm>> -> memref<200x128xf32, #tpu.memory_space<hbm>>
        %dma_start3A_68 = arith.constant 0 : i32
        %dma_start3A_69 = tpu.memref_slice %arg5[%add3A_49, %dma_start3A_68] : memref<20000x128xf32, #tpu.memory_space<hbm>> -> memref<200x128xf32, #tpu.memory_space<hbm>>
        %dma_start3A_70 = arith.constant 0 : i32
        %dma_start3A_71 = arith.constant 0 : i32
        %dma_start3A_72 = tpu.memref_slice %arg8[%dma_start3A_70, %dma_start3A_71] : memref<200x128xf32, #tpu.memory_space<vmem>> -> memref<200x128xf32, #tpu.memory_space<vmem>>
        tpu.enqueue_dma source(%dma_start3A_72 : memref<200x128xf32, #tpu.memory_space<vmem>>) target(%dma_start3A_69 : memref<200x128xf32, #tpu.memory_space<hbm>>) target_semaphore(%run_scoped3A : memref<!tpu.dma_semaphore, #tpu.memory_space<semaphore_mem>>)
        %dma_wait3A = arith.constant 0 : i32
        %dma_wait3A_73 = arith.constant 0 : i32
        %dma_wait3A_74 = tpu.memref_slice %arg8[%dma_wait3A, %dma_wait3A_73] : memref<200x128xf32, #tpu.memory_space<vmem>> -> memref<200x128xf32, #tpu.memory_space<vmem>>
        %dma_wait3A_75 = arith.constant 0 : i32
        %dma_wait3A_76 = tpu.memref_slice %arg5[%add3A_49, %dma_wait3A_75] : memref<20000x128xf32, #tpu.memory_space<hbm>> -> memref<200x128xf32, #tpu.memory_space<hbm>>
        %dma_wait3A_77 = arith.constant 0 : i32
        %dma_wait3A_78 = tpu.memref_slice %arg5[%add3A_49, %dma_wait3A_77] : memref<20000x128xf32, #tpu.memory_space<hbm>> -> memref<200x128xf32, #tpu.memory_space<hbm>>
        %dma_wait3A_79 = arith.constant 0 : i32
        %dma_wait3A_80 = arith.constant 0 : i32
        %dma_wait3A_81 = tpu.memref_slice %arg8[%dma_wait3A_79, %dma_wait3A_80] : memref<200x128xf32, #tpu.memory_space<vmem>> -> memref<200x128xf32, #tpu.memory_space<vmem>>
        tpu.wait_dma2 semaphore(%run_scoped3A : memref<!tpu.dma_semaphore, #tpu.memory_space<semaphore_mem>>) src(%dma_wait3A_81 : memref<200x128xf32, #tpu.memory_space<vmem>>) dst(%dma_wait3A_78 : memref<200x128xf32, #tpu.memory_space<hbm>>)
        tpu.yield
      }) : () -> ()
      %add3A_50 = arith.constant 400 : i32
      %add3A_51 = arith.addi %mul3A_9, %add3A_50 : i32
      "tpu.region"() ({
        %run_scoped3A = tpu.sem_alloc : memref<!tpu.dma_semaphore, #tpu.memory_space<semaphore_mem>>
        %dma_start3A = arith.constant 0 : i32
        %dma_start3A_64 = arith.constant 0 : i32
        %dma_start3A_65 = tpu.memref_slice %arg8[%dma_start3A, %dma_start3A_64] : memref<200x128xf32, #tpu.memory_space<vmem>> -> memref<200x128xf32, #tpu.memory_space<vmem>>
        %dma_start3A_66 = arith.constant 0 : i32
        %dma_start3A_67 = tpu.memref_slice %arg9[%add3A_51, %dma_start3A_66] : memref<10000x128xf32, #tpu.memory_space<vmem_shared>> -> memref<200x128xf32, #tpu.memory_space<vmem_shared>>
        %dma_start3A_68 = arith.constant 0 : i32
        %dma_start3A_69 = arith.constant 0 : i32
        %dma_start3A_70 = tpu.memref_slice %arg8[%dma_start3A_68, %dma_start3A_69] : memref<200x128xf32, #tpu.memory_space<vmem>> -> memref<200x128xf32, #tpu.memory_space<vmem>>
        %dma_start3A_71 = arith.constant 0 : i32
        %dma_start3A_72 = tpu.memref_slice %arg9[%add3A_51, %dma_start3A_71] : memref<10000x128xf32, #tpu.memory_space<vmem_shared>> -> memref<200x128xf32, #tpu.memory_space<vmem_shared>>
        tpu.enqueue_dma source(%dma_start3A_72 : memref<200x128xf32, #tpu.memory_space<vmem_shared>>) target(%dma_start3A_70 : memref<200x128xf32, #tpu.memory_space<vmem>>) target_semaphore(%run_scoped3A : memref<!tpu.dma_semaphore, #tpu.memory_space<semaphore_mem>>)
        %dma_wait3A = arith.constant 0 : i32
        %dma_wait3A_73 = arith.constant 0 : i32
        %dma_wait3A_74 = tpu.memref_slice %arg8[%dma_wait3A, %dma_wait3A_73] : memref<200x128xf32, #tpu.memory_space<vmem>> -> memref<200x128xf32, #tpu.memory_space<vmem>>
        %dma_wait3A_75 = arith.constant 0 : i32
        %dma_wait3A_76 = tpu.memref_slice %arg9[%add3A_51, %dma_wait3A_75] : memref<10000x128xf32, #tpu.memory_space<vmem_shared>> -> memref<200x128xf32, #tpu.memory_space<vmem_shared>>
        %dma_wait3A_77 = arith.constant 0 : i32
        %dma_wait3A_78 = arith.constant 0 : i32
        %dma_wait3A_79 = tpu.memref_slice %arg8[%dma_wait3A_77, %dma_wait3A_78] : memref<200x128xf32, #tpu.memory_space<vmem>> -> memref<200x128xf32, #tpu.memory_space<vmem>>
        %dma_wait3A_80 = arith.constant 0 : i32
        %dma_wait3A_81 = tpu.memref_slice %arg9[%add3A_51, %dma_wait3A_80] : memref<10000x128xf32, #tpu.memory_space<vmem_shared>> -> memref<200x128xf32, #tpu.memory_space<vmem_shared>>
        tpu.wait_dma2 semaphore(%run_scoped3A : memref<!tpu.dma_semaphore, #tpu.memory_space<semaphore_mem>>) src(%dma_wait3A_81 : memref<200x128xf32, #tpu.memory_space<vmem_shared>>) dst(%dma_wait3A_79 : memref<200x128xf32, #tpu.memory_space<vmem>>)
        tpu.yield
      }) : () -> ()
      %mul3A_52 = arith.constant 10000 : i32
      %mul3A_53 = arith.muli %arg0, %mul3A_52 : i32
      %add3A_54 = arith.addi %mul3A_53, %mul3A_9 : i32
      %add3A_55 = arith.constant 400 : i32
      %add3A_56 = arith.addi %add3A_54, %add3A_55 : i32
      "tpu.region"() ({
        %run_scoped3A = tpu.sem_alloc : memref<!tpu.dma_semaphore, #tpu.memory_space<semaphore_mem>>
        %dma_start3A = arith.constant 0 : i32
        %dma_start3A_64 = arith.constant 0 : i32
        %dma_start3A_65 = tpu.memref_slice %arg8[%dma_start3A, %dma_start3A_64] : memref<200x128xf32, #tpu.memory_space<vmem>> -> memref<200x128xf32, #tpu.memory_space<vmem>>
        %dma_start3A_66 = arith.constant 0 : i32
        %dma_start3A_67 = tpu.memref_slice %arg5[%add3A_56, %dma_start3A_66] : memref<20000x128xf32, #tpu.memory_space<hbm>> -> memref<200x128xf32, #tpu.memory_space<hbm>>
        %dma_start3A_68 = arith.constant 0 : i32
        %dma_start3A_69 = tpu.memref_slice %arg5[%add3A_56, %dma_start3A_68] : memref<20000x128xf32, #tpu.memory_space<hbm>> -> memref<200x128xf32, #tpu.memory_space<hbm>>
        %dma_start3A_70 = arith.constant 0 : i32
        %dma_start3A_71 = arith.constant 0 : i32
        %dma_start3A_72 = tpu.memref_slice %arg8[%dma_start3A_70, %dma_start3A_71] : memref<200x128xf32, #tpu.memory_space<vmem>> -> memref<200x128xf32, #tpu.memory_space<vmem>>
        tpu.enqueue_dma source(%dma_start3A_72 : memref<200x128xf32, #tpu.memory_space<vmem>>) target(%dma_start3A_69 : memref<200x128xf32, #tpu.memory_space<hbm>>) target_semaphore(%run_scoped3A : memref<!tpu.dma_semaphore, #tpu.memory_space<semaphore_mem>>)
        %dma_wait3A = arith.constant 0 : i32
        %dma_wait3A_73 = arith.constant 0 : i32
        %dma_wait3A_74 = tpu.memref_slice %arg8[%dma_wait3A, %dma_wait3A_73] : memref<200x128xf32, #tpu.memory_space<vmem>> -> memref<200x128xf32, #tpu.memory_space<vmem>>
        %dma_wait3A_75 = arith.constant 0 : i32
        %dma_wait3A_76 = tpu.memref_slice %arg5[%add3A_56, %dma_wait3A_75] : memref<20000x128xf32, #tpu.memory_space<hbm>> -> memref<200x128xf32, #tpu.memory_space<hbm>>
        %dma_wait3A_77 = arith.constant 0 : i32
        %dma_wait3A_78 = tpu.memref_slice %arg5[%add3A_56, %dma_wait3A_77] : memref<20000x128xf32, #tpu.memory_space<hbm>> -> memref<200x128xf32, #tpu.memory_space<hbm>>
        %dma_wait3A_79 = arith.constant 0 : i32
        %dma_wait3A_80 = arith.constant 0 : i32
        %dma_wait3A_81 = tpu.memref_slice %arg8[%dma_wait3A_79, %dma_wait3A_80] : memref<200x128xf32, #tpu.memory_space<vmem>> -> memref<200x128xf32, #tpu.memory_space<vmem>>
        tpu.wait_dma2 semaphore(%run_scoped3A : memref<!tpu.dma_semaphore, #tpu.memory_space<semaphore_mem>>) src(%dma_wait3A_81 : memref<200x128xf32, #tpu.memory_space<vmem>>) dst(%dma_wait3A_78 : memref<200x128xf32, #tpu.memory_space<hbm>>)
        tpu.yield
      }) : () -> ()
      %add3A_57 = arith.constant 600 : i32
      %add3A_58 = arith.addi %mul3A_9, %add3A_57 : i32
      "tpu.region"() ({
        %run_scoped3A = tpu.sem_alloc : memref<!tpu.dma_semaphore, #tpu.memory_space<semaphore_mem>>
        %dma_start3A = arith.constant 0 : i32
        %dma_start3A_64 = arith.constant 0 : i32
        %dma_start3A_65 = tpu.memref_slice %arg8[%dma_start3A, %dma_start3A_64] : memref<200x128xf32, #tpu.memory_space<vmem>> -> memref<24x128xf32, #tpu.memory_space<vmem>>
        %dma_start3A_66 = arith.constant 0 : i32
        %dma_start3A_67 = tpu.memref_slice %arg9[%add3A_58, %dma_start3A_66] : memref<10000x128xf32, #tpu.memory_space<vmem_shared>> -> memref<24x128xf32, #tpu.memory_space<vmem_shared>>
        %dma_start3A_68 = arith.constant 0 : i32
        %dma_start3A_69 = arith.constant 0 : i32
        %dma_start3A_70 = tpu.memref_slice %arg8[%dma_start3A_68, %dma_start3A_69] : memref<200x128xf32, #tpu.memory_space<vmem>> -> memref<24x128xf32, #tpu.memory_space<vmem>>
        %dma_start3A_71 = arith.constant 0 : i32
        %dma_start3A_72 = tpu.memref_slice %arg9[%add3A_58, %dma_start3A_71] : memref<10000x128xf32, #tpu.memory_space<vmem_shared>> -> memref<24x128xf32, #tpu.memory_space<vmem_shared>>
        tpu.enqueue_dma source(%dma_start3A_72 : memref<24x128xf32, #tpu.memory_space<vmem_shared>>) target(%dma_start3A_70 : memref<24x128xf32, #tpu.memory_space<vmem>>) target_semaphore(%run_scoped3A : memref<!tpu.dma_semaphore, #tpu.memory_space<semaphore_mem>>)
        %dma_wait3A = arith.constant 0 : i32
        %dma_wait3A_73 = arith.constant 0 : i32
        %dma_wait3A_74 = tpu.memref_slice %arg8[%dma_wait3A, %dma_wait3A_73] : memref<200x128xf32, #tpu.memory_space<vmem>> -> memref<24x128xf32, #tpu.memory_space<vmem>>
        %dma_wait3A_75 = arith.constant 0 : i32
        %dma_wait3A_76 = tpu.memref_slice %arg9[%add3A_58, %dma_wait3A_75] : memref<10000x128xf32, #tpu.memory_space<vmem_shared>> -> memref<24x128xf32, #tpu.memory_space<vmem_shared>>
        %dma_wait3A_77 = arith.constant 0 : i32
        %dma_wait3A_78 = arith.constant 0 : i32
        %dma_wait3A_79 = tpu.memref_slice %arg8[%dma_wait3A_77, %dma_wait3A_78] : memref<200x128xf32, #tpu.memory_space<vmem>> -> memref<24x128xf32, #tpu.memory_space<vmem>>
        %dma_wait3A_80 = arith.constant 0 : i32
        %dma_wait3A_81 = tpu.memref_slice %arg9[%add3A_58, %dma_wait3A_80] : memref<10000x128xf32, #tpu.memory_space<vmem_shared>> -> memref<24x128xf32, #tpu.memory_space<vmem_shared>>
        tpu.wait_dma2 semaphore(%run_scoped3A : memref<!tpu.dma_semaphore, #tpu.memory_space<semaphore_mem>>) src(%dma_wait3A_81 : memref<24x128xf32, #tpu.memory_space<vmem_shared>>) dst(%dma_wait3A_79 : memref<24x128xf32, #tpu.memory_space<vmem>>)
        tpu.yield
      }) : () -> ()
      %mul3A_59 = arith.constant 10000 : i32
      %mul3A_60 = arith.muli %arg0, %mul3A_59 : i32
      %add3A_61 = arith.addi %mul3A_60, %mul3A_9 : i32
      %add3A_62 = arith.constant 600 : i32
      %add3A_63 = arith.addi %add3A_61, %add3A_62 : i32
      "tpu.region"() ({
        %run_scoped3A = tpu.sem_alloc : memref<!tpu.dma_semaphore, #tpu.memory_space<semaphore_mem>>
        %dma_start3A = arith.constant 0 : i32
        %dma_start3A_64 = arith.constant 0 : i32
        %dma_start3A_65 = tpu.memref_slice %arg8[%dma_start3A, %dma_start3A_64] : memref<200x128xf32, #tpu.memory_space<vmem>> -> memref<24x128xf32, #tpu.memory_space<vmem>>
        %dma_start3A_66 = arith.constant 0 : i32
        %dma_start3A_67 = tpu.memref_slice %arg5[%add3A_63, %dma_start3A_66] : memref<20000x128xf32, #tpu.memory_space<hbm>> -> memref<24x128xf32, #tpu.memory_space<hbm>>
        %dma_start3A_68 = arith.constant 0 : i32
        %dma_start3A_69 = tpu.memref_slice %arg5[%add3A_63, %dma_start3A_68] : memref<20000x128xf32, #tpu.memory_space<hbm>> -> memref<24x128xf32, #tpu.memory_space<hbm>>
        %dma_start3A_70 = arith.constant 0 : i32
        %dma_start3A_71 = arith.constant 0 : i32
        %dma_start3A_72 = tpu.memref_slice %arg8[%dma_start3A_70, %dma_start3A_71] : memref<200x128xf32, #tpu.memory_space<vmem>> -> memref<24x128xf32, #tpu.memory_space<vmem>>
        tpu.enqueue_dma source(%dma_start3A_72 : memref<24x128xf32, #tpu.memory_space<vmem>>) target(%dma_start3A_69 : memref<24x128xf32, #tpu.memory_space<hbm>>) target_semaphore(%run_scoped3A : memref<!tpu.dma_semaphore, #tpu.memory_space<semaphore_mem>>)
        %dma_wait3A = arith.constant 0 : i32
        %dma_wait3A_73 = arith.constant 0 : i32
        %dma_wait3A_74 = tpu.memref_slice %arg8[%dma_wait3A, %dma_wait3A_73] : memref<200x128xf32, #tpu.memory_space<vmem>> -> memref<24x128xf32, #tpu.memory_space<vmem>>
        %dma_wait3A_75 = arith.constant 0 : i32
        %dma_wait3A_76 = tpu.memref_slice %arg5[%add3A_63, %dma_wait3A_75] : memref<20000x128xf32, #tpu.memory_space<hbm>> -> memref<24x128xf32, #tpu.memory_space<hbm>>
        %dma_wait3A_77 = arith.constant 0 : i32
        %dma_wait3A_78 = tpu.memref_slice %arg5[%add3A_63, %dma_wait3A_77] : memref<20000x128xf32, #tpu.memory_space<hbm>> -> memref<24x128xf32, #tpu.memory_space<hbm>>
        %dma_wait3A_79 = arith.constant 0 : i32
        %dma_wait3A_80 = arith.constant 0 : i32
        %dma_wait3A_81 = tpu.memref_slice %arg8[%dma_wait3A_79, %dma_wait3A_80] : memref<200x128xf32, #tpu.memory_space<vmem>> -> memref<24x128xf32, #tpu.memory_space<vmem>>
        tpu.wait_dma2 semaphore(%run_scoped3A : memref<!tpu.dma_semaphore, #tpu.memory_space<semaphore_mem>>) src(%dma_wait3A_81 : memref<24x128xf32, #tpu.memory_space<vmem>>) dst(%dma_wait3A_78 : memref<24x128xf32, #tpu.memory_space<hbm>>)
        tpu.yield
      }) : () -> ()
    } else {
    }
    %eq3A_31 = arith.constant 15 : i32
    %eq3A_32 = arith.cmpi eq, %arg1, %eq3A_31 : i32
    %convert_element_type3A_33 = arith.extui %eq3A_32 : i1 to i32
    %cond3A_34 = arith.constant 0 : i32
    %cond3A_35 = arith.cmpi ne, %convert_element_type3A_33, %cond3A_34 : i32
    scf.if %cond3A_35 {
      "tpu.region"() ({
        %run_scoped3A = tpu.sem_alloc : memref<!tpu.dma_semaphore, #tpu.memory_space<semaphore_mem>>
        %dma_start3A = arith.constant 0 : i32
        %dma_start3A_60 = arith.constant 0 : i32
        %dma_start3A_61 = tpu.memref_slice %arg8[%dma_start3A, %dma_start3A_60] : memref<200x128xf32, #tpu.memory_space<vmem>> -> memref<200x128xf32, #tpu.memory_space<vmem>>
        %dma_start3A_62 = arith.constant 9360 : i32
        %dma_start3A_63 = arith.constant 0 : i32
        %dma_start3A_64 = tpu.memref_slice %arg9[%dma_start3A_62, %dma_start3A_63] : memref<10000x128xf32, #tpu.memory_space<vmem_shared>> -> memref<200x128xf32, #tpu.memory_space<vmem_shared>>
        %dma_start3A_65 = arith.constant 0 : i32
        %dma_start3A_66 = arith.constant 0 : i32
        %dma_start3A_67 = tpu.memref_slice %arg8[%dma_start3A_65, %dma_start3A_66] : memref<200x128xf32, #tpu.memory_space<vmem>> -> memref<200x128xf32, #tpu.memory_space<vmem>>
        %dma_start3A_68 = arith.constant 9360 : i32
        %dma_start3A_69 = arith.constant 0 : i32
        %dma_start3A_70 = tpu.memref_slice %arg9[%dma_start3A_68, %dma_start3A_69] : memref<10000x128xf32, #tpu.memory_space<vmem_shared>> -> memref<200x128xf32, #tpu.memory_space<vmem_shared>>
        tpu.enqueue_dma source(%dma_start3A_70 : memref<200x128xf32, #tpu.memory_space<vmem_shared>>) target(%dma_start3A_67 : memref<200x128xf32, #tpu.memory_space<vmem>>) target_semaphore(%run_scoped3A : memref<!tpu.dma_semaphore, #tpu.memory_space<semaphore_mem>>)
        %dma_wait3A = arith.constant 0 : i32
        %dma_wait3A_71 = arith.constant 0 : i32
        %dma_wait3A_72 = tpu.memref_slice %arg8[%dma_wait3A, %dma_wait3A_71] : memref<200x128xf32, #tpu.memory_space<vmem>> -> memref<200x128xf32, #tpu.memory_space<vmem>>
        %dma_wait3A_73 = arith.constant 9360 : i32
        %dma_wait3A_74 = arith.constant 0 : i32
        %dma_wait3A_75 = tpu.memref_slice %arg9[%dma_wait3A_73, %dma_wait3A_74] : memref<10000x128xf32, #tpu.memory_space<vmem_shared>> -> memref<200x128xf32, #tpu.memory_space<vmem_shared>>
        %dma_wait3A_76 = arith.constant 0 : i32
        %dma_wait3A_77 = arith.constant 0 : i32
        %dma_wait3A_78 = tpu.memref_slice %arg8[%dma_wait3A_76, %dma_wait3A_77] : memref<200x128xf32, #tpu.memory_space<vmem>> -> memref<200x128xf32, #tpu.memory_space<vmem>>
        %dma_wait3A_79 = arith.constant 9360 : i32
        %dma_wait3A_80 = arith.constant 0 : i32
        %dma_wait3A_81 = tpu.memref_slice %arg9[%dma_wait3A_79, %dma_wait3A_80] : memref<10000x128xf32, #tpu.memory_space<vmem_shared>> -> memref<200x128xf32, #tpu.memory_space<vmem_shared>>
        tpu.wait_dma2 semaphore(%run_scoped3A : memref<!tpu.dma_semaphore, #tpu.memory_space<semaphore_mem>>) src(%dma_wait3A_81 : memref<200x128xf32, #tpu.memory_space<vmem_shared>>) dst(%dma_wait3A_78 : memref<200x128xf32, #tpu.memory_space<vmem>>)
        tpu.yield
      }) : () -> ()
      %mul3A_36 = arith.constant 10000 : i32
      %mul3A_37 = arith.muli %arg0, %mul3A_36 : i32
      %add3A_38 = arith.constant 9360 : i32
      %add3A_39 = arith.addi %mul3A_37, %add3A_38 : i32
      %add3A_40 = arith.constant 0 : i32
      %add3A_41 = arith.addi %add3A_39, %add3A_40 : i32
      "tpu.region"() ({
        %run_scoped3A = tpu.sem_alloc : memref<!tpu.dma_semaphore, #tpu.memory_space<semaphore_mem>>
        %dma_start3A = arith.constant 0 : i32
        %dma_start3A_60 = arith.constant 0 : i32
        %dma_start3A_61 = tpu.memref_slice %arg8[%dma_start3A, %dma_start3A_60] : memref<200x128xf32, #tpu.memory_space<vmem>> -> memref<200x128xf32, #tpu.memory_space<vmem>>
        %dma_start3A_62 = arith.constant 0 : i32
        %dma_start3A_63 = tpu.memref_slice %arg5[%add3A_41, %dma_start3A_62] : memref<20000x128xf32, #tpu.memory_space<hbm>> -> memref<200x128xf32, #tpu.memory_space<hbm>>
        %dma_start3A_64 = arith.constant 0 : i32
        %dma_start3A_65 = tpu.memref_slice %arg5[%add3A_41, %dma_start3A_64] : memref<20000x128xf32, #tpu.memory_space<hbm>> -> memref<200x128xf32, #tpu.memory_space<hbm>>
        %dma_start3A_66 = arith.constant 0 : i32
        %dma_start3A_67 = arith.constant 0 : i32
        %dma_start3A_68 = tpu.memref_slice %arg8[%dma_start3A_66, %dma_start3A_67] : memref<200x128xf32, #tpu.memory_space<vmem>> -> memref<200x128xf32, #tpu.memory_space<vmem>>
        tpu.enqueue_dma source(%dma_start3A_68 : memref<200x128xf32, #tpu.memory_space<vmem>>) target(%dma_start3A_65 : memref<200x128xf32, #tpu.memory_space<hbm>>) target_semaphore(%run_scoped3A : memref<!tpu.dma_semaphore, #tpu.memory_space<semaphore_mem>>)
        %dma_wait3A = arith.constant 0 : i32
        %dma_wait3A_69 = arith.constant 0 : i32
        %dma_wait3A_70 = tpu.memref_slice %arg8[%dma_wait3A, %dma_wait3A_69] : memref<200x128xf32, #tpu.memory_space<vmem>> -> memref<200x128xf32, #tpu.memory_space<vmem>>
        %dma_wait3A_71 = arith.constant 0 : i32
        %dma_wait3A_72 = tpu.memref_slice %arg5[%add3A_41, %dma_wait3A_71] : memref<20000x128xf32, #tpu.memory_space<hbm>> -> memref<200x128xf32, #tpu.memory_space<hbm>>
        %dma_wait3A_73 = arith.constant 0 : i32
        %dma_wait3A_74 = tpu.memref_slice %arg5[%add3A_41, %dma_wait3A_73] : memref<20000x128xf32, #tpu.memory_space<hbm>> -> memref<200x128xf32, #tpu.memory_space<hbm>>
        %dma_wait3A_75 = arith.constant 0 : i32
        %dma_wait3A_76 = arith.constant 0 : i32
        %dma_wait3A_77 = tpu.memref_slice %arg8[%dma_wait3A_75, %dma_wait3A_76] : memref<200x128xf32, #tpu.memory_space<vmem>> -> memref<200x128xf32, #tpu.memory_space<vmem>>
        tpu.wait_dma2 semaphore(%run_scoped3A : memref<!tpu.dma_semaphore, #tpu.memory_space<semaphore_mem>>) src(%dma_wait3A_77 : memref<200x128xf32, #tpu.memory_space<vmem>>) dst(%dma_wait3A_74 : memref<200x128xf32, #tpu.memory_space<hbm>>)
        tpu.yield
      }) : () -> ()
      "tpu.region"() ({
        %run_scoped3A = tpu.sem_alloc : memref<!tpu.dma_semaphore, #tpu.memory_space<semaphore_mem>>
        %dma_start3A = arith.constant 0 : i32
        %dma_start3A_60 = arith.constant 0 : i32
        %dma_start3A_61 = tpu.memref_slice %arg8[%dma_start3A, %dma_start3A_60] : memref<200x128xf32, #tpu.memory_space<vmem>> -> memref<200x128xf32, #tpu.memory_space<vmem>>
        %dma_start3A_62 = arith.constant 9560 : i32
        %dma_start3A_63 = arith.constant 0 : i32
        %dma_start3A_64 = tpu.memref_slice %arg9[%dma_start3A_62, %dma_start3A_63] : memref<10000x128xf32, #tpu.memory_space<vmem_shared>> -> memref<200x128xf32, #tpu.memory_space<vmem_shared>>
        %dma_start3A_65 = arith.constant 0 : i32
        %dma_start3A_66 = arith.constant 0 : i32
        %dma_start3A_67 = tpu.memref_slice %arg8[%dma_start3A_65, %dma_start3A_66] : memref<200x128xf32, #tpu.memory_space<vmem>> -> memref<200x128xf32, #tpu.memory_space<vmem>>
        %dma_start3A_68 = arith.constant 9560 : i32
        %dma_start3A_69 = arith.constant 0 : i32
        %dma_start3A_70 = tpu.memref_slice %arg9[%dma_start3A_68, %dma_start3A_69] : memref<10000x128xf32, #tpu.memory_space<vmem_shared>> -> memref<200x128xf32, #tpu.memory_space<vmem_shared>>
        tpu.enqueue_dma source(%dma_start3A_70 : memref<200x128xf32, #tpu.memory_space<vmem_shared>>) target(%dma_start3A_67 : memref<200x128xf32, #tpu.memory_space<vmem>>) target_semaphore(%run_scoped3A : memref<!tpu.dma_semaphore, #tpu.memory_space<semaphore_mem>>)
        %dma_wait3A = arith.constant 0 : i32
        %dma_wait3A_71 = arith.constant 0 : i32
        %dma_wait3A_72 = tpu.memref_slice %arg8[%dma_wait3A, %dma_wait3A_71] : memref<200x128xf32, #tpu.memory_space<vmem>> -> memref<200x128xf32, #tpu.memory_space<vmem>>
        %dma_wait3A_73 = arith.constant 9560 : i32
        %dma_wait3A_74 = arith.constant 0 : i32
        %dma_wait3A_75 = tpu.memref_slice %arg9[%dma_wait3A_73, %dma_wait3A_74] : memref<10000x128xf32, #tpu.memory_space<vmem_shared>> -> memref<200x128xf32, #tpu.memory_space<vmem_shared>>
        %dma_wait3A_76 = arith.constant 0 : i32
        %dma_wait3A_77 = arith.constant 0 : i32
        %dma_wait3A_78 = tpu.memref_slice %arg8[%dma_wait3A_76, %dma_wait3A_77] : memref<200x128xf32, #tpu.memory_space<vmem>> -> memref<200x128xf32, #tpu.memory_space<vmem>>
        %dma_wait3A_79 = arith.constant 9560 : i32
        %dma_wait3A_80 = arith.constant 0 : i32
        %dma_wait3A_81 = tpu.memref_slice %arg9[%dma_wait3A_79, %dma_wait3A_80] : memref<10000x128xf32, #tpu.memory_space<vmem_shared>> -> memref<200x128xf32, #tpu.memory_space<vmem_shared>>
        tpu.wait_dma2 semaphore(%run_scoped3A : memref<!tpu.dma_semaphore, #tpu.memory_space<semaphore_mem>>) src(%dma_wait3A_81 : memref<200x128xf32, #tpu.memory_space<vmem_shared>>) dst(%dma_wait3A_78 : memref<200x128xf32, #tpu.memory_space<vmem>>)
        tpu.yield
      }) : () -> ()
      %mul3A_42 = arith.constant 10000 : i32
      %mul3A_43 = arith.muli %arg0, %mul3A_42 : i32
      %add3A_44 = arith.constant 9360 : i32
      %add3A_45 = arith.addi %mul3A_43, %add3A_44 : i32
      %add3A_46 = arith.constant 200 : i32
      %add3A_47 = arith.addi %add3A_45, %add3A_46 : i32
      "tpu.region"() ({
        %run_scoped3A = tpu.sem_alloc : memref<!tpu.dma_semaphore, #tpu.memory_space<semaphore_mem>>
        %dma_start3A = arith.constant 0 : i32
        %dma_start3A_60 = arith.constant 0 : i32
        %dma_start3A_61 = tpu.memref_slice %arg8[%dma_start3A, %dma_start3A_60] : memref<200x128xf32, #tpu.memory_space<vmem>> -> memref<200x128xf32, #tpu.memory_space<vmem>>
        %dma_start3A_62 = arith.constant 0 : i32
        %dma_start3A_63 = tpu.memref_slice %arg5[%add3A_47, %dma_start3A_62] : memref<20000x128xf32, #tpu.memory_space<hbm>> -> memref<200x128xf32, #tpu.memory_space<hbm>>
        %dma_start3A_64 = arith.constant 0 : i32
        %dma_start3A_65 = tpu.memref_slice %arg5[%add3A_47, %dma_start3A_64] : memref<20000x128xf32, #tpu.memory_space<hbm>> -> memref<200x128xf32, #tpu.memory_space<hbm>>
        %dma_start3A_66 = arith.constant 0 : i32
        %dma_start3A_67 = arith.constant 0 : i32
        %dma_start3A_68 = tpu.memref_slice %arg8[%dma_start3A_66, %dma_start3A_67] : memref<200x128xf32, #tpu.memory_space<vmem>> -> memref<200x128xf32, #tpu.memory_space<vmem>>
        tpu.enqueue_dma source(%dma_start3A_68 : memref<200x128xf32, #tpu.memory_space<vmem>>) target(%dma_start3A_65 : memref<200x128xf32, #tpu.memory_space<hbm>>) target_semaphore(%run_scoped3A : memref<!tpu.dma_semaphore, #tpu.memory_space<semaphore_mem>>)
        %dma_wait3A = arith.constant 0 : i32
        %dma_wait3A_69 = arith.constant 0 : i32
        %dma_wait3A_70 = tpu.memref_slice %arg8[%dma_wait3A, %dma_wait3A_69] : memref<200x128xf32, #tpu.memory_space<vmem>> -> memref<200x128xf32, #tpu.memory_space<vmem>>
        %dma_wait3A_71 = arith.constant 0 : i32
        %dma_wait3A_72 = tpu.memref_slice %arg5[%add3A_47, %dma_wait3A_71] : memref<20000x128xf32, #tpu.memory_space<hbm>> -> memref<200x128xf32, #tpu.memory_space<hbm>>
        %dma_wait3A_73 = arith.constant 0 : i32
        %dma_wait3A_74 = tpu.memref_slice %arg5[%add3A_47, %dma_wait3A_73] : memref<20000x128xf32, #tpu.memory_space<hbm>> -> memref<200x128xf32, #tpu.memory_space<hbm>>
        %dma_wait3A_75 = arith.constant 0 : i32
        %dma_wait3A_76 = arith.constant 0 : i32
        %dma_wait3A_77 = tpu.memref_slice %arg8[%dma_wait3A_75, %dma_wait3A_76] : memref<200x128xf32, #tpu.memory_space<vmem>> -> memref<200x128xf32, #tpu.memory_space<vmem>>
        tpu.wait_dma2 semaphore(%run_scoped3A : memref<!tpu.dma_semaphore, #tpu.memory_space<semaphore_mem>>) src(%dma_wait3A_77 : memref<200x128xf32, #tpu.memory_space<vmem>>) dst(%dma_wait3A_74 : memref<200x128xf32, #tpu.memory_space<hbm>>)
        tpu.yield
      }) : () -> ()
      "tpu.region"() ({
        %run_scoped3A = tpu.sem_alloc : memref<!tpu.dma_semaphore, #tpu.memory_space<semaphore_mem>>
        %dma_start3A = arith.constant 0 : i32
        %dma_start3A_60 = arith.constant 0 : i32
        %dma_start3A_61 = tpu.memref_slice %arg8[%dma_start3A, %dma_start3A_60] : memref<200x128xf32, #tpu.memory_space<vmem>> -> memref<200x128xf32, #tpu.memory_space<vmem>>
        %dma_start3A_62 = arith.constant 9760 : i32
        %dma_start3A_63 = arith.constant 0 : i32
        %dma_start3A_64 = tpu.memref_slice %arg9[%dma_start3A_62, %dma_start3A_63] : memref<10000x128xf32, #tpu.memory_space<vmem_shared>> -> memref<200x128xf32, #tpu.memory_space<vmem_shared>>
        %dma_start3A_65 = arith.constant 0 : i32
        %dma_start3A_66 = arith.constant 0 : i32
        %dma_start3A_67 = tpu.memref_slice %arg8[%dma_start3A_65, %dma_start3A_66] : memref<200x128xf32, #tpu.memory_space<vmem>> -> memref<200x128xf32, #tpu.memory_space<vmem>>
        %dma_start3A_68 = arith.constant 9760 : i32
        %dma_start3A_69 = arith.constant 0 : i32
        %dma_start3A_70 = tpu.memref_slice %arg9[%dma_start3A_68, %dma_start3A_69] : memref<10000x128xf32, #tpu.memory_space<vmem_shared>> -> memref<200x128xf32, #tpu.memory_space<vmem_shared>>
        tpu.enqueue_dma source(%dma_start3A_70 : memref<200x128xf32, #tpu.memory_space<vmem_shared>>) target(%dma_start3A_67 : memref<200x128xf32, #tpu.memory_space<vmem>>) target_semaphore(%run_scoped3A : memref<!tpu.dma_semaphore, #tpu.memory_space<semaphore_mem>>)
        %dma_wait3A = arith.constant 0 : i32
        %dma_wait3A_71 = arith.constant 0 : i32
        %dma_wait3A_72 = tpu.memref_slice %arg8[%dma_wait3A, %dma_wait3A_71] : memref<200x128xf32, #tpu.memory_space<vmem>> -> memref<200x128xf32, #tpu.memory_space<vmem>>
        %dma_wait3A_73 = arith.constant 9760 : i32
        %dma_wait3A_74 = arith.constant 0 : i32
        %dma_wait3A_75 = tpu.memref_slice %arg9[%dma_wait3A_73, %dma_wait3A_74] : memref<10000x128xf32, #tpu.memory_space<vmem_shared>> -> memref<200x128xf32, #tpu.memory_space<vmem_shared>>
        %dma_wait3A_76 = arith.constant 0 : i32
        %dma_wait3A_77 = arith.constant 0 : i32
        %dma_wait3A_78 = tpu.memref_slice %arg8[%dma_wait3A_76, %dma_wait3A_77] : memref<200x128xf32, #tpu.memory_space<vmem>> -> memref<200x128xf32, #tpu.memory_space<vmem>>
        %dma_wait3A_79 = arith.constant 9760 : i32
        %dma_wait3A_80 = arith.constant 0 : i32
        %dma_wait3A_81 = tpu.memref_slice %arg9[%dma_wait3A_79, %dma_wait3A_80] : memref<10000x128xf32, #tpu.memory_space<vmem_shared>> -> memref<200x128xf32, #tpu.memory_space<vmem_shared>>
        tpu.wait_dma2 semaphore(%run_scoped3A : memref<!tpu.dma_semaphore, #tpu.memory_space<semaphore_mem>>) src(%dma_wait3A_81 : memref<200x128xf32, #tpu.memory_space<vmem_shared>>) dst(%dma_wait3A_78 : memref<200x128xf32, #tpu.memory_space<vmem>>)
        tpu.yield
      }) : () -> ()
      %mul3A_48 = arith.constant 10000 : i32
      %mul3A_49 = arith.muli %arg0, %mul3A_48 : i32
      %add3A_50 = arith.constant 9360 : i32
      %add3A_51 = arith.addi %mul3A_49, %add3A_50 : i32
      %add3A_52 = arith.constant 400 : i32
      %add3A_53 = arith.addi %add3A_51, %add3A_52 : i32
      "tpu.region"() ({
        %run_scoped3A = tpu.sem_alloc : memref<!tpu.dma_semaphore, #tpu.memory_space<semaphore_mem>>
        %dma_start3A = arith.constant 0 : i32
        %dma_start3A_60 = arith.constant 0 : i32
        %dma_start3A_61 = tpu.memref_slice %arg8[%dma_start3A, %dma_start3A_60] : memref<200x128xf32, #tpu.memory_space<vmem>> -> memref<200x128xf32, #tpu.memory_space<vmem>>
        %dma_start3A_62 = arith.constant 0 : i32
        %dma_start3A_63 = tpu.memref_slice %arg5[%add3A_53, %dma_start3A_62] : memref<20000x128xf32, #tpu.memory_space<hbm>> -> memref<200x128xf32, #tpu.memory_space<hbm>>
        %dma_start3A_64 = arith.constant 0 : i32
        %dma_start3A_65 = tpu.memref_slice %arg5[%add3A_53, %dma_start3A_64] : memref<20000x128xf32, #tpu.memory_space<hbm>> -> memref<200x128xf32, #tpu.memory_space<hbm>>
        %dma_start3A_66 = arith.constant 0 : i32
        %dma_start3A_67 = arith.constant 0 : i32
        %dma_start3A_68 = tpu.memref_slice %arg8[%dma_start3A_66, %dma_start3A_67] : memref<200x128xf32, #tpu.memory_space<vmem>> -> memref<200x128xf32, #tpu.memory_space<vmem>>
        tpu.enqueue_dma source(%dma_start3A_68 : memref<200x128xf32, #tpu.memory_space<vmem>>) target(%dma_start3A_65 : memref<200x128xf32, #tpu.memory_space<hbm>>) target_semaphore(%run_scoped3A : memref<!tpu.dma_semaphore, #tpu.memory_space<semaphore_mem>>)
        %dma_wait3A = arith.constant 0 : i32
        %dma_wait3A_69 = arith.constant 0 : i32
        %dma_wait3A_70 = tpu.memref_slice %arg8[%dma_wait3A, %dma_wait3A_69] : memref<200x128xf32, #tpu.memory_space<vmem>> -> memref<200x128xf32, #tpu.memory_space<vmem>>
        %dma_wait3A_71 = arith.constant 0 : i32
        %dma_wait3A_72 = tpu.memref_slice %arg5[%add3A_53, %dma_wait3A_71] : memref<20000x128xf32, #tpu.memory_space<hbm>> -> memref<200x128xf32, #tpu.memory_space<hbm>>
        %dma_wait3A_73 = arith.constant 0 : i32
        %dma_wait3A_74 = tpu.memref_slice %arg5[%add3A_53, %dma_wait3A_73] : memref<20000x128xf32, #tpu.memory_space<hbm>> -> memref<200x128xf32, #tpu.memory_space<hbm>>
        %dma_wait3A_75 = arith.constant 0 : i32
        %dma_wait3A_76 = arith.constant 0 : i32
        %dma_wait3A_77 = tpu.memref_slice %arg8[%dma_wait3A_75, %dma_wait3A_76] : memref<200x128xf32, #tpu.memory_space<vmem>> -> memref<200x128xf32, #tpu.memory_space<vmem>>
        tpu.wait_dma2 semaphore(%run_scoped3A : memref<!tpu.dma_semaphore, #tpu.memory_space<semaphore_mem>>) src(%dma_wait3A_77 : memref<200x128xf32, #tpu.memory_space<vmem>>) dst(%dma_wait3A_74 : memref<200x128xf32, #tpu.memory_space<hbm>>)
        tpu.yield
      }) : () -> ()
      "tpu.region"() ({
        %run_scoped3A = tpu.sem_alloc : memref<!tpu.dma_semaphore, #tpu.memory_space<semaphore_mem>>
        %dma_start3A = arith.constant 0 : i32
        %dma_start3A_60 = arith.constant 0 : i32
        %dma_start3A_61 = tpu.memref_slice %arg8[%dma_start3A, %dma_start3A_60] : memref<200x128xf32, #tpu.memory_space<vmem>> -> memref<40x128xf32, #tpu.memory_space<vmem>>
        %dma_start3A_62 = arith.constant 9960 : i32
        %dma_start3A_63 = arith.constant 0 : i32
        %dma_start3A_64 = tpu.memref_slice %arg9[%dma_start3A_62, %dma_start3A_63] : memref<10000x128xf32, #tpu.memory_space<vmem_shared>> -> memref<40x128xf32, #tpu.memory_space<vmem_shared>>
        %dma_start3A_65 = arith.constant 0 : i32
        %dma_start3A_66 = arith.constant 0 : i32
        %dma_start3A_67 = tpu.memref_slice %arg8[%dma_start3A_65, %dma_start3A_66] : memref<200x128xf32, #tpu.memory_space<vmem>> -> memref<40x128xf32, #tpu.memory_space<vmem>>
        %dma_start3A_68 = arith.constant 9960 : i32
        %dma_start3A_69 = arith.constant 0 : i32
        %dma_start3A_70 = tpu.memref_slice %arg9[%dma_start3A_68, %dma_start3A_69] : memref<10000x128xf32, #tpu.memory_space<vmem_shared>> -> memref<40x128xf32, #tpu.memory_space<vmem_shared>>
        tpu.enqueue_dma source(%dma_start3A_70 : memref<40x128xf32, #tpu.memory_space<vmem_shared>>) target(%dma_start3A_67 : memref<40x128xf32, #tpu.memory_space<vmem>>) target_semaphore(%run_scoped3A : memref<!tpu.dma_semaphore, #tpu.memory_space<semaphore_mem>>)
        %dma_wait3A = arith.constant 0 : i32
        %dma_wait3A_71 = arith.constant 0 : i32
        %dma_wait3A_72 = tpu.memref_slice %arg8[%dma_wait3A, %dma_wait3A_71] : memref<200x128xf32, #tpu.memory_space<vmem>> -> memref<40x128xf32, #tpu.memory_space<vmem>>
        %dma_wait3A_73 = arith.constant 9960 : i32
        %dma_wait3A_74 = arith.constant 0 : i32
        %dma_wait3A_75 = tpu.memref_slice %arg9[%dma_wait3A_73, %dma_wait3A_74] : memref<10000x128xf32, #tpu.memory_space<vmem_shared>> -> memref<40x128xf32, #tpu.memory_space<vmem_shared>>
        %dma_wait3A_76 = arith.constant 0 : i32
        %dma_wait3A_77 = arith.constant 0 : i32
        %dma_wait3A_78 = tpu.memref_slice %arg8[%dma_wait3A_76, %dma_wait3A_77] : memref<200x128xf32, #tpu.memory_space<vmem>> -> memref<40x128xf32, #tpu.memory_space<vmem>>
        %dma_wait3A_79 = arith.constant 9960 : i32
        %dma_wait3A_80 = arith.constant 0 : i32
        %dma_wait3A_81 = tpu.memref_slice %arg9[%dma_wait3A_79, %dma_wait3A_80] : memref<10000x128xf32, #tpu.memory_space<vmem_shared>> -> memref<40x128xf32, #tpu.memory_space<vmem_shared>>
        tpu.wait_dma2 semaphore(%run_scoped3A : memref<!tpu.dma_semaphore, #tpu.memory_space<semaphore_mem>>) src(%dma_wait3A_81 : memref<40x128xf32, #tpu.memory_space<vmem_shared>>) dst(%dma_wait3A_78 : memref<40x128xf32, #tpu.memory_space<vmem>>)
        tpu.yield
      }) : () -> ()
      %mul3A_54 = arith.constant 10000 : i32
      %mul3A_55 = arith.muli %arg0, %mul3A_54 : i32
      %add3A_56 = arith.constant 9360 : i32
      %add3A_57 = arith.addi %mul3A_55, %add3A_56 : i32
      %add3A_58 = arith.constant 600 : i32
      %add3A_59 = arith.addi %add3A_57, %add3A_58 : i32
      "tpu.region"() ({
        %run_scoped3A = tpu.sem_alloc : memref<!tpu.dma_semaphore, #tpu.memory_space<semaphore_mem>>
        %dma_start3A = arith.constant 0 : i32
        %dma_start3A_60 = arith.constant 0 : i32
        %dma_start3A_61 = tpu.memref_slice %arg8[%dma_start3A, %dma_start3A_60] : memref<200x128xf32, #tpu.memory_space<vmem>> -> memref<40x128xf32, #tpu.memory_space<vmem>>
        %dma_start3A_62 = arith.constant 0 : i32
        %dma_start3A_63 = tpu.memref_slice %arg5[%add3A_59, %dma_start3A_62] : memref<20000x128xf32, #tpu.memory_space<hbm>> -> memref<40x128xf32, #tpu.memory_space<hbm>>
        %dma_start3A_64 = arith.constant 0 : i32
        %dma_start3A_65 = tpu.memref_slice %arg5[%add3A_59, %dma_start3A_64] : memref<20000x128xf32, #tpu.memory_space<hbm>> -> memref<40x128xf32, #tpu.memory_space<hbm>>
        %dma_start3A_66 = arith.constant 0 : i32
        %dma_start3A_67 = arith.constant 0 : i32
        %dma_start3A_68 = tpu.memref_slice %arg8[%dma_start3A_66, %dma_start3A_67] : memref<200x128xf32, #tpu.memory_space<vmem>> -> memref<40x128xf32, #tpu.memory_space<vmem>>
        tpu.enqueue_dma source(%dma_start3A_68 : memref<40x128xf32, #tpu.memory_space<vmem>>) target(%dma_start3A_65 : memref<40x128xf32, #tpu.memory_space<hbm>>) target_semaphore(%run_scoped3A : memref<!tpu.dma_semaphore, #tpu.memory_space<semaphore_mem>>)
        %dma_wait3A = arith.constant 0 : i32
        %dma_wait3A_69 = arith.constant 0 : i32
        %dma_wait3A_70 = tpu.memref_slice %arg8[%dma_wait3A, %dma_wait3A_69] : memref<200x128xf32, #tpu.memory_space<vmem>> -> memref<40x128xf32, #tpu.memory_space<vmem>>
        %dma_wait3A_71 = arith.constant 0 : i32
        %dma_wait3A_72 = tpu.memref_slice %arg5[%add3A_59, %dma_wait3A_71] : memref<20000x128xf32, #tpu.memory_space<hbm>> -> memref<40x128xf32, #tpu.memory_space<hbm>>
        %dma_wait3A_73 = arith.constant 0 : i32
        %dma_wait3A_74 = tpu.memref_slice %arg5[%add3A_59, %dma_wait3A_73] : memref<20000x128xf32, #tpu.memory_space<hbm>> -> memref<40x128xf32, #tpu.memory_space<hbm>>
        %dma_wait3A_75 = arith.constant 0 : i32
        %dma_wait3A_76 = arith.constant 0 : i32
        %dma_wait3A_77 = tpu.memref_slice %arg8[%dma_wait3A_75, %dma_wait3A_76] : memref<200x128xf32, #tpu.memory_space<vmem>> -> memref<40x128xf32, #tpu.memory_space<vmem>>
        tpu.wait_dma2 semaphore(%run_scoped3A : memref<!tpu.dma_semaphore, #tpu.memory_space<semaphore_mem>>) src(%dma_wait3A_77 : memref<40x128xf32, #tpu.memory_space<vmem>>) dst(%dma_wait3A_74 : memref<40x128xf32, #tpu.memory_space<hbm>>)
        tpu.yield
      }) : () -> ()
    } else {
    }
    return
  }
}

#map = affine_map<(d0, d1) -> (0, 0)>
#map1 = affine_map<(d0, d1) -> (0)>
module attributes {stable_mosaic.version = 14 : i64} {
  func.func @k(%arg0: i32, %arg1: i32, %arg2: memref<10000x128xf32, #tpu.memory_space<hbm>>, %arg3: memref<320000xi32, #tpu.memory_space<hbm>>, %arg4: memref<320000xi32, #tpu.memory_space<hbm>>, %arg5: memref<20000x128xf32, #tpu.memory_space<hbm>>, %arg6: memref<200xi32, #tpu.memory_space<vmem>>, %arg7: memref<200xi32, #tpu.memory_space<vmem>>, %arg8: memref<200x128xf32, #tpu.memory_space<vmem>>, %arg9: memref<10000x128xf32, #tpu.memory_space<vmem_shared>>, %arg10: memref<!tpu.dma_semaphore, #tpu.memory_space<semaphore_mem>>) attributes {dimension_semantics = [#tpu.dimension_semantics<core_parallel>, #tpu.dimension_semantics<subcore_parallel>], iteration_bounds = array<i64: 2, 16>, scalar_prefetch = 0 : i64, scratch_operands = 5 : i64, tpu.core_type = #tpu.core_type<sc_vector_subcore>, window_params = [{transform_indices = #map}, {transform_indices = #map1}, {transform_indices = #map1}, {transform_indices = #map}]} {
    %mul3A = arith.constant 16 : i32
    %mul3A_0 = arith.muli %arg0, %mul3A : i32
    %add3A = arith.addi %mul3A_0, %arg1 : i32
    %broadcast_in_dim3A = arith.constant 0.000000e+00 : f32
    %broadcast_in_dim3A_1 = vector.broadcast %broadcast_in_dim3A : f32 to vector<16xf32>
    %scan3A = arith.constant 0 : i32
    %scan3A_2 = arith.constant 0 : i32
    %scan3A_3 = arith.constant 200 : i32
    %scan3A_4 = arith.addi %scan3A_2, %scan3A_3 : i32
    %scan3A_5 = arith.constant 1 : i32
    %scan3A_6 = scf.for %scan3A_36 = %scan3A_2 to %scan3A_4 step %scan3A_5 iter_args(%scan3A_37 = %scan3A) -> (i32)  : i32 {
      %swap3A = arith.index_cast %scan3A_36 : i32 to index
      %swap3A_38 = arith.constant 0 : index
      %swap3A_39 = tpu.vector_load %arg8[%swap3A, %swap3A_38] {strides = array<i32>} : memref<200x128xf32, #tpu.memory_space<vmem>>, vector<1x16xf32>,
      %swap3A_40 = vector.shape_cast %swap3A_39 : vector<1x16xf32> to vector<16xf32>
      %swap3A_41 = vector.shape_cast %broadcast_in_dim3A_1 : vector<16xf32> to vector<1x16xf32>
      tpu.vector_store %arg8[%swap3A, %swap3A_38], %swap3A_41 {strides = array<i32>} : memref<200x128xf32, #tpu.memory_space<vmem>>, vector<1x16xf32>,
      %swap3A_42 = arith.index_cast %scan3A_36 : i32 to index
      %swap3A_43 = arith.constant 16 : index
      %swap3A_44 = tpu.vector_load %arg8[%swap3A_42, %swap3A_43] {strides = array<i32>} : memref<200x128xf32, #tpu.memory_space<vmem>>, vector<1x16xf32>,
      %swap3A_45 = vector.shape_cast %swap3A_44 : vector<1x16xf32> to vector<16xf32>
      %swap3A_46 = vector.shape_cast %broadcast_in_dim3A_1 : vector<16xf32> to vector<1x16xf32>
      tpu.vector_store %arg8[%swap3A_42, %swap3A_43], %swap3A_46 {strides = array<i32>} : memref<200x128xf32, #tpu.memory_space<vmem>>, vector<1x16xf32>,
      %swap3A_47 = arith.index_cast %scan3A_36 : i32 to index
      %swap3A_48 = arith.constant 32 : index
      %swap3A_49 = tpu.vector_load %arg8[%swap3A_47, %swap3A_48] {strides = array<i32>} : memref<200x128xf32, #tpu.memory_space<vmem>>, vector<1x16xf32>,
      %swap3A_50 = vector.shape_cast %swap3A_49 : vector<1x16xf32> to vector<16xf32>
      %swap3A_51 = vector.shape_cast %broadcast_in_dim3A_1 : vector<16xf32> to vector<1x16xf32>
      tpu.vector_store %arg8[%swap3A_47, %swap3A_48], %swap3A_51 {strides = array<i32>} : memref<200x128xf32, #tpu.memory_space<vmem>>, vector<1x16xf32>,
      %swap3A_52 = arith.index_cast %scan3A_36 : i32 to index
      %swap3A_53 = arith.constant 48 : index
      %swap3A_54 = tpu.vector_load %arg8[%swap3A_52, %swap3A_53] {strides = array<i32>} : memref<200x128xf32, #tpu.memory_space<vmem>>, vector<1x16xf32>,
      %swap3A_55 = vector.shape_cast %swap3A_54 : vector<1x16xf32> to vector<16xf32>
      %swap3A_56 = vector.shape_cast %broadcast_in_dim3A_1 : vector<16xf32> to vector<1x16xf32>
      tpu.vector_store %arg8[%swap3A_52, %swap3A_53], %swap3A_56 {strides = array<i32>} : memref<200x128xf32, #tpu.memory_space<vmem>>, vector<1x16xf32>,
      %swap3A_57 = arith.index_cast %scan3A_36 : i32 to index
      %swap3A_58 = arith.constant 64 : index
      %swap3A_59 = tpu.vector_load %arg8[%swap3A_57, %swap3A_58] {strides = array<i32>} : memref<200x128xf32, #tpu.memory_space<vmem>>, vector<1x16xf32>,
      %swap3A_60 = vector.shape_cast %swap3A_59 : vector<1x16xf32> to vector<16xf32>
      %swap3A_61 = vector.shape_cast %broadcast_in_dim3A_1 : vector<16xf32> to vector<1x16xf32>
      tpu.vector_store %arg8[%swap3A_57, %swap3A_58], %swap3A_61 {strides = array<i32>} : memref<200x128xf32, #tpu.memory_space<vmem>>, vector<1x16xf32>,
      %swap3A_62 = arith.index_cast %scan3A_36 : i32 to index
      %swap3A_63 = arith.constant 80 : index
      %swap3A_64 = tpu.vector_load %arg8[%swap3A_62, %swap3A_63] {strides = array<i32>} : memref<200x128xf32, #tpu.memory_space<vmem>>, vector<1x16xf32>,
      %swap3A_65 = vector.shape_cast %swap3A_64 : vector<1x16xf32> to vector<16xf32>
      %swap3A_66 = vector.shape_cast %broadcast_in_dim3A_1 : vector<16xf32> to vector<1x16xf32>
      tpu.vector_store %arg8[%swap3A_62, %swap3A_63], %swap3A_66 {strides = array<i32>} : memref<200x128xf32, #tpu.memory_space<vmem>>, vector<1x16xf32>,
      %swap3A_67 = arith.index_cast %scan3A_36 : i32 to index
      %swap3A_68 = arith.constant 96 : index
      %swap3A_69 = tpu.vector_load %arg8[%swap3A_67, %swap3A_68] {strides = array<i32>} : memref<200x128xf32, #tpu.memory_space<vmem>>, vector<1x16xf32>,
      %swap3A_70 = vector.shape_cast %swap3A_69 : vector<1x16xf32> to vector<16xf32>
      %swap3A_71 = vector.shape_cast %broadcast_in_dim3A_1 : vector<16xf32> to vector<1x16xf32>
      tpu.vector_store %arg8[%swap3A_67, %swap3A_68], %swap3A_71 {strides = array<i32>} : memref<200x128xf32, #tpu.memory_space<vmem>>, vector<1x16xf32>,
      %swap3A_72 = arith.index_cast %scan3A_36 : i32 to index
      %swap3A_73 = arith.constant 112 : index
      %swap3A_74 = tpu.vector_load %arg8[%swap3A_72, %swap3A_73] {strides = array<i32>} : memref<200x128xf32, #tpu.memory_space<vmem>>, vector<1x16xf32>,
      %swap3A_75 = vector.shape_cast %swap3A_74 : vector<1x16xf32> to vector<16xf32>
      %swap3A_76 = vector.shape_cast %broadcast_in_dim3A_1 : vector<16xf32> to vector<1x16xf32>
      tpu.vector_store %arg8[%swap3A_72, %swap3A_73], %swap3A_76 {strides = array<i32>} : memref<200x128xf32, #tpu.memory_space<vmem>>, vector<1x16xf32>,
      %scan3A_77 = arith.constant 0 : i32
      scf.yield %scan3A_77 : i32
    }
    %scan3A_7 = arith.constant 200 : i32
    %mul3A_8 = arith.constant 624 : i32
    %mul3A_9 = arith.muli %arg1, %mul3A_8 : i32
    %lt3A = arith.constant 15 : i32
    %lt3A_10 = arith.cmpi slt, %arg1, %lt3A : i32
    %convert_element_type3A = arith.extui %lt3A_10 : i1 to i32
    %cond3A = arith.constant 0 : i32
    %cond3A_11 = arith.cmpi ne, %convert_element_type3A, %cond3A : i32
    scf.if %cond3A_11 {
      %add3A_36 = arith.constant 0 : i32
      %add3A_37 = arith.addi %mul3A_9, %add3A_36 : i32
      "tpu.region"() ({
        %run_scoped3A = tpu.sem_alloc : memref<!tpu.dma_semaphore, #tpu.memory_space<semaphore_mem>>
        %dma_start3A = arith.constant 0 : i32
        %dma_start3A_44 = arith.constant 0 : i32
        %dma_start3A_45 = tpu.memref_slice %arg8[%dma_start3A, %dma_start3A_44] : memref<200x128xf32, #tpu.memory_space<vmem>> -> memref<200x128xf32, #tpu.memory_space<vmem>>
        %dma_start3A_46 = arith.constant 0 : i32
        %dma_start3A_47 = tpu.memref_slice %arg9[%add3A_37, %dma_start3A_46] : memref<10000x128xf32, #tpu.memory_space<vmem_shared>> -> memref<200x128xf32, #tpu.memory_space<vmem_shared>>
        %dma_start3A_48 = arith.constant 0 : i32
        %dma_start3A_49 = tpu.memref_slice %arg9[%add3A_37, %dma_start3A_48] : memref<10000x128xf32, #tpu.memory_space<vmem_shared>> -> memref<200x128xf32, #tpu.memory_space<vmem_shared>>
        %dma_start3A_50 = arith.constant 0 : i32
        %dma_start3A_51 = arith.constant 0 : i32
        %dma_start3A_52 = tpu.memref_slice %arg8[%dma_start3A_50, %dma_start3A_51] : memref<200x128xf32, #tpu.memory_space<vmem>> -> memref<200x128xf32, #tpu.memory_space<vmem>>
        tpu.enqueue_dma source(%dma_start3A_52 : memref<200x128xf32, #tpu.memory_space<vmem>>) target(%dma_start3A_49 : memref<200x128xf32, #tpu.memory_space<vmem_shared>>) target_semaphore(%run_scoped3A : memref<!tpu.dma_semaphore, #tpu.memory_space<semaphore_mem>>)
        %dma_wait3A = arith.constant 0 : i32
        %dma_wait3A_53 = arith.constant 0 : i32
        %dma_wait3A_54 = tpu.memref_slice %arg8[%dma_wait3A, %dma_wait3A_53] : memref<200x128xf32, #tpu.memory_space<vmem>> -> memref<200x128xf32, #tpu.memory_space<vmem>>
        %dma_wait3A_55 = arith.constant 0 : i32
        %dma_wait3A_56 = tpu.memref_slice %arg9[%add3A_37, %dma_wait3A_55] : memref<10000x128xf32, #tpu.memory_space<vmem_shared>> -> memref<200x128xf32, #tpu.memory_space<vmem_shared>>
        %dma_wait3A_57 = arith.constant 0 : i32
        %dma_wait3A_58 = tpu.memref_slice %arg9[%add3A_37, %dma_wait3A_57] : memref<10000x128xf32, #tpu.memory_space<vmem_shared>> -> memref<200x128xf32, #tpu.memory_space<vmem_shared>>
        %dma_wait3A_59 = arith.constant 0 : i32
        %dma_wait3A_60 = arith.constant 0 : i32
        %dma_wait3A_61 = tpu.memref_slice %arg8[%dma_wait3A_59, %dma_wait3A_60] : memref<200x128xf32, #tpu.memory_space<vmem>> -> memref<200x128xf32, #tpu.memory_space<vmem>>
        tpu.wait_dma2 semaphore(%run_scoped3A : memref<!tpu.dma_semaphore, #tpu.memory_space<semaphore_mem>>) src(%dma_wait3A_61 : memref<200x128xf32, #tpu.memory_space<vmem>>) dst(%dma_wait3A_58 : memref<200x128xf32, #tpu.memory_space<vmem_shared>>)
        tpu.yield
      }) : () -> ()
      %add3A_38 = arith.constant 200 : i32
      %add3A_39 = arith.addi %mul3A_9, %add3A_38 : i32
      "tpu.region"() ({
        %run_scoped3A = tpu.sem_alloc : memref<!tpu.dma_semaphore, #tpu.memory_space<semaphore_mem>>
        %dma_start3A = arith.constant 0 : i32
        %dma_start3A_44 = arith.constant 0 : i32
        %dma_start3A_45 = tpu.memref_slice %arg8[%dma_start3A, %dma_start3A_44] : memref<200x128xf32, #tpu.memory_space<vmem>> -> memref<200x128xf32, #tpu.memory_space<vmem>>
        %dma_start3A_46 = arith.constant 0 : i32
        %dma_start3A_47 = tpu.memref_slice %arg9[%add3A_39, %dma_start3A_46] : memref<10000x128xf32, #tpu.memory_space<vmem_shared>> -> memref<200x128xf32, #tpu.memory_space<vmem_shared>>
        %dma_start3A_48 = arith.constant 0 : i32
        %dma_start3A_49 = tpu.memref_slice %arg9[%add3A_39, %dma_start3A_48] : memref<10000x128xf32, #tpu.memory_space<vmem_shared>> -> memref<200x128xf32, #tpu.memory_space<vmem_shared>>
        %dma_start3A_50 = arith.constant 0 : i32
        %dma_start3A_51 = arith.constant 0 : i32
        %dma_start3A_52 = tpu.memref_slice %arg8[%dma_start3A_50, %dma_start3A_51] : memref<200x128xf32, #tpu.memory_space<vmem>> -> memref<200x128xf32, #tpu.memory_space<vmem>>
        tpu.enqueue_dma source(%dma_start3A_52 : memref<200x128xf32, #tpu.memory_space<vmem>>) target(%dma_start3A_49 : memref<200x128xf32, #tpu.memory_space<vmem_shared>>) target_semaphore(%run_scoped3A : memref<!tpu.dma_semaphore, #tpu.memory_space<semaphore_mem>>)
        %dma_wait3A = arith.constant 0 : i32
        %dma_wait3A_53 = arith.constant 0 : i32
        %dma_wait3A_54 = tpu.memref_slice %arg8[%dma_wait3A, %dma_wait3A_53] : memref<200x128xf32, #tpu.memory_space<vmem>> -> memref<200x128xf32, #tpu.memory_space<vmem>>
        %dma_wait3A_55 = arith.constant 0 : i32
        %dma_wait3A_56 = tpu.memref_slice %arg9[%add3A_39, %dma_wait3A_55] : memref<10000x128xf32, #tpu.memory_space<vmem_shared>> -> memref<200x128xf32, #tpu.memory_space<vmem_shared>>
        %dma_wait3A_57 = arith.constant 0 : i32
        %dma_wait3A_58 = tpu.memref_slice %arg9[%add3A_39, %dma_wait3A_57] : memref<10000x128xf32, #tpu.memory_space<vmem_shared>> -> memref<200x128xf32, #tpu.memory_space<vmem_shared>>
        %dma_wait3A_59 = arith.constant 0 : i32
        %dma_wait3A_60 = arith.constant 0 : i32
        %dma_wait3A_61 = tpu.memref_slice %arg8[%dma_wait3A_59, %dma_wait3A_60] : memref<200x128xf32, #tpu.memory_space<vmem>> -> memref<200x128xf32, #tpu.memory_space<vmem>>
        tpu.wait_dma2 semaphore(%run_scoped3A : memref<!tpu.dma_semaphore, #tpu.memory_space<semaphore_mem>>) src(%dma_wait3A_61 : memref<200x128xf32, #tpu.memory_space<vmem>>) dst(%dma_wait3A_58 : memref<200x128xf32, #tpu.memory_space<vmem_shared>>)
        tpu.yield
      }) : () -> ()
      %add3A_40 = arith.constant 400 : i32
      %add3A_41 = arith.addi %mul3A_9, %add3A_40 : i32
      "tpu.region"() ({
        %run_scoped3A = tpu.sem_alloc : memref<!tpu.dma_semaphore, #tpu.memory_space<semaphore_mem>>
        %dma_start3A = arith.constant 0 : i32
        %dma_start3A_44 = arith.constant 0 : i32
        %dma_start3A_45 = tpu.memref_slice %arg8[%dma_start3A, %dma_start3A_44] : memref<200x128xf32, #tpu.memory_space<vmem>> -> memref<200x128xf32, #tpu.memory_space<vmem>>
        %dma_start3A_46 = arith.constant 0 : i32
        %dma_start3A_47 = tpu.memref_slice %arg9[%add3A_41, %dma_start3A_46] : memref<10000x128xf32, #tpu.memory_space<vmem_shared>> -> memref<200x128xf32, #tpu.memory_space<vmem_shared>>
        %dma_start3A_48 = arith.constant 0 : i32
        %dma_start3A_49 = tpu.memref_slice %arg9[%add3A_41, %dma_start3A_48] : memref<10000x128xf32, #tpu.memory_space<vmem_shared>> -> memref<200x128xf32, #tpu.memory_space<vmem_shared>>
        %dma_start3A_50 = arith.constant 0 : i32
        %dma_start3A_51 = arith.constant 0 : i32
        %dma_start3A_52 = tpu.memref_slice %arg8[%dma_start3A_50, %dma_start3A_51] : memref<200x128xf32, #tpu.memory_space<vmem>> -> memref<200x128xf32, #tpu.memory_space<vmem>>
        tpu.enqueue_dma source(%dma_start3A_52 : memref<200x128xf32, #tpu.memory_space<vmem>>) target(%dma_start3A_49 : memref<200x128xf32, #tpu.memory_space<vmem_shared>>) target_semaphore(%run_scoped3A : memref<!tpu.dma_semaphore, #tpu.memory_space<semaphore_mem>>)
        %dma_wait3A = arith.constant 0 : i32
        %dma_wait3A_53 = arith.constant 0 : i32
        %dma_wait3A_54 = tpu.memref_slice %arg8[%dma_wait3A, %dma_wait3A_53] : memref<200x128xf32, #tpu.memory_space<vmem>> -> memref<200x128xf32, #tpu.memory_space<vmem>>
        %dma_wait3A_55 = arith.constant 0 : i32
        %dma_wait3A_56 = tpu.memref_slice %arg9[%add3A_41, %dma_wait3A_55] : memref<10000x128xf32, #tpu.memory_space<vmem_shared>> -> memref<200x128xf32, #tpu.memory_space<vmem_shared>>
        %dma_wait3A_57 = arith.constant 0 : i32
        %dma_wait3A_58 = tpu.memref_slice %arg9[%add3A_41, %dma_wait3A_57] : memref<10000x128xf32, #tpu.memory_space<vmem_shared>> -> memref<200x128xf32, #tpu.memory_space<vmem_shared>>
        %dma_wait3A_59 = arith.constant 0 : i32
        %dma_wait3A_60 = arith.constant 0 : i32
        %dma_wait3A_61 = tpu.memref_slice %arg8[%dma_wait3A_59, %dma_wait3A_60] : memref<200x128xf32, #tpu.memory_space<vmem>> -> memref<200x128xf32, #tpu.memory_space<vmem>>
        tpu.wait_dma2 semaphore(%run_scoped3A : memref<!tpu.dma_semaphore, #tpu.memory_space<semaphore_mem>>) src(%dma_wait3A_61 : memref<200x128xf32, #tpu.memory_space<vmem>>) dst(%dma_wait3A_58 : memref<200x128xf32, #tpu.memory_space<vmem_shared>>)
        tpu.yield
      }) : () -> ()
      %add3A_42 = arith.constant 600 : i32
      %add3A_43 = arith.addi %mul3A_9, %add3A_42 : i32
      "tpu.region"() ({
        %run_scoped3A = tpu.sem_alloc : memref<!tpu.dma_semaphore, #tpu.memory_space<semaphore_mem>>
        %dma_start3A = arith.constant 0 : i32
        %dma_start3A_44 = arith.constant 0 : i32
        %dma_start3A_45 = tpu.memref_slice %arg8[%dma_start3A, %dma_start3A_44] : memref<200x128xf32, #tpu.memory_space<vmem>> -> memref<24x128xf32, #tpu.memory_space<vmem>>
        %dma_start3A_46 = arith.constant 0 : i32
        %dma_start3A_47 = tpu.memref_slice %arg9[%add3A_43, %dma_start3A_46] : memref<10000x128xf32, #tpu.memory_space<vmem_shared>> -> memref<24x128xf32, #tpu.memory_space<vmem_shared>>
        %dma_start3A_48 = arith.constant 0 : i32
        %dma_start3A_49 = tpu.memref_slice %arg9[%add3A_43, %dma_start3A_48] : memref<10000x128xf32, #tpu.memory_space<vmem_shared>> -> memref<24x128xf32, #tpu.memory_space<vmem_shared>>
        %dma_start3A_50 = arith.constant 0 : i32
        %dma_start3A_51 = arith.constant 0 : i32
        %dma_start3A_52 = tpu.memref_slice %arg8[%dma_start3A_50, %dma_start3A_51] : memref<200x128xf32, #tpu.memory_space<vmem>> -> memref<24x128xf32, #tpu.memory_space<vmem>>
        tpu.enqueue_dma source(%dma_start3A_52 : memref<24x128xf32, #tpu.memory_space<vmem>>) target(%dma_start3A_49 : memref<24x128xf32, #tpu.memory_space<vmem_shared>>) target_semaphore(%run_scoped3A : memref<!tpu.dma_semaphore, #tpu.memory_space<semaphore_mem>>)
        %dma_wait3A = arith.constant 0 : i32
        %dma_wait3A_53 = arith.constant 0 : i32
        %dma_wait3A_54 = tpu.memref_slice %arg8[%dma_wait3A, %dma_wait3A_53] : memref<200x128xf32, #tpu.memory_space<vmem>> -> memref<24x128xf32, #tpu.memory_space<vmem>>
        %dma_wait3A_55 = arith.constant 0 : i32
        %dma_wait3A_56 = tpu.memref_slice %arg9[%add3A_43, %dma_wait3A_55] : memref<10000x128xf32, #tpu.memory_space<vmem_shared>> -> memref<24x128xf32, #tpu.memory_space<vmem_shared>>
        %dma_wait3A_57 = arith.constant 0 : i32
        %dma_wait3A_58 = tpu.memref_slice %arg9[%add3A_43, %dma_wait3A_57] : memref<10000x128xf32, #tpu.memory_space<vmem_shared>> -> memref<24x128xf32, #tpu.memory_space<vmem_shared>>
        %dma_wait3A_59 = arith.constant 0 : i32
        %dma_wait3A_60 = arith.constant 0 : i32
        %dma_wait3A_61 = tpu.memref_slice %arg8[%dma_wait3A_59, %dma_wait3A_60] : memref<200x128xf32, #tpu.memory_space<vmem>> -> memref<24x128xf32, #tpu.memory_space<vmem>>
        tpu.wait_dma2 semaphore(%run_scoped3A : memref<!tpu.dma_semaphore, #tpu.memory_space<semaphore_mem>>) src(%dma_wait3A_61 : memref<24x128xf32, #tpu.memory_space<vmem>>) dst(%dma_wait3A_58 : memref<24x128xf32, #tpu.memory_space<vmem_shared>>)
        tpu.yield
      }) : () -> ()
    } else {
    }
    %eq3A = arith.constant 15 : i32
    %eq3A_12 = arith.cmpi eq, %arg1, %eq3A : i32
    %convert_element_type3A_13 = arith.extui %eq3A_12 : i1 to i32
    %cond3A_14 = arith.constant 0 : i32
    %cond3A_15 = arith.cmpi ne, %convert_element_type3A_13, %cond3A_14 : i32
    scf.if %cond3A_15 {
      "tpu.region"() ({
        %run_scoped3A = tpu.sem_alloc : memref<!tpu.dma_semaphore, #tpu.memory_space<semaphore_mem>>
        %dma_start3A = arith.constant 0 : i32
        %dma_start3A_36 = arith.constant 0 : i32
        %dma_start3A_37 = tpu.memref_slice %arg8[%dma_start3A, %dma_start3A_36] : memref<200x128xf32, #tpu.memory_space<vmem>> -> memref<200x128xf32, #tpu.memory_space<vmem>>
        %dma_start3A_38 = arith.constant 9360 : i32
        %dma_start3A_39 = arith.constant 0 : i32
        %dma_start3A_40 = tpu.memref_slice %arg9[%dma_start3A_38, %dma_start3A_39] : memref<10000x128xf32, #tpu.memory_space<vmem_shared>> -> memref<200x128xf32, #tpu.memory_space<vmem_shared>>
        %dma_start3A_41 = arith.constant 9360 : i32
        %dma_start3A_42 = arith.constant 0 : i32
        %dma_start3A_43 = tpu.memref_slice %arg9[%dma_start3A_41, %dma_start3A_42] : memref<10000x128xf32, #tpu.memory_space<vmem_shared>> -> memref<200x128xf32, #tpu.memory_space<vmem_shared>>
        %dma_start3A_44 = arith.constant 0 : i32
        %dma_start3A_45 = arith.constant 0 : i32
        %dma_start3A_46 = tpu.memref_slice %arg8[%dma_start3A_44, %dma_start3A_45] : memref<200x128xf32, #tpu.memory_space<vmem>> -> memref<200x128xf32, #tpu.memory_space<vmem>>
        tpu.enqueue_dma source(%dma_start3A_46 : memref<200x128xf32, #tpu.memory_space<vmem>>) target(%dma_start3A_43 : memref<200x128xf32, #tpu.memory_space<vmem_shared>>) target_semaphore(%run_scoped3A : memref<!tpu.dma_semaphore, #tpu.memory_space<semaphore_mem>>)
        %dma_wait3A = arith.constant 0 : i32
        %dma_wait3A_47 = arith.constant 0 : i32
        %dma_wait3A_48 = tpu.memref_slice %arg8[%dma_wait3A, %dma_wait3A_47] : memref<200x128xf32, #tpu.memory_space<vmem>> -> memref<200x128xf32, #tpu.memory_space<vmem>>
        %dma_wait3A_49 = arith.constant 9360 : i32
        %dma_wait3A_50 = arith.constant 0 : i32
        %dma_wait3A_51 = tpu.memref_slice %arg9[%dma_wait3A_49, %dma_wait3A_50] : memref<10000x128xf32, #tpu.memory_space<vmem_shared>> -> memref<200x128xf32, #tpu.memory_space<vmem_shared>>
        %dma_wait3A_52 = arith.constant 9360 : i32
        %dma_wait3A_53 = arith.constant 0 : i32
        %dma_wait3A_54 = tpu.memref_slice %arg9[%dma_wait3A_52, %dma_wait3A_53] : memref<10000x128xf32, #tpu.memory_space<vmem_shared>> -> memref<200x128xf32, #tpu.memory_space<vmem_shared>>
        %dma_wait3A_55 = arith.constant 0 : i32
        %dma_wait3A_56 = arith.constant 0 : i32
        %dma_wait3A_57 = tpu.memref_slice %arg8[%dma_wait3A_55, %dma_wait3A_56] : memref<200x128xf32, #tpu.memory_space<vmem>> -> memref<200x128xf32, #tpu.memory_space<vmem>>
        tpu.wait_dma2 semaphore(%run_scoped3A : memref<!tpu.dma_semaphore, #tpu.memory_space<semaphore_mem>>) src(%dma_wait3A_57 : memref<200x128xf32, #tpu.memory_space<vmem>>) dst(%dma_wait3A_54 : memref<200x128xf32, #tpu.memory_space<vmem_shared>>)
        tpu.yield
      }) : () -> ()
      "tpu.region"() ({
        %run_scoped3A = tpu.sem_alloc : memref<!tpu.dma_semaphore, #tpu.memory_space<semaphore_mem>>
        %dma_start3A = arith.constant 0 : i32
        %dma_start3A_36 = arith.constant 0 : i32
        %dma_start3A_37 = tpu.memref_slice %arg8[%dma_start3A, %dma_start3A_36] : memref<200x128xf32, #tpu.memory_space<vmem>> -> memref<200x128xf32, #tpu.memory_space<vmem>>
        %dma_start3A_38 = arith.constant 9560 : i32
        %dma_start3A_39 = arith.constant 0 : i32
        %dma_start3A_40 = tpu.memref_slice %arg9[%dma_start3A_38, %dma_start3A_39] : memref<10000x128xf32, #tpu.memory_space<vmem_shared>> -> memref<200x128xf32, #tpu.memory_space<vmem_shared>>
        %dma_start3A_41 = arith.constant 9560 : i32
        %dma_start3A_42 = arith.constant 0 : i32
        %dma_start3A_43 = tpu.memref_slice %arg9[%dma_start3A_41, %dma_start3A_42] : memref<10000x128xf32, #tpu.memory_space<vmem_shared>> -> memref<200x128xf32, #tpu.memory_space<vmem_shared>>
        %dma_start3A_44 = arith.constant 0 : i32
        %dma_start3A_45 = arith.constant 0 : i32
        %dma_start3A_46 = tpu.memref_slice %arg8[%dma_start3A_44, %dma_start3A_45] : memref<200x128xf32, #tpu.memory_space<vmem>> -> memref<200x128xf32, #tpu.memory_space<vmem>>
        tpu.enqueue_dma source(%dma_start3A_46 : memref<200x128xf32, #tpu.memory_space<vmem>>) target(%dma_start3A_43 : memref<200x128xf32, #tpu.memory_space<vmem_shared>>) target_semaphore(%run_scoped3A : memref<!tpu.dma_semaphore, #tpu.memory_space<semaphore_mem>>)
        %dma_wait3A = arith.constant 0 : i32
        %dma_wait3A_47 = arith.constant 0 : i32
        %dma_wait3A_48 = tpu.memref_slice %arg8[%dma_wait3A, %dma_wait3A_47] : memref<200x128xf32, #tpu.memory_space<vmem>> -> memref<200x128xf32, #tpu.memory_space<vmem>>
        %dma_wait3A_49 = arith.constant 9560 : i32
        %dma_wait3A_50 = arith.constant 0 : i32
        %dma_wait3A_51 = tpu.memref_slice %arg9[%dma_wait3A_49, %dma_wait3A_50] : memref<10000x128xf32, #tpu.memory_space<vmem_shared>> -> memref<200x128xf32, #tpu.memory_space<vmem_shared>>
        %dma_wait3A_52 = arith.constant 9560 : i32
        %dma_wait3A_53 = arith.constant 0 : i32
        %dma_wait3A_54 = tpu.memref_slice %arg9[%dma_wait3A_52, %dma_wait3A_53] : memref<10000x128xf32, #tpu.memory_space<vmem_shared>> -> memref<200x128xf32, #tpu.memory_space<vmem_shared>>
        %dma_wait3A_55 = arith.constant 0 : i32
        %dma_wait3A_56 = arith.constant 0 : i32
        %dma_wait3A_57 = tpu.memref_slice %arg8[%dma_wait3A_55, %dma_wait3A_56] : memref<200x128xf32, #tpu.memory_space<vmem>> -> memref<200x128xf32, #tpu.memory_space<vmem>>
        tpu.wait_dma2 semaphore(%run_scoped3A : memref<!tpu.dma_semaphore, #tpu.memory_space<semaphore_mem>>) src(%dma_wait3A_57 : memref<200x128xf32, #tpu.memory_space<vmem>>) dst(%dma_wait3A_54 : memref<200x128xf32, #tpu.memory_space<vmem_shared>>)
        tpu.yield
      }) : () -> ()
      "tpu.region"() ({
        %run_scoped3A = tpu.sem_alloc : memref<!tpu.dma_semaphore, #tpu.memory_space<semaphore_mem>>
        %dma_start3A = arith.constant 0 : i32
        %dma_start3A_36 = arith.constant 0 : i32
        %dma_start3A_37 = tpu.memref_slice %arg8[%dma_start3A, %dma_start3A_36] : memref<200x128xf32, #tpu.memory_space<vmem>> -> memref<200x128xf32, #tpu.memory_space<vmem>>
        %dma_start3A_38 = arith.constant 9760 : i32
        %dma_start3A_39 = arith.constant 0 : i32
        %dma_start3A_40 = tpu.memref_slice %arg9[%dma_start3A_38, %dma_start3A_39] : memref<10000x128xf32, #tpu.memory_space<vmem_shared>> -> memref<200x128xf32, #tpu.memory_space<vmem_shared>>
        %dma_start3A_41 = arith.constant 9760 : i32
        %dma_start3A_42 = arith.constant 0 : i32
        %dma_start3A_43 = tpu.memref_slice %arg9[%dma_start3A_41, %dma_start3A_42] : memref<10000x128xf32, #tpu.memory_space<vmem_shared>> -> memref<200x128xf32, #tpu.memory_space<vmem_shared>>
        %dma_start3A_44 = arith.constant 0 : i32
        %dma_start3A_45 = arith.constant 0 : i32
        %dma_start3A_46 = tpu.memref_slice %arg8[%dma_start3A_44, %dma_start3A_45] : memref<200x128xf32, #tpu.memory_space<vmem>> -> memref<200x128xf32, #tpu.memory_space<vmem>>
        tpu.enqueue_dma source(%dma_start3A_46 : memref<200x128xf32, #tpu.memory_space<vmem>>) target(%dma_start3A_43 : memref<200x128xf32, #tpu.memory_space<vmem_shared>>) target_semaphore(%run_scoped3A : memref<!tpu.dma_semaphore, #tpu.memory_space<semaphore_mem>>)
        %dma_wait3A = arith.constant 0 : i32
        %dma_wait3A_47 = arith.constant 0 : i32
        %dma_wait3A_48 = tpu.memref_slice %arg8[%dma_wait3A, %dma_wait3A_47] : memref<200x128xf32, #tpu.memory_space<vmem>> -> memref<200x128xf32, #tpu.memory_space<vmem>>
        %dma_wait3A_49 = arith.constant 9760 : i32
        %dma_wait3A_50 = arith.constant 0 : i32
        %dma_wait3A_51 = tpu.memref_slice %arg9[%dma_wait3A_49, %dma_wait3A_50] : memref<10000x128xf32, #tpu.memory_space<vmem_shared>> -> memref<200x128xf32, #tpu.memory_space<vmem_shared>>
        %dma_wait3A_52 = arith.constant 9760 : i32
        %dma_wait3A_53 = arith.constant 0 : i32
        %dma_wait3A_54 = tpu.memref_slice %arg9[%dma_wait3A_52, %dma_wait3A_53] : memref<10000x128xf32, #tpu.memory_space<vmem_shared>> -> memref<200x128xf32, #tpu.memory_space<vmem_shared>>
        %dma_wait3A_55 = arith.constant 0 : i32
        %dma_wait3A_56 = arith.constant 0 : i32
        %dma_wait3A_57 = tpu.memref_slice %arg8[%dma_wait3A_55, %dma_wait3A_56] : memref<200x128xf32, #tpu.memory_space<vmem>> -> memref<200x128xf32, #tpu.memory_space<vmem>>
        tpu.wait_dma2 semaphore(%run_scoped3A : memref<!tpu.dma_semaphore, #tpu.memory_space<semaphore_mem>>) src(%dma_wait3A_57 : memref<200x128xf32, #tpu.memory_space<vmem>>) dst(%dma_wait3A_54 : memref<200x128xf32, #tpu.memory_space<vmem_shared>>)
        tpu.yield
      }) : () -> ()
      "tpu.region"() ({
        %run_scoped3A = tpu.sem_alloc : memref<!tpu.dma_semaphore, #tpu.memory_space<semaphore_mem>>
        %dma_start3A = arith.constant 0 : i32
        %dma_start3A_36 = arith.constant 0 : i32
        %dma_start3A_37 = tpu.memref_slice %arg8[%dma_start3A, %dma_start3A_36] : memref<200x128xf32, #tpu.memory_space<vmem>> -> memref<40x128xf32, #tpu.memory_space<vmem>>
        %dma_start3A_38 = arith.constant 9960 : i32
        %dma_start3A_39 = arith.constant 0 : i32
        %dma_start3A_40 = tpu.memref_slice %arg9[%dma_start3A_38, %dma_start3A_39] : memref<10000x128xf32, #tpu.memory_space<vmem_shared>> -> memref<40x128xf32, #tpu.memory_space<vmem_shared>>
        %dma_start3A_41 = arith.constant 9960 : i32
        %dma_start3A_42 = arith.constant 0 : i32
        %dma_start3A_43 = tpu.memref_slice %arg9[%dma_start3A_41, %dma_start3A_42] : memref<10000x128xf32, #tpu.memory_space<vmem_shared>> -> memref<40x128xf32, #tpu.memory_space<vmem_shared>>
        %dma_start3A_44 = arith.constant 0 : i32
        %dma_start3A_45 = arith.constant 0 : i32
        %dma_start3A_46 = tpu.memref_slice %arg8[%dma_start3A_44, %dma_start3A_45] : memref<200x128xf32, #tpu.memory_space<vmem>> -> memref<40x128xf32, #tpu.memory_space<vmem>>
        tpu.enqueue_dma source(%dma_start3A_46 : memref<40x128xf32, #tpu.memory_space<vmem>>) target(%dma_start3A_43 : memref<40x128xf32, #tpu.memory_space<vmem_shared>>) target_semaphore(%run_scoped3A : memref<!tpu.dma_semaphore, #tpu.memory_space<semaphore_mem>>)
        %dma_wait3A = arith.constant 0 : i32
        %dma_wait3A_47 = arith.constant 0 : i32
        %dma_wait3A_48 = tpu.memref_slice %arg8[%dma_wait3A, %dma_wait3A_47] : memref<200x128xf32, #tpu.memory_space<vmem>> -> memref<40x128xf32, #tpu.memory_space<vmem>>
        %dma_wait3A_49 = arith.constant 9960 : i32
        %dma_wait3A_50 = arith.constant 0 : i32
        %dma_wait3A_51 = tpu.memref_slice %arg9[%dma_wait3A_49, %dma_wait3A_50] : memref<10000x128xf32, #tpu.memory_space<vmem_shared>> -> memref<40x128xf32, #tpu.memory_space<vmem_shared>>
        %dma_wait3A_52 = arith.constant 9960 : i32
        %dma_wait3A_53 = arith.constant 0 : i32
        %dma_wait3A_54 = tpu.memref_slice %arg9[%dma_wait3A_52, %dma_wait3A_53] : memref<10000x128xf32, #tpu.memory_space<vmem_shared>> -> memref<40x128xf32, #tpu.memory_space<vmem_shared>>
        %dma_wait3A_55 = arith.constant 0 : i32
        %dma_wait3A_56 = arith.constant 0 : i32
        %dma_wait3A_57 = tpu.memref_slice %arg8[%dma_wait3A_55, %dma_wait3A_56] : memref<200x128xf32, #tpu.memory_space<vmem>> -> memref<40x128xf32, #tpu.memory_space<vmem>>
        tpu.wait_dma2 semaphore(%run_scoped3A : memref<!tpu.dma_semaphore, #tpu.memory_space<semaphore_mem>>) src(%dma_wait3A_57 : memref<40x128xf32, #tpu.memory_space<vmem>>) dst(%dma_wait3A_54 : memref<40x128xf32, #tpu.memory_space<vmem_shared>>)
        tpu.yield
      }) : () -> ()
    } else {
    }
    %barrier3A = arith.constant 0 : index
    tpu.barrier barrier_id(%barrier3A)
    %mul3A_16 = arith.constant 10000 : i32
    %mul3A_17 = arith.muli %add3A, %mul3A_16 : i32
    %scan3A_18 = arith.constant 0 : i32
    %scan3A_19 = arith.constant 0 : i32
    %scan3A_20 = arith.constant 50 : i32
    %scan3A_21 = arith.addi %scan3A_19, %scan3A_20 : i32
    %scan3A_22 = arith.constant 1 : i32
    %scan3A_23 = scf.for %scan3A_36 = %scan3A_19 to %scan3A_21 step %scan3A_22 iter_args(%scan3A_37 = %scan3A_18) -> (i32)  : i32 {
      %mul3A_38 = arith.constant 200 : i32
      %mul3A_39 = arith.muli %scan3A_36, %mul3A_38 : i32
      %add3A_40 = arith.addi %mul3A_17, %mul3A_39 : i32
      "tpu.region"() ({
        %run_scoped3A = tpu.sem_alloc : memref<!tpu.dma_semaphore, #tpu.memory_space<semaphore_mem>>
        %dma_start3A_46 = tpu.memref_slice %arg3[%add3A_40] : memref<320000xi32, #tpu.memory_space<hbm>> -> memref<200xi32, #tpu.memory_space<hbm>>
        %dma_start3A_47 = tpu.memref_slice %arg3[%add3A_40] : memref<320000xi32, #tpu.memory_space<hbm>> -> memref<200xi32, #tpu.memory_space<hbm>>
        tpu.enqueue_dma source(%dma_start3A_47 : memref<200xi32, #tpu.memory_space<hbm>>) target(%arg6 : memref<200xi32, #tpu.memory_space<vmem>>) target_semaphore(%run_scoped3A : memref<!tpu.dma_semaphore, #tpu.memory_space<semaphore_mem>>)
        %dma_wait3A_48 = tpu.memref_slice %arg3[%add3A_40] : memref<320000xi32, #tpu.memory_space<hbm>> -> memref<200xi32, #tpu.memory_space<hbm>>
        %dma_wait3A_49 = tpu.memref_slice %arg3[%add3A_40] : memref<320000xi32, #tpu.memory_space<hbm>> -> memref<200xi32, #tpu.memory_space<hbm>>
        tpu.wait_dma2 semaphore(%run_scoped3A : memref<!tpu.dma_semaphore, #tpu.memory_space<semaphore_mem>>) src(%dma_wait3A_49 : memref<200xi32, #tpu.memory_space<hbm>>) dst(%arg6 : memref<200xi32, #tpu.memory_space<vmem>>)
        tpu.yield
      }) : () -> ()
      "tpu.region"() ({
        %run_scoped3A = tpu.sem_alloc : memref<!tpu.dma_semaphore, #tpu.memory_space<semaphore_mem>>
        %dma_start3A_46 = tpu.memref_slice %arg4[%add3A_40] : memref<320000xi32, #tpu.memory_space<hbm>> -> memref<200xi32, #tpu.memory_space<hbm>>
        %dma_start3A_47 = tpu.memref_slice %arg4[%add3A_40] : memref<320000xi32, #tpu.memory_space<hbm>> -> memref<200xi32, #tpu.memory_space<hbm>>
        tpu.enqueue_dma source(%dma_start3A_47 : memref<200xi32, #tpu.memory_space<hbm>>) target(%arg7 : memref<200xi32, #tpu.memory_space<vmem>>) target_semaphore(%run_scoped3A : memref<!tpu.dma_semaphore, #tpu.memory_space<semaphore_mem>>)
        %dma_wait3A_48 = tpu.memref_slice %arg4[%add3A_40] : memref<320000xi32, #tpu.memory_space<hbm>> -> memref<200xi32, #tpu.memory_space<hbm>>
        %dma_wait3A_49 = tpu.memref_slice %arg4[%add3A_40] : memref<320000xi32, #tpu.memory_space<hbm>> -> memref<200xi32, #tpu.memory_space<hbm>>
        tpu.wait_dma2 semaphore(%run_scoped3A : memref<!tpu.dma_semaphore, #tpu.memory_space<semaphore_mem>>) src(%dma_wait3A_49 : memref<200xi32, #tpu.memory_space<hbm>>) dst(%arg7 : memref<200xi32, #tpu.memory_space<vmem>>)
        tpu.yield
      }) : () -> ()
      %dma_start3A = arith.constant 0 : i32
      %dma_start3A_41 = arith.constant 0 : i32
      %dma_start3A_42 = tpu.memref_slice %arg2[%dma_start3A, %dma_start3A_41] : memref<10000x128xf32, #tpu.memory_space<hbm>> -> memref<10000x128xf32, #tpu.memory_space<hbm>>
      tpu.enqueue_indirect_dma source(%dma_start3A_42 : memref<10000x128xf32, #tpu.memory_space<hbm>>) target(%arg8 : memref<200x128xf32, #tpu.memory_space<vmem>>) offsets(%arg6 : memref<200xi32, #tpu.memory_space<vmem>>) semaphore(%arg10 : memref<!tpu.dma_semaphore, #tpu.memory_space<semaphore_mem>>)
      %dma_wait3A = arith.constant 0 : i32
      %dma_wait3A_43 = arith.constant 0 : i32
      %dma_wait3A_44 = tpu.memref_slice %arg2[%dma_wait3A, %dma_wait3A_43] : memref<10000x128xf32, #tpu.memory_space<hbm>> -> memref<10000x128xf32, #tpu.memory_space<hbm>>
      tpu.wait_indirect_dma semaphore(%arg10 : memref<!tpu.dma_semaphore, #tpu.memory_space<semaphore_mem>>) src(%dma_wait3A_44 : memref<10000x128xf32, #tpu.memory_space<hbm>>) dst(%arg8 : memref<200x128xf32, #tpu.memory_space<vmem>>)
      "tpu.region"() ({
        %run_scoped3A = tpu.sem_alloc : memref<!tpu.dma_semaphore, #tpu.memory_space<semaphore_mem>>
        %dma_start3A_46 = arith.constant 0 : i32
        %dma_start3A_47 = arith.constant 0 : i32
        %dma_start3A_48 = tpu.memref_slice %arg9[%dma_start3A_46, %dma_start3A_47] : memref<10000x128xf32, #tpu.memory_space<vmem_shared>> -> memref<10000x128xf32, #tpu.memory_space<vmem_shared>>
        tpu.enqueue_indirect_dma source(%arg8 : memref<200x128xf32, #tpu.memory_space<vmem>>) target(%dma_start3A_48 : memref<10000x128xf32, #tpu.memory_space<vmem_shared>>) offsets(%arg7 : memref<200xi32, #tpu.memory_space<vmem>>) semaphore(%run_scoped3A : memref<!tpu.dma_semaphore, #tpu.memory_space<semaphore_mem>>) {add = true}
        %dma_wait3A_49 = arith.constant 0 : i32
        %dma_wait3A_50 = arith.constant 0 : i32
        %dma_wait3A_51 = tpu.memref_slice %arg9[%dma_wait3A_49, %dma_wait3A_50] : memref<10000x128xf32, #tpu.memory_space<vmem_shared>> -> memref<10000x128xf32, #tpu.memory_space<vmem_shared>>
        tpu.wait_indirect_dma semaphore(%run_scoped3A : memref<!tpu.dma_semaphore, #tpu.memory_space<semaphore_mem>>) src(%arg8 : memref<200x128xf32, #tpu.memory_space<vmem>>) dst(%dma_wait3A_51 : memref<10000x128xf32, #tpu.memory_space<vmem_shared>>)
        tpu.yield
      }) : () -> ()
      %scan3A_45 = arith.constant 0 : i32
      scf.yield %scan3A_45 : i32
    }
    %scan3A_24 = arith.constant 50 : i32
    %barrier3A_25 = arith.constant 0 : index
    tpu.barrier barrier_id(%barrier3A_25)
    %lt3A_26 = arith.constant 15 : i32
    %lt3A_27 = arith.cmpi slt, %arg1, %lt3A_26 : i32
    %convert_element_type3A_28 = arith.extui %lt3A_27 : i1 to i32
    %cond3A_29 = arith.constant 0 : i32
    %cond3A_30 = arith.cmpi ne, %convert_element_type3A_28, %cond3A_29 : i32
    scf.if %cond3A_30 {
      %add3A_36 = arith.constant 0 : i32
      %add3A_37 = arith.addi %mul3A_9, %add3A_36 : i32
      "tpu.region"() ({
        %run_scoped3A = tpu.sem_alloc : memref<!tpu.dma_semaphore, #tpu.memory_space<semaphore_mem>>
        %dma_start3A = arith.constant 0 : i32
        %dma_start3A_64 = arith.constant 0 : i32
        %dma_start3A_65 = tpu.memref_slice %arg8[%dma_start3A, %dma_start3A_64] : memref<200x128xf32, #tpu.memory_space<vmem>> -> memref<200x128xf32, #tpu.memory_space<vmem>>
        %dma_start3A_66 = arith.constant 0 : i32
        %dma_start3A_67 = tpu.memref_slice %arg9[%add3A_37, %dma_start3A_66] : memref<10000x128xf32, #tpu.memory_space<vmem_shared>> -> memref<200x128xf32, #tpu.memory_space<vmem_shared>>
        %dma_start3A_68 = arith.constant 0 : i32
        %dma_start3A_69 = arith.constant 0 : i32
        %dma_start3A_70 = tpu.memref_slice %arg8[%dma_start3A_68, %dma_start3A_69] : memref<200x128xf32, #tpu.memory_space<vmem>> -> memref<200x128xf32, #tpu.memory_space<vmem>>
        %dma_start3A_71 = arith.constant 0 : i32
        %dma_start3A_72 = tpu.memref_slice %arg9[%add3A_37, %dma_start3A_71] : memref<10000x128xf32, #tpu.memory_space<vmem_shared>> -> memref<200x128xf32, #tpu.memory_space<vmem_shared>>
        tpu.enqueue_dma source(%dma_start3A_72 : memref<200x128xf32, #tpu.memory_space<vmem_shared>>) target(%dma_start3A_70 : memref<200x128xf32, #tpu.memory_space<vmem>>) target_semaphore(%run_scoped3A : memref<!tpu.dma_semaphore, #tpu.memory_space<semaphore_mem>>)
        %dma_wait3A = arith.constant 0 : i32
        %dma_wait3A_73 = arith.constant 0 : i32
        %dma_wait3A_74 = tpu.memref_slice %arg8[%dma_wait3A, %dma_wait3A_73] : memref<200x128xf32, #tpu.memory_space<vmem>> -> memref<200x128xf32, #tpu.memory_space<vmem>>
        %dma_wait3A_75 = arith.constant 0 : i32
        %dma_wait3A_76 = tpu.memref_slice %arg9[%add3A_37, %dma_wait3A_75] : memref<10000x128xf32, #tpu.memory_space<vmem_shared>> -> memref<200x128xf32, #tpu.memory_space<vmem_shared>>
        %dma_wait3A_77 = arith.constant 0 : i32
        %dma_wait3A_78 = arith.constant 0 : i32
        %dma_wait3A_79 = tpu.memref_slice %arg8[%dma_wait3A_77, %dma_wait3A_78] : memref<200x128xf32, #tpu.memory_space<vmem>> -> memref<200x128xf32, #tpu.memory_space<vmem>>
        %dma_wait3A_80 = arith.constant 0 : i32
        %dma_wait3A_81 = tpu.memref_slice %arg9[%add3A_37, %dma_wait3A_80] : memref<10000x128xf32, #tpu.memory_space<vmem_shared>> -> memref<200x128xf32, #tpu.memory_space<vmem_shared>>
        tpu.wait_dma2 semaphore(%run_scoped3A : memref<!tpu.dma_semaphore, #tpu.memory_space<semaphore_mem>>) src(%dma_wait3A_81 : memref<200x128xf32, #tpu.memory_space<vmem_shared>>) dst(%dma_wait3A_79 : memref<200x128xf32, #tpu.memory_space<vmem>>)
        tpu.yield
      }) : () -> ()
      %mul3A_38 = arith.constant 10000 : i32
      %mul3A_39 = arith.muli %arg0, %mul3A_38 : i32
      %add3A_40 = arith.addi %mul3A_39, %mul3A_9 : i32
      %add3A_41 = arith.constant 0 : i32
      %add3A_42 = arith.addi %add3A_40, %add3A_41 : i32
      "tpu.region"() ({
        %run_scoped3A = tpu.sem_alloc : memref<!tpu.dma_semaphore, #tpu.memory_space<semaphore_mem>>
        %dma_start3A = arith.constant 0 : i32
        %dma_start3A_64 = arith.constant 0 : i32
        %dma_start3A_65 = tpu.memref_slice %arg8[%dma_start3A, %dma_start3A_64] : memref<200x128xf32, #tpu.memory_space<vmem>> -> memref<200x128xf32, #tpu.memory_space<vmem>>
        %dma_start3A_66 = arith.constant 0 : i32
        %dma_start3A_67 = tpu.memref_slice %arg5[%add3A_42, %dma_start3A_66] : memref<20000x128xf32, #tpu.memory_space<hbm>> -> memref<200x128xf32, #tpu.memory_space<hbm>>
        %dma_start3A_68 = arith.constant 0 : i32
        %dma_start3A_69 = tpu.memref_slice %arg5[%add3A_42, %dma_start3A_68] : memref<20000x128xf32, #tpu.memory_space<hbm>> -> memref<200x128xf32, #tpu.memory_space<hbm>>
        %dma_start3A_70 = arith.constant 0 : i32
        %dma_start3A_71 = arith.constant 0 : i32
        %dma_start3A_72 = tpu.memref_slice %arg8[%dma_start3A_70, %dma_start3A_71] : memref<200x128xf32, #tpu.memory_space<vmem>> -> memref<200x128xf32, #tpu.memory_space<vmem>>
        tpu.enqueue_dma source(%dma_start3A_72 : memref<200x128xf32, #tpu.memory_space<vmem>>) target(%dma_start3A_69 : memref<200x128xf32, #tpu.memory_space<hbm>>) target_semaphore(%run_scoped3A : memref<!tpu.dma_semaphore, #tpu.memory_space<semaphore_mem>>)
        %dma_wait3A = arith.constant 0 : i32
        %dma_wait3A_73 = arith.constant 0 : i32
        %dma_wait3A_74 = tpu.memref_slice %arg8[%dma_wait3A, %dma_wait3A_73] : memref<200x128xf32, #tpu.memory_space<vmem>> -> memref<200x128xf32, #tpu.memory_space<vmem>>
        %dma_wait3A_75 = arith.constant 0 : i32
        %dma_wait3A_76 = tpu.memref_slice %arg5[%add3A_42, %dma_wait3A_75] : memref<20000x128xf32, #tpu.memory_space<hbm>> -> memref<200x128xf32, #tpu.memory_space<hbm>>
        %dma_wait3A_77 = arith.constant 0 : i32
        %dma_wait3A_78 = tpu.memref_slice %arg5[%add3A_42, %dma_wait3A_77] : memref<20000x128xf32, #tpu.memory_space<hbm>> -> memref<200x128xf32, #tpu.memory_space<hbm>>
        %dma_wait3A_79 = arith.constant 0 : i32
        %dma_wait3A_80 = arith.constant 0 : i32
        %dma_wait3A_81 = tpu.memref_slice %arg8[%dma_wait3A_79, %dma_wait3A_80] : memref<200x128xf32, #tpu.memory_space<vmem>> -> memref<200x128xf32, #tpu.memory_space<vmem>>
        tpu.wait_dma2 semaphore(%run_scoped3A : memref<!tpu.dma_semaphore, #tpu.memory_space<semaphore_mem>>) src(%dma_wait3A_81 : memref<200x128xf32, #tpu.memory_space<vmem>>) dst(%dma_wait3A_78 : memref<200x128xf32, #tpu.memory_space<hbm>>)
        tpu.yield
      }) : () -> ()
      %add3A_43 = arith.constant 200 : i32
      %add3A_44 = arith.addi %mul3A_9, %add3A_43 : i32
      "tpu.region"() ({
        %run_scoped3A = tpu.sem_alloc : memref<!tpu.dma_semaphore, #tpu.memory_space<semaphore_mem>>
        %dma_start3A = arith.constant 0 : i32
        %dma_start3A_64 = arith.constant 0 : i32
        %dma_start3A_65 = tpu.memref_slice %arg8[%dma_start3A, %dma_start3A_64] : memref<200x128xf32, #tpu.memory_space<vmem>> -> memref<200x128xf32, #tpu.memory_space<vmem>>
        %dma_start3A_66 = arith.constant 0 : i32
        %dma_start3A_67 = tpu.memref_slice %arg9[%add3A_44, %dma_start3A_66] : memref<10000x128xf32, #tpu.memory_space<vmem_shared>> -> memref<200x128xf32, #tpu.memory_space<vmem_shared>>
        %dma_start3A_68 = arith.constant 0 : i32
        %dma_start3A_69 = arith.constant 0 : i32
        %dma_start3A_70 = tpu.memref_slice %arg8[%dma_start3A_68, %dma_start3A_69] : memref<200x128xf32, #tpu.memory_space<vmem>> -> memref<200x128xf32, #tpu.memory_space<vmem>>
        %dma_start3A_71 = arith.constant 0 : i32
        %dma_start3A_72 = tpu.memref_slice %arg9[%add3A_44, %dma_start3A_71] : memref<10000x128xf32, #tpu.memory_space<vmem_shared>> -> memref<200x128xf32, #tpu.memory_space<vmem_shared>>
        tpu.enqueue_dma source(%dma_start3A_72 : memref<200x128xf32, #tpu.memory_space<vmem_shared>>) target(%dma_start3A_70 : memref<200x128xf32, #tpu.memory_space<vmem>>) target_semaphore(%run_scoped3A : memref<!tpu.dma_semaphore, #tpu.memory_space<semaphore_mem>>)
        %dma_wait3A = arith.constant 0 : i32
        %dma_wait3A_73 = arith.constant 0 : i32
        %dma_wait3A_74 = tpu.memref_slice %arg8[%dma_wait3A, %dma_wait3A_73] : memref<200x128xf32, #tpu.memory_space<vmem>> -> memref<200x128xf32, #tpu.memory_space<vmem>>
        %dma_wait3A_75 = arith.constant 0 : i32
        %dma_wait3A_76 = tpu.memref_slice %arg9[%add3A_44, %dma_wait3A_75] : memref<10000x128xf32, #tpu.memory_space<vmem_shared>> -> memref<200x128xf32, #tpu.memory_space<vmem_shared>>
        %dma_wait3A_77 = arith.constant 0 : i32
        %dma_wait3A_78 = arith.constant 0 : i32
        %dma_wait3A_79 = tpu.memref_slice %arg8[%dma_wait3A_77, %dma_wait3A_78] : memref<200x128xf32, #tpu.memory_space<vmem>> -> memref<200x128xf32, #tpu.memory_space<vmem>>
        %dma_wait3A_80 = arith.constant 0 : i32
        %dma_wait3A_81 = tpu.memref_slice %arg9[%add3A_44, %dma_wait3A_80] : memref<10000x128xf32, #tpu.memory_space<vmem_shared>> -> memref<200x128xf32, #tpu.memory_space<vmem_shared>>
        tpu.wait_dma2 semaphore(%run_scoped3A : memref<!tpu.dma_semaphore, #tpu.memory_space<semaphore_mem>>) src(%dma_wait3A_81 : memref<200x128xf32, #tpu.memory_space<vmem_shared>>) dst(%dma_wait3A_79 : memref<200x128xf32, #tpu.memory_space<vmem>>)
        tpu.yield
      }) : () -> ()
      %mul3A_45 = arith.constant 10000 : i32
      %mul3A_46 = arith.muli %arg0, %mul3A_45 : i32
      %add3A_47 = arith.addi %mul3A_46, %mul3A_9 : i32
      %add3A_48 = arith.constant 200 : i32
      %add3A_49 = arith.addi %add3A_47, %add3A_48 : i32
      "tpu.region"() ({
        %run_scoped3A = tpu.sem_alloc : memref<!tpu.dma_semaphore, #tpu.memory_space<semaphore_mem>>
        %dma_start3A = arith.constant 0 : i32
        %dma_start3A_64 = arith.constant 0 : i32
        %dma_start3A_65 = tpu.memref_slice %arg8[%dma_start3A, %dma_start3A_64] : memref<200x128xf32, #tpu.memory_space<vmem>> -> memref<200x128xf32, #tpu.memory_space<vmem>>
        %dma_start3A_66 = arith.constant 0 : i32
        %dma_start3A_67 = tpu.memref_slice %arg5[%add3A_49, %dma_start3A_66] : memref<20000x128xf32, #tpu.memory_space<hbm>> -> memref<200x128xf32, #tpu.memory_space<hbm>>
        %dma_start3A_68 = arith.constant 0 : i32
        %dma_start3A_69 = tpu.memref_slice %arg5[%add3A_49, %dma_start3A_68] : memref<20000x128xf32, #tpu.memory_space<hbm>> -> memref<200x128xf32, #tpu.memory_space<hbm>>
        %dma_start3A_70 = arith.constant 0 : i32
        %dma_start3A_71 = arith.constant 0 : i32
        %dma_start3A_72 = tpu.memref_slice %arg8[%dma_start3A_70, %dma_start3A_71] : memref<200x128xf32, #tpu.memory_space<vmem>> -> memref<200x128xf32, #tpu.memory_space<vmem>>
        tpu.enqueue_dma source(%dma_start3A_72 : memref<200x128xf32, #tpu.memory_space<vmem>>) target(%dma_start3A_69 : memref<200x128xf32, #tpu.memory_space<hbm>>) target_semaphore(%run_scoped3A : memref<!tpu.dma_semaphore, #tpu.memory_space<semaphore_mem>>)
        %dma_wait3A = arith.constant 0 : i32
        %dma_wait3A_73 = arith.constant 0 : i32
        %dma_wait3A_74 = tpu.memref_slice %arg8[%dma_wait3A, %dma_wait3A_73] : memref<200x128xf32, #tpu.memory_space<vmem>> -> memref<200x128xf32, #tpu.memory_space<vmem>>
        %dma_wait3A_75 = arith.constant 0 : i32
        %dma_wait3A_76 = tpu.memref_slice %arg5[%add3A_49, %dma_wait3A_75] : memref<20000x128xf32, #tpu.memory_space<hbm>> -> memref<200x128xf32, #tpu.memory_space<hbm>>
        %dma_wait3A_77 = arith.constant 0 : i32
        %dma_wait3A_78 = tpu.memref_slice %arg5[%add3A_49, %dma_wait3A_77] : memref<20000x128xf32, #tpu.memory_space<hbm>> -> memref<200x128xf32, #tpu.memory_space<hbm>>
        %dma_wait3A_79 = arith.constant 0 : i32
        %dma_wait3A_80 = arith.constant 0 : i32
        %dma_wait3A_81 = tpu.memref_slice %arg8[%dma_wait3A_79, %dma_wait3A_80] : memref<200x128xf32, #tpu.memory_space<vmem>> -> memref<200x128xf32, #tpu.memory_space<vmem>>
        tpu.wait_dma2 semaphore(%run_scoped3A : memref<!tpu.dma_semaphore, #tpu.memory_space<semaphore_mem>>) src(%dma_wait3A_81 : memref<200x128xf32, #tpu.memory_space<vmem>>) dst(%dma_wait3A_78 : memref<200x128xf32, #tpu.memory_space<hbm>>)
        tpu.yield
      }) : () -> ()
      %add3A_50 = arith.constant 400 : i32
      %add3A_51 = arith.addi %mul3A_9, %add3A_50 : i32
      "tpu.region"() ({
        %run_scoped3A = tpu.sem_alloc : memref<!tpu.dma_semaphore, #tpu.memory_space<semaphore_mem>>
        %dma_start3A = arith.constant 0 : i32
        %dma_start3A_64 = arith.constant 0 : i32
        %dma_start3A_65 = tpu.memref_slice %arg8[%dma_start3A, %dma_start3A_64] : memref<200x128xf32, #tpu.memory_space<vmem>> -> memref<200x128xf32, #tpu.memory_space<vmem>>
        %dma_start3A_66 = arith.constant 0 : i32
        %dma_start3A_67 = tpu.memref_slice %arg9[%add3A_51, %dma_start3A_66] : memref<10000x128xf32, #tpu.memory_space<vmem_shared>> -> memref<200x128xf32, #tpu.memory_space<vmem_shared>>
        %dma_start3A_68 = arith.constant 0 : i32
        %dma_start3A_69 = arith.constant 0 : i32
        %dma_start3A_70 = tpu.memref_slice %arg8[%dma_start3A_68, %dma_start3A_69] : memref<200x128xf32, #tpu.memory_space<vmem>> -> memref<200x128xf32, #tpu.memory_space<vmem>>
        %dma_start3A_71 = arith.constant 0 : i32
        %dma_start3A_72 = tpu.memref_slice %arg9[%add3A_51, %dma_start3A_71] : memref<10000x128xf32, #tpu.memory_space<vmem_shared>> -> memref<200x128xf32, #tpu.memory_space<vmem_shared>>
        tpu.enqueue_dma source(%dma_start3A_72 : memref<200x128xf32, #tpu.memory_space<vmem_shared>>) target(%dma_start3A_70 : memref<200x128xf32, #tpu.memory_space<vmem>>) target_semaphore(%run_scoped3A : memref<!tpu.dma_semaphore, #tpu.memory_space<semaphore_mem>>)
        %dma_wait3A = arith.constant 0 : i32
        %dma_wait3A_73 = arith.constant 0 : i32
        %dma_wait3A_74 = tpu.memref_slice %arg8[%dma_wait3A, %dma_wait3A_73] : memref<200x128xf32, #tpu.memory_space<vmem>> -> memref<200x128xf32, #tpu.memory_space<vmem>>
        %dma_wait3A_75 = arith.constant 0 : i32
        %dma_wait3A_76 = tpu.memref_slice %arg9[%add3A_51, %dma_wait3A_75] : memref<10000x128xf32, #tpu.memory_space<vmem_shared>> -> memref<200x128xf32, #tpu.memory_space<vmem_shared>>
        %dma_wait3A_77 = arith.constant 0 : i32
        %dma_wait3A_78 = arith.constant 0 : i32
        %dma_wait3A_79 = tpu.memref_slice %arg8[%dma_wait3A_77, %dma_wait3A_78] : memref<200x128xf32, #tpu.memory_space<vmem>> -> memref<200x128xf32, #tpu.memory_space<vmem>>
        %dma_wait3A_80 = arith.constant 0 : i32
        %dma_wait3A_81 = tpu.memref_slice %arg9[%add3A_51, %dma_wait3A_80] : memref<10000x128xf32, #tpu.memory_space<vmem_shared>> -> memref<200x128xf32, #tpu.memory_space<vmem_shared>>
        tpu.wait_dma2 semaphore(%run_scoped3A : memref<!tpu.dma_semaphore, #tpu.memory_space<semaphore_mem>>) src(%dma_wait3A_81 : memref<200x128xf32, #tpu.memory_space<vmem_shared>>) dst(%dma_wait3A_79 : memref<200x128xf32, #tpu.memory_space<vmem>>)
        tpu.yield
      }) : () -> ()
      %mul3A_52 = arith.constant 10000 : i32
      %mul3A_53 = arith.muli %arg0, %mul3A_52 : i32
      %add3A_54 = arith.addi %mul3A_53, %mul3A_9 : i32
      %add3A_55 = arith.constant 400 : i32
      %add3A_56 = arith.addi %add3A_54, %add3A_55 : i32
      "tpu.region"() ({
        %run_scoped3A = tpu.sem_alloc : memref<!tpu.dma_semaphore, #tpu.memory_space<semaphore_mem>>
        %dma_start3A = arith.constant 0 : i32
        %dma_start3A_64 = arith.constant 0 : i32
        %dma_start3A_65 = tpu.memref_slice %arg8[%dma_start3A, %dma_start3A_64] : memref<200x128xf32, #tpu.memory_space<vmem>> -> memref<200x128xf32, #tpu.memory_space<vmem>>
        %dma_start3A_66 = arith.constant 0 : i32
        %dma_start3A_67 = tpu.memref_slice %arg5[%add3A_56, %dma_start3A_66] : memref<20000x128xf32, #tpu.memory_space<hbm>> -> memref<200x128xf32, #tpu.memory_space<hbm>>
        %dma_start3A_68 = arith.constant 0 : i32
        %dma_start3A_69 = tpu.memref_slice %arg5[%add3A_56, %dma_start3A_68] : memref<20000x128xf32, #tpu.memory_space<hbm>> -> memref<200x128xf32, #tpu.memory_space<hbm>>
        %dma_start3A_70 = arith.constant 0 : i32
        %dma_start3A_71 = arith.constant 0 : i32
        %dma_start3A_72 = tpu.memref_slice %arg8[%dma_start3A_70, %dma_start3A_71] : memref<200x128xf32, #tpu.memory_space<vmem>> -> memref<200x128xf32, #tpu.memory_space<vmem>>
        tpu.enqueue_dma source(%dma_start3A_72 : memref<200x128xf32, #tpu.memory_space<vmem>>) target(%dma_start3A_69 : memref<200x128xf32, #tpu.memory_space<hbm>>) target_semaphore(%run_scoped3A : memref<!tpu.dma_semaphore, #tpu.memory_space<semaphore_mem>>)
        %dma_wait3A = arith.constant 0 : i32
        %dma_wait3A_73 = arith.constant 0 : i32
        %dma_wait3A_74 = tpu.memref_slice %arg8[%dma_wait3A, %dma_wait3A_73] : memref<200x128xf32, #tpu.memory_space<vmem>> -> memref<200x128xf32, #tpu.memory_space<vmem>>
        %dma_wait3A_75 = arith.constant 0 : i32
        %dma_wait3A_76 = tpu.memref_slice %arg5[%add3A_56, %dma_wait3A_75] : memref<20000x128xf32, #tpu.memory_space<hbm>> -> memref<200x128xf32, #tpu.memory_space<hbm>>
        %dma_wait3A_77 = arith.constant 0 : i32
        %dma_wait3A_78 = tpu.memref_slice %arg5[%add3A_56, %dma_wait3A_77] : memref<20000x128xf32, #tpu.memory_space<hbm>> -> memref<200x128xf32, #tpu.memory_space<hbm>>
        %dma_wait3A_79 = arith.constant 0 : i32
        %dma_wait3A_80 = arith.constant 0 : i32
        %dma_wait3A_81 = tpu.memref_slice %arg8[%dma_wait3A_79, %dma_wait3A_80] : memref<200x128xf32, #tpu.memory_space<vmem>> -> memref<200x128xf32, #tpu.memory_space<vmem>>
        tpu.wait_dma2 semaphore(%run_scoped3A : memref<!tpu.dma_semaphore, #tpu.memory_space<semaphore_mem>>) src(%dma_wait3A_81 : memref<200x128xf32, #tpu.memory_space<vmem>>) dst(%dma_wait3A_78 : memref<200x128xf32, #tpu.memory_space<hbm>>)
        tpu.yield
      }) : () -> ()
      %add3A_57 = arith.constant 600 : i32
      %add3A_58 = arith.addi %mul3A_9, %add3A_57 : i32
      "tpu.region"() ({
        %run_scoped3A = tpu.sem_alloc : memref<!tpu.dma_semaphore, #tpu.memory_space<semaphore_mem>>
        %dma_start3A = arith.constant 0 : i32
        %dma_start3A_64 = arith.constant 0 : i32
        %dma_start3A_65 = tpu.memref_slice %arg8[%dma_start3A, %dma_start3A_64] : memref<200x128xf32, #tpu.memory_space<vmem>> -> memref<24x128xf32, #tpu.memory_space<vmem>>
        %dma_start3A_66 = arith.constant 0 : i32
        %dma_start3A_67 = tpu.memref_slice %arg9[%add3A_58, %dma_start3A_66] : memref<10000x128xf32, #tpu.memory_space<vmem_shared>> -> memref<24x128xf32, #tpu.memory_space<vmem_shared>>
        %dma_start3A_68 = arith.constant 0 : i32
        %dma_start3A_69 = arith.constant 0 : i32
        %dma_start3A_70 = tpu.memref_slice %arg8[%dma_start3A_68, %dma_start3A_69] : memref<200x128xf32, #tpu.memory_space<vmem>> -> memref<24x128xf32, #tpu.memory_space<vmem>>
        %dma_start3A_71 = arith.constant 0 : i32
        %dma_start3A_72 = tpu.memref_slice %arg9[%add3A_58, %dma_start3A_71] : memref<10000x128xf32, #tpu.memory_space<vmem_shared>> -> memref<24x128xf32, #tpu.memory_space<vmem_shared>>
        tpu.enqueue_dma source(%dma_start3A_72 : memref<24x128xf32, #tpu.memory_space<vmem_shared>>) target(%dma_start3A_70 : memref<24x128xf32, #tpu.memory_space<vmem>>) target_semaphore(%run_scoped3A : memref<!tpu.dma_semaphore, #tpu.memory_space<semaphore_mem>>)
        %dma_wait3A = arith.constant 0 : i32
        %dma_wait3A_73 = arith.constant 0 : i32
        %dma_wait3A_74 = tpu.memref_slice %arg8[%dma_wait3A, %dma_wait3A_73] : memref<200x128xf32, #tpu.memory_space<vmem>> -> memref<24x128xf32, #tpu.memory_space<vmem>>
        %dma_wait3A_75 = arith.constant 0 : i32
        %dma_wait3A_76 = tpu.memref_slice %arg9[%add3A_58, %dma_wait3A_75] : memref<10000x128xf32, #tpu.memory_space<vmem_shared>> -> memref<24x128xf32, #tpu.memory_space<vmem_shared>>
        %dma_wait3A_77 = arith.constant 0 : i32
        %dma_wait3A_78 = arith.constant 0 : i32
        %dma_wait3A_79 = tpu.memref_slice %arg8[%dma_wait3A_77, %dma_wait3A_78] : memref<200x128xf32, #tpu.memory_space<vmem>> -> memref<24x128xf32, #tpu.memory_space<vmem>>
        %dma_wait3A_80 = arith.constant 0 : i32
        %dma_wait3A_81 = tpu.memref_slice %arg9[%add3A_58, %dma_wait3A_80] : memref<10000x128xf32, #tpu.memory_space<vmem_shared>> -> memref<24x128xf32, #tpu.memory_space<vmem_shared>>
        tpu.wait_dma2 semaphore(%run_scoped3A : memref<!tpu.dma_semaphore, #tpu.memory_space<semaphore_mem>>) src(%dma_wait3A_81 : memref<24x128xf32, #tpu.memory_space<vmem_shared>>) dst(%dma_wait3A_79 : memref<24x128xf32, #tpu.memory_space<vmem>>)
        tpu.yield
      }) : () -> ()
      %mul3A_59 = arith.constant 10000 : i32
      %mul3A_60 = arith.muli %arg0, %mul3A_59 : i32
      %add3A_61 = arith.addi %mul3A_60, %mul3A_9 : i32
      %add3A_62 = arith.constant 600 : i32
      %add3A_63 = arith.addi %add3A_61, %add3A_62 : i32
      "tpu.region"() ({
        %run_scoped3A = tpu.sem_alloc : memref<!tpu.dma_semaphore, #tpu.memory_space<semaphore_mem>>
        %dma_start3A = arith.constant 0 : i32
        %dma_start3A_64 = arith.constant 0 : i32
        %dma_start3A_65 = tpu.memref_slice %arg8[%dma_start3A, %dma_start3A_64] : memref<200x128xf32, #tpu.memory_space<vmem>> -> memref<24x128xf32, #tpu.memory_space<vmem>>
        %dma_start3A_66 = arith.constant 0 : i32
        %dma_start3A_67 = tpu.memref_slice %arg5[%add3A_63, %dma_start3A_66] : memref<20000x128xf32, #tpu.memory_space<hbm>> -> memref<24x128xf32, #tpu.memory_space<hbm>>
        %dma_start3A_68 = arith.constant 0 : i32
        %dma_start3A_69 = tpu.memref_slice %arg5[%add3A_63, %dma_start3A_68] : memref<20000x128xf32, #tpu.memory_space<hbm>> -> memref<24x128xf32, #tpu.memory_space<hbm>>
        %dma_start3A_70 = arith.constant 0 : i32
        %dma_start3A_71 = arith.constant 0 : i32
        %dma_start3A_72 = tpu.memref_slice %arg8[%dma_start3A_70, %dma_start3A_71] : memref<200x128xf32, #tpu.memory_space<vmem>> -> memref<24x128xf32, #tpu.memory_space<vmem>>
        tpu.enqueue_dma source(%dma_start3A_72 : memref<24x128xf32, #tpu.memory_space<vmem>>) target(%dma_start3A_69 : memref<24x128xf32, #tpu.memory_space<hbm>>) target_semaphore(%run_scoped3A : memref<!tpu.dma_semaphore, #tpu.memory_space<semaphore_mem>>)
        %dma_wait3A = arith.constant 0 : i32
        %dma_wait3A_73 = arith.constant 0 : i32
        %dma_wait3A_74 = tpu.memref_slice %arg8[%dma_wait3A, %dma_wait3A_73] : memref<200x128xf32, #tpu.memory_space<vmem>> -> memref<24x128xf32, #tpu.memory_space<vmem>>
        %dma_wait3A_75 = arith.constant 0 : i32
        %dma_wait3A_76 = tpu.memref_slice %arg5[%add3A_63, %dma_wait3A_75] : memref<20000x128xf32, #tpu.memory_space<hbm>> -> memref<24x128xf32, #tpu.memory_space<hbm>>
        %dma_wait3A_77 = arith.constant 0 : i32
        %dma_wait3A_78 = tpu.memref_slice %arg5[%add3A_63, %dma_wait3A_77] : memref<20000x128xf32, #tpu.memory_space<hbm>> -> memref<24x128xf32, #tpu.memory_space<hbm>>
        %dma_wait3A_79 = arith.constant 0 : i32
        %dma_wait3A_80 = arith.constant 0 : i32
        %dma_wait3A_81 = tpu.memref_slice %arg8[%dma_wait3A_79, %dma_wait3A_80] : memref<200x128xf32, #tpu.memory_space<vmem>> -> memref<24x128xf32, #tpu.memory_space<vmem>>
        tpu.wait_dma2 semaphore(%run_scoped3A : memref<!tpu.dma_semaphore, #tpu.memory_space<semaphore_mem>>) src(%dma_wait3A_81 : memref<24x128xf32, #tpu.memory_space<vmem>>) dst(%dma_wait3A_78 : memref<24x128xf32, #tpu.memory_space<hbm>>)
        tpu.yield
      }) : () -> ()
    } else {
    }
    %eq3A_31 = arith.constant 15 : i32
    %eq3A_32 = arith.cmpi eq, %arg1, %eq3A_31 : i32
    %convert_element_type3A_33 = arith.extui %eq3A_32 : i1 to i32
    %cond3A_34 = arith.constant 0 : i32
    %cond3A_35 = arith.cmpi ne, %convert_element_type3A_33, %cond3A_34 : i32
    scf.if %cond3A_35 {
      "tpu.region"() ({
        %run_scoped3A = tpu.sem_alloc : memref<!tpu.dma_semaphore, #tpu.memory_space<semaphore_mem>>
        %dma_start3A = arith.constant 0 : i32
        %dma_start3A_60 = arith.constant 0 : i32
        %dma_start3A_61 = tpu.memref_slice %arg8[%dma_start3A, %dma_start3A_60] : memref<200x128xf32, #tpu.memory_space<vmem>> -> memref<200x128xf32, #tpu.memory_space<vmem>>
        %dma_start3A_62 = arith.constant 9360 : i32
        %dma_start3A_63 = arith.constant 0 : i32
        %dma_start3A_64 = tpu.memref_slice %arg9[%dma_start3A_62, %dma_start3A_63] : memref<10000x128xf32, #tpu.memory_space<vmem_shared>> -> memref<200x128xf32, #tpu.memory_space<vmem_shared>>
        %dma_start3A_65 = arith.constant 0 : i32
        %dma_start3A_66 = arith.constant 0 : i32
        %dma_start3A_67 = tpu.memref_slice %arg8[%dma_start3A_65, %dma_start3A_66] : memref<200x128xf32, #tpu.memory_space<vmem>> -> memref<200x128xf32, #tpu.memory_space<vmem>>
        %dma_start3A_68 = arith.constant 9360 : i32
        %dma_start3A_69 = arith.constant 0 : i32
        %dma_start3A_70 = tpu.memref_slice %arg9[%dma_start3A_68, %dma_start3A_69] : memref<10000x128xf32, #tpu.memory_space<vmem_shared>> -> memref<200x128xf32, #tpu.memory_space<vmem_shared>>
        tpu.enqueue_dma source(%dma_start3A_70 : memref<200x128xf32, #tpu.memory_space<vmem_shared>>) target(%dma_start3A_67 : memref<200x128xf32, #tpu.memory_space<vmem>>) target_semaphore(%run_scoped3A : memref<!tpu.dma_semaphore, #tpu.memory_space<semaphore_mem>>)
        %dma_wait3A = arith.constant 0 : i32
        %dma_wait3A_71 = arith.constant 0 : i32
        %dma_wait3A_72 = tpu.memref_slice %arg8[%dma_wait3A, %dma_wait3A_71] : memref<200x128xf32, #tpu.memory_space<vmem>> -> memref<200x128xf32, #tpu.memory_space<vmem>>
        %dma_wait3A_73 = arith.constant 9360 : i32
        %dma_wait3A_74 = arith.constant 0 : i32
        %dma_wait3A_75 = tpu.memref_slice %arg9[%dma_wait3A_73, %dma_wait3A_74] : memref<10000x128xf32, #tpu.memory_space<vmem_shared>> -> memref<200x128xf32, #tpu.memory_space<vmem_shared>>
        %dma_wait3A_76 = arith.constant 0 : i32
        %dma_wait3A_77 = arith.constant 0 : i32
        %dma_wait3A_78 = tpu.memref_slice %arg8[%dma_wait3A_76, %dma_wait3A_77] : memref<200x128xf32, #tpu.memory_space<vmem>> -> memref<200x128xf32, #tpu.memory_space<vmem>>
        %dma_wait3A_79 = arith.constant 9360 : i32
        %dma_wait3A_80 = arith.constant 0 : i32
        %dma_wait3A_81 = tpu.memref_slice %arg9[%dma_wait3A_79, %dma_wait3A_80] : memref<10000x128xf32, #tpu.memory_space<vmem_shared>> -> memref<200x128xf32, #tpu.memory_space<vmem_shared>>
        tpu.wait_dma2 semaphore(%run_scoped3A : memref<!tpu.dma_semaphore, #tpu.memory_space<semaphore_mem>>) src(%dma_wait3A_81 : memref<200x128xf32, #tpu.memory_space<vmem_shared>>) dst(%dma_wait3A_78 : memref<200x128xf32, #tpu.memory_space<vmem>>)
        tpu.yield
      }) : () -> ()
      %mul3A_36 = arith.constant 10000 : i32
      %mul3A_37 = arith.muli %arg0, %mul3A_36 : i32
      %add3A_38 = arith.constant 9360 : i32
      %add3A_39 = arith.addi %mul3A_37, %add3A_38 : i32
      %add3A_40 = arith.constant 0 : i32
      %add3A_41 = arith.addi %add3A_39, %add3A_40 : i32
      "tpu.region"() ({
        %run_scoped3A = tpu.sem_alloc : memref<!tpu.dma_semaphore, #tpu.memory_space<semaphore_mem>>
        %dma_start3A = arith.constant 0 : i32
        %dma_start3A_60 = arith.constant 0 : i32
        %dma_start3A_61 = tpu.memref_slice %arg8[%dma_start3A, %dma_start3A_60] : memref<200x128xf32, #tpu.memory_space<vmem>> -> memref<200x128xf32, #tpu.memory_space<vmem>>
        %dma_start3A_62 = arith.constant 0 : i32
        %dma_start3A_63 = tpu.memref_slice %arg5[%add3A_41, %dma_start3A_62] : memref<20000x128xf32, #tpu.memory_space<hbm>> -> memref<200x128xf32, #tpu.memory_space<hbm>>
        %dma_start3A_64 = arith.constant 0 : i32
        %dma_start3A_65 = tpu.memref_slice %arg5[%add3A_41, %dma_start3A_64] : memref<20000x128xf32, #tpu.memory_space<hbm>> -> memref<200x128xf32, #tpu.memory_space<hbm>>
        %dma_start3A_66 = arith.constant 0 : i32
        %dma_start3A_67 = arith.constant 0 : i32
        %dma_start3A_68 = tpu.memref_slice %arg8[%dma_start3A_66, %dma_start3A_67] : memref<200x128xf32, #tpu.memory_space<vmem>> -> memref<200x128xf32, #tpu.memory_space<vmem>>
        tpu.enqueue_dma source(%dma_start3A_68 : memref<200x128xf32, #tpu.memory_space<vmem>>) target(%dma_start3A_65 : memref<200x128xf32, #tpu.memory_space<hbm>>) target_semaphore(%run_scoped3A : memref<!tpu.dma_semaphore, #tpu.memory_space<semaphore_mem>>)
        %dma_wait3A = arith.constant 0 : i32
        %dma_wait3A_69 = arith.constant 0 : i32
        %dma_wait3A_70 = tpu.memref_slice %arg8[%dma_wait3A, %dma_wait3A_69] : memref<200x128xf32, #tpu.memory_space<vmem>> -> memref<200x128xf32, #tpu.memory_space<vmem>>
        %dma_wait3A_71 = arith.constant 0 : i32
        %dma_wait3A_72 = tpu.memref_slice %arg5[%add3A_41, %dma_wait3A_71] : memref<20000x128xf32, #tpu.memory_space<hbm>> -> memref<200x128xf32, #tpu.memory_space<hbm>>
        %dma_wait3A_73 = arith.constant 0 : i32
        %dma_wait3A_74 = tpu.memref_slice %arg5[%add3A_41, %dma_wait3A_73] : memref<20000x128xf32, #tpu.memory_space<hbm>> -> memref<200x128xf32, #tpu.memory_space<hbm>>
        %dma_wait3A_75 = arith.constant 0 : i32
        %dma_wait3A_76 = arith.constant 0 : i32
        %dma_wait3A_77 = tpu.memref_slice %arg8[%dma_wait3A_75, %dma_wait3A_76] : memref<200x128xf32, #tpu.memory_space<vmem>> -> memref<200x128xf32, #tpu.memory_space<vmem>>
        tpu.wait_dma2 semaphore(%run_scoped3A : memref<!tpu.dma_semaphore, #tpu.memory_space<semaphore_mem>>) src(%dma_wait3A_77 : memref<200x128xf32, #tpu.memory_space<vmem>>) dst(%dma_wait3A_74 : memref<200x128xf32, #tpu.memory_space<hbm>>)
        tpu.yield
      }) : () -> ()
      "tpu.region"() ({
        %run_scoped3A = tpu.sem_alloc : memref<!tpu.dma_semaphore, #tpu.memory_space<semaphore_mem>>
        %dma_start3A = arith.constant 0 : i32
        %dma_start3A_60 = arith.constant 0 : i32
        %dma_start3A_61 = tpu.memref_slice %arg8[%dma_start3A, %dma_start3A_60] : memref<200x128xf32, #tpu.memory_space<vmem>> -> memref<200x128xf32, #tpu.memory_space<vmem>>
        %dma_start3A_62 = arith.constant 9560 : i32
        %dma_start3A_63 = arith.constant 0 : i32
        %dma_start3A_64 = tpu.memref_slice %arg9[%dma_start3A_62, %dma_start3A_63] : memref<10000x128xf32, #tpu.memory_space<vmem_shared>> -> memref<200x128xf32, #tpu.memory_space<vmem_shared>>
        %dma_start3A_65 = arith.constant 0 : i32
        %dma_start3A_66 = arith.constant 0 : i32
        %dma_start3A_67 = tpu.memref_slice %arg8[%dma_start3A_65, %dma_start3A_66] : memref<200x128xf32, #tpu.memory_space<vmem>> -> memref<200x128xf32, #tpu.memory_space<vmem>>
        %dma_start3A_68 = arith.constant 9560 : i32
        %dma_start3A_69 = arith.constant 0 : i32
        %dma_start3A_70 = tpu.memref_slice %arg9[%dma_start3A_68, %dma_start3A_69] : memref<10000x128xf32, #tpu.memory_space<vmem_shared>> -> memref<200x128xf32, #tpu.memory_space<vmem_shared>>
        tpu.enqueue_dma source(%dma_start3A_70 : memref<200x128xf32, #tpu.memory_space<vmem_shared>>) target(%dma_start3A_67 : memref<200x128xf32, #tpu.memory_space<vmem>>) target_semaphore(%run_scoped3A : memref<!tpu.dma_semaphore, #tpu.memory_space<semaphore_mem>>)
        %dma_wait3A = arith.constant 0 : i32
        %dma_wait3A_71 = arith.constant 0 : i32
        %dma_wait3A_72 = tpu.memref_slice %arg8[%dma_wait3A, %dma_wait3A_71] : memref<200x128xf32, #tpu.memory_space<vmem>> -> memref<200x128xf32, #tpu.memory_space<vmem>>
        %dma_wait3A_73 = arith.constant 9560 : i32
        %dma_wait3A_74 = arith.constant 0 : i32
        %dma_wait3A_75 = tpu.memref_slice %arg9[%dma_wait3A_73, %dma_wait3A_74] : memref<10000x128xf32, #tpu.memory_space<vmem_shared>> -> memref<200x128xf32, #tpu.memory_space<vmem_shared>>
        %dma_wait3A_76 = arith.constant 0 : i32
        %dma_wait3A_77 = arith.constant 0 : i32
        %dma_wait3A_78 = tpu.memref_slice %arg8[%dma_wait3A_76, %dma_wait3A_77] : memref<200x128xf32, #tpu.memory_space<vmem>> -> memref<200x128xf32, #tpu.memory_space<vmem>>
        %dma_wait3A_79 = arith.constant 9560 : i32
        %dma_wait3A_80 = arith.constant 0 : i32
        %dma_wait3A_81 = tpu.memref_slice %arg9[%dma_wait3A_79, %dma_wait3A_80] : memref<10000x128xf32, #tpu.memory_space<vmem_shared>> -> memref<200x128xf32, #tpu.memory_space<vmem_shared>>
        tpu.wait_dma2 semaphore(%run_scoped3A : memref<!tpu.dma_semaphore, #tpu.memory_space<semaphore_mem>>) src(%dma_wait3A_81 : memref<200x128xf32, #tpu.memory_space<vmem_shared>>) dst(%dma_wait3A_78 : memref<200x128xf32, #tpu.memory_space<vmem>>)
        tpu.yield
      }) : () -> ()
      %mul3A_42 = arith.constant 10000 : i32
      %mul3A_43 = arith.muli %arg0, %mul3A_42 : i32
      %add3A_44 = arith.constant 9360 : i32
      %add3A_45 = arith.addi %mul3A_43, %add3A_44 : i32
      %add3A_46 = arith.constant 200 : i32
      %add3A_47 = arith.addi %add3A_45, %add3A_46 : i32
      "tpu.region"() ({
        %run_scoped3A = tpu.sem_alloc : memref<!tpu.dma_semaphore, #tpu.memory_space<semaphore_mem>>
        %dma_start3A = arith.constant 0 : i32
        %dma_start3A_60 = arith.constant 0 : i32
        %dma_start3A_61 = tpu.memref_slice %arg8[%dma_start3A, %dma_start3A_60] : memref<200x128xf32, #tpu.memory_space<vmem>> -> memref<200x128xf32, #tpu.memory_space<vmem>>
        %dma_start3A_62 = arith.constant 0 : i32
        %dma_start3A_63 = tpu.memref_slice %arg5[%add3A_47, %dma_start3A_62] : memref<20000x128xf32, #tpu.memory_space<hbm>> -> memref<200x128xf32, #tpu.memory_space<hbm>>
        %dma_start3A_64 = arith.constant 0 : i32
        %dma_start3A_65 = tpu.memref_slice %arg5[%add3A_47, %dma_start3A_64] : memref<20000x128xf32, #tpu.memory_space<hbm>> -> memref<200x128xf32, #tpu.memory_space<hbm>>
        %dma_start3A_66 = arith.constant 0 : i32
        %dma_start3A_67 = arith.constant 0 : i32
        %dma_start3A_68 = tpu.memref_slice %arg8[%dma_start3A_66, %dma_start3A_67] : memref<200x128xf32, #tpu.memory_space<vmem>> -> memref<200x128xf32, #tpu.memory_space<vmem>>
        tpu.enqueue_dma source(%dma_start3A_68 : memref<200x128xf32, #tpu.memory_space<vmem>>) target(%dma_start3A_65 : memref<200x128xf32, #tpu.memory_space<hbm>>) target_semaphore(%run_scoped3A : memref<!tpu.dma_semaphore, #tpu.memory_space<semaphore_mem>>)
        %dma_wait3A = arith.constant 0 : i32
        %dma_wait3A_69 = arith.constant 0 : i32
        %dma_wait3A_70 = tpu.memref_slice %arg8[%dma_wait3A, %dma_wait3A_69] : memref<200x128xf32, #tpu.memory_space<vmem>> -> memref<200x128xf32, #tpu.memory_space<vmem>>
        %dma_wait3A_71 = arith.constant 0 : i32
        %dma_wait3A_72 = tpu.memref_slice %arg5[%add3A_47, %dma_wait3A_71] : memref<20000x128xf32, #tpu.memory_space<hbm>> -> memref<200x128xf32, #tpu.memory_space<hbm>>
        %dma_wait3A_73 = arith.constant 0 : i32
        %dma_wait3A_74 = tpu.memref_slice %arg5[%add3A_47, %dma_wait3A_73] : memref<20000x128xf32, #tpu.memory_space<hbm>> -> memref<200x128xf32, #tpu.memory_space<hbm>>
        %dma_wait3A_75 = arith.constant 0 : i32
        %dma_wait3A_76 = arith.constant 0 : i32
        %dma_wait3A_77 = tpu.memref_slice %arg8[%dma_wait3A_75, %dma_wait3A_76] : memref<200x128xf32, #tpu.memory_space<vmem>> -> memref<200x128xf32, #tpu.memory_space<vmem>>
        tpu.wait_dma2 semaphore(%run_scoped3A : memref<!tpu.dma_semaphore, #tpu.memory_space<semaphore_mem>>) src(%dma_wait3A_77 : memref<200x128xf32, #tpu.memory_space<vmem>>) dst(%dma_wait3A_74 : memref<200x128xf32, #tpu.memory_space<hbm>>)
        tpu.yield
      }) : () -> ()
      "tpu.region"() ({
        %run_scoped3A = tpu.sem_alloc : memref<!tpu.dma_semaphore, #tpu.memory_space<semaphore_mem>>
        %dma_start3A = arith.constant 0 : i32
        %dma_start3A_60 = arith.constant 0 : i32
        %dma_start3A_61 = tpu.memref_slice %arg8[%dma_start3A, %dma_start3A_60] : memref<200x128xf32, #tpu.memory_space<vmem>> -> memref<200x128xf32, #tpu.memory_space<vmem>>
        %dma_start3A_62 = arith.constant 9760 : i32
        %dma_start3A_63 = arith.constant 0 : i32
        %dma_start3A_64 = tpu.memref_slice %arg9[%dma_start3A_62, %dma_start3A_63] : memref<10000x128xf32, #tpu.memory_space<vmem_shared>> -> memref<200x128xf32, #tpu.memory_space<vmem_shared>>
        %dma_start3A_65 = arith.constant 0 : i32
        %dma_start3A_66 = arith.constant 0 : i32
        %dma_start3A_67 = tpu.memref_slice %arg8[%dma_start3A_65, %dma_start3A_66] : memref<200x128xf32, #tpu.memory_space<vmem>> -> memref<200x128xf32, #tpu.memory_space<vmem>>
        %dma_start3A_68 = arith.constant 9760 : i32
        %dma_start3A_69 = arith.constant 0 : i32
        %dma_start3A_70 = tpu.memref_slice %arg9[%dma_start3A_68, %dma_start3A_69] : memref<10000x128xf32, #tpu.memory_space<vmem_shared>> -> memref<200x128xf32, #tpu.memory_space<vmem_shared>>
        tpu.enqueue_dma source(%dma_start3A_70 : memref<200x128xf32, #tpu.memory_space<vmem_shared>>) target(%dma_start3A_67 : memref<200x128xf32, #tpu.memory_space<vmem>>) target_semaphore(%run_scoped3A : memref<!tpu.dma_semaphore, #tpu.memory_space<semaphore_mem>>)
        %dma_wait3A = arith.constant 0 : i32
        %dma_wait3A_71 = arith.constant 0 : i32
        %dma_wait3A_72 = tpu.memref_slice %arg8[%dma_wait3A, %dma_wait3A_71] : memref<200x128xf32, #tpu.memory_space<vmem>> -> memref<200x128xf32, #tpu.memory_space<vmem>>
        %dma_wait3A_73 = arith.constant 9760 : i32
        %dma_wait3A_74 = arith.constant 0 : i32
        %dma_wait3A_75 = tpu.memref_slice %arg9[%dma_wait3A_73, %dma_wait3A_74] : memref<10000x128xf32, #tpu.memory_space<vmem_shared>> -> memref<200x128xf32, #tpu.memory_space<vmem_shared>>
        %dma_wait3A_76 = arith.constant 0 : i32
        %dma_wait3A_77 = arith.constant 0 : i32
        %dma_wait3A_78 = tpu.memref_slice %arg8[%dma_wait3A_76, %dma_wait3A_77] : memref<200x128xf32, #tpu.memory_space<vmem>> -> memref<200x128xf32, #tpu.memory_space<vmem>>
        %dma_wait3A_79 = arith.constant 9760 : i32
        %dma_wait3A_80 = arith.constant 0 : i32
        %dma_wait3A_81 = tpu.memref_slice %arg9[%dma_wait3A_79, %dma_wait3A_80] : memref<10000x128xf32, #tpu.memory_space<vmem_shared>> -> memref<200x128xf32, #tpu.memory_space<vmem_shared>>
        tpu.wait_dma2 semaphore(%run_scoped3A : memref<!tpu.dma_semaphore, #tpu.memory_space<semaphore_mem>>) src(%dma_wait3A_81 : memref<200x128xf32, #tpu.memory_space<vmem_shared>>) dst(%dma_wait3A_78 : memref<200x128xf32, #tpu.memory_space<vmem>>)
        tpu.yield
      }) : () -> ()
      %mul3A_48 = arith.constant 10000 : i32
      %mul3A_49 = arith.muli %arg0, %mul3A_48 : i32
      %add3A_50 = arith.constant 9360 : i32
      %add3A_51 = arith.addi %mul3A_49, %add3A_50 : i32
      %add3A_52 = arith.constant 400 : i32
      %add3A_53 = arith.addi %add3A_51, %add3A_52 : i32
      "tpu.region"() ({
        %run_scoped3A = tpu.sem_alloc : memref<!tpu.dma_semaphore, #tpu.memory_space<semaphore_mem>>
        %dma_start3A = arith.constant 0 : i32
        %dma_start3A_60 = arith.constant 0 : i32
        %dma_start3A_61 = tpu.memref_slice %arg8[%dma_start3A, %dma_start3A_60] : memref<200x128xf32, #tpu.memory_space<vmem>> -> memref<200x128xf32, #tpu.memory_space<vmem>>
        %dma_start3A_62 = arith.constant 0 : i32
        %dma_start3A_63 = tpu.memref_slice %arg5[%add3A_53, %dma_start3A_62] : memref<20000x128xf32, #tpu.memory_space<hbm>> -> memref<200x128xf32, #tpu.memory_space<hbm>>
        %dma_start3A_64 = arith.constant 0 : i32
        %dma_start3A_65 = tpu.memref_slice %arg5[%add3A_53, %dma_start3A_64] : memref<20000x128xf32, #tpu.memory_space<hbm>> -> memref<200x128xf32, #tpu.memory_space<hbm>>
        %dma_start3A_66 = arith.constant 0 : i32
        %dma_start3A_67 = arith.constant 0 : i32
        %dma_start3A_68 = tpu.memref_slice %arg8[%dma_start3A_66, %dma_start3A_67] : memref<200x128xf32, #tpu.memory_space<vmem>> -> memref<200x128xf32, #tpu.memory_space<vmem>>
        tpu.enqueue_dma source(%dma_start3A_68 : memref<200x128xf32, #tpu.memory_space<vmem>>) target(%dma_start3A_65 : memref<200x128xf32, #tpu.memory_space<hbm>>) target_semaphore(%run_scoped3A : memref<!tpu.dma_semaphore, #tpu.memory_space<semaphore_mem>>)
        %dma_wait3A = arith.constant 0 : i32
        %dma_wait3A_69 = arith.constant 0 : i32
        %dma_wait3A_70 = tpu.memref_slice %arg8[%dma_wait3A, %dma_wait3A_69] : memref<200x128xf32, #tpu.memory_space<vmem>> -> memref<200x128xf32, #tpu.memory_space<vmem>>
        %dma_wait3A_71 = arith.constant 0 : i32
        %dma_wait3A_72 = tpu.memref_slice %arg5[%add3A_53, %dma_wait3A_71] : memref<20000x128xf32, #tpu.memory_space<hbm>> -> memref<200x128xf32, #tpu.memory_space<hbm>>
        %dma_wait3A_73 = arith.constant 0 : i32
        %dma_wait3A_74 = tpu.memref_slice %arg5[%add3A_53, %dma_wait3A_73] : memref<20000x128xf32, #tpu.memory_space<hbm>> -> memref<200x128xf32, #tpu.memory_space<hbm>>
        %dma_wait3A_75 = arith.constant 0 : i32
        %dma_wait3A_76 = arith.constant 0 : i32
        %dma_wait3A_77 = tpu.memref_slice %arg8[%dma_wait3A_75, %dma_wait3A_76] : memref<200x128xf32, #tpu.memory_space<vmem>> -> memref<200x128xf32, #tpu.memory_space<vmem>>
        tpu.wait_dma2 semaphore(%run_scoped3A : memref<!tpu.dma_semaphore, #tpu.memory_space<semaphore_mem>>) src(%dma_wait3A_77 : memref<200x128xf32, #tpu.memory_space<vmem>>) dst(%dma_wait3A_74 : memref<200x128xf32, #tpu.memory_space<hbm>>)
        tpu.yield
      }) : () -> ()
      "tpu.region"() ({
        %run_scoped3A = tpu.sem_alloc : memref<!tpu.dma_semaphore, #tpu.memory_space<semaphore_mem>>
        %dma_start3A = arith.constant 0 : i32
        %dma_start3A_60 = arith.constant 0 : i32
        %dma_start3A_61 = tpu.memref_slice %arg8[%dma_start3A, %dma_start3A_60] : memref<200x128xf32, #tpu.memory_space<vmem>> -> memref<40x128xf32, #tpu.memory_space<vmem>>
        %dma_start3A_62 = arith.constant 9960 : i32
        %dma_start3A_63 = arith.constant 0 : i32
        %dma_start3A_64 = tpu.memref_slice %arg9[%dma_start3A_62, %dma_start3A_63] : memref<10000x128xf32, #tpu.memory_space<vmem_shared>> -> memref<40x128xf32, #tpu.memory_space<vmem_shared>>
        %dma_start3A_65 = arith.constant 0 : i32
        %dma_start3A_66 = arith.constant 0 : i32
        %dma_start3A_67 = tpu.memref_slice %arg8[%dma_start3A_65, %dma_start3A_66] : memref<200x128xf32, #tpu.memory_space<vmem>> -> memref<40x128xf32, #tpu.memory_space<vmem>>
        %dma_start3A_68 = arith.constant 9960 : i32
        %dma_start3A_69 = arith.constant 0 : i32
        %dma_start3A_70 = tpu.memref_slice %arg9[%dma_start3A_68, %dma_start3A_69] : memref<10000x128xf32, #tpu.memory_space<vmem_shared>> -> memref<40x128xf32, #tpu.memory_space<vmem_shared>>
        tpu.enqueue_dma source(%dma_start3A_70 : memref<40x128xf32, #tpu.memory_space<vmem_shared>>) target(%dma_start3A_67 : memref<40x128xf32, #tpu.memory_space<vmem>>) target_semaphore(%run_scoped3A : memref<!tpu.dma_semaphore, #tpu.memory_space<semaphore_mem>>)
        %dma_wait3A = arith.constant 0 : i32
        %dma_wait3A_71 = arith.constant 0 : i32
        %dma_wait3A_72 = tpu.memref_slice %arg8[%dma_wait3A, %dma_wait3A_71] : memref<200x128xf32, #tpu.memory_space<vmem>> -> memref<40x128xf32, #tpu.memory_space<vmem>>
        %dma_wait3A_73 = arith.constant 9960 : i32
        %dma_wait3A_74 = arith.constant 0 : i32
        %dma_wait3A_75 = tpu.memref_slice %arg9[%dma_wait3A_73, %dma_wait3A_74] : memref<10000x128xf32, #tpu.memory_space<vmem_shared>> -> memref<40x128xf32, #tpu.memory_space<vmem_shared>>
        %dma_wait3A_76 = arith.constant 0 : i32
        %dma_wait3A_77 = arith.constant 0 : i32
        %dma_wait3A_78 = tpu.memref_slice %arg8[%dma_wait3A_76, %dma_wait3A_77] : memref<200x128xf32, #tpu.memory_space<vmem>> -> memref<40x128xf32, #tpu.memory_space<vmem>>
        %dma_wait3A_79 = arith.constant 9960 : i32
        %dma_wait3A_80 = arith.constant 0 : i32
        %dma_wait3A_81 = tpu.memref_slice %arg9[%dma_wait3A_79, %dma_wait3A_80] : memref<10000x128xf32, #tpu.memory_space<vmem_shared>> -> memref<40x128xf32, #tpu.memory_space<vmem_shared>>
        tpu.wait_dma2 semaphore(%run_scoped3A : memref<!tpu.dma_semaphore, #tpu.memory_space<semaphore_mem>>) src(%dma_wait3A_81 : memref<40x128xf32, #tpu.memory_space<vmem_shared>>) dst(%dma_wait3A_78 : memref<40x128xf32, #tpu.memory_space<vmem>>)
        tpu.yield
      }) : () -> ()
      %mul3A_54 = arith.constant 10000 : i32
      %mul3A_55 = arith.muli %arg0, %mul3A_54 : i32
      %add3A_56 = arith.constant 9360 : i32
      %add3A_57 = arith.addi %mul3A_55, %add3A_56 : i32
      %add3A_58 = arith.constant 600 : i32
      %add3A_59 = arith.addi %add3A_57, %add3A_58 : i32
      "tpu.region"() ({
        %run_scoped3A = tpu.sem_alloc : memref<!tpu.dma_semaphore, #tpu.memory_space<semaphore_mem>>
        %dma_start3A = arith.constant 0 : i32
        %dma_start3A_60 = arith.constant 0 : i32
        %dma_start3A_61 = tpu.memref_slice %arg8[%dma_start3A, %dma_start3A_60] : memref<200x128xf32, #tpu.memory_space<vmem>> -> memref<40x128xf32, #tpu.memory_space<vmem>>
        %dma_start3A_62 = arith.constant 0 : i32
        %dma_start3A_63 = tpu.memref_slice %arg5[%add3A_59, %dma_start3A_62] : memref<20000x128xf32, #tpu.memory_space<hbm>> -> memref<40x128xf32, #tpu.memory_space<hbm>>
        %dma_start3A_64 = arith.constant 0 : i32
        %dma_start3A_65 = tpu.memref_slice %arg5[%add3A_59, %dma_start3A_64] : memref<20000x128xf32, #tpu.memory_space<hbm>> -> memref<40x128xf32, #tpu.memory_space<hbm>>
        %dma_start3A_66 = arith.constant 0 : i32
        %dma_start3A_67 = arith.constant 0 : i32
        %dma_start3A_68 = tpu.memref_slice %arg8[%dma_start3A_66, %dma_start3A_67] : memref<200x128xf32, #tpu.memory_space<vmem>> -> memref<40x128xf32, #tpu.memory_space<vmem>>
        tpu.enqueue_dma source(%dma_start3A_68 : memref<40x128xf32, #tpu.memory_space<vmem>>) target(%dma_start3A_65 : memref<40x128xf32, #tpu.memory_space<hbm>>) target_semaphore(%run_scoped3A : memref<!tpu.dma_semaphore, #tpu.memory_space<semaphore_mem>>)
        %dma_wait3A = arith.constant 0 : i32
        %dma_wait3A_69 = arith.constant 0 : i32
        %dma_wait3A_70 = tpu.memref_slice %arg8[%dma_wait3A, %dma_wait3A_69] : memref<200x128xf32, #tpu.memory_space<vmem>> -> memref<40x128xf32, #tpu.memory_space<vmem>>
        %dma_wait3A_71 = arith.constant 0 : i32
        %dma_wait3A_72 = tpu.memref_slice %arg5[%add3A_59, %dma_wait3A_71] : memref<20000x128xf32, #tpu.memory_space<hbm>> -> memref<40x128xf32, #tpu.memory_space<hbm>>
        %dma_wait3A_73 = arith.constant 0 : i32
        %dma_wait3A_74 = tpu.memref_slice %arg5[%add3A_59, %dma_wait3A_73] : memref<20000x128xf32, #tpu.memory_space<hbm>> -> memref<40x128xf32, #tpu.memory_space<hbm>>
        %dma_wait3A_75 = arith.constant 0 : i32
        %dma_wait3A_76 = arith.constant 0 : i32
        %dma_wait3A_77 = tpu.memref_slice %arg8[%dma_wait3A_75, %dma_wait3A_76] : memref<200x128xf32, #tpu.memory_space<vmem>> -> memref<40x128xf32, #tpu.memory_space<vmem>>
        tpu.wait_dma2 semaphore(%run_scoped3A : memref<!tpu.dma_semaphore, #tpu.memory_space<semaphore_mem>>) src(%dma_wait3A_77 : memref<40x128xf32, #tpu.memory_space<vmem>>) dst(%dma_wait3A_74 : memref<40x128xf32, #tpu.memory_space<hbm>>)
        tpu.yield
      }) : () -> ()
    } else {
    }
    return
  }
}

#map = affine_map<(d0, d1) -> (0, 0)>
#map1 = affine_map<(d0, d1) -> (0)>
module attributes {stable_mosaic.version = 14 : i64} {
  func.func @k(%arg0: i32, %arg1: i32, %arg2: memref<10000x128xf32, #tpu.memory_space<hbm>>, %arg3: memref<320000xi32, #tpu.memory_space<hbm>>, %arg4: memref<320000xi32, #tpu.memory_space<hbm>>, %arg5: memref<20000x128xf32, #tpu.memory_space<hbm>>, %arg6: memref<200xi32, #tpu.memory_space<vmem>>, %arg7: memref<200xi32, #tpu.memory_space<vmem>>, %arg8: memref<200x128xf32, #tpu.memory_space<vmem>>, %arg9: memref<10000x128xf32, #tpu.memory_space<vmem_shared>>, %arg10: memref<!tpu.dma_semaphore, #tpu.memory_space<semaphore_mem>>) attributes {dimension_semantics = [#tpu.dimension_semantics<core_parallel>, #tpu.dimension_semantics<subcore_parallel>], iteration_bounds = array<i64: 2, 16>, scalar_prefetch = 0 : i64, scratch_operands = 5 : i64, tpu.core_type = #tpu.core_type<sc_vector_subcore>, window_params = [{transform_indices = #map}, {transform_indices = #map1}, {transform_indices = #map1}, {transform_indices = #map}]} {
    %mul3A = arith.constant 16 : i32
    %mul3A_0 = arith.muli %arg0, %mul3A : i32
    %add3A = arith.addi %mul3A_0, %arg1 : i32
    %broadcast_in_dim3A = arith.constant 0.000000e+00 : f32
    %broadcast_in_dim3A_1 = vector.broadcast %broadcast_in_dim3A : f32 to vector<16xf32>
    %scan3A = arith.constant 0 : i32
    %scan3A_2 = arith.constant 0 : i32
    %scan3A_3 = arith.constant 200 : i32
    %scan3A_4 = arith.addi %scan3A_2, %scan3A_3 : i32
    %scan3A_5 = arith.constant 1 : i32
    %scan3A_6 = scf.for %scan3A_36 = %scan3A_2 to %scan3A_4 step %scan3A_5 iter_args(%scan3A_37 = %scan3A) -> (i32)  : i32 {
      %swap3A = arith.index_cast %scan3A_36 : i32 to index
      %swap3A_38 = arith.constant 0 : index
      %swap3A_39 = tpu.vector_load %arg8[%swap3A, %swap3A_38] {strides = array<i32>} : memref<200x128xf32, #tpu.memory_space<vmem>>, vector<1x16xf32>,
      %swap3A_40 = vector.shape_cast %swap3A_39 : vector<1x16xf32> to vector<16xf32>
      %swap3A_41 = vector.shape_cast %broadcast_in_dim3A_1 : vector<16xf32> to vector<1x16xf32>
      tpu.vector_store %arg8[%swap3A, %swap3A_38], %swap3A_41 {strides = array<i32>} : memref<200x128xf32, #tpu.memory_space<vmem>>, vector<1x16xf32>,
      %swap3A_42 = arith.index_cast %scan3A_36 : i32 to index
      %swap3A_43 = arith.constant 16 : index
      %swap3A_44 = tpu.vector_load %arg8[%swap3A_42, %swap3A_43] {strides = array<i32>} : memref<200x128xf32, #tpu.memory_space<vmem>>, vector<1x16xf32>,
      %swap3A_45 = vector.shape_cast %swap3A_44 : vector<1x16xf32> to vector<16xf32>
      %swap3A_46 = vector.shape_cast %broadcast_in_dim3A_1 : vector<16xf32> to vector<1x16xf32>
      tpu.vector_store %arg8[%swap3A_42, %swap3A_43], %swap3A_46 {strides = array<i32>} : memref<200x128xf32, #tpu.memory_space<vmem>>, vector<1x16xf32>,
      %swap3A_47 = arith.index_cast %scan3A_36 : i32 to index
      %swap3A_48 = arith.constant 32 : index
      %swap3A_49 = tpu.vector_load %arg8[%swap3A_47, %swap3A_48] {strides = array<i32>} : memref<200x128xf32, #tpu.memory_space<vmem>>, vector<1x16xf32>,
      %swap3A_50 = vector.shape_cast %swap3A_49 : vector<1x16xf32> to vector<16xf32>
      %swap3A_51 = vector.shape_cast %broadcast_in_dim3A_1 : vector<16xf32> to vector<1x16xf32>
      tpu.vector_store %arg8[%swap3A_47, %swap3A_48], %swap3A_51 {strides = array<i32>} : memref<200x128xf32, #tpu.memory_space<vmem>>, vector<1x16xf32>,
      %swap3A_52 = arith.index_cast %scan3A_36 : i32 to index
      %swap3A_53 = arith.constant 48 : index
      %swap3A_54 = tpu.vector_load %arg8[%swap3A_52, %swap3A_53] {strides = array<i32>} : memref<200x128xf32, #tpu.memory_space<vmem>>, vector<1x16xf32>,
      %swap3A_55 = vector.shape_cast %swap3A_54 : vector<1x16xf32> to vector<16xf32>
      %swap3A_56 = vector.shape_cast %broadcast_in_dim3A_1 : vector<16xf32> to vector<1x16xf32>
      tpu.vector_store %arg8[%swap3A_52, %swap3A_53], %swap3A_56 {strides = array<i32>} : memref<200x128xf32, #tpu.memory_space<vmem>>, vector<1x16xf32>,
      %swap3A_57 = arith.index_cast %scan3A_36 : i32 to index
      %swap3A_58 = arith.constant 64 : index
      %swap3A_59 = tpu.vector_load %arg8[%swap3A_57, %swap3A_58] {strides = array<i32>} : memref<200x128xf32, #tpu.memory_space<vmem>>, vector<1x16xf32>,
      %swap3A_60 = vector.shape_cast %swap3A_59 : vector<1x16xf32> to vector<16xf32>
      %swap3A_61 = vector.shape_cast %broadcast_in_dim3A_1 : vector<16xf32> to vector<1x16xf32>
      tpu.vector_store %arg8[%swap3A_57, %swap3A_58], %swap3A_61 {strides = array<i32>} : memref<200x128xf32, #tpu.memory_space<vmem>>, vector<1x16xf32>,
      %swap3A_62 = arith.index_cast %scan3A_36 : i32 to index
      %swap3A_63 = arith.constant 80 : index
      %swap3A_64 = tpu.vector_load %arg8[%swap3A_62, %swap3A_63] {strides = array<i32>} : memref<200x128xf32, #tpu.memory_space<vmem>>, vector<1x16xf32>,
      %swap3A_65 = vector.shape_cast %swap3A_64 : vector<1x16xf32> to vector<16xf32>
      %swap3A_66 = vector.shape_cast %broadcast_in_dim3A_1 : vector<16xf32> to vector<1x16xf32>
      tpu.vector_store %arg8[%swap3A_62, %swap3A_63], %swap3A_66 {strides = array<i32>} : memref<200x128xf32, #tpu.memory_space<vmem>>, vector<1x16xf32>,
      %swap3A_67 = arith.index_cast %scan3A_36 : i32 to index
      %swap3A_68 = arith.constant 96 : index
      %swap3A_69 = tpu.vector_load %arg8[%swap3A_67, %swap3A_68] {strides = array<i32>} : memref<200x128xf32, #tpu.memory_space<vmem>>, vector<1x16xf32>,
      %swap3A_70 = vector.shape_cast %swap3A_69 : vector<1x16xf32> to vector<16xf32>
      %swap3A_71 = vector.shape_cast %broadcast_in_dim3A_1 : vector<16xf32> to vector<1x16xf32>
      tpu.vector_store %arg8[%swap3A_67, %swap3A_68], %swap3A_71 {strides = array<i32>} : memref<200x128xf32, #tpu.memory_space<vmem>>, vector<1x16xf32>,
      %swap3A_72 = arith.index_cast %scan3A_36 : i32 to index
      %swap3A_73 = arith.constant 112 : index
      %swap3A_74 = tpu.vector_load %arg8[%swap3A_72, %swap3A_73] {strides = array<i32>} : memref<200x128xf32, #tpu.memory_space<vmem>>, vector<1x16xf32>,
      %swap3A_75 = vector.shape_cast %swap3A_74 : vector<1x16xf32> to vector<16xf32>
      %swap3A_76 = vector.shape_cast %broadcast_in_dim3A_1 : vector<16xf32> to vector<1x16xf32>
      tpu.vector_store %arg8[%swap3A_72, %swap3A_73], %swap3A_76 {strides = array<i32>} : memref<200x128xf32, #tpu.memory_space<vmem>>, vector<1x16xf32>,
      %scan3A_77 = arith.constant 0 : i32
      scf.yield %scan3A_77 : i32
    }
    %scan3A_7 = arith.constant 200 : i32
    %mul3A_8 = arith.constant 624 : i32
    %mul3A_9 = arith.muli %arg1, %mul3A_8 : i32
    %lt3A = arith.constant 15 : i32
    %lt3A_10 = arith.cmpi slt, %arg1, %lt3A : i32
    %convert_element_type3A = arith.extui %lt3A_10 : i1 to i32
    %cond3A = arith.constant 0 : i32
    %cond3A_11 = arith.cmpi ne, %convert_element_type3A, %cond3A : i32
    scf.if %cond3A_11 {
      %add3A_36 = arith.constant 0 : i32
      %add3A_37 = arith.addi %mul3A_9, %add3A_36 : i32
      "tpu.region"() ({
        %run_scoped3A = tpu.sem_alloc : memref<!tpu.dma_semaphore, #tpu.memory_space<semaphore_mem>>
        %dma_start3A = arith.constant 0 : i32
        %dma_start3A_44 = arith.constant 0 : i32
        %dma_start3A_45 = tpu.memref_slice %arg8[%dma_start3A, %dma_start3A_44] : memref<200x128xf32, #tpu.memory_space<vmem>> -> memref<200x128xf32, #tpu.memory_space<vmem>>
        %dma_start3A_46 = arith.constant 0 : i32
        %dma_start3A_47 = tpu.memref_slice %arg9[%add3A_37, %dma_start3A_46] : memref<10000x128xf32, #tpu.memory_space<vmem_shared>> -> memref<200x128xf32, #tpu.memory_space<vmem_shared>>
        %dma_start3A_48 = arith.constant 0 : i32
        %dma_start3A_49 = tpu.memref_slice %arg9[%add3A_37, %dma_start3A_48] : memref<10000x128xf32, #tpu.memory_space<vmem_shared>> -> memref<200x128xf32, #tpu.memory_space<vmem_shared>>
        %dma_start3A_50 = arith.constant 0 : i32
        %dma_start3A_51 = arith.constant 0 : i32
        %dma_start3A_52 = tpu.memref_slice %arg8[%dma_start3A_50, %dma_start3A_51] : memref<200x128xf32, #tpu.memory_space<vmem>> -> memref<200x128xf32, #tpu.memory_space<vmem>>
        tpu.enqueue_dma source(%dma_start3A_52 : memref<200x128xf32, #tpu.memory_space<vmem>>) target(%dma_start3A_49 : memref<200x128xf32, #tpu.memory_space<vmem_shared>>) target_semaphore(%run_scoped3A : memref<!tpu.dma_semaphore, #tpu.memory_space<semaphore_mem>>)
        %dma_wait3A = arith.constant 0 : i32
        %dma_wait3A_53 = arith.constant 0 : i32
        %dma_wait3A_54 = tpu.memref_slice %arg8[%dma_wait3A, %dma_wait3A_53] : memref<200x128xf32, #tpu.memory_space<vmem>> -> memref<200x128xf32, #tpu.memory_space<vmem>>
        %dma_wait3A_55 = arith.constant 0 : i32
        %dma_wait3A_56 = tpu.memref_slice %arg9[%add3A_37, %dma_wait3A_55] : memref<10000x128xf32, #tpu.memory_space<vmem_shared>> -> memref<200x128xf32, #tpu.memory_space<vmem_shared>>
        %dma_wait3A_57 = arith.constant 0 : i32
        %dma_wait3A_58 = tpu.memref_slice %arg9[%add3A_37, %dma_wait3A_57] : memref<10000x128xf32, #tpu.memory_space<vmem_shared>> -> memref<200x128xf32, #tpu.memory_space<vmem_shared>>
        %dma_wait3A_59 = arith.constant 0 : i32
        %dma_wait3A_60 = arith.constant 0 : i32
        %dma_wait3A_61 = tpu.memref_slice %arg8[%dma_wait3A_59, %dma_wait3A_60] : memref<200x128xf32, #tpu.memory_space<vmem>> -> memref<200x128xf32, #tpu.memory_space<vmem>>
        tpu.wait_dma2 semaphore(%run_scoped3A : memref<!tpu.dma_semaphore, #tpu.memory_space<semaphore_mem>>) src(%dma_wait3A_61 : memref<200x128xf32, #tpu.memory_space<vmem>>) dst(%dma_wait3A_58 : memref<200x128xf32, #tpu.memory_space<vmem_shared>>)
        tpu.yield
      }) : () -> ()
      %add3A_38 = arith.constant 200 : i32
      %add3A_39 = arith.addi %mul3A_9, %add3A_38 : i32
      "tpu.region"() ({
        %run_scoped3A = tpu.sem_alloc : memref<!tpu.dma_semaphore, #tpu.memory_space<semaphore_mem>>
        %dma_start3A = arith.constant 0 : i32
        %dma_start3A_44 = arith.constant 0 : i32
        %dma_start3A_45 = tpu.memref_slice %arg8[%dma_start3A, %dma_start3A_44] : memref<200x128xf32, #tpu.memory_space<vmem>> -> memref<200x128xf32, #tpu.memory_space<vmem>>
        %dma_start3A_46 = arith.constant 0 : i32
        %dma_start3A_47 = tpu.memref_slice %arg9[%add3A_39, %dma_start3A_46] : memref<10000x128xf32, #tpu.memory_space<vmem_shared>> -> memref<200x128xf32, #tpu.memory_space<vmem_shared>>
        %dma_start3A_48 = arith.constant 0 : i32
        %dma_start3A_49 = tpu.memref_slice %arg9[%add3A_39, %dma_start3A_48] : memref<10000x128xf32, #tpu.memory_space<vmem_shared>> -> memref<200x128xf32, #tpu.memory_space<vmem_shared>>
        %dma_start3A_50 = arith.constant 0 : i32
        %dma_start3A_51 = arith.constant 0 : i32
        %dma_start3A_52 = tpu.memref_slice %arg8[%dma_start3A_50, %dma_start3A_51] : memref<200x128xf32, #tpu.memory_space<vmem>> -> memref<200x128xf32, #tpu.memory_space<vmem>>
        tpu.enqueue_dma source(%dma_start3A_52 : memref<200x128xf32, #tpu.memory_space<vmem>>) target(%dma_start3A_49 : memref<200x128xf32, #tpu.memory_space<vmem_shared>>) target_semaphore(%run_scoped3A : memref<!tpu.dma_semaphore, #tpu.memory_space<semaphore_mem>>)
        %dma_wait3A = arith.constant 0 : i32
        %dma_wait3A_53 = arith.constant 0 : i32
        %dma_wait3A_54 = tpu.memref_slice %arg8[%dma_wait3A, %dma_wait3A_53] : memref<200x128xf32, #tpu.memory_space<vmem>> -> memref<200x128xf32, #tpu.memory_space<vmem>>
        %dma_wait3A_55 = arith.constant 0 : i32
        %dma_wait3A_56 = tpu.memref_slice %arg9[%add3A_39, %dma_wait3A_55] : memref<10000x128xf32, #tpu.memory_space<vmem_shared>> -> memref<200x128xf32, #tpu.memory_space<vmem_shared>>
        %dma_wait3A_57 = arith.constant 0 : i32
        %dma_wait3A_58 = tpu.memref_slice %arg9[%add3A_39, %dma_wait3A_57] : memref<10000x128xf32, #tpu.memory_space<vmem_shared>> -> memref<200x128xf32, #tpu.memory_space<vmem_shared>>
        %dma_wait3A_59 = arith.constant 0 : i32
        %dma_wait3A_60 = arith.constant 0 : i32
        %dma_wait3A_61 = tpu.memref_slice %arg8[%dma_wait3A_59, %dma_wait3A_60] : memref<200x128xf32, #tpu.memory_space<vmem>> -> memref<200x128xf32, #tpu.memory_space<vmem>>
        tpu.wait_dma2 semaphore(%run_scoped3A : memref<!tpu.dma_semaphore, #tpu.memory_space<semaphore_mem>>) src(%dma_wait3A_61 : memref<200x128xf32, #tpu.memory_space<vmem>>) dst(%dma_wait3A_58 : memref<200x128xf32, #tpu.memory_space<vmem_shared>>)
        tpu.yield
      }) : () -> ()
      %add3A_40 = arith.constant 400 : i32
      %add3A_41 = arith.addi %mul3A_9, %add3A_40 : i32
      "tpu.region"() ({
        %run_scoped3A = tpu.sem_alloc : memref<!tpu.dma_semaphore, #tpu.memory_space<semaphore_mem>>
        %dma_start3A = arith.constant 0 : i32
        %dma_start3A_44 = arith.constant 0 : i32
        %dma_start3A_45 = tpu.memref_slice %arg8[%dma_start3A, %dma_start3A_44] : memref<200x128xf32, #tpu.memory_space<vmem>> -> memref<200x128xf32, #tpu.memory_space<vmem>>
        %dma_start3A_46 = arith.constant 0 : i32
        %dma_start3A_47 = tpu.memref_slice %arg9[%add3A_41, %dma_start3A_46] : memref<10000x128xf32, #tpu.memory_space<vmem_shared>> -> memref<200x128xf32, #tpu.memory_space<vmem_shared>>
        %dma_start3A_48 = arith.constant 0 : i32
        %dma_start3A_49 = tpu.memref_slice %arg9[%add3A_41, %dma_start3A_48] : memref<10000x128xf32, #tpu.memory_space<vmem_shared>> -> memref<200x128xf32, #tpu.memory_space<vmem_shared>>
        %dma_start3A_50 = arith.constant 0 : i32
        %dma_start3A_51 = arith.constant 0 : i32
        %dma_start3A_52 = tpu.memref_slice %arg8[%dma_start3A_50, %dma_start3A_51] : memref<200x128xf32, #tpu.memory_space<vmem>> -> memref<200x128xf32, #tpu.memory_space<vmem>>
        tpu.enqueue_dma source(%dma_start3A_52 : memref<200x128xf32, #tpu.memory_space<vmem>>) target(%dma_start3A_49 : memref<200x128xf32, #tpu.memory_space<vmem_shared>>) target_semaphore(%run_scoped3A : memref<!tpu.dma_semaphore, #tpu.memory_space<semaphore_mem>>)
        %dma_wait3A = arith.constant 0 : i32
        %dma_wait3A_53 = arith.constant 0 : i32
        %dma_wait3A_54 = tpu.memref_slice %arg8[%dma_wait3A, %dma_wait3A_53] : memref<200x128xf32, #tpu.memory_space<vmem>> -> memref<200x128xf32, #tpu.memory_space<vmem>>
        %dma_wait3A_55 = arith.constant 0 : i32
        %dma_wait3A_56 = tpu.memref_slice %arg9[%add3A_41, %dma_wait3A_55] : memref<10000x128xf32, #tpu.memory_space<vmem_shared>> -> memref<200x128xf32, #tpu.memory_space<vmem_shared>>
        %dma_wait3A_57 = arith.constant 0 : i32
        %dma_wait3A_58 = tpu.memref_slice %arg9[%add3A_41, %dma_wait3A_57] : memref<10000x128xf32, #tpu.memory_space<vmem_shared>> -> memref<200x128xf32, #tpu.memory_space<vmem_shared>>
        %dma_wait3A_59 = arith.constant 0 : i32
        %dma_wait3A_60 = arith.constant 0 : i32
        %dma_wait3A_61 = tpu.memref_slice %arg8[%dma_wait3A_59, %dma_wait3A_60] : memref<200x128xf32, #tpu.memory_space<vmem>> -> memref<200x128xf32, #tpu.memory_space<vmem>>
        tpu.wait_dma2 semaphore(%run_scoped3A : memref<!tpu.dma_semaphore, #tpu.memory_space<semaphore_mem>>) src(%dma_wait3A_61 : memref<200x128xf32, #tpu.memory_space<vmem>>) dst(%dma_wait3A_58 : memref<200x128xf32, #tpu.memory_space<vmem_shared>>)
        tpu.yield
      }) : () -> ()
      %add3A_42 = arith.constant 600 : i32
      %add3A_43 = arith.addi %mul3A_9, %add3A_42 : i32
      "tpu.region"() ({
        %run_scoped3A = tpu.sem_alloc : memref<!tpu.dma_semaphore, #tpu.memory_space<semaphore_mem>>
        %dma_start3A = arith.constant 0 : i32
        %dma_start3A_44 = arith.constant 0 : i32
        %dma_start3A_45 = tpu.memref_slice %arg8[%dma_start3A, %dma_start3A_44] : memref<200x128xf32, #tpu.memory_space<vmem>> -> memref<24x128xf32, #tpu.memory_space<vmem>>
        %dma_start3A_46 = arith.constant 0 : i32
        %dma_start3A_47 = tpu.memref_slice %arg9[%add3A_43, %dma_start3A_46] : memref<10000x128xf32, #tpu.memory_space<vmem_shared>> -> memref<24x128xf32, #tpu.memory_space<vmem_shared>>
        %dma_start3A_48 = arith.constant 0 : i32
        %dma_start3A_49 = tpu.memref_slice %arg9[%add3A_43, %dma_start3A_48] : memref<10000x128xf32, #tpu.memory_space<vmem_shared>> -> memref<24x128xf32, #tpu.memory_space<vmem_shared>>
        %dma_start3A_50 = arith.constant 0 : i32
        %dma_start3A_51 = arith.constant 0 : i32
        %dma_start3A_52 = tpu.memref_slice %arg8[%dma_start3A_50, %dma_start3A_51] : memref<200x128xf32, #tpu.memory_space<vmem>> -> memref<24x128xf32, #tpu.memory_space<vmem>>
        tpu.enqueue_dma source(%dma_start3A_52 : memref<24x128xf32, #tpu.memory_space<vmem>>) target(%dma_start3A_49 : memref<24x128xf32, #tpu.memory_space<vmem_shared>>) target_semaphore(%run_scoped3A : memref<!tpu.dma_semaphore, #tpu.memory_space<semaphore_mem>>)
        %dma_wait3A = arith.constant 0 : i32
        %dma_wait3A_53 = arith.constant 0 : i32
        %dma_wait3A_54 = tpu.memref_slice %arg8[%dma_wait3A, %dma_wait3A_53] : memref<200x128xf32, #tpu.memory_space<vmem>> -> memref<24x128xf32, #tpu.memory_space<vmem>>
        %dma_wait3A_55 = arith.constant 0 : i32
        %dma_wait3A_56 = tpu.memref_slice %arg9[%add3A_43, %dma_wait3A_55] : memref<10000x128xf32, #tpu.memory_space<vmem_shared>> -> memref<24x128xf32, #tpu.memory_space<vmem_shared>>
        %dma_wait3A_57 = arith.constant 0 : i32
        %dma_wait3A_58 = tpu.memref_slice %arg9[%add3A_43, %dma_wait3A_57] : memref<10000x128xf32, #tpu.memory_space<vmem_shared>> -> memref<24x128xf32, #tpu.memory_space<vmem_shared>>
        %dma_wait3A_59 = arith.constant 0 : i32
        %dma_wait3A_60 = arith.constant 0 : i32
        %dma_wait3A_61 = tpu.memref_slice %arg8[%dma_wait3A_59, %dma_wait3A_60] : memref<200x128xf32, #tpu.memory_space<vmem>> -> memref<24x128xf32, #tpu.memory_space<vmem>>
        tpu.wait_dma2 semaphore(%run_scoped3A : memref<!tpu.dma_semaphore, #tpu.memory_space<semaphore_mem>>) src(%dma_wait3A_61 : memref<24x128xf32, #tpu.memory_space<vmem>>) dst(%dma_wait3A_58 : memref<24x128xf32, #tpu.memory_space<vmem_shared>>)
        tpu.yield
      }) : () -> ()
    } else {
    }
    %eq3A = arith.constant 15 : i32
    %eq3A_12 = arith.cmpi eq, %arg1, %eq3A : i32
    %convert_element_type3A_13 = arith.extui %eq3A_12 : i1 to i32
    %cond3A_14 = arith.constant 0 : i32
    %cond3A_15 = arith.cmpi ne, %convert_element_type3A_13, %cond3A_14 : i32
    scf.if %cond3A_15 {
      "tpu.region"() ({
        %run_scoped3A = tpu.sem_alloc : memref<!tpu.dma_semaphore, #tpu.memory_space<semaphore_mem>>
        %dma_start3A = arith.constant 0 : i32
        %dma_start3A_36 = arith.constant 0 : i32
        %dma_start3A_37 = tpu.memref_slice %arg8[%dma_start3A, %dma_start3A_36] : memref<200x128xf32, #tpu.memory_space<vmem>> -> memref<200x128xf32, #tpu.memory_space<vmem>>
        %dma_start3A_38 = arith.constant 9360 : i32
        %dma_start3A_39 = arith.constant 0 : i32
        %dma_start3A_40 = tpu.memref_slice %arg9[%dma_start3A_38, %dma_start3A_39] : memref<10000x128xf32, #tpu.memory_space<vmem_shared>> -> memref<200x128xf32, #tpu.memory_space<vmem_shared>>
        %dma_start3A_41 = arith.constant 9360 : i32
        %dma_start3A_42 = arith.constant 0 : i32
        %dma_start3A_43 = tpu.memref_slice %arg9[%dma_start3A_41, %dma_start3A_42] : memref<10000x128xf32, #tpu.memory_space<vmem_shared>> -> memref<200x128xf32, #tpu.memory_space<vmem_shared>>
        %dma_start3A_44 = arith.constant 0 : i32
        %dma_start3A_45 = arith.constant 0 : i32
        %dma_start3A_46 = tpu.memref_slice %arg8[%dma_start3A_44, %dma_start3A_45] : memref<200x128xf32, #tpu.memory_space<vmem>> -> memref<200x128xf32, #tpu.memory_space<vmem>>
        tpu.enqueue_dma source(%dma_start3A_46 : memref<200x128xf32, #tpu.memory_space<vmem>>) target(%dma_start3A_43 : memref<200x128xf32, #tpu.memory_space<vmem_shared>>) target_semaphore(%run_scoped3A : memref<!tpu.dma_semaphore, #tpu.memory_space<semaphore_mem>>)
        %dma_wait3A = arith.constant 0 : i32
        %dma_wait3A_47 = arith.constant 0 : i32
        %dma_wait3A_48 = tpu.memref_slice %arg8[%dma_wait3A, %dma_wait3A_47] : memref<200x128xf32, #tpu.memory_space<vmem>> -> memref<200x128xf32, #tpu.memory_space<vmem>>
        %dma_wait3A_49 = arith.constant 9360 : i32
        %dma_wait3A_50 = arith.constant 0 : i32
        %dma_wait3A_51 = tpu.memref_slice %arg9[%dma_wait3A_49, %dma_wait3A_50] : memref<10000x128xf32, #tpu.memory_space<vmem_shared>> -> memref<200x128xf32, #tpu.memory_space<vmem_shared>>
        %dma_wait3A_52 = arith.constant 9360 : i32
        %dma_wait3A_53 = arith.constant 0 : i32
        %dma_wait3A_54 = tpu.memref_slice %arg9[%dma_wait3A_52, %dma_wait3A_53] : memref<10000x128xf32, #tpu.memory_space<vmem_shared>> -> memref<200x128xf32, #tpu.memory_space<vmem_shared>>
        %dma_wait3A_55 = arith.constant 0 : i32
        %dma_wait3A_56 = arith.constant 0 : i32
        %dma_wait3A_57 = tpu.memref_slice %arg8[%dma_wait3A_55, %dma_wait3A_56] : memref<200x128xf32, #tpu.memory_space<vmem>> -> memref<200x128xf32, #tpu.memory_space<vmem>>
        tpu.wait_dma2 semaphore(%run_scoped3A : memref<!tpu.dma_semaphore, #tpu.memory_space<semaphore_mem>>) src(%dma_wait3A_57 : memref<200x128xf32, #tpu.memory_space<vmem>>) dst(%dma_wait3A_54 : memref<200x128xf32, #tpu.memory_space<vmem_shared>>)
        tpu.yield
      }) : () -> ()
      "tpu.region"() ({
        %run_scoped3A = tpu.sem_alloc : memref<!tpu.dma_semaphore, #tpu.memory_space<semaphore_mem>>
        %dma_start3A = arith.constant 0 : i32
        %dma_start3A_36 = arith.constant 0 : i32
        %dma_start3A_37 = tpu.memref_slice %arg8[%dma_start3A, %dma_start3A_36] : memref<200x128xf32, #tpu.memory_space<vmem>> -> memref<200x128xf32, #tpu.memory_space<vmem>>
        %dma_start3A_38 = arith.constant 9560 : i32
        %dma_start3A_39 = arith.constant 0 : i32
        %dma_start3A_40 = tpu.memref_slice %arg9[%dma_start3A_38, %dma_start3A_39] : memref<10000x128xf32, #tpu.memory_space<vmem_shared>> -> memref<200x128xf32, #tpu.memory_space<vmem_shared>>
        %dma_start3A_41 = arith.constant 9560 : i32
        %dma_start3A_42 = arith.constant 0 : i32
        %dma_start3A_43 = tpu.memref_slice %arg9[%dma_start3A_41, %dma_start3A_42] : memref<10000x128xf32, #tpu.memory_space<vmem_shared>> -> memref<200x128xf32, #tpu.memory_space<vmem_shared>>
        %dma_start3A_44 = arith.constant 0 : i32
        %dma_start3A_45 = arith.constant 0 : i32
        %dma_start3A_46 = tpu.memref_slice %arg8[%dma_start3A_44, %dma_start3A_45] : memref<200x128xf32, #tpu.memory_space<vmem>> -> memref<200x128xf32, #tpu.memory_space<vmem>>
        tpu.enqueue_dma source(%dma_start3A_46 : memref<200x128xf32, #tpu.memory_space<vmem>>) target(%dma_start3A_43 : memref<200x128xf32, #tpu.memory_space<vmem_shared>>) target_semaphore(%run_scoped3A : memref<!tpu.dma_semaphore, #tpu.memory_space<semaphore_mem>>)
        %dma_wait3A = arith.constant 0 : i32
        %dma_wait3A_47 = arith.constant 0 : i32
        %dma_wait3A_48 = tpu.memref_slice %arg8[%dma_wait3A, %dma_wait3A_47] : memref<200x128xf32, #tpu.memory_space<vmem>> -> memref<200x128xf32, #tpu.memory_space<vmem>>
        %dma_wait3A_49 = arith.constant 9560 : i32
        %dma_wait3A_50 = arith.constant 0 : i32
        %dma_wait3A_51 = tpu.memref_slice %arg9[%dma_wait3A_49, %dma_wait3A_50] : memref<10000x128xf32, #tpu.memory_space<vmem_shared>> -> memref<200x128xf32, #tpu.memory_space<vmem_shared>>
        %dma_wait3A_52 = arith.constant 9560 : i32
        %dma_wait3A_53 = arith.constant 0 : i32
        %dma_wait3A_54 = tpu.memref_slice %arg9[%dma_wait3A_52, %dma_wait3A_53] : memref<10000x128xf32, #tpu.memory_space<vmem_shared>> -> memref<200x128xf32, #tpu.memory_space<vmem_shared>>
        %dma_wait3A_55 = arith.constant 0 : i32
        %dma_wait3A_56 = arith.constant 0 : i32
        %dma_wait3A_57 = tpu.memref_slice %arg8[%dma_wait3A_55, %dma_wait3A_56] : memref<200x128xf32, #tpu.memory_space<vmem>> -> memref<200x128xf32, #tpu.memory_space<vmem>>
        tpu.wait_dma2 semaphore(%run_scoped3A : memref<!tpu.dma_semaphore, #tpu.memory_space<semaphore_mem>>) src(%dma_wait3A_57 : memref<200x128xf32, #tpu.memory_space<vmem>>) dst(%dma_wait3A_54 : memref<200x128xf32, #tpu.memory_space<vmem_shared>>)
        tpu.yield
      }) : () -> ()
      "tpu.region"() ({
        %run_scoped3A = tpu.sem_alloc : memref<!tpu.dma_semaphore, #tpu.memory_space<semaphore_mem>>
        %dma_start3A = arith.constant 0 : i32
        %dma_start3A_36 = arith.constant 0 : i32
        %dma_start3A_37 = tpu.memref_slice %arg8[%dma_start3A, %dma_start3A_36] : memref<200x128xf32, #tpu.memory_space<vmem>> -> memref<200x128xf32, #tpu.memory_space<vmem>>
        %dma_start3A_38 = arith.constant 9760 : i32
        %dma_start3A_39 = arith.constant 0 : i32
        %dma_start3A_40 = tpu.memref_slice %arg9[%dma_start3A_38, %dma_start3A_39] : memref<10000x128xf32, #tpu.memory_space<vmem_shared>> -> memref<200x128xf32, #tpu.memory_space<vmem_shared>>
        %dma_start3A_41 = arith.constant 9760 : i32
        %dma_start3A_42 = arith.constant 0 : i32
        %dma_start3A_43 = tpu.memref_slice %arg9[%dma_start3A_41, %dma_start3A_42] : memref<10000x128xf32, #tpu.memory_space<vmem_shared>> -> memref<200x128xf32, #tpu.memory_space<vmem_shared>>
        %dma_start3A_44 = arith.constant 0 : i32
        %dma_start3A_45 = arith.constant 0 : i32
        %dma_start3A_46 = tpu.memref_slice %arg8[%dma_start3A_44, %dma_start3A_45] : memref<200x128xf32, #tpu.memory_space<vmem>> -> memref<200x128xf32, #tpu.memory_space<vmem>>
        tpu.enqueue_dma source(%dma_start3A_46 : memref<200x128xf32, #tpu.memory_space<vmem>>) target(%dma_start3A_43 : memref<200x128xf32, #tpu.memory_space<vmem_shared>>) target_semaphore(%run_scoped3A : memref<!tpu.dma_semaphore, #tpu.memory_space<semaphore_mem>>)
        %dma_wait3A = arith.constant 0 : i32
        %dma_wait3A_47 = arith.constant 0 : i32
        %dma_wait3A_48 = tpu.memref_slice %arg8[%dma_wait3A, %dma_wait3A_47] : memref<200x128xf32, #tpu.memory_space<vmem>> -> memref<200x128xf32, #tpu.memory_space<vmem>>
        %dma_wait3A_49 = arith.constant 9760 : i32
        %dma_wait3A_50 = arith.constant 0 : i32
        %dma_wait3A_51 = tpu.memref_slice %arg9[%dma_wait3A_49, %dma_wait3A_50] : memref<10000x128xf32, #tpu.memory_space<vmem_shared>> -> memref<200x128xf32, #tpu.memory_space<vmem_shared>>
        %dma_wait3A_52 = arith.constant 9760 : i32
        %dma_wait3A_53 = arith.constant 0 : i32
        %dma_wait3A_54 = tpu.memref_slice %arg9[%dma_wait3A_52, %dma_wait3A_53] : memref<10000x128xf32, #tpu.memory_space<vmem_shared>> -> memref<200x128xf32, #tpu.memory_space<vmem_shared>>
        %dma_wait3A_55 = arith.constant 0 : i32
        %dma_wait3A_56 = arith.constant 0 : i32
        %dma_wait3A_57 = tpu.memref_slice %arg8[%dma_wait3A_55, %dma_wait3A_56] : memref<200x128xf32, #tpu.memory_space<vmem>> -> memref<200x128xf32, #tpu.memory_space<vmem>>
        tpu.wait_dma2 semaphore(%run_scoped3A : memref<!tpu.dma_semaphore, #tpu.memory_space<semaphore_mem>>) src(%dma_wait3A_57 : memref<200x128xf32, #tpu.memory_space<vmem>>) dst(%dma_wait3A_54 : memref<200x128xf32, #tpu.memory_space<vmem_shared>>)
        tpu.yield
      }) : () -> ()
      "tpu.region"() ({
        %run_scoped3A = tpu.sem_alloc : memref<!tpu.dma_semaphore, #tpu.memory_space<semaphore_mem>>
        %dma_start3A = arith.constant 0 : i32
        %dma_start3A_36 = arith.constant 0 : i32
        %dma_start3A_37 = tpu.memref_slice %arg8[%dma_start3A, %dma_start3A_36] : memref<200x128xf32, #tpu.memory_space<vmem>> -> memref<40x128xf32, #tpu.memory_space<vmem>>
        %dma_start3A_38 = arith.constant 9960 : i32
        %dma_start3A_39 = arith.constant 0 : i32
        %dma_start3A_40 = tpu.memref_slice %arg9[%dma_start3A_38, %dma_start3A_39] : memref<10000x128xf32, #tpu.memory_space<vmem_shared>> -> memref<40x128xf32, #tpu.memory_space<vmem_shared>>
        %dma_start3A_41 = arith.constant 9960 : i32
        %dma_start3A_42 = arith.constant 0 : i32
        %dma_start3A_43 = tpu.memref_slice %arg9[%dma_start3A_41, %dma_start3A_42] : memref<10000x128xf32, #tpu.memory_space<vmem_shared>> -> memref<40x128xf32, #tpu.memory_space<vmem_shared>>
        %dma_start3A_44 = arith.constant 0 : i32
        %dma_start3A_45 = arith.constant 0 : i32
        %dma_start3A_46 = tpu.memref_slice %arg8[%dma_start3A_44, %dma_start3A_45] : memref<200x128xf32, #tpu.memory_space<vmem>> -> memref<40x128xf32, #tpu.memory_space<vmem>>
        tpu.enqueue_dma source(%dma_start3A_46 : memref<40x128xf32, #tpu.memory_space<vmem>>) target(%dma_start3A_43 : memref<40x128xf32, #tpu.memory_space<vmem_shared>>) target_semaphore(%run_scoped3A : memref<!tpu.dma_semaphore, #tpu.memory_space<semaphore_mem>>)
        %dma_wait3A = arith.constant 0 : i32
        %dma_wait3A_47 = arith.constant 0 : i32
        %dma_wait3A_48 = tpu.memref_slice %arg8[%dma_wait3A, %dma_wait3A_47] : memref<200x128xf32, #tpu.memory_space<vmem>> -> memref<40x128xf32, #tpu.memory_space<vmem>>
        %dma_wait3A_49 = arith.constant 9960 : i32
        %dma_wait3A_50 = arith.constant 0 : i32
        %dma_wait3A_51 = tpu.memref_slice %arg9[%dma_wait3A_49, %dma_wait3A_50] : memref<10000x128xf32, #tpu.memory_space<vmem_shared>> -> memref<40x128xf32, #tpu.memory_space<vmem_shared>>
        %dma_wait3A_52 = arith.constant 9960 : i32
        %dma_wait3A_53 = arith.constant 0 : i32
        %dma_wait3A_54 = tpu.memref_slice %arg9[%dma_wait3A_52, %dma_wait3A_53] : memref<10000x128xf32, #tpu.memory_space<vmem_shared>> -> memref<40x128xf32, #tpu.memory_space<vmem_shared>>
        %dma_wait3A_55 = arith.constant 0 : i32
        %dma_wait3A_56 = arith.constant 0 : i32
        %dma_wait3A_57 = tpu.memref_slice %arg8[%dma_wait3A_55, %dma_wait3A_56] : memref<200x128xf32, #tpu.memory_space<vmem>> -> memref<40x128xf32, #tpu.memory_space<vmem>>
        tpu.wait_dma2 semaphore(%run_scoped3A : memref<!tpu.dma_semaphore, #tpu.memory_space<semaphore_mem>>) src(%dma_wait3A_57 : memref<40x128xf32, #tpu.memory_space<vmem>>) dst(%dma_wait3A_54 : memref<40x128xf32, #tpu.memory_space<vmem_shared>>)
        tpu.yield
      }) : () -> ()
    } else {
    }
    %barrier3A = arith.constant 0 : index
    tpu.barrier barrier_id(%barrier3A)
    %mul3A_16 = arith.constant 10000 : i32
    %mul3A_17 = arith.muli %add3A, %mul3A_16 : i32
    %scan3A_18 = arith.constant 0 : i32
    %scan3A_19 = arith.constant 0 : i32
    %scan3A_20 = arith.constant 50 : i32
    %scan3A_21 = arith.addi %scan3A_19, %scan3A_20 : i32
    %scan3A_22 = arith.constant 1 : i32
    %scan3A_23 = scf.for %scan3A_36 = %scan3A_19 to %scan3A_21 step %scan3A_22 iter_args(%scan3A_37 = %scan3A_18) -> (i32)  : i32 {
      %mul3A_38 = arith.constant 200 : i32
      %mul3A_39 = arith.muli %scan3A_36, %mul3A_38 : i32
      %add3A_40 = arith.addi %mul3A_17, %mul3A_39 : i32
      "tpu.region"() ({
        %run_scoped3A = tpu.sem_alloc : memref<!tpu.dma_semaphore, #tpu.memory_space<semaphore_mem>>
        %dma_start3A_46 = tpu.memref_slice %arg3[%add3A_40] : memref<320000xi32, #tpu.memory_space<hbm>> -> memref<200xi32, #tpu.memory_space<hbm>>
        %dma_start3A_47 = tpu.memref_slice %arg3[%add3A_40] : memref<320000xi32, #tpu.memory_space<hbm>> -> memref<200xi32, #tpu.memory_space<hbm>>
        tpu.enqueue_dma source(%dma_start3A_47 : memref<200xi32, #tpu.memory_space<hbm>>) target(%arg6 : memref<200xi32, #tpu.memory_space<vmem>>) target_semaphore(%run_scoped3A : memref<!tpu.dma_semaphore, #tpu.memory_space<semaphore_mem>>)
        %dma_wait3A_48 = tpu.memref_slice %arg3[%add3A_40] : memref<320000xi32, #tpu.memory_space<hbm>> -> memref<200xi32, #tpu.memory_space<hbm>>
        %dma_wait3A_49 = tpu.memref_slice %arg3[%add3A_40] : memref<320000xi32, #tpu.memory_space<hbm>> -> memref<200xi32, #tpu.memory_space<hbm>>
        tpu.wait_dma2 semaphore(%run_scoped3A : memref<!tpu.dma_semaphore, #tpu.memory_space<semaphore_mem>>) src(%dma_wait3A_49 : memref<200xi32, #tpu.memory_space<hbm>>) dst(%arg6 : memref<200xi32, #tpu.memory_space<vmem>>)
        tpu.yield
      }) : () -> ()
      "tpu.region"() ({
        %run_scoped3A = tpu.sem_alloc : memref<!tpu.dma_semaphore, #tpu.memory_space<semaphore_mem>>
        %dma_start3A_46 = tpu.memref_slice %arg4[%add3A_40] : memref<320000xi32, #tpu.memory_space<hbm>> -> memref<200xi32, #tpu.memory_space<hbm>>
        %dma_start3A_47 = tpu.memref_slice %arg4[%add3A_40] : memref<320000xi32, #tpu.memory_space<hbm>> -> memref<200xi32, #tpu.memory_space<hbm>>
        tpu.enqueue_dma source(%dma_start3A_47 : memref<200xi32, #tpu.memory_space<hbm>>) target(%arg7 : memref<200xi32, #tpu.memory_space<vmem>>) target_semaphore(%run_scoped3A : memref<!tpu.dma_semaphore, #tpu.memory_space<semaphore_mem>>)
        %dma_wait3A_48 = tpu.memref_slice %arg4[%add3A_40] : memref<320000xi32, #tpu.memory_space<hbm>> -> memref<200xi32, #tpu.memory_space<hbm>>
        %dma_wait3A_49 = tpu.memref_slice %arg4[%add3A_40] : memref<320000xi32, #tpu.memory_space<hbm>> -> memref<200xi32, #tpu.memory_space<hbm>>
        tpu.wait_dma2 semaphore(%run_scoped3A : memref<!tpu.dma_semaphore, #tpu.memory_space<semaphore_mem>>) src(%dma_wait3A_49 : memref<200xi32, #tpu.memory_space<hbm>>) dst(%arg7 : memref<200xi32, #tpu.memory_space<vmem>>)
        tpu.yield
      }) : () -> ()
      %dma_start3A = arith.constant 0 : i32
      %dma_start3A_41 = arith.constant 0 : i32
      %dma_start3A_42 = tpu.memref_slice %arg2[%dma_start3A, %dma_start3A_41] : memref<10000x128xf32, #tpu.memory_space<hbm>> -> memref<10000x128xf32, #tpu.memory_space<hbm>>
      tpu.enqueue_indirect_dma source(%dma_start3A_42 : memref<10000x128xf32, #tpu.memory_space<hbm>>) target(%arg8 : memref<200x128xf32, #tpu.memory_space<vmem>>) offsets(%arg6 : memref<200xi32, #tpu.memory_space<vmem>>) semaphore(%arg10 : memref<!tpu.dma_semaphore, #tpu.memory_space<semaphore_mem>>)
      %dma_wait3A = arith.constant 0 : i32
      %dma_wait3A_43 = arith.constant 0 : i32
      %dma_wait3A_44 = tpu.memref_slice %arg2[%dma_wait3A, %dma_wait3A_43] : memref<10000x128xf32, #tpu.memory_space<hbm>> -> memref<10000x128xf32, #tpu.memory_space<hbm>>
      tpu.wait_indirect_dma semaphore(%arg10 : memref<!tpu.dma_semaphore, #tpu.memory_space<semaphore_mem>>) src(%dma_wait3A_44 : memref<10000x128xf32, #tpu.memory_space<hbm>>) dst(%arg8 : memref<200x128xf32, #tpu.memory_space<vmem>>)
      "tpu.region"() ({
        %run_scoped3A = tpu.sem_alloc : memref<!tpu.dma_semaphore, #tpu.memory_space<semaphore_mem>>
        %dma_start3A_46 = arith.constant 0 : i32
        %dma_start3A_47 = arith.constant 0 : i32
        %dma_start3A_48 = tpu.memref_slice %arg9[%dma_start3A_46, %dma_start3A_47] : memref<10000x128xf32, #tpu.memory_space<vmem_shared>> -> memref<10000x128xf32, #tpu.memory_space<vmem_shared>>
        tpu.enqueue_indirect_dma source(%arg8 : memref<200x128xf32, #tpu.memory_space<vmem>>) target(%dma_start3A_48 : memref<10000x128xf32, #tpu.memory_space<vmem_shared>>) offsets(%arg7 : memref<200xi32, #tpu.memory_space<vmem>>) semaphore(%run_scoped3A : memref<!tpu.dma_semaphore, #tpu.memory_space<semaphore_mem>>) {add = true}
        %dma_wait3A_49 = arith.constant 0 : i32
        %dma_wait3A_50 = arith.constant 0 : i32
        %dma_wait3A_51 = tpu.memref_slice %arg9[%dma_wait3A_49, %dma_wait3A_50] : memref<10000x128xf32, #tpu.memory_space<vmem_shared>> -> memref<10000x128xf32, #tpu.memory_space<vmem_shared>>
        tpu.wait_indirect_dma semaphore(%run_scoped3A : memref<!tpu.dma_semaphore, #tpu.memory_space<semaphore_mem>>) src(%arg8 : memref<200x128xf32, #tpu.memory_space<vmem>>) dst(%dma_wait3A_51 : memref<10000x128xf32, #tpu.memory_space<vmem_shared>>)
        tpu.yield
      }) : () -> ()
      %scan3A_45 = arith.constant 0 : i32
      scf.yield %scan3A_45 : i32
    }
    %scan3A_24 = arith.constant 50 : i32
    %barrier3A_25 = arith.constant 0 : index
    tpu.barrier barrier_id(%barrier3A_25)
    %lt3A_26 = arith.constant 15 : i32
    %lt3A_27 = arith.cmpi slt, %arg1, %lt3A_26 : i32
    %convert_element_type3A_28 = arith.extui %lt3A_27 : i1 to i32
    %cond3A_29 = arith.constant 0 : i32
    %cond3A_30 = arith.cmpi ne, %convert_element_type3A_28, %cond3A_29 : i32
    scf.if %cond3A_30 {
      %add3A_36 = arith.constant 0 : i32
      %add3A_37 = arith.addi %mul3A_9, %add3A_36 : i32
      "tpu.region"() ({
        %run_scoped3A = tpu.sem_alloc : memref<!tpu.dma_semaphore, #tpu.memory_space<semaphore_mem>>
        %dma_start3A = arith.constant 0 : i32
        %dma_start3A_64 = arith.constant 0 : i32
        %dma_start3A_65 = tpu.memref_slice %arg8[%dma_start3A, %dma_start3A_64] : memref<200x128xf32, #tpu.memory_space<vmem>> -> memref<200x128xf32, #tpu.memory_space<vmem>>
        %dma_start3A_66 = arith.constant 0 : i32
        %dma_start3A_67 = tpu.memref_slice %arg9[%add3A_37, %dma_start3A_66] : memref<10000x128xf32, #tpu.memory_space<vmem_shared>> -> memref<200x128xf32, #tpu.memory_space<vmem_shared>>
        %dma_start3A_68 = arith.constant 0 : i32
        %dma_start3A_69 = arith.constant 0 : i32
        %dma_start3A_70 = tpu.memref_slice %arg8[%dma_start3A_68, %dma_start3A_69] : memref<200x128xf32, #tpu.memory_space<vmem>> -> memref<200x128xf32, #tpu.memory_space<vmem>>
        %dma_start3A_71 = arith.constant 0 : i32
        %dma_start3A_72 = tpu.memref_slice %arg9[%add3A_37, %dma_start3A_71] : memref<10000x128xf32, #tpu.memory_space<vmem_shared>> -> memref<200x128xf32, #tpu.memory_space<vmem_shared>>
        tpu.enqueue_dma source(%dma_start3A_72 : memref<200x128xf32, #tpu.memory_space<vmem_shared>>) target(%dma_start3A_70 : memref<200x128xf32, #tpu.memory_space<vmem>>) target_semaphore(%run_scoped3A : memref<!tpu.dma_semaphore, #tpu.memory_space<semaphore_mem>>)
        %dma_wait3A = arith.constant 0 : i32
        %dma_wait3A_73 = arith.constant 0 : i32
        %dma_wait3A_74 = tpu.memref_slice %arg8[%dma_wait3A, %dma_wait3A_73] : memref<200x128xf32, #tpu.memory_space<vmem>> -> memref<200x128xf32, #tpu.memory_space<vmem>>
        %dma_wait3A_75 = arith.constant 0 : i32
        %dma_wait3A_76 = tpu.memref_slice %arg9[%add3A_37, %dma_wait3A_75] : memref<10000x128xf32, #tpu.memory_space<vmem_shared>> -> memref<200x128xf32, #tpu.memory_space<vmem_shared>>
        %dma_wait3A_77 = arith.constant 0 : i32
        %dma_wait3A_78 = arith.constant 0 : i32
        %dma_wait3A_79 = tpu.memref_slice %arg8[%dma_wait3A_77, %dma_wait3A_78] : memref<200x128xf32, #tpu.memory_space<vmem>> -> memref<200x128xf32, #tpu.memory_space<vmem>>
        %dma_wait3A_80 = arith.constant 0 : i32
        %dma_wait3A_81 = tpu.memref_slice %arg9[%add3A_37, %dma_wait3A_80] : memref<10000x128xf32, #tpu.memory_space<vmem_shared>> -> memref<200x128xf32, #tpu.memory_space<vmem_shared>>
        tpu.wait_dma2 semaphore(%run_scoped3A : memref<!tpu.dma_semaphore, #tpu.memory_space<semaphore_mem>>) src(%dma_wait3A_81 : memref<200x128xf32, #tpu.memory_space<vmem_shared>>) dst(%dma_wait3A_79 : memref<200x128xf32, #tpu.memory_space<vmem>>)
        tpu.yield
      }) : () -> ()
      %mul3A_38 = arith.constant 10000 : i32
      %mul3A_39 = arith.muli %arg0, %mul3A_38 : i32
      %add3A_40 = arith.addi %mul3A_39, %mul3A_9 : i32
      %add3A_41 = arith.constant 0 : i32
      %add3A_42 = arith.addi %add3A_40, %add3A_41 : i32
      "tpu.region"() ({
        %run_scoped3A = tpu.sem_alloc : memref<!tpu.dma_semaphore, #tpu.memory_space<semaphore_mem>>
        %dma_start3A = arith.constant 0 : i32
        %dma_start3A_64 = arith.constant 0 : i32
        %dma_start3A_65 = tpu.memref_slice %arg8[%dma_start3A, %dma_start3A_64] : memref<200x128xf32, #tpu.memory_space<vmem>> -> memref<200x128xf32, #tpu.memory_space<vmem>>
        %dma_start3A_66 = arith.constant 0 : i32
        %dma_start3A_67 = tpu.memref_slice %arg5[%add3A_42, %dma_start3A_66] : memref<20000x128xf32, #tpu.memory_space<hbm>> -> memref<200x128xf32, #tpu.memory_space<hbm>>
        %dma_start3A_68 = arith.constant 0 : i32
        %dma_start3A_69 = tpu.memref_slice %arg5[%add3A_42, %dma_start3A_68] : memref<20000x128xf32, #tpu.memory_space<hbm>> -> memref<200x128xf32, #tpu.memory_space<hbm>>
        %dma_start3A_70 = arith.constant 0 : i32
        %dma_start3A_71 = arith.constant 0 : i32
        %dma_start3A_72 = tpu.memref_slice %arg8[%dma_start3A_70, %dma_start3A_71] : memref<200x128xf32, #tpu.memory_space<vmem>> -> memref<200x128xf32, #tpu.memory_space<vmem>>
        tpu.enqueue_dma source(%dma_start3A_72 : memref<200x128xf32, #tpu.memory_space<vmem>>) target(%dma_start3A_69 : memref<200x128xf32, #tpu.memory_space<hbm>>) target_semaphore(%run_scoped3A : memref<!tpu.dma_semaphore, #tpu.memory_space<semaphore_mem>>)
        %dma_wait3A = arith.constant 0 : i32
        %dma_wait3A_73 = arith.constant 0 : i32
        %dma_wait3A_74 = tpu.memref_slice %arg8[%dma_wait3A, %dma_wait3A_73] : memref<200x128xf32, #tpu.memory_space<vmem>> -> memref<200x128xf32, #tpu.memory_space<vmem>>
        %dma_wait3A_75 = arith.constant 0 : i32
        %dma_wait3A_76 = tpu.memref_slice %arg5[%add3A_42, %dma_wait3A_75] : memref<20000x128xf32, #tpu.memory_space<hbm>> -> memref<200x128xf32, #tpu.memory_space<hbm>>
        %dma_wait3A_77 = arith.constant 0 : i32
        %dma_wait3A_78 = tpu.memref_slice %arg5[%add3A_42, %dma_wait3A_77] : memref<20000x128xf32, #tpu.memory_space<hbm>> -> memref<200x128xf32, #tpu.memory_space<hbm>>
        %dma_wait3A_79 = arith.constant 0 : i32
        %dma_wait3A_80 = arith.constant 0 : i32
        %dma_wait3A_81 = tpu.memref_slice %arg8[%dma_wait3A_79, %dma_wait3A_80] : memref<200x128xf32, #tpu.memory_space<vmem>> -> memref<200x128xf32, #tpu.memory_space<vmem>>
        tpu.wait_dma2 semaphore(%run_scoped3A : memref<!tpu.dma_semaphore, #tpu.memory_space<semaphore_mem>>) src(%dma_wait3A_81 : memref<200x128xf32, #tpu.memory_space<vmem>>) dst(%dma_wait3A_78 : memref<200x128xf32, #tpu.memory_space<hbm>>)
        tpu.yield
      }) : () -> ()
      %add3A_43 = arith.constant 200 : i32
      %add3A_44 = arith.addi %mul3A_9, %add3A_43 : i32
      "tpu.region"() ({
        %run_scoped3A = tpu.sem_alloc : memref<!tpu.dma_semaphore, #tpu.memory_space<semaphore_mem>>
        %dma_start3A = arith.constant 0 : i32
        %dma_start3A_64 = arith.constant 0 : i32
        %dma_start3A_65 = tpu.memref_slice %arg8[%dma_start3A, %dma_start3A_64] : memref<200x128xf32, #tpu.memory_space<vmem>> -> memref<200x128xf32, #tpu.memory_space<vmem>>
        %dma_start3A_66 = arith.constant 0 : i32
        %dma_start3A_67 = tpu.memref_slice %arg9[%add3A_44, %dma_start3A_66] : memref<10000x128xf32, #tpu.memory_space<vmem_shared>> -> memref<200x128xf32, #tpu.memory_space<vmem_shared>>
        %dma_start3A_68 = arith.constant 0 : i32
        %dma_start3A_69 = arith.constant 0 : i32
        %dma_start3A_70 = tpu.memref_slice %arg8[%dma_start3A_68, %dma_start3A_69] : memref<200x128xf32, #tpu.memory_space<vmem>> -> memref<200x128xf32, #tpu.memory_space<vmem>>
        %dma_start3A_71 = arith.constant 0 : i32
        %dma_start3A_72 = tpu.memref_slice %arg9[%add3A_44, %dma_start3A_71] : memref<10000x128xf32, #tpu.memory_space<vmem_shared>> -> memref<200x128xf32, #tpu.memory_space<vmem_shared>>
        tpu.enqueue_dma source(%dma_start3A_72 : memref<200x128xf32, #tpu.memory_space<vmem_shared>>) target(%dma_start3A_70 : memref<200x128xf32, #tpu.memory_space<vmem>>) target_semaphore(%run_scoped3A : memref<!tpu.dma_semaphore, #tpu.memory_space<semaphore_mem>>)
        %dma_wait3A = arith.constant 0 : i32
        %dma_wait3A_73 = arith.constant 0 : i32
        %dma_wait3A_74 = tpu.memref_slice %arg8[%dma_wait3A, %dma_wait3A_73] : memref<200x128xf32, #tpu.memory_space<vmem>> -> memref<200x128xf32, #tpu.memory_space<vmem>>
        %dma_wait3A_75 = arith.constant 0 : i32
        %dma_wait3A_76 = tpu.memref_slice %arg9[%add3A_44, %dma_wait3A_75] : memref<10000x128xf32, #tpu.memory_space<vmem_shared>> -> memref<200x128xf32, #tpu.memory_space<vmem_shared>>
        %dma_wait3A_77 = arith.constant 0 : i32
        %dma_wait3A_78 = arith.constant 0 : i32
        %dma_wait3A_79 = tpu.memref_slice %arg8[%dma_wait3A_77, %dma_wait3A_78] : memref<200x128xf32, #tpu.memory_space<vmem>> -> memref<200x128xf32, #tpu.memory_space<vmem>>
        %dma_wait3A_80 = arith.constant 0 : i32
        %dma_wait3A_81 = tpu.memref_slice %arg9[%add3A_44, %dma_wait3A_80] : memref<10000x128xf32, #tpu.memory_space<vmem_shared>> -> memref<200x128xf32, #tpu.memory_space<vmem_shared>>
        tpu.wait_dma2 semaphore(%run_scoped3A : memref<!tpu.dma_semaphore, #tpu.memory_space<semaphore_mem>>) src(%dma_wait3A_81 : memref<200x128xf32, #tpu.memory_space<vmem_shared>>) dst(%dma_wait3A_79 : memref<200x128xf32, #tpu.memory_space<vmem>>)
        tpu.yield
      }) : () -> ()
      %mul3A_45 = arith.constant 10000 : i32
      %mul3A_46 = arith.muli %arg0, %mul3A_45 : i32
      %add3A_47 = arith.addi %mul3A_46, %mul3A_9 : i32
      %add3A_48 = arith.constant 200 : i32
      %add3A_49 = arith.addi %add3A_47, %add3A_48 : i32
      "tpu.region"() ({
        %run_scoped3A = tpu.sem_alloc : memref<!tpu.dma_semaphore, #tpu.memory_space<semaphore_mem>>
        %dma_start3A = arith.constant 0 : i32
        %dma_start3A_64 = arith.constant 0 : i32
        %dma_start3A_65 = tpu.memref_slice %arg8[%dma_start3A, %dma_start3A_64] : memref<200x128xf32, #tpu.memory_space<vmem>> -> memref<200x128xf32, #tpu.memory_space<vmem>>
        %dma_start3A_66 = arith.constant 0 : i32
        %dma_start3A_67 = tpu.memref_slice %arg5[%add3A_49, %dma_start3A_66] : memref<20000x128xf32, #tpu.memory_space<hbm>> -> memref<200x128xf32, #tpu.memory_space<hbm>>
        %dma_start3A_68 = arith.constant 0 : i32
        %dma_start3A_69 = tpu.memref_slice %arg5[%add3A_49, %dma_start3A_68] : memref<20000x128xf32, #tpu.memory_space<hbm>> -> memref<200x128xf32, #tpu.memory_space<hbm>>
        %dma_start3A_70 = arith.constant 0 : i32
        %dma_start3A_71 = arith.constant 0 : i32
        %dma_start3A_72 = tpu.memref_slice %arg8[%dma_start3A_70, %dma_start3A_71] : memref<200x128xf32, #tpu.memory_space<vmem>> -> memref<200x128xf32, #tpu.memory_space<vmem>>
        tpu.enqueue_dma source(%dma_start3A_72 : memref<200x128xf32, #tpu.memory_space<vmem>>) target(%dma_start3A_69 : memref<200x128xf32, #tpu.memory_space<hbm>>) target_semaphore(%run_scoped3A : memref<!tpu.dma_semaphore, #tpu.memory_space<semaphore_mem>>)
        %dma_wait3A = arith.constant 0 : i32
        %dma_wait3A_73 = arith.constant 0 : i32
        %dma_wait3A_74 = tpu.memref_slice %arg8[%dma_wait3A, %dma_wait3A_73] : memref<200x128xf32, #tpu.memory_space<vmem>> -> memref<200x128xf32, #tpu.memory_space<vmem>>
        %dma_wait3A_75 = arith.constant 0 : i32
        %dma_wait3A_76 = tpu.memref_slice %arg5[%add3A_49, %dma_wait3A_75] : memref<20000x128xf32, #tpu.memory_space<hbm>> -> memref<200x128xf32, #tpu.memory_space<hbm>>
        %dma_wait3A_77 = arith.constant 0 : i32
        %dma_wait3A_78 = tpu.memref_slice %arg5[%add3A_49, %dma_wait3A_77] : memref<20000x128xf32, #tpu.memory_space<hbm>> -> memref<200x128xf32, #tpu.memory_space<hbm>>
        %dma_wait3A_79 = arith.constant 0 : i32
        %dma_wait3A_80 = arith.constant 0 : i32
        %dma_wait3A_81 = tpu.memref_slice %arg8[%dma_wait3A_79, %dma_wait3A_80] : memref<200x128xf32, #tpu.memory_space<vmem>> -> memref<200x128xf32, #tpu.memory_space<vmem>>
        tpu.wait_dma2 semaphore(%run_scoped3A : memref<!tpu.dma_semaphore, #tpu.memory_space<semaphore_mem>>) src(%dma_wait3A_81 : memref<200x128xf32, #tpu.memory_space<vmem>>) dst(%dma_wait3A_78 : memref<200x128xf32, #tpu.memory_space<hbm>>)
        tpu.yield
      }) : () -> ()
      %add3A_50 = arith.constant 400 : i32
      %add3A_51 = arith.addi %mul3A_9, %add3A_50 : i32
      "tpu.region"() ({
        %run_scoped3A = tpu.sem_alloc : memref<!tpu.dma_semaphore, #tpu.memory_space<semaphore_mem>>
        %dma_start3A = arith.constant 0 : i32
        %dma_start3A_64 = arith.constant 0 : i32
        %dma_start3A_65 = tpu.memref_slice %arg8[%dma_start3A, %dma_start3A_64] : memref<200x128xf32, #tpu.memory_space<vmem>> -> memref<200x128xf32, #tpu.memory_space<vmem>>
        %dma_start3A_66 = arith.constant 0 : i32
        %dma_start3A_67 = tpu.memref_slice %arg9[%add3A_51, %dma_start3A_66] : memref<10000x128xf32, #tpu.memory_space<vmem_shared>> -> memref<200x128xf32, #tpu.memory_space<vmem_shared>>
        %dma_start3A_68 = arith.constant 0 : i32
        %dma_start3A_69 = arith.constant 0 : i32
        %dma_start3A_70 = tpu.memref_slice %arg8[%dma_start3A_68, %dma_start3A_69] : memref<200x128xf32, #tpu.memory_space<vmem>> -> memref<200x128xf32, #tpu.memory_space<vmem>>
        %dma_start3A_71 = arith.constant 0 : i32
        %dma_start3A_72 = tpu.memref_slice %arg9[%add3A_51, %dma_start3A_71] : memref<10000x128xf32, #tpu.memory_space<vmem_shared>> -> memref<200x128xf32, #tpu.memory_space<vmem_shared>>
        tpu.enqueue_dma source(%dma_start3A_72 : memref<200x128xf32, #tpu.memory_space<vmem_shared>>) target(%dma_start3A_70 : memref<200x128xf32, #tpu.memory_space<vmem>>) target_semaphore(%run_scoped3A : memref<!tpu.dma_semaphore, #tpu.memory_space<semaphore_mem>>)
        %dma_wait3A = arith.constant 0 : i32
        %dma_wait3A_73 = arith.constant 0 : i32
        %dma_wait3A_74 = tpu.memref_slice %arg8[%dma_wait3A, %dma_wait3A_73] : memref<200x128xf32, #tpu.memory_space<vmem>> -> memref<200x128xf32, #tpu.memory_space<vmem>>
        %dma_wait3A_75 = arith.constant 0 : i32
        %dma_wait3A_76 = tpu.memref_slice %arg9[%add3A_51, %dma_wait3A_75] : memref<10000x128xf32, #tpu.memory_space<vmem_shared>> -> memref<200x128xf32, #tpu.memory_space<vmem_shared>>
        %dma_wait3A_77 = arith.constant 0 : i32
        %dma_wait3A_78 = arith.constant 0 : i32
        %dma_wait3A_79 = tpu.memref_slice %arg8[%dma_wait3A_77, %dma_wait3A_78] : memref<200x128xf32, #tpu.memory_space<vmem>> -> memref<200x128xf32, #tpu.memory_space<vmem>>
        %dma_wait3A_80 = arith.constant 0 : i32
        %dma_wait3A_81 = tpu.memref_slice %arg9[%add3A_51, %dma_wait3A_80] : memref<10000x128xf32, #tpu.memory_space<vmem_shared>> -> memref<200x128xf32, #tpu.memory_space<vmem_shared>>
        tpu.wait_dma2 semaphore(%run_scoped3A : memref<!tpu.dma_semaphore, #tpu.memory_space<semaphore_mem>>) src(%dma_wait3A_81 : memref<200x128xf32, #tpu.memory_space<vmem_shared>>) dst(%dma_wait3A_79 : memref<200x128xf32, #tpu.memory_space<vmem>>)
        tpu.yield
      }) : () -> ()
      %mul3A_52 = arith.constant 10000 : i32
      %mul3A_53 = arith.muli %arg0, %mul3A_52 : i32
      %add3A_54 = arith.addi %mul3A_53, %mul3A_9 : i32
      %add3A_55 = arith.constant 400 : i32
      %add3A_56 = arith.addi %add3A_54, %add3A_55 : i32
      "tpu.region"() ({
        %run_scoped3A = tpu.sem_alloc : memref<!tpu.dma_semaphore, #tpu.memory_space<semaphore_mem>>
        %dma_start3A = arith.constant 0 : i32
        %dma_start3A_64 = arith.constant 0 : i32
        %dma_start3A_65 = tpu.memref_slice %arg8[%dma_start3A, %dma_start3A_64] : memref<200x128xf32, #tpu.memory_space<vmem>> -> memref<200x128xf32, #tpu.memory_space<vmem>>
        %dma_start3A_66 = arith.constant 0 : i32
        %dma_start3A_67 = tpu.memref_slice %arg5[%add3A_56, %dma_start3A_66] : memref<20000x128xf32, #tpu.memory_space<hbm>> -> memref<200x128xf32, #tpu.memory_space<hbm>>
        %dma_start3A_68 = arith.constant 0 : i32
        %dma_start3A_69 = tpu.memref_slice %arg5[%add3A_56, %dma_start3A_68] : memref<20000x128xf32, #tpu.memory_space<hbm>> -> memref<200x128xf32, #tpu.memory_space<hbm>>
        %dma_start3A_70 = arith.constant 0 : i32
        %dma_start3A_71 = arith.constant 0 : i32
        %dma_start3A_72 = tpu.memref_slice %arg8[%dma_start3A_70, %dma_start3A_71] : memref<200x128xf32, #tpu.memory_space<vmem>> -> memref<200x128xf32, #tpu.memory_space<vmem>>
        tpu.enqueue_dma source(%dma_start3A_72 : memref<200x128xf32, #tpu.memory_space<vmem>>) target(%dma_start3A_69 : memref<200x128xf32, #tpu.memory_space<hbm>>) target_semaphore(%run_scoped3A : memref<!tpu.dma_semaphore, #tpu.memory_space<semaphore_mem>>)
        %dma_wait3A = arith.constant 0 : i32
        %dma_wait3A_73 = arith.constant 0 : i32
        %dma_wait3A_74 = tpu.memref_slice %arg8[%dma_wait3A, %dma_wait3A_73] : memref<200x128xf32, #tpu.memory_space<vmem>> -> memref<200x128xf32, #tpu.memory_space<vmem>>
        %dma_wait3A_75 = arith.constant 0 : i32
        %dma_wait3A_76 = tpu.memref_slice %arg5[%add3A_56, %dma_wait3A_75] : memref<20000x128xf32, #tpu.memory_space<hbm>> -> memref<200x128xf32, #tpu.memory_space<hbm>>
        %dma_wait3A_77 = arith.constant 0 : i32
        %dma_wait3A_78 = tpu.memref_slice %arg5[%add3A_56, %dma_wait3A_77] : memref<20000x128xf32, #tpu.memory_space<hbm>> -> memref<200x128xf32, #tpu.memory_space<hbm>>
        %dma_wait3A_79 = arith.constant 0 : i32
        %dma_wait3A_80 = arith.constant 0 : i32
        %dma_wait3A_81 = tpu.memref_slice %arg8[%dma_wait3A_79, %dma_wait3A_80] : memref<200x128xf32, #tpu.memory_space<vmem>> -> memref<200x128xf32, #tpu.memory_space<vmem>>
        tpu.wait_dma2 semaphore(%run_scoped3A : memref<!tpu.dma_semaphore, #tpu.memory_space<semaphore_mem>>) src(%dma_wait3A_81 : memref<200x128xf32, #tpu.memory_space<vmem>>) dst(%dma_wait3A_78 : memref<200x128xf32, #tpu.memory_space<hbm>>)
        tpu.yield
      }) : () -> ()
      %add3A_57 = arith.constant 600 : i32
      %add3A_58 = arith.addi %mul3A_9, %add3A_57 : i32
      "tpu.region"() ({
        %run_scoped3A = tpu.sem_alloc : memref<!tpu.dma_semaphore, #tpu.memory_space<semaphore_mem>>
        %dma_start3A = arith.constant 0 : i32
        %dma_start3A_64 = arith.constant 0 : i32
        %dma_start3A_65 = tpu.memref_slice %arg8[%dma_start3A, %dma_start3A_64] : memref<200x128xf32, #tpu.memory_space<vmem>> -> memref<24x128xf32, #tpu.memory_space<vmem>>
        %dma_start3A_66 = arith.constant 0 : i32
        %dma_start3A_67 = tpu.memref_slice %arg9[%add3A_58, %dma_start3A_66] : memref<10000x128xf32, #tpu.memory_space<vmem_shared>> -> memref<24x128xf32, #tpu.memory_space<vmem_shared>>
        %dma_start3A_68 = arith.constant 0 : i32
        %dma_start3A_69 = arith.constant 0 : i32
        %dma_start3A_70 = tpu.memref_slice %arg8[%dma_start3A_68, %dma_start3A_69] : memref<200x128xf32, #tpu.memory_space<vmem>> -> memref<24x128xf32, #tpu.memory_space<vmem>>
        %dma_start3A_71 = arith.constant 0 : i32
        %dma_start3A_72 = tpu.memref_slice %arg9[%add3A_58, %dma_start3A_71] : memref<10000x128xf32, #tpu.memory_space<vmem_shared>> -> memref<24x128xf32, #tpu.memory_space<vmem_shared>>
        tpu.enqueue_dma source(%dma_start3A_72 : memref<24x128xf32, #tpu.memory_space<vmem_shared>>) target(%dma_start3A_70 : memref<24x128xf32, #tpu.memory_space<vmem>>) target_semaphore(%run_scoped3A : memref<!tpu.dma_semaphore, #tpu.memory_space<semaphore_mem>>)
        %dma_wait3A = arith.constant 0 : i32
        %dma_wait3A_73 = arith.constant 0 : i32
        %dma_wait3A_74 = tpu.memref_slice %arg8[%dma_wait3A, %dma_wait3A_73] : memref<200x128xf32, #tpu.memory_space<vmem>> -> memref<24x128xf32, #tpu.memory_space<vmem>>
        %dma_wait3A_75 = arith.constant 0 : i32
        %dma_wait3A_76 = tpu.memref_slice %arg9[%add3A_58, %dma_wait3A_75] : memref<10000x128xf32, #tpu.memory_space<vmem_shared>> -> memref<24x128xf32, #tpu.memory_space<vmem_shared>>
        %dma_wait3A_77 = arith.constant 0 : i32
        %dma_wait3A_78 = arith.constant 0 : i32
        %dma_wait3A_79 = tpu.memref_slice %arg8[%dma_wait3A_77, %dma_wait3A_78] : memref<200x128xf32, #tpu.memory_space<vmem>> -> memref<24x128xf32, #tpu.memory_space<vmem>>
        %dma_wait3A_80 = arith.constant 0 : i32
        %dma_wait3A_81 = tpu.memref_slice %arg9[%add3A_58, %dma_wait3A_80] : memref<10000x128xf32, #tpu.memory_space<vmem_shared>> -> memref<24x128xf32, #tpu.memory_space<vmem_shared>>
        tpu.wait_dma2 semaphore(%run_scoped3A : memref<!tpu.dma_semaphore, #tpu.memory_space<semaphore_mem>>) src(%dma_wait3A_81 : memref<24x128xf32, #tpu.memory_space<vmem_shared>>) dst(%dma_wait3A_79 : memref<24x128xf32, #tpu.memory_space<vmem>>)
        tpu.yield
      }) : () -> ()
      %mul3A_59 = arith.constant 10000 : i32
      %mul3A_60 = arith.muli %arg0, %mul3A_59 : i32
      %add3A_61 = arith.addi %mul3A_60, %mul3A_9 : i32
      %add3A_62 = arith.constant 600 : i32
      %add3A_63 = arith.addi %add3A_61, %add3A_62 : i32
      "tpu.region"() ({
        %run_scoped3A = tpu.sem_alloc : memref<!tpu.dma_semaphore, #tpu.memory_space<semaphore_mem>>
        %dma_start3A = arith.constant 0 : i32
        %dma_start3A_64 = arith.constant 0 : i32
        %dma_start3A_65 = tpu.memref_slice %arg8[%dma_start3A, %dma_start3A_64] : memref<200x128xf32, #tpu.memory_space<vmem>> -> memref<24x128xf32, #tpu.memory_space<vmem>>
        %dma_start3A_66 = arith.constant 0 : i32
        %dma_start3A_67 = tpu.memref_slice %arg5[%add3A_63, %dma_start3A_66] : memref<20000x128xf32, #tpu.memory_space<hbm>> -> memref<24x128xf32, #tpu.memory_space<hbm>>
        %dma_start3A_68 = arith.constant 0 : i32
        %dma_start3A_69 = tpu.memref_slice %arg5[%add3A_63, %dma_start3A_68] : memref<20000x128xf32, #tpu.memory_space<hbm>> -> memref<24x128xf32, #tpu.memory_space<hbm>>
        %dma_start3A_70 = arith.constant 0 : i32
        %dma_start3A_71 = arith.constant 0 : i32
        %dma_start3A_72 = tpu.memref_slice %arg8[%dma_start3A_70, %dma_start3A_71] : memref<200x128xf32, #tpu.memory_space<vmem>> -> memref<24x128xf32, #tpu.memory_space<vmem>>
        tpu.enqueue_dma source(%dma_start3A_72 : memref<24x128xf32, #tpu.memory_space<vmem>>) target(%dma_start3A_69 : memref<24x128xf32, #tpu.memory_space<hbm>>) target_semaphore(%run_scoped3A : memref<!tpu.dma_semaphore, #tpu.memory_space<semaphore_mem>>)
        %dma_wait3A = arith.constant 0 : i32
        %dma_wait3A_73 = arith.constant 0 : i32
        %dma_wait3A_74 = tpu.memref_slice %arg8[%dma_wait3A, %dma_wait3A_73] : memref<200x128xf32, #tpu.memory_space<vmem>> -> memref<24x128xf32, #tpu.memory_space<vmem>>
        %dma_wait3A_75 = arith.constant 0 : i32
        %dma_wait3A_76 = tpu.memref_slice %arg5[%add3A_63, %dma_wait3A_75] : memref<20000x128xf32, #tpu.memory_space<hbm>> -> memref<24x128xf32, #tpu.memory_space<hbm>>
        %dma_wait3A_77 = arith.constant 0 : i32
        %dma_wait3A_78 = tpu.memref_slice %arg5[%add3A_63, %dma_wait3A_77] : memref<20000x128xf32, #tpu.memory_space<hbm>> -> memref<24x128xf32, #tpu.memory_space<hbm>>
        %dma_wait3A_79 = arith.constant 0 : i32
        %dma_wait3A_80 = arith.constant 0 : i32
        %dma_wait3A_81 = tpu.memref_slice %arg8[%dma_wait3A_79, %dma_wait3A_80] : memref<200x128xf32, #tpu.memory_space<vmem>> -> memref<24x128xf32, #tpu.memory_space<vmem>>
        tpu.wait_dma2 semaphore(%run_scoped3A : memref<!tpu.dma_semaphore, #tpu.memory_space<semaphore_mem>>) src(%dma_wait3A_81 : memref<24x128xf32, #tpu.memory_space<vmem>>) dst(%dma_wait3A_78 : memref<24x128xf32, #tpu.memory_space<hbm>>)
        tpu.yield
      }) : () -> ()
    } else {
    }
    %eq3A_31 = arith.constant 15 : i32
    %eq3A_32 = arith.cmpi eq, %arg1, %eq3A_31 : i32
    %convert_element_type3A_33 = arith.extui %eq3A_32 : i1 to i32
    %cond3A_34 = arith.constant 0 : i32
    %cond3A_35 = arith.cmpi ne, %convert_element_type3A_33, %cond3A_34 : i32
    scf.if %cond3A_35 {
      "tpu.region"() ({
        %run_scoped3A = tpu.sem_alloc : memref<!tpu.dma_semaphore, #tpu.memory_space<semaphore_mem>>
        %dma_start3A = arith.constant 0 : i32
        %dma_start3A_60 = arith.constant 0 : i32
        %dma_start3A_61 = tpu.memref_slice %arg8[%dma_start3A, %dma_start3A_60] : memref<200x128xf32, #tpu.memory_space<vmem>> -> memref<200x128xf32, #tpu.memory_space<vmem>>
        %dma_start3A_62 = arith.constant 9360 : i32
        %dma_start3A_63 = arith.constant 0 : i32
        %dma_start3A_64 = tpu.memref_slice %arg9[%dma_start3A_62, %dma_start3A_63] : memref<10000x128xf32, #tpu.memory_space<vmem_shared>> -> memref<200x128xf32, #tpu.memory_space<vmem_shared>>
        %dma_start3A_65 = arith.constant 0 : i32
        %dma_start3A_66 = arith.constant 0 : i32
        %dma_start3A_67 = tpu.memref_slice %arg8[%dma_start3A_65, %dma_start3A_66] : memref<200x128xf32, #tpu.memory_space<vmem>> -> memref<200x128xf32, #tpu.memory_space<vmem>>
        %dma_start3A_68 = arith.constant 9360 : i32
        %dma_start3A_69 = arith.constant 0 : i32
        %dma_start3A_70 = tpu.memref_slice %arg9[%dma_start3A_68, %dma_start3A_69] : memref<10000x128xf32, #tpu.memory_space<vmem_shared>> -> memref<200x128xf32, #tpu.memory_space<vmem_shared>>
        tpu.enqueue_dma source(%dma_start3A_70 : memref<200x128xf32, #tpu.memory_space<vmem_shared>>) target(%dma_start3A_67 : memref<200x128xf32, #tpu.memory_space<vmem>>) target_semaphore(%run_scoped3A : memref<!tpu.dma_semaphore, #tpu.memory_space<semaphore_mem>>)
        %dma_wait3A = arith.constant 0 : i32
        %dma_wait3A_71 = arith.constant 0 : i32
        %dma_wait3A_72 = tpu.memref_slice %arg8[%dma_wait3A, %dma_wait3A_71] : memref<200x128xf32, #tpu.memory_space<vmem>> -> memref<200x128xf32, #tpu.memory_space<vmem>>
        %dma_wait3A_73 = arith.constant 9360 : i32
        %dma_wait3A_74 = arith.constant 0 : i32
        %dma_wait3A_75 = tpu.memref_slice %arg9[%dma_wait3A_73, %dma_wait3A_74] : memref<10000x128xf32, #tpu.memory_space<vmem_shared>> -> memref<200x128xf32, #tpu.memory_space<vmem_shared>>
        %dma_wait3A_76 = arith.constant 0 : i32
        %dma_wait3A_77 = arith.constant 0 : i32
        %dma_wait3A_78 = tpu.memref_slice %arg8[%dma_wait3A_76, %dma_wait3A_77] : memref<200x128xf32, #tpu.memory_space<vmem>> -> memref<200x128xf32, #tpu.memory_space<vmem>>
        %dma_wait3A_79 = arith.constant 9360 : i32
        %dma_wait3A_80 = arith.constant 0 : i32
        %dma_wait3A_81 = tpu.memref_slice %arg9[%dma_wait3A_79, %dma_wait3A_80] : memref<10000x128xf32, #tpu.memory_space<vmem_shared>> -> memref<200x128xf32, #tpu.memory_space<vmem_shared>>
        tpu.wait_dma2 semaphore(%run_scoped3A : memref<!tpu.dma_semaphore, #tpu.memory_space<semaphore_mem>>) src(%dma_wait3A_81 : memref<200x128xf32, #tpu.memory_space<vmem_shared>>) dst(%dma_wait3A_78 : memref<200x128xf32, #tpu.memory_space<vmem>>)
        tpu.yield
      }) : () -> ()
      %mul3A_36 = arith.constant 10000 : i32
      %mul3A_37 = arith.muli %arg0, %mul3A_36 : i32
      %add3A_38 = arith.constant 9360 : i32
      %add3A_39 = arith.addi %mul3A_37, %add3A_38 : i32
      %add3A_40 = arith.constant 0 : i32
      %add3A_41 = arith.addi %add3A_39, %add3A_40 : i32
      "tpu.region"() ({
        %run_scoped3A = tpu.sem_alloc : memref<!tpu.dma_semaphore, #tpu.memory_space<semaphore_mem>>
        %dma_start3A = arith.constant 0 : i32
        %dma_start3A_60 = arith.constant 0 : i32
        %dma_start3A_61 = tpu.memref_slice %arg8[%dma_start3A, %dma_start3A_60] : memref<200x128xf32, #tpu.memory_space<vmem>> -> memref<200x128xf32, #tpu.memory_space<vmem>>
        %dma_start3A_62 = arith.constant 0 : i32
        %dma_start3A_63 = tpu.memref_slice %arg5[%add3A_41, %dma_start3A_62] : memref<20000x128xf32, #tpu.memory_space<hbm>> -> memref<200x128xf32, #tpu.memory_space<hbm>>
        %dma_start3A_64 = arith.constant 0 : i32
        %dma_start3A_65 = tpu.memref_slice %arg5[%add3A_41, %dma_start3A_64] : memref<20000x128xf32, #tpu.memory_space<hbm>> -> memref<200x128xf32, #tpu.memory_space<hbm>>
        %dma_start3A_66 = arith.constant 0 : i32
        %dma_start3A_67 = arith.constant 0 : i32
        %dma_start3A_68 = tpu.memref_slice %arg8[%dma_start3A_66, %dma_start3A_67] : memref<200x128xf32, #tpu.memory_space<vmem>> -> memref<200x128xf32, #tpu.memory_space<vmem>>
        tpu.enqueue_dma source(%dma_start3A_68 : memref<200x128xf32, #tpu.memory_space<vmem>>) target(%dma_start3A_65 : memref<200x128xf32, #tpu.memory_space<hbm>>) target_semaphore(%run_scoped3A : memref<!tpu.dma_semaphore, #tpu.memory_space<semaphore_mem>>)
        %dma_wait3A = arith.constant 0 : i32
        %dma_wait3A_69 = arith.constant 0 : i32
        %dma_wait3A_70 = tpu.memref_slice %arg8[%dma_wait3A, %dma_wait3A_69] : memref<200x128xf32, #tpu.memory_space<vmem>> -> memref<200x128xf32, #tpu.memory_space<vmem>>
        %dma_wait3A_71 = arith.constant 0 : i32
        %dma_wait3A_72 = tpu.memref_slice %arg5[%add3A_41, %dma_wait3A_71] : memref<20000x128xf32, #tpu.memory_space<hbm>> -> memref<200x128xf32, #tpu.memory_space<hbm>>
        %dma_wait3A_73 = arith.constant 0 : i32
        %dma_wait3A_74 = tpu.memref_slice %arg5[%add3A_41, %dma_wait3A_73] : memref<20000x128xf32, #tpu.memory_space<hbm>> -> memref<200x128xf32, #tpu.memory_space<hbm>>
        %dma_wait3A_75 = arith.constant 0 : i32
        %dma_wait3A_76 = arith.constant 0 : i32
        %dma_wait3A_77 = tpu.memref_slice %arg8[%dma_wait3A_75, %dma_wait3A_76] : memref<200x128xf32, #tpu.memory_space<vmem>> -> memref<200x128xf32, #tpu.memory_space<vmem>>
        tpu.wait_dma2 semaphore(%run_scoped3A : memref<!tpu.dma_semaphore, #tpu.memory_space<semaphore_mem>>) src(%dma_wait3A_77 : memref<200x128xf32, #tpu.memory_space<vmem>>) dst(%dma_wait3A_74 : memref<200x128xf32, #tpu.memory_space<hbm>>)
        tpu.yield
      }) : () -> ()
      "tpu.region"() ({
        %run_scoped3A = tpu.sem_alloc : memref<!tpu.dma_semaphore, #tpu.memory_space<semaphore_mem>>
        %dma_start3A = arith.constant 0 : i32
        %dma_start3A_60 = arith.constant 0 : i32
        %dma_start3A_61 = tpu.memref_slice %arg8[%dma_start3A, %dma_start3A_60] : memref<200x128xf32, #tpu.memory_space<vmem>> -> memref<200x128xf32, #tpu.memory_space<vmem>>
        %dma_start3A_62 = arith.constant 9560 : i32
        %dma_start3A_63 = arith.constant 0 : i32
        %dma_start3A_64 = tpu.memref_slice %arg9[%dma_start3A_62, %dma_start3A_63] : memref<10000x128xf32, #tpu.memory_space<vmem_shared>> -> memref<200x128xf32, #tpu.memory_space<vmem_shared>>
        %dma_start3A_65 = arith.constant 0 : i32
        %dma_start3A_66 = arith.constant 0 : i32
        %dma_start3A_67 = tpu.memref_slice %arg8[%dma_start3A_65, %dma_start3A_66] : memref<200x128xf32, #tpu.memory_space<vmem>> -> memref<200x128xf32, #tpu.memory_space<vmem>>
        %dma_start3A_68 = arith.constant 9560 : i32
        %dma_start3A_69 = arith.constant 0 : i32
        %dma_start3A_70 = tpu.memref_slice %arg9[%dma_start3A_68, %dma_start3A_69] : memref<10000x128xf32, #tpu.memory_space<vmem_shared>> -> memref<200x128xf32, #tpu.memory_space<vmem_shared>>
        tpu.enqueue_dma source(%dma_start3A_70 : memref<200x128xf32, #tpu.memory_space<vmem_shared>>) target(%dma_start3A_67 : memref<200x128xf32, #tpu.memory_space<vmem>>) target_semaphore(%run_scoped3A : memref<!tpu.dma_semaphore, #tpu.memory_space<semaphore_mem>>)
        %dma_wait3A = arith.constant 0 : i32
        %dma_wait3A_71 = arith.constant 0 : i32
        %dma_wait3A_72 = tpu.memref_slice %arg8[%dma_wait3A, %dma_wait3A_71] : memref<200x128xf32, #tpu.memory_space<vmem>> -> memref<200x128xf32, #tpu.memory_space<vmem>>
        %dma_wait3A_73 = arith.constant 9560 : i32
        %dma_wait3A_74 = arith.constant 0 : i32
        %dma_wait3A_75 = tpu.memref_slice %arg9[%dma_wait3A_73, %dma_wait3A_74] : memref<10000x128xf32, #tpu.memory_space<vmem_shared>> -> memref<200x128xf32, #tpu.memory_space<vmem_shared>>
        %dma_wait3A_76 = arith.constant 0 : i32
        %dma_wait3A_77 = arith.constant 0 : i32
        %dma_wait3A_78 = tpu.memref_slice %arg8[%dma_wait3A_76, %dma_wait3A_77] : memref<200x128xf32, #tpu.memory_space<vmem>> -> memref<200x128xf32, #tpu.memory_space<vmem>>
        %dma_wait3A_79 = arith.constant 9560 : i32
        %dma_wait3A_80 = arith.constant 0 : i32
        %dma_wait3A_81 = tpu.memref_slice %arg9[%dma_wait3A_79, %dma_wait3A_80] : memref<10000x128xf32, #tpu.memory_space<vmem_shared>> -> memref<200x128xf32, #tpu.memory_space<vmem_shared>>
        tpu.wait_dma2 semaphore(%run_scoped3A : memref<!tpu.dma_semaphore, #tpu.memory_space<semaphore_mem>>) src(%dma_wait3A_81 : memref<200x128xf32, #tpu.memory_space<vmem_shared>>) dst(%dma_wait3A_78 : memref<200x128xf32, #tpu.memory_space<vmem>>)
        tpu.yield
      }) : () -> ()
      %mul3A_42 = arith.constant 10000 : i32
      %mul3A_43 = arith.muli %arg0, %mul3A_42 : i32
      %add3A_44 = arith.constant 9360 : i32
      %add3A_45 = arith.addi %mul3A_43, %add3A_44 : i32
      %add3A_46 = arith.constant 200 : i32
      %add3A_47 = arith.addi %add3A_45, %add3A_46 : i32
      "tpu.region"() ({
        %run_scoped3A = tpu.sem_alloc : memref<!tpu.dma_semaphore, #tpu.memory_space<semaphore_mem>>
        %dma_start3A = arith.constant 0 : i32
        %dma_start3A_60 = arith.constant 0 : i32
        %dma_start3A_61 = tpu.memref_slice %arg8[%dma_start3A, %dma_start3A_60] : memref<200x128xf32, #tpu.memory_space<vmem>> -> memref<200x128xf32, #tpu.memory_space<vmem>>
        %dma_start3A_62 = arith.constant 0 : i32
        %dma_start3A_63 = tpu.memref_slice %arg5[%add3A_47, %dma_start3A_62] : memref<20000x128xf32, #tpu.memory_space<hbm>> -> memref<200x128xf32, #tpu.memory_space<hbm>>
        %dma_start3A_64 = arith.constant 0 : i32
        %dma_start3A_65 = tpu.memref_slice %arg5[%add3A_47, %dma_start3A_64] : memref<20000x128xf32, #tpu.memory_space<hbm>> -> memref<200x128xf32, #tpu.memory_space<hbm>>
        %dma_start3A_66 = arith.constant 0 : i32
        %dma_start3A_67 = arith.constant 0 : i32
        %dma_start3A_68 = tpu.memref_slice %arg8[%dma_start3A_66, %dma_start3A_67] : memref<200x128xf32, #tpu.memory_space<vmem>> -> memref<200x128xf32, #tpu.memory_space<vmem>>
        tpu.enqueue_dma source(%dma_start3A_68 : memref<200x128xf32, #tpu.memory_space<vmem>>) target(%dma_start3A_65 : memref<200x128xf32, #tpu.memory_space<hbm>>) target_semaphore(%run_scoped3A : memref<!tpu.dma_semaphore, #tpu.memory_space<semaphore_mem>>)
        %dma_wait3A = arith.constant 0 : i32
        %dma_wait3A_69 = arith.constant 0 : i32
        %dma_wait3A_70 = tpu.memref_slice %arg8[%dma_wait3A, %dma_wait3A_69] : memref<200x128xf32, #tpu.memory_space<vmem>> -> memref<200x128xf32, #tpu.memory_space<vmem>>
        %dma_wait3A_71 = arith.constant 0 : i32
        %dma_wait3A_72 = tpu.memref_slice %arg5[%add3A_47, %dma_wait3A_71] : memref<20000x128xf32, #tpu.memory_space<hbm>> -> memref<200x128xf32, #tpu.memory_space<hbm>>
        %dma_wait3A_73 = arith.constant 0 : i32
        %dma_wait3A_74 = tpu.memref_slice %arg5[%add3A_47, %dma_wait3A_73] : memref<20000x128xf32, #tpu.memory_space<hbm>> -> memref<200x128xf32, #tpu.memory_space<hbm>>
        %dma_wait3A_75 = arith.constant 0 : i32
        %dma_wait3A_76 = arith.constant 0 : i32
        %dma_wait3A_77 = tpu.memref_slice %arg8[%dma_wait3A_75, %dma_wait3A_76] : memref<200x128xf32, #tpu.memory_space<vmem>> -> memref<200x128xf32, #tpu.memory_space<vmem>>
        tpu.wait_dma2 semaphore(%run_scoped3A : memref<!tpu.dma_semaphore, #tpu.memory_space<semaphore_mem>>) src(%dma_wait3A_77 : memref<200x128xf32, #tpu.memory_space<vmem>>) dst(%dma_wait3A_74 : memref<200x128xf32, #tpu.memory_space<hbm>>)
        tpu.yield
      }) : () -> ()
      "tpu.region"() ({
        %run_scoped3A = tpu.sem_alloc : memref<!tpu.dma_semaphore, #tpu.memory_space<semaphore_mem>>
        %dma_start3A = arith.constant 0 : i32
        %dma_start3A_60 = arith.constant 0 : i32
        %dma_start3A_61 = tpu.memref_slice %arg8[%dma_start3A, %dma_start3A_60] : memref<200x128xf32, #tpu.memory_space<vmem>> -> memref<200x128xf32, #tpu.memory_space<vmem>>
        %dma_start3A_62 = arith.constant 9760 : i32
        %dma_start3A_63 = arith.constant 0 : i32
        %dma_start3A_64 = tpu.memref_slice %arg9[%dma_start3A_62, %dma_start3A_63] : memref<10000x128xf32, #tpu.memory_space<vmem_shared>> -> memref<200x128xf32, #tpu.memory_space<vmem_shared>>
        %dma_start3A_65 = arith.constant 0 : i32
        %dma_start3A_66 = arith.constant 0 : i32
        %dma_start3A_67 = tpu.memref_slice %arg8[%dma_start3A_65, %dma_start3A_66] : memref<200x128xf32, #tpu.memory_space<vmem>> -> memref<200x128xf32, #tpu.memory_space<vmem>>
        %dma_start3A_68 = arith.constant 9760 : i32
        %dma_start3A_69 = arith.constant 0 : i32
        %dma_start3A_70 = tpu.memref_slice %arg9[%dma_start3A_68, %dma_start3A_69] : memref<10000x128xf32, #tpu.memory_space<vmem_shared>> -> memref<200x128xf32, #tpu.memory_space<vmem_shared>>
        tpu.enqueue_dma source(%dma_start3A_70 : memref<200x128xf32, #tpu.memory_space<vmem_shared>>) target(%dma_start3A_67 : memref<200x128xf32, #tpu.memory_space<vmem>>) target_semaphore(%run_scoped3A : memref<!tpu.dma_semaphore, #tpu.memory_space<semaphore_mem>>)
        %dma_wait3A = arith.constant 0 : i32
        %dma_wait3A_71 = arith.constant 0 : i32
        %dma_wait3A_72 = tpu.memref_slice %arg8[%dma_wait3A, %dma_wait3A_71] : memref<200x128xf32, #tpu.memory_space<vmem>> -> memref<200x128xf32, #tpu.memory_space<vmem>>
        %dma_wait3A_73 = arith.constant 9760 : i32
        %dma_wait3A_74 = arith.constant 0 : i32
        %dma_wait3A_75 = tpu.memref_slice %arg9[%dma_wait3A_73, %dma_wait3A_74] : memref<10000x128xf32, #tpu.memory_space<vmem_shared>> -> memref<200x128xf32, #tpu.memory_space<vmem_shared>>
        %dma_wait3A_76 = arith.constant 0 : i32
        %dma_wait3A_77 = arith.constant 0 : i32
        %dma_wait3A_78 = tpu.memref_slice %arg8[%dma_wait3A_76, %dma_wait3A_77] : memref<200x128xf32, #tpu.memory_space<vmem>> -> memref<200x128xf32, #tpu.memory_space<vmem>>
        %dma_wait3A_79 = arith.constant 9760 : i32
        %dma_wait3A_80 = arith.constant 0 : i32
        %dma_wait3A_81 = tpu.memref_slice %arg9[%dma_wait3A_79, %dma_wait3A_80] : memref<10000x128xf32, #tpu.memory_space<vmem_shared>> -> memref<200x128xf32, #tpu.memory_space<vmem_shared>>
        tpu.wait_dma2 semaphore(%run_scoped3A : memref<!tpu.dma_semaphore, #tpu.memory_space<semaphore_mem>>) src(%dma_wait3A_81 : memref<200x128xf32, #tpu.memory_space<vmem_shared>>) dst(%dma_wait3A_78 : memref<200x128xf32, #tpu.memory_space<vmem>>)
        tpu.yield
      }) : () -> ()
      %mul3A_48 = arith.constant 10000 : i32
      %mul3A_49 = arith.muli %arg0, %mul3A_48 : i32
      %add3A_50 = arith.constant 9360 : i32
      %add3A_51 = arith.addi %mul3A_49, %add3A_50 : i32
      %add3A_52 = arith.constant 400 : i32
      %add3A_53 = arith.addi %add3A_51, %add3A_52 : i32
      "tpu.region"() ({
        %run_scoped3A = tpu.sem_alloc : memref<!tpu.dma_semaphore, #tpu.memory_space<semaphore_mem>>
        %dma_start3A = arith.constant 0 : i32
        %dma_start3A_60 = arith.constant 0 : i32
        %dma_start3A_61 = tpu.memref_slice %arg8[%dma_start3A, %dma_start3A_60] : memref<200x128xf32, #tpu.memory_space<vmem>> -> memref<200x128xf32, #tpu.memory_space<vmem>>
        %dma_start3A_62 = arith.constant 0 : i32
        %dma_start3A_63 = tpu.memref_slice %arg5[%add3A_53, %dma_start3A_62] : memref<20000x128xf32, #tpu.memory_space<hbm>> -> memref<200x128xf32, #tpu.memory_space<hbm>>
        %dma_start3A_64 = arith.constant 0 : i32
        %dma_start3A_65 = tpu.memref_slice %arg5[%add3A_53, %dma_start3A_64] : memref<20000x128xf32, #tpu.memory_space<hbm>> -> memref<200x128xf32, #tpu.memory_space<hbm>>
        %dma_start3A_66 = arith.constant 0 : i32
        %dma_start3A_67 = arith.constant 0 : i32
        %dma_start3A_68 = tpu.memref_slice %arg8[%dma_start3A_66, %dma_start3A_67] : memref<200x128xf32, #tpu.memory_space<vmem>> -> memref<200x128xf32, #tpu.memory_space<vmem>>
        tpu.enqueue_dma source(%dma_start3A_68 : memref<200x128xf32, #tpu.memory_space<vmem>>) target(%dma_start3A_65 : memref<200x128xf32, #tpu.memory_space<hbm>>) target_semaphore(%run_scoped3A : memref<!tpu.dma_semaphore, #tpu.memory_space<semaphore_mem>>)
        %dma_wait3A = arith.constant 0 : i32
        %dma_wait3A_69 = arith.constant 0 : i32
        %dma_wait3A_70 = tpu.memref_slice %arg8[%dma_wait3A, %dma_wait3A_69] : memref<200x128xf32, #tpu.memory_space<vmem>> -> memref<200x128xf32, #tpu.memory_space<vmem>>
        %dma_wait3A_71 = arith.constant 0 : i32
        %dma_wait3A_72 = tpu.memref_slice %arg5[%add3A_53, %dma_wait3A_71] : memref<20000x128xf32, #tpu.memory_space<hbm>> -> memref<200x128xf32, #tpu.memory_space<hbm>>
        %dma_wait3A_73 = arith.constant 0 : i32
        %dma_wait3A_74 = tpu.memref_slice %arg5[%add3A_53, %dma_wait3A_73] : memref<20000x128xf32, #tpu.memory_space<hbm>> -> memref<200x128xf32, #tpu.memory_space<hbm>>
        %dma_wait3A_75 = arith.constant 0 : i32
        %dma_wait3A_76 = arith.constant 0 : i32
        %dma_wait3A_77 = tpu.memref_slice %arg8[%dma_wait3A_75, %dma_wait3A_76] : memref<200x128xf32, #tpu.memory_space<vmem>> -> memref<200x128xf32, #tpu.memory_space<vmem>>
        tpu.wait_dma2 semaphore(%run_scoped3A : memref<!tpu.dma_semaphore, #tpu.memory_space<semaphore_mem>>) src(%dma_wait3A_77 : memref<200x128xf32, #tpu.memory_space<vmem>>) dst(%dma_wait3A_74 : memref<200x128xf32, #tpu.memory_space<hbm>>)
        tpu.yield
      }) : () -> ()
      "tpu.region"() ({
        %run_scoped3A = tpu.sem_alloc : memref<!tpu.dma_semaphore, #tpu.memory_space<semaphore_mem>>
        %dma_start3A = arith.constant 0 : i32
        %dma_start3A_60 = arith.constant 0 : i32
        %dma_start3A_61 = tpu.memref_slice %arg8[%dma_start3A, %dma_start3A_60] : memref<200x128xf32, #tpu.memory_space<vmem>> -> memref<40x128xf32, #tpu.memory_space<vmem>>
        %dma_start3A_62 = arith.constant 9960 : i32
        %dma_start3A_63 = arith.constant 0 : i32
        %dma_start3A_64 = tpu.memref_slice %arg9[%dma_start3A_62, %dma_start3A_63] : memref<10000x128xf32, #tpu.memory_space<vmem_shared>> -> memref<40x128xf32, #tpu.memory_space<vmem_shared>>
        %dma_start3A_65 = arith.constant 0 : i32
        %dma_start3A_66 = arith.constant 0 : i32
        %dma_start3A_67 = tpu.memref_slice %arg8[%dma_start3A_65, %dma_start3A_66] : memref<200x128xf32, #tpu.memory_space<vmem>> -> memref<40x128xf32, #tpu.memory_space<vmem>>
        %dma_start3A_68 = arith.constant 9960 : i32
        %dma_start3A_69 = arith.constant 0 : i32
        %dma_start3A_70 = tpu.memref_slice %arg9[%dma_start3A_68, %dma_start3A_69] : memref<10000x128xf32, #tpu.memory_space<vmem_shared>> -> memref<40x128xf32, #tpu.memory_space<vmem_shared>>
        tpu.enqueue_dma source(%dma_start3A_70 : memref<40x128xf32, #tpu.memory_space<vmem_shared>>) target(%dma_start3A_67 : memref<40x128xf32, #tpu.memory_space<vmem>>) target_semaphore(%run_scoped3A : memref<!tpu.dma_semaphore, #tpu.memory_space<semaphore_mem>>)
        %dma_wait3A = arith.constant 0 : i32
        %dma_wait3A_71 = arith.constant 0 : i32
        %dma_wait3A_72 = tpu.memref_slice %arg8[%dma_wait3A, %dma_wait3A_71] : memref<200x128xf32, #tpu.memory_space<vmem>> -> memref<40x128xf32, #tpu.memory_space<vmem>>
        %dma_wait3A_73 = arith.constant 9960 : i32
        %dma_wait3A_74 = arith.constant 0 : i32
        %dma_wait3A_75 = tpu.memref_slice %arg9[%dma_wait3A_73, %dma_wait3A_74] : memref<10000x128xf32, #tpu.memory_space<vmem_shared>> -> memref<40x128xf32, #tpu.memory_space<vmem_shared>>
        %dma_wait3A_76 = arith.constant 0 : i32
        %dma_wait3A_77 = arith.constant 0 : i32
        %dma_wait3A_78 = tpu.memref_slice %arg8[%dma_wait3A_76, %dma_wait3A_77] : memref<200x128xf32, #tpu.memory_space<vmem>> -> memref<40x128xf32, #tpu.memory_space<vmem>>
        %dma_wait3A_79 = arith.constant 9960 : i32
        %dma_wait3A_80 = arith.constant 0 : i32
        %dma_wait3A_81 = tpu.memref_slice %arg9[%dma_wait3A_79, %dma_wait3A_80] : memref<10000x128xf32, #tpu.memory_space<vmem_shared>> -> memref<40x128xf32, #tpu.memory_space<vmem_shared>>
        tpu.wait_dma2 semaphore(%run_scoped3A : memref<!tpu.dma_semaphore, #tpu.memory_space<semaphore_mem>>) src(%dma_wait3A_81 : memref<40x128xf32, #tpu.memory_space<vmem_shared>>) dst(%dma_wait3A_78 : memref<40x128xf32, #tpu.memory_space<vmem>>)
        tpu.yield
      }) : () -> ()
      %mul3A_54 = arith.constant 10000 : i32
      %mul3A_55 = arith.muli %arg0, %mul3A_54 : i32
      %add3A_56 = arith.constant 9360 : i32
      %add3A_57 = arith.addi %mul3A_55, %add3A_56 : i32
      %add3A_58 = arith.constant 600 : i32
      %add3A_59 = arith.addi %add3A_57, %add3A_58 : i32
      "tpu.region"() ({
        %run_scoped3A = tpu.sem_alloc : memref<!tpu.dma_semaphore, #tpu.memory_space<semaphore_mem>>
        %dma_start3A = arith.constant 0 : i32
        %dma_start3A_60 = arith.constant 0 : i32
        %dma_start3A_61 = tpu.memref_slice %arg8[%dma_start3A, %dma_start3A_60] : memref<200x128xf32, #tpu.memory_space<vmem>> -> memref<40x128xf32, #tpu.memory_space<vmem>>
        %dma_start3A_62 = arith.constant 0 : i32
        %dma_start3A_63 = tpu.memref_slice %arg5[%add3A_59, %dma_start3A_62] : memref<20000x128xf32, #tpu.memory_space<hbm>> -> memref<40x128xf32, #tpu.memory_space<hbm>>
        %dma_start3A_64 = arith.constant 0 : i32
        %dma_start3A_65 = tpu.memref_slice %arg5[%add3A_59, %dma_start3A_64] : memref<20000x128xf32, #tpu.memory_space<hbm>> -> memref<40x128xf32, #tpu.memory_space<hbm>>
        %dma_start3A_66 = arith.constant 0 : i32
        %dma_start3A_67 = arith.constant 0 : i32
        %dma_start3A_68 = tpu.memref_slice %arg8[%dma_start3A_66, %dma_start3A_67] : memref<200x128xf32, #tpu.memory_space<vmem>> -> memref<40x128xf32, #tpu.memory_space<vmem>>
        tpu.enqueue_dma source(%dma_start3A_68 : memref<40x128xf32, #tpu.memory_space<vmem>>) target(%dma_start3A_65 : memref<40x128xf32, #tpu.memory_space<hbm>>) target_semaphore(%run_scoped3A : memref<!tpu.dma_semaphore, #tpu.memory_space<semaphore_mem>>)
        %dma_wait3A = arith.constant 0 : i32
        %dma_wait3A_69 = arith.constant 0 : i32
        %dma_wait3A_70 = tpu.memref_slice %arg8[%dma_wait3A, %dma_wait3A_69] : memref<200x128xf32, #tpu.memory_space<vmem>> -> memref<40x128xf32, #tpu.memory_space<vmem>>
        %dma_wait3A_71 = arith.constant 0 : i32
        %dma_wait3A_72 = tpu.memref_slice %arg5[%add3A_59, %dma_wait3A_71] : memref<20000x128xf32, #tpu.memory_space<hbm>> -> memref<40x128xf32, #tpu.memory_space<hbm>>
        %dma_wait3A_73 = arith.constant 0 : i32
        %dma_wait3A_74 = tpu.memref_slice %arg5[%add3A_59, %dma_wait3A_73] : memref<20000x128xf32, #tpu.memory_space<hbm>> -> memref<40x128xf32, #tpu.memory_space<hbm>>
        %dma_wait3A_75 = arith.constant 0 : i32
        %dma_wait3A_76 = arith.constant 0 : i32
        %dma_wait3A_77 = tpu.memref_slice %arg8[%dma_wait3A_75, %dma_wait3A_76] : memref<200x128xf32, #tpu.memory_space<vmem>> -> memref<40x128xf32, #tpu.memory_space<vmem>>
        tpu.wait_dma2 semaphore(%run_scoped3A : memref<!tpu.dma_semaphore, #tpu.memory_space<semaphore_mem>>) src(%dma_wait3A_77 : memref<40x128xf32, #tpu.memory_space<vmem>>) dst(%dma_wait3A_74 : memref<40x128xf32, #tpu.memory_space<hbm>>)
        tpu.yield
      }) : () -> ()
    } else {
    }
    return
  }
}

module attributes {stable_mosaic.version = 14 : i64} {
  func.func @_tc_a_body(%arg0: i32, %arg1: memref<1000x128xf32, #tpu.memory_space<vmem>>, %arg2: memref<128x128xf32, #tpu.memory_space<vmem>>, %arg3: memref<1000x1xf32, #tpu.memory_space<vmem>>, %arg4: memref<1000x1xf32, #tpu.memory_space<vmem>>, %arg5: memref<1000x1xf32, #tpu.memory_space<vmem>>, %arg6: memref<1000x128xf32, #tpu.memory_space<vmem>>, %arg7: memref<1000x128xf32, #tpu.memory_space<vmem>>) attributes {dimension_semantics = [#tpu.dimension_semantics<arbitrary>], iteration_bounds = array<i64: 10>, scalar_prefetch = 0 : i64, scratch_operands = 0 : i64, tpu.core_type = #tpu.core_type<tc>, window_params = [{transform_indices = @transform_0, window_bounds = array<i64: 1000, 128>}, {pipeline_mode = #tpu.pipeline_mode<synchronous>, transform_indices = @transform_1, window_bounds = array<i64: 128, 128>}, {transform_indices = @transform_2, window_bounds = array<i64: 1000, 1>}, {transform_indices = @transform_3, window_bounds = array<i64: 1000, 1>}, {transform_indices = @transform_4, window_bounds = array<i64: 1000, 1>}, {transform_indices = @transform_5, window_bounds = array<i64: 1000, 128>}, {transform_indices = @transform_6, window_bounds = array<i64: 1000, 128>}]} {
    %get3A = arith.constant 0 : index
    %get3A_0 = arith.constant 0 : index
    %get3A_1 = vector.load %arg3[%get3A, %get3A_0] : memref<1000x1xf32, #tpu.memory_space<vmem>>, vector<1000x1xf32>
    %get3A_2 = arith.constant 0 : index
    %get3A_3 = arith.constant 0 : index
    %get3A_4 = vector.load %arg4[%get3A_2, %get3A_3] : memref<1000x1xf32, #tpu.memory_space<vmem>>, vector<1000x1xf32>
    %add3A = arith.addf %get3A_1, %get3A_4 : vector<1000x1xf32>
    %add3A_5 = arith.constant 1.000000e+00 : f32
    %add3A_6 = vector.broadcast %add3A_5 : f32 to vector<1000x1xf32>
    %add3A_7 = arith.addf %add3A, %add3A_6 : vector<1000x1xf32>
    %rsqrt3A = math.rsqrt %add3A_7 : vector<1000x1xf32>
    %swap3A = arith.constant 0 : index
    %swap3A_8 = arith.constant 0 : index
    %swap3A_9 = vector.load %arg5[%swap3A, %swap3A_8] : memref<1000x1xf32, #tpu.memory_space<vmem>>, vector<1000x1xf32>
    tpu.vector_store %arg5[%swap3A, %swap3A_8], %rsqrt3A {strides = array<i32>} : memref<1000x1xf32, #tpu.memory_space<vmem>>, vector<1000x1xf32>,
    %get3A_10 = arith.constant 0 : index
    %get3A_11 = arith.constant 0 : index
    %get3A_12 = vector.load %arg1[%get3A_10, %get3A_11] : memref<1000x128xf32, #tpu.memory_space<vmem>>, vector<1000x128xf32>
    %get3A_13 = arith.constant 0 : index
    %get3A_14 = arith.constant 0 : index
    %get3A_15 = vector.load %arg2[%get3A_13, %get3A_14] : memref<128x128xf32, #tpu.memory_space<vmem>>, vector<128x128xf32>
    %dot_general3A = arith.constant dense<0.000000e+00> : vector<1000x128xf32>
    %dot_general3A_16 = tpu.matmul %get3A_12, %get3A_15, %dot_general3A {dimension_numbers = #tpu.dot_dimension_numbers<[1], [0], [0], [1], [0, 0, 1, 1], [], []>, transpose_lhs_hint = false} : vector<1000x128xf32>, vector<128x128xf32>, vector<1000x128xf32> -> vector<1000x128xf32>
    %swap3A_17 = arith.constant 0 : index
    %swap3A_18 = arith.constant 0 : index
    %swap3A_19 = vector.load %arg6[%swap3A_17, %swap3A_18] : memref<1000x128xf32, #tpu.memory_space<vmem>>, vector<1000x128xf32>
    tpu.vector_store %arg6[%swap3A_17, %swap3A_18], %dot_general3A_16 {strides = array<i32>} : memref<1000x128xf32, #tpu.memory_space<vmem>>, vector<1000x128xf32>,
    %mul3A = vector.broadcast %rsqrt3A : vector<1000x1xf32> to vector<1000x128xf32>
    %mul3A_20 = arith.mulf %dot_general3A_16, %mul3A : vector<1000x128xf32>
    %swap3A_21 = arith.constant 0 : index
    %swap3A_22 = arith.constant 0 : index
    %swap3A_23 = vector.load %arg7[%swap3A_21, %swap3A_22] : memref<1000x128xf32, #tpu.memory_space<vmem>>, vector<1000x128xf32>
    tpu.vector_store %arg7[%swap3A_21, %swap3A_22], %mul3A_20 {strides = array<i32>} : memref<1000x128xf32, #tpu.memory_space<vmem>>, vector<1000x128xf32>,
    return
  }
  func.func @transform_0(%arg0: i32) -> (i32, i32) {
    %c0_i32 = arith.constant 0 : i32
    %c0_i32_0 = arith.constant 0 : i32
    return %arg0, %c0_i32 : i32, i32
  }
  func.func @transform_1(%arg0: i32) -> (i32, i32) {
    %c0_i32 = arith.constant 0 : i32
    %c0_i32_0 = arith.constant 0 : i32
    %c0_i32_1 = arith.constant 0 : i32
    return %c0_i32, %c0_i32_0 : i32, i32
  }
  func.func @transform_2(%arg0: i32) -> (i32, i32) {
    %c0_i32 = arith.constant 0 : i32
    %c0_i32_0 = arith.constant 0 : i32
    return %arg0, %c0_i32 : i32, i32
  }
  func.func @transform_3(%arg0: i32) -> (i32, i32) {
    %c0_i32 = arith.constant 0 : i32
    %c0_i32_0 = arith.constant 0 : i32
    return %arg0, %c0_i32 : i32, i32
  }
  func.func @transform_4(%arg0: i32) -> (i32, i32) {
    %c0_i32 = arith.constant 0 : i32
    %c0_i32_0 = arith.constant 0 : i32
    return %arg0, %c0_i32 : i32, i32
  }
  func.func @transform_5(%arg0: i32) -> (i32, i32) {
    %c0_i32 = arith.constant 0 : i32
    %c0_i32_0 = arith.constant 0 : i32
    return %arg0, %c0_i32 : i32, i32
  }
  func.func @transform_6(%arg0: i32) -> (i32, i32) {
    %c0_i32 = arith.constant 0 : i32
    %c0_i32_0 = arith.constant 0 : i32
    return %arg0, %c0_i32 : i32, i32
  }
}

module attributes {stable_mosaic.version = 14 : i64} {
  func.func @_tc_mid_body(%arg0: i32, %arg1: memref<1000x128xf32, #tpu.memory_space<vmem>>, %arg2: memref<1000x128xf32, #tpu.memory_space<vmem>>, %arg3: memref<1000x128xf32, #tpu.memory_space<vmem>>, %arg4: memref<1000x1xf32, #tpu.memory_space<vmem>>, %arg5: memref<1x128xf32, #tpu.memory_space<vmem>>, %arg6: memref<128x128xf32, #tpu.memory_space<vmem>>, %arg7: memref<1000x128xf32, #tpu.memory_space<vmem>>, %arg8: memref<1000x128xf32, #tpu.memory_space<vmem>>) attributes {dimension_semantics = [#tpu.dimension_semantics<arbitrary>], iteration_bounds = array<i64: 10>, scalar_prefetch = 0 : i64, scratch_operands = 0 : i64, tpu.core_type = #tpu.core_type<tc>, window_params = [{transform_indices = @transform_0, window_bounds = array<i64: 1000, 128>}, {transform_indices = @transform_1, window_bounds = array<i64: 1000, 128>}, {transform_indices = @transform_2, window_bounds = array<i64: 1000, 128>}, {transform_indices = @transform_3, window_bounds = array<i64: 1000, 1>}, {pipeline_mode = #tpu.pipeline_mode<synchronous>, transform_indices = @transform_4, window_bounds = array<i64: 1, 128>}, {pipeline_mode = #tpu.pipeline_mode<synchronous>, transform_indices = @transform_5, window_bounds = array<i64: 128, 128>}, {transform_indices = @transform_6, window_bounds = array<i64: 1000, 128>}, {transform_indices = @transform_7, window_bounds = array<i64: 1000, 128>}]} {
    %get3A = arith.constant 0 : index
    %get3A_0 = arith.constant 0 : index
    %get3A_1 = vector.load %arg4[%get3A, %get3A_0] : memref<1000x1xf32, #tpu.memory_space<vmem>>, vector<1000x1xf32>
    %get3A_2 = arith.constant 0 : index
    %get3A_3 = arith.constant 0 : index
    %get3A_4 = vector.load %arg1[%get3A_2, %get3A_3] : memref<1000x128xf32, #tpu.memory_space<vmem>>, vector<1000x128xf32>
    %get3A_5 = arith.constant 0 : index
    %get3A_6 = arith.constant 0 : index
    %get3A_7 = vector.load %arg2[%get3A_5, %get3A_6] : memref<1000x128xf32, #tpu.memory_space<vmem>>, vector<1000x128xf32>
    %get3A_8 = arith.constant 0 : index
    %get3A_9 = arith.constant 0 : index
    %get3A_10 = vector.load %arg3[%get3A_8, %get3A_9] : memref<1000x128xf32, #tpu.memory_space<vmem>>, vector<1000x128xf32>
    %add3A = arith.addf %get3A_7, %get3A_10 : vector<1000x128xf32>
    %mul3A = vector.broadcast %get3A_1 : vector<1000x1xf32> to vector<1000x128xf32>
    %mul3A_11 = arith.mulf %mul3A, %add3A : vector<1000x128xf32>
    %mul3A_12 = arith.mulf %get3A_1, %get3A_1 : vector<1000x1xf32>
    %mul3A_13 = vector.broadcast %mul3A_12 : vector<1000x1xf32> to vector<1000x128xf32>
    %mul3A_14 = arith.mulf %mul3A_13, %get3A_4 : vector<1000x128xf32>
    %add3A_15 = arith.addf %mul3A_11, %mul3A_14 : vector<1000x128xf32>
    %get3A_16 = arith.constant 0 : index
    %get3A_17 = arith.constant 0 : index
    %get3A_18 = vector.load %arg5[%get3A_16, %get3A_17] : memref<1x128xf32, #tpu.memory_space<vmem>>, vector<1x128xf32>
    %add3A_19 = vector.broadcast %get3A_18 : vector<1x128xf32> to vector<1000x128xf32>
    %add3A_20 = arith.addf %add3A_15, %add3A_19 : vector<1000x128xf32>
    %max3A = arith.constant 0.000000e+00 : f32
    %max3A_21 = vector.broadcast %max3A : f32 to vector<1000x128xf32>
    %max3A_22 = arith.maximumf %add3A_20, %max3A_21 : vector<1000x128xf32>
    %get3A_23 = arith.constant 0 : index
    %get3A_24 = arith.constant 0 : index
    %get3A_25 = vector.load %arg6[%get3A_23, %get3A_24] : memref<128x128xf32, #tpu.memory_space<vmem>>, vector<128x128xf32>
    %dot_general3A = arith.constant dense<0.000000e+00> : vector<1000x128xf32>
    %dot_general3A_26 = tpu.matmul %max3A_22, %get3A_25, %dot_general3A {dimension_numbers = #tpu.dot_dimension_numbers<[1], [0], [0], [1], [0, 0, 1, 1], [], []>, transpose_lhs_hint = false} : vector<1000x128xf32>, vector<128x128xf32>, vector<1000x128xf32> -> vector<1000x128xf32>
    %swap3A = arith.constant 0 : index
    %swap3A_27 = arith.constant 0 : index
    %swap3A_28 = vector.load %arg7[%swap3A, %swap3A_27] : memref<1000x128xf32, #tpu.memory_space<vmem>>, vector<1000x128xf32>
    tpu.vector_store %arg7[%swap3A, %swap3A_27], %dot_general3A_26 {strides = array<i32>} : memref<1000x128xf32, #tpu.memory_space<vmem>>, vector<1000x128xf32>,
    %mul3A_29 = vector.broadcast %get3A_1 : vector<1000x1xf32> to vector<1000x128xf32>
    %mul3A_30 = arith.mulf %dot_general3A_26, %mul3A_29 : vector<1000x128xf32>
    %swap3A_31 = arith.constant 0 : index
    %swap3A_32 = arith.constant 0 : index
    %swap3A_33 = vector.load %arg8[%swap3A_31, %swap3A_32] : memref<1000x128xf32, #tpu.memory_space<vmem>>, vector<1000x128xf32>
    tpu.vector_store %arg8[%swap3A_31, %swap3A_32], %mul3A_30 {strides = array<i32>} : memref<1000x128xf32, #tpu.memory_space<vmem>>, vector<1000x128xf32>,
    return
  }
  func.func @transform_0(%arg0: i32) -> (i32, i32) {
    %c0_i32 = arith.constant 0 : i32
    %c0_i32_0 = arith.constant 0 : i32
    return %arg0, %c0_i32 : i32, i32
  }
  func.func @transform_1(%arg0: i32) -> (i32, i32) {
    %c0_i32 = arith.constant 0 : i32
    %c0_i32_0 = arith.constant 0 : i32
    return %arg0, %c0_i32 : i32, i32
  }
  func.func @transform_2(%arg0: i32) -> (i32, i32) {
    %c0_i32 = arith.constant 0 : i32
    %c0_i32_0 = arith.constant 0 : i32
    return %arg0, %c0_i32 : i32, i32
  }
  func.func @transform_3(%arg0: i32) -> (i32, i32) {
    %c0_i32 = arith.constant 0 : i32
    %c0_i32_0 = arith.constant 0 : i32
    return %arg0, %c0_i32 : i32, i32
  }
  func.func @transform_4(%arg0: i32) -> (i32, i32) {
    %c0_i32 = arith.constant 0 : i32
    %c0_i32_0 = arith.constant 0 : i32
    %c0_i32_1 = arith.constant 0 : i32
    return %c0_i32, %c0_i32_0 : i32, i32
  }
  func.func @transform_5(%arg0: i32) -> (i32, i32) {
    %c0_i32 = arith.constant 0 : i32
    %c0_i32_0 = arith.constant 0 : i32
    %c0_i32_1 = arith.constant 0 : i32
    return %c0_i32, %c0_i32_0 : i32, i32
  }
  func.func @transform_6(%arg0: i32) -> (i32, i32) {
    %c0_i32 = arith.constant 0 : i32
    %c0_i32_0 = arith.constant 0 : i32
    return %arg0, %c0_i32 : i32, i32
  }
  func.func @transform_7(%arg0: i32) -> (i32, i32) {
    %c0_i32 = arith.constant 0 : i32
    %c0_i32_0 = arith.constant 0 : i32
    return %arg0, %c0_i32 : i32, i32
  }
}

module attributes {stable_mosaic.version = 14 : i64} {
  func.func @_tc_fin_body(%arg0: i32, %arg1: memref<1000x128xf32, #tpu.memory_space<vmem>>, %arg2: memref<1000x128xf32, #tpu.memory_space<vmem>>, %arg3: memref<1000x128xf32, #tpu.memory_space<vmem>>, %arg4: memref<1000x1xf32, #tpu.memory_space<vmem>>, %arg5: memref<1x128xf32, #tpu.memory_space<vmem>>, %arg6: memref<1000x64xf32, #tpu.memory_space<vmem>>) attributes {dimension_semantics = [#tpu.dimension_semantics<arbitrary>], iteration_bounds = array<i64: 10>, scalar_prefetch = 0 : i64, scratch_operands = 0 : i64, tpu.core_type = #tpu.core_type<tc>, window_params = [{transform_indices = @transform_0, window_bounds = array<i64: 1000, 128>}, {transform_indices = @transform_1, window_bounds = array<i64: 1000, 128>}, {transform_indices = @transform_2, window_bounds = array<i64: 1000, 128>}, {transform_indices = @transform_3, window_bounds = array<i64: 1000, 1>}, {pipeline_mode = #tpu.pipeline_mode<synchronous>, transform_indices = @transform_4, window_bounds = array<i64: 1, 128>}, {transform_indices = @transform_5, window_bounds = array<i64: 1000, 64>}]} {
    %get3A = arith.constant 0 : index
    %get3A_0 = arith.constant 0 : index
    %get3A_1 = vector.load %arg4[%get3A, %get3A_0] : memref<1000x1xf32, #tpu.memory_space<vmem>>, vector<1000x1xf32>
    %get3A_2 = arith.constant 0 : index
    %get3A_3 = arith.constant 0 : index
    %get3A_4 = vector.load %arg1[%get3A_2, %get3A_3] : memref<1000x128xf32, #tpu.memory_space<vmem>>, vector<1000x128xf32>
    %get3A_5 = arith.constant 0 : index
    %get3A_6 = arith.constant 0 : index
    %get3A_7 = vector.load %arg2[%get3A_5, %get3A_6] : memref<1000x128xf32, #tpu.memory_space<vmem>>, vector<1000x128xf32>
    %get3A_8 = arith.constant 0 : index
    %get3A_9 = arith.constant 0 : index
    %get3A_10 = vector.load %arg3[%get3A_8, %get3A_9] : memref<1000x128xf32, #tpu.memory_space<vmem>>, vector<1000x128xf32>
    %add3A = arith.addf %get3A_7, %get3A_10 : vector<1000x128xf32>
    %mul3A = vector.broadcast %get3A_1 : vector<1000x1xf32> to vector<1000x128xf32>
    %mul3A_11 = arith.mulf %mul3A, %add3A : vector<1000x128xf32>
    %mul3A_12 = arith.mulf %get3A_1, %get3A_1 : vector<1000x1xf32>
    %mul3A_13 = vector.broadcast %mul3A_12 : vector<1000x1xf32> to vector<1000x128xf32>
    %mul3A_14 = arith.mulf %mul3A_13, %get3A_4 : vector<1000x128xf32>
    %add3A_15 = arith.addf %mul3A_11, %mul3A_14 : vector<1000x128xf32>
    %get3A_16 = arith.constant 0 : index
    %get3A_17 = arith.constant 0 : index
    %get3A_18 = vector.load %arg5[%get3A_16, %get3A_17] : memref<1x128xf32, #tpu.memory_space<vmem>>, vector<1x128xf32>
    %add3A_19 = vector.broadcast %get3A_18 : vector<1x128xf32> to vector<1000x128xf32>
    %add3A_20 = arith.addf %add3A_15, %add3A_19 : vector<1000x128xf32>
    %slice3A = vector.extract_strided_slice %add3A_20 {offsets = [0, 0], sizes = [1000, 64], strides = [1, 1]} : vector<1000x128xf32> to vector<1000x64xf32>
    %reduce_max3A = arith.constant dense<0xFF800000> : vector<1000xf32>
    %reduce_max3A_21 = vector.multi_reduction <maximumf>, %slice3A, %reduce_max3A [1] : vector<1000x64xf32> to vector<1000xf32>
    %broadcast_in_dim3A = vector.shape_cast %reduce_max3A_21 : vector<1000xf32> to vector<1000x1xf32>
    %sub3A = vector.broadcast %broadcast_in_dim3A : vector<1000x1xf32> to vector<1000x64xf32>
    %sub3A_22 = arith.subf %slice3A, %sub3A : vector<1000x64xf32>
    %exp3A = math.exp %sub3A_22 : vector<1000x64xf32>
    %reduce_sum3A = arith.constant dense<0.000000e+00> : vector<1000xf32>
    %reduce_sum3A_23 = vector.multi_reduction <add>, %exp3A, %reduce_sum3A [1] : vector<1000x64xf32> to vector<1000xf32>
    %broadcast_in_dim3A_24 = vector.shape_cast %reduce_sum3A_23 : vector<1000xf32> to vector<1000x1xf32>
    %sub3A_25 = vector.broadcast %broadcast_in_dim3A : vector<1000x1xf32> to vector<1000x64xf32>
    %sub3A_26 = arith.subf %slice3A, %sub3A_25 : vector<1000x64xf32>
    %log3A = math.log %broadcast_in_dim3A_24 : vector<1000x1xf32>
    %sub3A_27 = vector.broadcast %log3A : vector<1000x1xf32> to vector<1000x64xf32>
    %sub3A_28 = arith.subf %sub3A_26, %sub3A_27 : vector<1000x64xf32>
    %swap3A = arith.constant 0 : index
    %swap3A_29 = arith.constant 0 : index
    %swap3A_30 = vector.load %arg6[%swap3A, %swap3A_29] : memref<1000x64xf32, #tpu.memory_space<vmem>>, vector<1000x64xf32>
    tpu.vector_store %arg6[%swap3A, %swap3A_29], %sub3A_28 {strides = array<i32>} : memref<1000x64xf32, #tpu.memory_space<vmem>>, vector<1000x64xf32>,
    return
  }
  func.func @transform_0(%arg0: i32) -> (i32, i32) {
    %c0_i32 = arith.constant 0 : i32
    %c0_i32_0 = arith.constant 0 : i32
    return %arg0, %c0_i32 : i32, i32
  }
  func.func @transform_1(%arg0: i32) -> (i32, i32) {
    %c0_i32 = arith.constant 0 : i32
    %c0_i32_0 = arith.constant 0 : i32
    return %arg0, %c0_i32 : i32, i32
  }
  func.func @transform_2(%arg0: i32) -> (i32, i32) {
    %c0_i32 = arith.constant 0 : i32
    %c0_i32_0 = arith.constant 0 : i32
    return %arg0, %c0_i32 : i32, i32
  }
  func.func @transform_3(%arg0: i32) -> (i32, i32) {
    %c0_i32 = arith.constant 0 : i32
    %c0_i32_0 = arith.constant 0 : i32
    return %arg0, %c0_i32 : i32, i32
  }
  func.func @transform_4(%arg0: i32) -> (i32, i32) {
    %c0_i32 = arith.constant 0 : i32
    %c0_i32_0 = arith.constant 0 : i32
    %c0_i32_1 = arith.constant 0 : i32
    return %c0_i32, %c0_i32_0 : i32, i32
  }
  func.func @transform_5(%arg0: i32) -> (i32, i32) {
    %c0_i32 = arith.constant 0 : i32
    %c0_i32_0 = arith.constant 0 : i32
    return %arg0, %c0_i32 : i32, i32
  }
}

</mosaic_0001>

<sc_bundles>
// kernel: gather_offload_async_start.1
scs
__scs_entry_jumppad:
0x0: {  	(pc) =	sbr.rel $0x88, $3  }
0x1: {  	(tag) =	ssettag $0x0;
	lr =	simm.s32 $0x1  }
0x2: {  	[smem:$0x3F99] =	sst lr;
	_ =	strace $0xD0000000  }
0x3: {  	_ = 	snop  }
0x4: {  	_ = 	snop  }
0x5: {  	_ = 	snop  }
0x6: {  	_ = 	snop  }
0x7: {  	_ = 	snop  }
__scs_overlays_trampoline_lowered:
0x8: {  	[smem:$0x3FA8] =	sst s0  }
0x9: {  	[smem:$0x3FA9] =	sst s1  }
0xa: {  	[smem:$0x3FAA] =	sst s2  }
0xb: {  	[smem:$0x3FAB] =	sst s3  }
0xc: {  	[smem:$0x3FAC] =	sst s4  }
0xd: {  	[smem:$0x3FAD] =	sst s5  }
0xe: {  	[smem:$0x3FAE] =	sst s6  }
0xf: {  	[smem:$0x3FAF] =	sst s7  }
0x10: {  	[smem:$0x3FB0] =	sst s8  }
0x11: {  	[smem:$0x3FB1] =	sst s9;
	s0 =	simm.s32 @!p0 $0x0  }
0x12: {  	s1 =	sld [smem:$0x3F97];
	s0 =	simm.s32 @p0 $0x1  }
0x13: {  	[smem:$0x3FB2] =	sst s0;
	s0 =	simm.s32 @!p1 $0x0  }
0x14: {  	s2 =	sld [smem:$0x3F96];
	s0 =	simm.s32 @p1 $0x1  }
0x15: {  	[smem:$0x3FB3] =	sst s0;
	s0 =	simm.s32 @!p2 $0x0  }
0x16: {  	s3 =	sld [smem:$0x3FDB];
	s0 =	simm.s32 @p2 $0x1  }
0x17: {  	s4 =	simm.s32 $0x1BF5;
	[smem:$0x3FB5] =	sst s0  }
0x18: {  	s0 =	sld [smem:$0x3F98];
	_ =	swait.ge [sflag:s4], $0x0  }
0x19: {  	s7 =	sld [smem:$0x3F99]  }
0x1a: {  	s8 =	sadd.s32 $0xFFFFE003, lr  }
0x1b: {  	s9 =	sadd.s32 $0xFFFFFEF7, lr;
	s5 =	simm.s32 $0xFFFFFFFF;
	p2 =	slt.u32 s8, $0xFFFFF086  }
0x1c: {  	p1 =	slt.u32 s9, $0xF7A;
	s5 =	simm.s32 @!p2 $0x0  }
0x1d: {  	s5 =	simm.s32 @p1 $0x1;
	p0 =	seq.s32 s7, s2  }
0x1e: {  	s7 =	smul.u32 @!p0 $0xF7A, s2;
	p2 =	seq.s32 @!p0 s5, $0x0  }
0x1f: {  	s9 =	smul.u32 $0xF7A, s1;
	s8 =	simm.s32 @!p0 $0x1BF5;
	p2 =	por !p2, p0  }
0x20: {  	[sflag:s8] =	ssyncset.s32 @!p0 $0xFFFFF086;
	s6 =	sadd.s32 @!p0 s3, s7;
	s7 =	simm.s32 @!p0 $0x108  }
0x21: {  	s3 =	sadd.s32 s3, s9;
	s6 =	sadd.s32 @!p0 $0x88, s6;
	s7 =	simm.s32 @p2 $0x1082  }
0x22: {  	[simem:s7], [sflag:s8] =	dma.local @!p0 [hbm:s6], $0xF7A  }
0x23: {  	s9 =	sor.u32 $0xD0000000, s2;
	s6 =	simm.s32 $0x108;
	_ =	swait.ge @!p0 [sflag:s8], $0x0  }
0x24: {  	s3 =	sadd.s32 $0x88, s3;
	s6 =	simm.s32 @!p1 $0x1082;
	[sflag:s4] =	ssyncset.s32 $0xFFFFF086  }
0x25: {  	[simem:s6], [sflag:s4] =	dma.local [hbm:s3], $0xF7A  }
0x26: {  	[smem:$0x3F99] =	sst s1;
	(tag) =	ssettag s2;
	_ =	strace s9  }
0x27: {  	s1 =	sld [smem:$0x3FA9]  }
0x28: {  	s2 =	sld [smem:$0x3FAA]  }
0x29: {  	s4 =	sld [smem:$0x3FAC]  }
0x2a: {  	p0 =	seq.s32 s5, $0x0;
	s5 =	sld [smem:$0x3FAD]  }
0x2b: {  	s6 =	sld [smem:$0x3FAE]  }
0x2c: {  	s7 =	sld [smem:$0x3FAF]  }
0x2d: {  	s3 =	simm.s32 $0x108;
	s8 =	sld [smem:$0x3FB0]  }
0x2e: {  	s3 =	simm.s32 @!p0 $0x1082;
	s9 =	sld [smem:$0x3FB1]  }
0x2f: {  	lr =	sadd.s32 s0, s3;
	s0 =	sld [smem:$0x3FA8]  }
0x30: {  	s3 =	sld [smem:$0x3FAB]  }
0x31: {  	[smem:$0x3FB4] =	sst s10  }
0x32: {  	s10 =	sld [smem:$0x3FB2];
	_ =	sdelay $0x3  }
0x33: {  	p0 =	seq.s32 s10, $0x1;
	s10 =	sld [smem:$0x3FB4];
	_ =	sdelay $0x3  }
0x34: {  	[smem:$0x3FB4] =	sst s10  }
0x35: {  	s10 =	sld [smem:$0x3FB3];
	_ =	sdelay $0x3  }
0x36: {  	p1 =	seq.s32 s10, $0x1;
	s10 =	sld [smem:$0x3FB4];
	_ =	sdelay $0x3  }
0x37: {  	[smem:$0x3FB4] =	sst s10  }
0x38: {  	s10 =	sld [smem:$0x3FB5]  }
0x39: {  	_ = 	snop;
	(pc) =	sbr.ind lr, $3  }
0x3a: {  	_ = 	snop  }
0x3b: {  	_ = 	snop  }
0x3c: {  	p2 =	seq.s32 s10, $0x1;
	s10 =	sld [smem:$0x3FB4]  }
0x3d: {  	_ =	shalt  }
0x3e: {  	_ =	shalt  }
0x3f: {  	_ =	shalt  }
0x40: {  	_ =	shalt  }
0x41: {  	_ =	shalt  }
0x42: {  	_ =	shalt  }
0x43: {  	_ =	shalt  }
0x44: {  	_ =	shalt  }
0x45: {  	_ =	shalt  }
0x46: {  	_ =	shalt  }
0x47: {  	_ =	shalt  }
0x48: {  	_ =	shalt  }
0x49: {  	_ =	shalt  }
0x4a: {  	_ =	shalt  }
0x4b: {  	_ =	shalt  }
0x4c: {  	_ =	shalt  }
0x4d: {  	_ =	shalt  }
0x4e: {  	_ =	shalt  }
0x4f: {  	_ =	shalt  }
0x50: {  	_ =	shalt  }
0x51: {  	_ =	shalt  }
0x52: {  	_ =	shalt  }
0x53: {  	_ =	shalt  }
0x54: {  	_ =	shalt  }
0x55: {  	_ =	shalt  }
0x56: {  	_ =	shalt  }
0x57: {  	_ =	shalt  }
0x58: {  	_ =	shalt  }
0x59: {  	_ =	shalt  }
0x5a: {  	_ =	shalt  }
0x5b: {  	_ =	shalt  }
0x5c: {  	_ =	shalt  }
0x5d: {  	_ =	shalt  }
0x5e: {  	_ =	shalt  }
0x5f: {  	_ =	shalt  }
0x60: {  	_ =	shalt  }
0x61: {  	_ =	shalt  }
0x62: {  	_ =	shalt  }
0x63: {  	_ =	shalt  }
0x64: {  	_ =	shalt  }
0x65: {  	_ =	shalt  }
0x66: {  	_ =	shalt  }
0x67: {  	_ =	shalt  }
0x68: {  	_ =	shalt  }
0x69: {  	_ =	shalt  }
0x6a: {  	_ =	shalt  }
0x6b: {  	_ =	shalt  }
0x6c: {  	_ =	shalt  }
0x6d: {  	_ =	shalt  }
0x6e: {  	_ =	shalt  }
0x6f: {  	_ =	shalt  }
0x70: {  	_ =	shalt  }
0x71: {  	_ =	shalt  }
0x72: {  	_ =	shalt  }
0x73: {  	_ =	shalt  }
0x74: {  	_ =	shalt  }
0x75: {  	_ =	shalt  }
0x76: {  	_ =	shalt  }
0x77: {  	_ =	shalt  }
0x78: {  	_ =	shalt  }
0x79: {  	_ =	shalt  }
0x7a: {  	_ =	shalt  }
0x7b: {  	_ =	shalt  }
0x7c: {  	_ =	shalt  }
0x7d: {  	_ =	shalt  }
0x7e: {  	_ =	shalt  }
0x7f: {  	_ =	shalt  }
0x80: {  	_ =	shalt  }
0x81: {  	_ =	shalt  }
0x82: {  	_ =	shalt  }
0x83: {  	_ =	shalt  }
0x84: {  	_ =	shalt  }
0x85: {  	_ =	shalt  }
0x86: {  	_ =	shalt  }
0x87: {  	_ =	shalt  }
.Lfunc_end0:
.L_simem_size_0:
called_computation.1_lowered:
.L_overlay_start_0:
0x88: {  	s2 =	sld [smem:$0x3FD9]  }
0x89: {  	s3 =	sld [smem:$0x3FFE];
	_ =	sdelay $0x1  }
0x8a: {  	s1 =	srdreg.scid  }
0x8b: {  	s0 =	sand.u32 $0x1, s1  }
0x8c: {  	s16 =	sshll.u32 s0, $0xA;
	s2 =	sadd.s32 s3, s2  }
0x8d: {  	s2 =	sadd.s32 s2, s16  }
0x8e: {  	[smem:$0x3FC0] =	sst s2  }
0x8f: {  	_ = 	snop  }
0x90: {  	(tm) =	ssettm $0x1  }
0x91: {  	s17 =	sld [smem:$0x3FFB];
	_ =	sdelay $0x3  }
0x92: {  	_ =	strace s17  }
0x93: {  	s2 =	sld [smem:$0x3FFC];
	_ =	sdelay $0x3  }
0x94: {  	_ =	strace s2  }
0x95: {  	s2 =	sld [smem:$0x3FFD];
	_ =	sdelay $0x3  }
0x96: {  	_ =	strace s2  }
0x97: {  	_ =	strace $0x8FFFFFFF  }
0x98: {  	s18 =	sld [smem:$0x3FDB];
	_ =	sdelay $0x1  }
0x99: {  	s19 =	simm.s32 $_scs_section_size  }
0x9a: {  	s4 =	simm.s32 $_size__tile_overlayer_lowered;
	s5 =	simm.s32 $_tile_overlayer_lowered  }
0x9b: {  	s22 =	simm.s32 $0x1BFF;
	s21 =	sshll.u32 s5, $0x1;
	s2 =	sadd.s32 s19, s18  }
0x9c: {  	s6 =	simm.s32 $0x0;
	s20 =	sshll.u32 s4, $0x1;
	s4 =	sadd.s32 s21, s2  }
0x9d: {  	[timem:s6], [sflag:s22] =	dma.local [hbm:s4], s20  }
0x9e: {  	_ =	swait.ge [sflag:s22], s20  }
0x9f: {  	s3 =	ssub.s32 $0x0, s20;
	[sflag:s22] =	ssyncset.done $0x0  }
0xa0: {  	[sflag:s22] =	ssyncadd.s32 s3;
	_ =	sdelay $0x1  }
0xa1: {  	s23 =	simm.s32 $0x1B8B  }
0xa2: {  	_ =	swait.ge [sflag:s23], $0x1  }
0xa3: {  	[sflag:s23] =	ssyncset.done $0x0  }
0xa4: {  	s25 =	simm.s32 $0x1B8E;
	s24 =	sld [smem:$0x3FFE];
	[sflag:s23] =	ssyncadd.s32 $0xFFFFFFFF  }
0xa5: {  	s26 =	simm.s32 $execute0_lowered;
	[smem:$0x3FD2] =	sst s25  }
0xa6: {  	s4 =	sshll.u32 s26, $0x1;
	_ =	strace $0x80000055;
	[dreg:$0x1] =	wrdreg $0xFFFFFFFF  }
0xa7: {  	s28 =	simm.s32 $_size_execute0_lowered;
	s2 =	sadd.s32 s2, s4;
	[dreg:$0x0] =	wrdreg $0x0  }
0xa8: {  	s4 =	sshll.u32 s28, $0x1;
	[dreg:$0x2] =	wrdreg s2  }
0xa9: {  	[dreg:$0x3] =	wrdreg s4  }
0xaa: {  	[dreg:$0x4] =	wrdreg $0xC0  }
0xab: {  	_ =	task [dreg:s6], $0x5FFFF  }
0xac: {  	[dreg:$0x1] =	wrdreg $0xFFFFFFFF  }
0xad: {  	[dreg:$0x0] =	wrdreg $0x60  }
0xae: {  	[dreg:$0x2] =	wrdreg s24  }
0xaf: {  	[dreg:$0x3] =	wrdreg $0x9  }
0xb0: {  	_ =	task.clear_ibuf [dreg:s6], $0x4FFFF;
	_ =	strace $0x90000055  }
0xb1: {  	s29 =	simm.s32 $0x9;
	_ =	strace $0x80000057  }
0xb2: {  	_ =	swait.ge [sflag:s29], $0x1  }
0xb3: {  	[sflag:s29] =	ssyncadd.s32 $0xFFFFFFFF  }
0xb4: {  	_ =	strace $0x90000057  }
0xb5: {  	_ =	sfence  }
0xb6: {  	s30 =	sld [smem:$0x0];
	_ =	sdelay $0x2  }
0xb7: {  	s31 =	sshll.u32 s1, $0xD;
	s1 =	sshrl.u32 s1, $0x2  }
0xb8: {  	s3 =	sand.u32 $0x4000, s31;
	s1 =	sadd.s32 s1, s30  }
0xb9: {  	s0 =	sor.u32 s3, s0;
	s1 =	sshll.u32 s1, $0x11  }
0xba: {  	s0 =	sor.u32 s1, s0  }
0xbb: {  	s0 =	sadd.s32 $0x8F2B, s0  }
0xbc: {  	[sflag:s0] =	ssyncadd.remote.s32 $0x1  }
0xbd: {  	_ =	sfence.sel $0xFFFF  }
0xbe: {  	[dreg:$0x0] =	wrdreg $0xFFFFFFFF;
	(pc) =	sbr.abs _section_cstart, $3  }
0xbf: {  	[dreg:$0x1] =	wrdreg $0xFFFFFFFF  }
0xc0: {  	_ =	task.clear_ibuf [dreg:s6], $0x2FFFF;
	_ =	strace $0x9FFFFFFF  }
0xc1: {  	(tm) =	ssettm $0x7FFFFFFF  }
tec
execute0_lowered:
.L_overlay_start_1:
0x0: {  	(tag) =	ssettag $0x1  }
0x1: {  	s8 =	rddreg [dreg:$0x0]  }
0x2: {  	s0 =	rddreg [dreg:$0x1];
	_ =	strace $0x80000056;
	s1 =	stileid.u32  }
0x3: {  	s3 =	srdreg.scid;
	s4 =	simm.s32 $0x1;
	s7 =	simm.s32 $0x1  }
0x4: {  	s9 =	simm.s32 $0x1;
	s10 =	simm.s32 $0x3;
	s13 =	simm.s32 $0x0  }
0x5: {  	s12 =	simm.s32 $0x0;
	s5 =	sand.u32 $0x1, s3;
	s6 =	sshll.u32 s1, $0x1  }
0x6: {  	s2 =	sadd.s32 $0xFA600, s8;
	s3 =	sadd.s32 $0xDCA00, s8;
	s5 =	sor.u32 s6, s5  }
.Ltmp0:
0x7: {  	[sflag:s4] =	ssyncpa.u1 $0x0;
	p0 =	slt.u32 s5, $0x9;
	(pc) =	sbr.rel .LBB2_1-.Ltmp0, $4  }
0x8: {  	s6 =	simm.s32 $0x2;
	s7 =	simm.s32 @!p0 $0x0;
	p0 =	sne.s32 s5, $0x8  }
0x9: {  	[sflag:s6] =	ssyncpa.u1 $0x0;
	s5 =	smul.u32 $0x1F40, s5;
	s9 =	simm.s32 @!p0 $0x0  }
0xa: {  	s8 =	sadd.s32 $0x5600, s8;
	[sflag:s10] =	ssyncpa.u1 $0x0;
	s7 =	sadd.s32 s9, s7  }
0xb: {  	vm0 =	vmmov $0xffff;
	s10 =	simm.s32 $0x0;
	s11 =	smov.u32 s5;
	s9 =	sadd.s32 $0x1, s7  }
.LBB2_4:
0xc: {  	v2 =	vnsel vm1, $0x0, v2  }
0xd: {  	vm1 =	vgt.s32 v0, $0x0;
	v2 =	vmin.u32 v2, $0x4E1FF  }
0xe: {  	v0 =	vnsel vm1, $0x0, v0  }
0xf: {  	v0 =	vmin.u32 v0, $0x4E1FF  }
0x10: {  	[tilespmem:s18], [sflag:$0x1] =	stream.indirect_vreg.gather [hbm4b:s2+s10], $0x1, v1, vm0, $0x4038;
	[tilespmem:$0x7D00] =	vst v63  }
0x11: {  	(ifvalue) =	ssetifvalue $0x7FFFFFFF  }
0x12: {  	[tilespmem:s15], [sflag:$0x1] =	stream.indirect_vreg.gather [hbm4b:s2+s10], $0x1, v2, vm0, $0x4038;
	[tilespmem:$0x7D00] =	vst v63  }
0x13: {  	s29 =	sadd.s32 $0x10, s15;
	(ifvalue) =	ssetifvalue $0x7FFFFFFF  }
0x14: {  	[tilespmem:s29], [sflag:$0x1] =	stream.indirect_vreg.gather [hbm4b:s2+s10], $0x1, v0, vm0, $0x4038;
	[tilespmem:$0x7D00] =	vst v63  }
0x15: {  	_ =	swait.ge [sflag:s4], $0x1F40  }
0x16: {  	s30 =	sshrl.u32 s13, $0x3;
	[sflag:s4] =	ssyncset.done $0x0  }
0x17: {  	s31 =	sand.u32 $0x7, s13;
	s15 =	sadd.s32 s8, s30;
	[sflag:s4] =	ssyncadd.s32 $0xFFFFE0C0  }
0x18: {  	[hbm4b:s15+s31] =	stream.linear.scatter [tilespmem:s14], [sflag:$0x3], $0x1F40, $0x38;
	[tilespmem:$0x7D00] =	vst v63  }
.LBB2_5:
0x19: {  	s15 =	sadd.s32 $0x3E800, s11  }
0x1a: {  	p1 =	sgt.s32 s15, $0x4E1FF  }
0x1b: {  	s15 =	smov.u32 @p1 s5;
	p1 =	sne.s32 s12, s9  }
.Ltmp1:
0x1c: {  	p0 =	slt.u32 s12, $0x2;
	(pc) =	sbr.rel @!p1 .LBB2_6-.Ltmp1, $4  }
0x1d: {  	s14 =	simm.s32 @!p0 $0x3  }
0x1e: {  	_ =	swait.ge @!p0 [sflag:s14], $0x1F40  }
0x1f: {  	s16 =	sadd.s32 $0x1, s12;
	s13 =	smov.u32 s11;
	[sflag:s14] =	ssyncset.done @!p0 $0x0  }
0x20: {  	s12 =	smov.u32 s16;
	s11 =	smov.u32 s15;
	[sflag:s14] =	ssyncadd.s32 @!p0 $0xFFFFE0C0  }
.LBB2_1:
0x21: {  	p0 =	sge.u32 s12, s7  }
0x22: {  	s14 =	sxor.u32 @!p0 $0x1, s12  }
0x23: {  	s14 =	smul.u32 @!p0 $0x7D00, s14  }
0x24: {  	s31 =	sadd.s32 $0xFFFFFFFF, s12;
	s15 =	sshrl.u32 @!p0 s11, $0x3  }
0x25: {  	s16 =	sand.u32 @!p0 $0x7, s11;
	s15 =	sadd.s32 @!p0 s3, s15;
	s14 =	sshra.s32 @!p0 s14, $0x2  }
0x26: {  	[tilespmem:s14], [sflag:$0x2] =	stream.linear.gather @!p0 [hbm4b:s15+s16], $0x1F40, $0x38;
	[tilespmem:$0x7D00] =	vst v63  }
0x27: {  	p0 =	sge.u32 s31, s7  }
.Ltmp2:
0x28: {  	_ = 	snop;
	(pc) =	sbr.rel @p0 .LBB2_5-.Ltmp2, $1  }
0x29: {  	_ =	sdelay $0x3  }
0x2a: {  	s14 =	sand.u32 $0x1, s12  }
0x2b: {  	_ =	swait.ge [sflag:s6], $0x1F40;
	p0 =	seq.s32 s14, $0x1;
	s14 =	simm.s32 $0x1F40  }
0x2c: {  	[sflag:s6] =	ssyncset.done $0x0;
	s14 =	simm.s32 @!p0 $0x0  }
0x2d: {  	[sflag:s6] =	ssyncadd.s32 $0xFFFFE0C0;
	(ifvalue) =	ssetifvalue $0x7FFFFFFF;
	v0 =	vld.msk [tilespmem:s14+$0x0 ss:$0x1], $0xffff;
	_ =	sdelay $0x4  }
0x2e: {  	s15 =	sadd.s32 $0x10, s14;
	vm1 =	vgt.s32 v0, $0x0  }
0x2f: {  	v2 =	vld.msk [tilespmem:s15+$0x0 ss:$0x1], $0xffff;
	v1 =	vnsel vm1, $0x0, v0  }
0x30: {  	v1 =	vmin.u32 v1, $0x4E1FF;
	_ =	sdelay $0x2  }
0x31: {  	s17 =	simm.s32 $0x20;
	s14 =	sadd.s32 $0x3E80, s14;
	s16 =	sadd.s32 $0x10, s15  }
0x32: {  	s15 =	sadd.s32 $0x10, s14;
	s18 =	smov.u32 s14;
	v0 =	vld.msk [tilespmem:s16+$0x0 ss:$0x1], $0xffff;
	vm1 =	vgt.s32 v2, $0x0;
	(ifvalue) =	ssetifvalue $0x7FFFFFFF  }
.LBB2_3:
0x33: {  	[tilespmem:s18], [sflag:$0x1] =	stream.indirect_vreg.gather [hbm4b:s2+s10], $0x1, v1, vm0, $0x4038;
	[tilespmem:$0x7D00] =	vst v63  }
0x34: {  	s17 =	sadd.s32 $0x10, s17  }
0x35: {  	v2 =	vnsel vm1, $0x0, v2;
	p0 =	slt.u32 s17, $0x1F30  }
.Ltmp3:
0x36: {  	s18 =	smov.u32 s15;
	v1 =	vmin.u32 v2, $0x4E1FF;
	(pc) =	sbr.rel @p0 .LBB2_3-.Ltmp3, $3  }
0x37: {  	_ =	sdelay $0x1  }
0x38: {  	s16 =	sadd.s32 $0x10, s16  }
0x39: {  	vm1 =	vgt.s32 v0, $0x0;
	s15 =	sadd.s32 $0x10, s15;
	v2 =	vmov v0;
	(ifvalue) =	ssetifvalue $0x7FFFFFFF;
	v0 =	vld.msk [tilespmem:s16+$0x0 ss:$0x1], $0xffff  }
.Ltmp4:
0x3a: {  	_ = 	snop;
	(pc) =	sbr.rel .LBB2_4-.Ltmp4, $1  }
0x3b: {  	_ =	sdelay $0x3  }
.LBB2_6:
0x3c: {  	_ =	sfence.sel $0x180000  }
0x3d: {  	s2 =	simm.s32 $0x2;
	[bflag:$0x0] =	sbarrier.arrive $0xFFFF  }
0x3e: {  	s30 =	simm.s32 $0x3;
	[sflag:s2] =	ssyncpa.u1 $0x1  }
0x3f: {  	s31 =	simm.s32 $0x1;
	[sflag:s30] =	ssyncpa.u1 $0x1  }
0x40: {  	[sflag:s31] =	ssyncpa.u1 $0x1  }
0x41: {  	p0 =	sne.s32 s1, $0x0;
	_ =	strace $0x90000056  }
0x42: {  	s0 =	sadd.s32 @!p0 $0x100000, s0;
	[bflag:$0x2] =	sbarrier.arrive $0xFFFF  }
0x43: {  	[sflag:s0] =	ssyncadd.tile.s32 @!p0 $0x1;
	_ =	shalt  }
.Lfunc_end2:
_tile_overlayer_lowered:
.L_overlay_start_2:
0x44: {  	(tag) =	ssettag $0x2  }
0x45: {  	s0 =	rddreg [dreg:$0x0];
	s2 =	stileid.u32  }
0x46: {  	s1 =	rddreg [dreg:$0x1];
	p0 =	sne.s32 s2, $0x0  }
0x47: {  	s3 =	rddreg [dreg:$0x2];
	[bflag:$0x3] =	sbarrier.arrive $0xFFFF;
	s2 =	simm.s32 @!p0 $0x1C01  }
0x48: {  	[timem:s3], [sflag:s2] =	dma.local @!p0 [hbm:s0], s1  }
0x49: {  	s0 =	simm.s32 @!p0 $0x1  }
0x4a: {  	_ =	swait.ge @!p0 [sflag:s0], s1  }
0x4b: {  	s1 =	ssub.s32 @!p0 $0x0, s1;
	[sflag:s0] =	ssyncset.done @!p0 $0x0  }
0x4c: {  	[sflag:s0] =	ssyncadd.s32 @!p0 s1  }
0x4d: {  	[bflag:$0x3] =	sbarrier.arrive $0xFFFF  }
0x4e: {  	_ =	shalt  }

// kernel: gather_offload_async_start
scs
__scs_entry_jumppad:
0x0: {  	(pc) =	sbr.rel $0x88, $3  }
0x1: {  	(tag) =	ssettag $0x0;
	lr =	simm.s32 $0x1  }
0x2: {  	[smem:$0x3F99] =	sst lr;
	_ =	strace $0xD0000000  }
0x3: {  	_ = 	snop  }
0x4: {  	_ = 	snop  }
0x5: {  	_ = 	snop  }
0x6: {  	_ = 	snop  }
0x7: {  	_ = 	snop  }
__scs_overlays_trampoline_lowered:
0x8: {  	[smem:$0x3FA8] =	sst s0  }
0x9: {  	[smem:$0x3FA9] =	sst s1  }
0xa: {  	[smem:$0x3FAA] =	sst s2  }
0xb: {  	[smem:$0x3FAB] =	sst s3  }
0xc: {  	[smem:$0x3FAC] =	sst s4  }
0xd: {  	[smem:$0x3FAD] =	sst s5  }
0xe: {  	[smem:$0x3FAE] =	sst s6  }
0xf: {  	[smem:$0x3FAF] =	sst s7  }
0x10: {  	[smem:$0x3FB0] =	sst s8  }
0x11: {  	[smem:$0x3FB1] =	sst s9;
	s0 =	simm.s32 @!p0 $0x0  }
0x12: {  	s1 =	sld [smem:$0x3F97];
	s0 =	simm.s32 @p0 $0x1  }
0x13: {  	[smem:$0x3FB2] =	sst s0;
	s0 =	simm.s32 @!p1 $0x0  }
0x14: {  	s2 =	sld [smem:$0x3F96];
	s0 =	simm.s32 @p1 $0x1  }
0x15: {  	[smem:$0x3FB3] =	sst s0;
	s0 =	simm.s32 @!p2 $0x0  }
0x16: {  	s3 =	sld [smem:$0x3FDB];
	s0 =	simm.s32 @p2 $0x1  }
0x17: {  	s4 =	simm.s32 $0x1BF5;
	[smem:$0x3FB5] =	sst s0  }
0x18: {  	s0 =	sld [smem:$0x3F98];
	_ =	swait.ge [sflag:s4], $0x0  }
0x19: {  	s7 =	sld [smem:$0x3F99]  }
0x1a: {  	s8 =	sadd.s32 $0xFFFFE003, lr  }
0x1b: {  	s9 =	sadd.s32 $0xFFFFFEF7, lr;
	s5 =	simm.s32 $0xFFFFFFFF;
	p2 =	slt.u32 s8, $0xFFFFF086  }
0x1c: {  	p1 =	slt.u32 s9, $0xF7A;
	s5 =	simm.s32 @!p2 $0x0  }
0x1d: {  	s5 =	simm.s32 @p1 $0x1;
	p0 =	seq.s32 s7, s2  }
0x1e: {  	s7 =	smul.u32 @!p0 $0xF7A, s2;
	p2 =	seq.s32 @!p0 s5, $0x0  }
0x1f: {  	s9 =	smul.u32 $0xF7A, s1;
	s8 =	simm.s32 @!p0 $0x1BF5;
	p2 =	por !p2, p0  }
0x20: {  	[sflag:s8] =	ssyncset.s32 @!p0 $0xFFFFF086;
	s6 =	sadd.s32 @!p0 s3, s7;
	s7 =	simm.s32 @!p0 $0x108  }
0x21: {  	s3 =	sadd.s32 s3, s9;
	s6 =	sadd.s32 @!p0 $0x88, s6;
	s7 =	simm.s32 @p2 $0x1082  }
0x22: {  	[simem:s7], [sflag:s8] =	dma.local @!p0 [hbm:s6], $0xF7A  }
0x23: {  	s9 =	sor.u32 $0xD0000000, s2;
	s6 =	simm.s32 $0x108;
	_ =	swait.ge @!p0 [sflag:s8], $0x0  }
0x24: {  	s3 =	sadd.s32 $0x88, s3;
	s6 =	simm.s32 @!p1 $0x1082;
	[sflag:s4] =	ssyncset.s32 $0xFFFFF086  }
0x25: {  	[simem:s6], [sflag:s4] =	dma.local [hbm:s3], $0xF7A  }
0x26: {  	[smem:$0x3F99] =	sst s1;
	(tag) =	ssettag s2;
	_ =	strace s9  }
0x27: {  	s1 =	sld [smem:$0x3FA9]  }
0x28: {  	s2 =	sld [smem:$0x3FAA]  }
0x29: {  	s4 =	sld [smem:$0x3FAC]  }
0x2a: {  	p0 =	seq.s32 s5, $0x0;
	s5 =	sld [smem:$0x3FAD]  }
0x2b: {  	s6 =	sld [smem:$0x3FAE]  }
0x2c: {  	s7 =	sld [smem:$0x3FAF]  }
0x2d: {  	s3 =	simm.s32 $0x108;
	s8 =	sld [smem:$0x3FB0]  }
0x2e: {  	s3 =	simm.s32 @!p0 $0x1082;
	s9 =	sld [smem:$0x3FB1]  }
0x2f: {  	lr =	sadd.s32 s0, s3;
	s0 =	sld [smem:$0x3FA8]  }
0x30: {  	s3 =	sld [smem:$0x3FAB]  }
0x31: {  	[smem:$0x3FB4] =	sst s10  }
0x32: {  	s10 =	sld [smem:$0x3FB2];
	_ =	sdelay $0x3  }
0x33: {  	p0 =	seq.s32 s10, $0x1;
	s10 =	sld [smem:$0x3FB4];
	_ =	sdelay $0x3  }
0x34: {  	[smem:$0x3FB4] =	sst s10  }
0x35: {  	s10 =	sld [smem:$0x3FB3];
	_ =	sdelay $0x3  }
0x36: {  	p1 =	seq.s32 s10, $0x1;
	s10 =	sld [smem:$0x3FB4];
	_ =	sdelay $0x3  }
0x37: {  	[smem:$0x3FB4] =	sst s10  }
0x38: {  	s10 =	sld [smem:$0x3FB5]  }
0x39: {  	_ = 	snop;
	(pc) =	sbr.ind lr, $3  }
0x3a: {  	_ = 	snop  }
0x3b: {  	_ = 	snop  }
0x3c: {  	p2 =	seq.s32 s10, $0x1;
	s10 =	sld [smem:$0x3FB4]  }
0x3d: {  	_ =	shalt  }
0x3e: {  	_ =	shalt  }
0x3f: {  	_ =	shalt  }
0x40: {  	_ =	shalt  }
0x41: {  	_ =	shalt  }
0x42: {  	_ =	shalt  }
0x43: {  	_ =	shalt  }
0x44: {  	_ =	shalt  }
0x45: {  	_ =	shalt  }
0x46: {  	_ =	shalt  }
0x47: {  	_ =	shalt  }
0x48: {  	_ =	shalt  }
0x49: {  	_ =	shalt  }
0x4a: {  	_ =	shalt  }
0x4b: {  	_ =	shalt  }
0x4c: {  	_ =	shalt  }
0x4d: {  	_ =	shalt  }
0x4e: {  	_ =	shalt  }
0x4f: {  	_ =	shalt  }
0x50: {  	_ =	shalt  }
0x51: {  	_ =	shalt  }
0x52: {  	_ =	shalt  }
0x53: {  	_ =	shalt  }
0x54: {  	_ =	shalt  }
0x55: {  	_ =	shalt  }
0x56: {  	_ =	shalt  }
0x57: {  	_ =	shalt  }
0x58: {  	_ =	shalt  }
0x59: {  	_ =	shalt  }
0x5a: {  	_ =	shalt  }
0x5b: {  	_ =	shalt  }
0x5c: {  	_ =	shalt  }
0x5d: {  	_ =	shalt  }
0x5e: {  	_ =	shalt  }
0x5f: {  	_ =	shalt  }
0x60: {  	_ =	shalt  }
0x61: {  	_ =	shalt  }
0x62: {  	_ =	shalt  }
0x63: {  	_ =	shalt  }
0x64: {  	_ =	shalt  }
0x65: {  	_ =	shalt  }
0x66: {  	_ =	shalt  }
0x67: {  	_ =	shalt  }
0x68: {  	_ =	shalt  }
0x69: {  	_ =	shalt  }
0x6a: {  	_ =	shalt  }
0x6b: {  	_ =	shalt  }
0x6c: {  	_ =	shalt  }
0x6d: {  	_ =	shalt  }
0x6e: {  	_ =	shalt  }
0x6f: {  	_ =	shalt  }
0x70: {  	_ =	shalt  }
0x71: {  	_ =	shalt  }
0x72: {  	_ =	shalt  }
0x73: {  	_ =	shalt  }
0x74: {  	_ =	shalt  }
0x75: {  	_ =	shalt  }
0x76: {  	_ =	shalt  }
0x77: {  	_ =	shalt  }
0x78: {  	_ =	shalt  }
0x79: {  	_ =	shalt  }
0x7a: {  	_ =	shalt  }
0x7b: {  	_ =	shalt  }
0x7c: {  	_ =	shalt  }
0x7d: {  	_ =	shalt  }
0x7e: {  	_ =	shalt  }
0x7f: {  	_ =	shalt  }
0x80: {  	_ =	shalt  }
0x81: {  	_ =	shalt  }
0x82: {  	_ =	shalt  }
0x83: {  	_ =	shalt  }
0x84: {  	_ =	shalt  }
0x85: {  	_ =	shalt  }
0x86: {  	_ =	shalt  }
0x87: {  	_ =	shalt  }
.Lfunc_end0:
.L_simem_size_0:
called_computation_lowered:
.L_overlay_start_0:
0x88: {  	s2 =	sld [smem:$0x3FD9]  }
0x89: {  	s3 =	sld [smem:$0x3FFE];
	_ =	sdelay $0x1  }
0x8a: {  	s1 =	srdreg.scid  }
0x8b: {  	s0 =	sand.u32 $0x1, s1  }
0x8c: {  	s16 =	sshll.u32 s0, $0xA;
	s2 =	sadd.s32 s3, s2  }
0x8d: {  	s2 =	sadd.s32 s2, s16  }
0x8e: {  	[smem:$0x3FC0] =	sst s2  }
0x8f: {  	_ = 	snop  }
0x90: {  	(tm) =	ssettm $0x1  }
0x91: {  	s17 =	sld [smem:$0x3FFB];
	_ =	sdelay $0x3  }
0x92: {  	_ =	strace s17  }
0x93: {  	s2 =	sld [smem:$0x3FFC];
	_ =	sdelay $0x3  }
0x94: {  	_ =	strace s2  }
0x95: {  	s2 =	sld [smem:$0x3FFD];
	_ =	sdelay $0x3  }
0x96: {  	_ =	strace s2  }
0x97: {  	_ =	strace $0x8FFFFFFF  }
0x98: {  	s18 =	sld [smem:$0x3FDB];
	_ =	sdelay $0x1  }
0x99: {  	s19 =	simm.s32 $_scs_section_size  }
0x9a: {  	s4 =	simm.s32 $_size__tile_overlayer_lowered;
	s5 =	simm.s32 $_tile_overlayer_lowered  }
0x9b: {  	s22 =	simm.s32 $0x1BFF;
	s21 =	sshll.u32 s5, $0x1;
	s2 =	sadd.s32 s19, s18  }
0x9c: {  	s6 =	simm.s32 $0x0;
	s20 =	sshll.u32 s4, $0x1;
	s4 =	sadd.s32 s21, s2  }
0x9d: {  	[timem:s6], [sflag:s22] =	dma.local [hbm:s4], s20  }
0x9e: {  	_ =	swait.ge [sflag:s22], s20  }
0x9f: {  	s3 =	ssub.s32 $0x0, s20;
	[sflag:s22] =	ssyncset.done $0x0  }
0xa0: {  	[sflag:s22] =	ssyncadd.s32 s3;
	_ =	sdelay $0x1  }
0xa1: {  	s23 =	simm.s32 $0x1B8B  }
0xa2: {  	_ =	swait.ge [sflag:s23], $0x1  }
0xa3: {  	[sflag:s23] =	ssyncset.done $0x0  }
0xa4: {  	s25 =	simm.s32 $0x1B8E;
	s24 =	sld [smem:$0x3FFE];
	[sflag:s23] =	ssyncadd.s32 $0xFFFFFFFF  }
0xa5: {  	s26 =	simm.s32 $execute0_lowered;
	[smem:$0x3FD2] =	sst s25  }
0xa6: {  	s4 =	sshll.u32 s26, $0x1;
	_ =	strace $0x80000052;
	[dreg:$0x1] =	wrdreg $0xFFFFFFFF  }
0xa7: {  	s28 =	simm.s32 $_size_execute0_lowered;
	s2 =	sadd.s32 s2, s4;
	[dreg:$0x0] =	wrdreg $0x0  }
0xa8: {  	s4 =	sshll.u32 s28, $0x1;
	[dreg:$0x2] =	wrdreg s2  }
0xa9: {  	[dreg:$0x3] =	wrdreg s4  }
0xaa: {  	[dreg:$0x4] =	wrdreg $0xC0  }
0xab: {  	_ =	task [dreg:s6], $0x5FFFF  }
0xac: {  	[dreg:$0x1] =	wrdreg $0xFFFFFFFF  }
0xad: {  	[dreg:$0x0] =	wrdreg $0x60  }
0xae: {  	[dreg:$0x2] =	wrdreg s24  }
0xaf: {  	[dreg:$0x3] =	wrdreg $0x9  }
0xb0: {  	_ =	task.clear_ibuf [dreg:s6], $0x4FFFF;
	_ =	strace $0x90000052  }
0xb1: {  	s29 =	simm.s32 $0x9;
	_ =	strace $0x80000054  }
0xb2: {  	_ =	swait.ge [sflag:s29], $0x1  }
0xb3: {  	[sflag:s29] =	ssyncadd.s32 $0xFFFFFFFF  }
0xb4: {  	_ =	strace $0x90000054  }
0xb5: {  	_ =	sfence  }
0xb6: {  	s30 =	sld [smem:$0x0];
	_ =	sdelay $0x2  }
0xb7: {  	s31 =	sshll.u32 s1, $0xD;
	s1 =	sshrl.u32 s1, $0x2  }
0xb8: {  	s3 =	sand.u32 $0x4000, s31;
	s1 =	sadd.s32 s1, s30  }
0xb9: {  	s0 =	sor.u32 s3, s0;
	s1 =	sshll.u32 s1, $0x11  }
0xba: {  	s0 =	sor.u32 s1, s0  }
0xbb: {  	s0 =	sadd.s32 $0x8F2B, s0  }
0xbc: {  	[sflag:s0] =	ssyncadd.remote.s32 $0x1  }
0xbd: {  	_ =	sfence.sel $0xFFFF  }
0xbe: {  	[dreg:$0x0] =	wrdreg $0xFFFFFFFF;
	(pc) =	sbr.abs _section_cstart, $3  }
0xbf: {  	[dreg:$0x1] =	wrdreg $0xFFFFFFFF  }
0xc0: {  	_ =	task.clear_ibuf [dreg:s6], $0x2FFFF;
	_ =	strace $0x9FFFFFFF  }
0xc1: {  	(tm) =	ssettm $0x7FFFFFFF  }
tec
execute0_lowered:
.L_overlay_start_1:
0x0: {  	(tag) =	ssettag $0x1  }
0x1: {  	s8 =	rddreg [dreg:$0x0]  }
0x2: {  	s0 =	rddreg [dreg:$0x1];
	_ =	strace $0x80000053;
	s1 =	stileid.u32  }
0x3: {  	s3 =	srdreg.scid;
	s4 =	simm.s32 $0x1;
	s7 =	simm.s32 $0x1  }
0x4: {  	s9 =	simm.s32 $0x1;
	s10 =	simm.s32 $0x3;
	s13 =	simm.s32 $0x0  }
0x5: {  	s12 =	simm.s32 $0x0;
	s5 =	sand.u32 $0x1, s3;
	s6 =	sshll.u32 s1, $0x1  }
0x6: {  	s2 =	sadd.s32 $0xFA600, s8;
	s3 =	sadd.s32 $0x5600, s8;
	s5 =	sor.u32 s6, s5  }
.Ltmp0:
0x7: {  	[sflag:s4] =	ssyncpa.u1 $0x0;
	p0 =	slt.u32 s5, $0x9;
	(pc) =	sbr.rel .LBB2_1-.Ltmp0, $4  }
0x8: {  	s6 =	simm.s32 $0x2;
	s7 =	simm.s32 @!p0 $0x0;
	p0 =	sne.s32 s5, $0x8  }
0x9: {  	[sflag:s6] =	ssyncpa.u1 $0x0;
	s5 =	smul.u32 $0x1F40, s5;
	s9 =	simm.s32 @!p0 $0x0  }
0xa: {  	s8 =	sadd.s32 $0xF400, s8;
	[sflag:s10] =	ssyncpa.u1 $0x0;
	s7 =	sadd.s32 s9, s7  }
0xb: {  	vm0 =	vmmov $0xffff;
	s10 =	simm.s32 $0x0;
	s11 =	smov.u32 s5;
	s9 =	sadd.s32 $0x1, s7  }
.LBB2_4:
0xc: {  	v2 =	vnsel vm1, $0x0, v2  }
0xd: {  	vm1 =	vgt.s32 v0, $0x0;
	v2 =	vmin.u32 v2, $0x4E1FF  }
0xe: {  	v0 =	vnsel vm1, $0x0, v0  }
0xf: {  	v0 =	vmin.u32 v0, $0x4E1FF  }
0x10: {  	[tilespmem:s18], [sflag:$0x1] =	stream.indirect_vreg.gather [hbm4b:s2+s10], $0x1, v1, vm0, $0x4038;
	[tilespmem:$0x7D00] =	vst v63  }
0x11: {  	(ifvalue) =	ssetifvalue $0x7FFFFFFF  }
0x12: {  	[tilespmem:s15], [sflag:$0x1] =	stream.indirect_vreg.gather [hbm4b:s2+s10], $0x1, v2, vm0, $0x4038;
	[tilespmem:$0x7D00] =	vst v63  }
0x13: {  	s29 =	sadd.s32 $0x10, s15;
	(ifvalue) =	ssetifvalue $0x7FFFFFFF  }
0x14: {  	[tilespmem:s29], [sflag:$0x1] =	stream.indirect_vreg.gather [hbm4b:s2+s10], $0x1, v0, vm0, $0x4038;
	[tilespmem:$0x7D00] =	vst v63  }
0x15: {  	_ =	swait.ge [sflag:s4], $0x1F40  }
0x16: {  	s30 =	sshrl.u32 s13, $0x3;
	[sflag:s4] =	ssyncset.done $0x0  }
0x17: {  	s31 =	sand.u32 $0x7, s13;
	s15 =	sadd.s32 s8, s30;
	[sflag:s4] =	ssyncadd.s32 $0xFFFFE0C0  }
0x18: {  	[hbm4b:s15+s31] =	stream.linear.scatter [tilespmem:s14], [sflag:$0x3], $0x1F40, $0x38;
	[tilespmem:$0x7D00] =	vst v63  }
.LBB2_5:
0x19: {  	s15 =	sadd.s32 $0x3E800, s11  }
0x1a: {  	p1 =	sgt.s32 s15, $0x4E1FF  }
0x1b: {  	s15 =	smov.u32 @p1 s5;
	p1 =	sne.s32 s12, s9  }
.Ltmp1:
0x1c: {  	p0 =	slt.u32 s12, $0x2;
	(pc) =	sbr.rel @!p1 .LBB2_6-.Ltmp1, $4  }
0x1d: {  	s14 =	simm.s32 @!p0 $0x3  }
0x1e: {  	_ =	swait.ge @!p0 [sflag:s14], $0x1F40  }
0x1f: {  	s16 =	sadd.s32 $0x1, s12;
	s13 =	smov.u32 s11;
	[sflag:s14] =	ssyncset.done @!p0 $0x0  }
0x20: {  	s12 =	smov.u32 s16;
	s11 =	smov.u32 s15;
	[sflag:s14] =	ssyncadd.s32 @!p0 $0xFFFFE0C0  }
.LBB2_1:
0x21: {  	p0 =	sge.u32 s12, s7  }
0x22: {  	s14 =	sxor.u32 @!p0 $0x1, s12  }
0x23: {  	s14 =	smul.u32 @!p0 $0x7D00, s14  }
0x24: {  	s31 =	sadd.s32 $0xFFFFFFFF, s12;
	s15 =	sshrl.u32 @!p0 s11, $0x3  }
0x25: {  	s16 =	sand.u32 @!p0 $0x7, s11;
	s15 =	sadd.s32 @!p0 s3, s15;
	s14 =	sshra.s32 @!p0 s14, $0x2  }
0x26: {  	[tilespmem:s14], [sflag:$0x2] =	stream.linear.gather @!p0 [hbm4b:s15+s16], $0x1F40, $0x38;
	[tilespmem:$0x7D00] =	vst v63  }
0x27: {  	p0 =	sge.u32 s31, s7  }
.Ltmp2:
0x28: {  	_ = 	snop;
	(pc) =	sbr.rel @p0 .LBB2_5-.Ltmp2, $1  }
0x29: {  	_ =	sdelay $0x3  }
0x2a: {  	s14 =	sand.u32 $0x1, s12  }
0x2b: {  	_ =	swait.ge [sflag:s6], $0x1F40;
	p0 =	seq.s32 s14, $0x1;
	s14 =	simm.s32 $0x1F40  }
0x2c: {  	[sflag:s6] =	ssyncset.done $0x0;
	s14 =	simm.s32 @!p0 $0x0  }
0x2d: {  	[sflag:s6] =	ssyncadd.s32 $0xFFFFE0C0;
	(ifvalue) =	ssetifvalue $0x7FFFFFFF;
	v0 =	vld.msk [tilespmem:s14+$0x0 ss:$0x1], $0xffff;
	_ =	sdelay $0x4  }
0x2e: {  	s15 =	sadd.s32 $0x10, s14;
	vm1 =	vgt.s32 v0, $0x0  }
0x2f: {  	v2 =	vld.msk [tilespmem:s15+$0x0 ss:$0x1], $0xffff;
	v1 =	vnsel vm1, $0x0, v0  }
0x30: {  	v1 =	vmin.u32 v1, $0x4E1FF;
	_ =	sdelay $0x2  }
0x31: {  	s17 =	simm.s32 $0x20;
	s14 =	sadd.s32 $0x3E80, s14;
	s16 =	sadd.s32 $0x10, s15  }
0x32: {  	s15 =	sadd.s32 $0x10, s14;
	s18 =	smov.u32 s14;
	v0 =	vld.msk [tilespmem:s16+$0x0 ss:$0x1], $0xffff;
	vm1 =	vgt.s32 v2, $0x0;
	(ifvalue) =	ssetifvalue $0x7FFFFFFF  }
.LBB2_3:
0x33: {  	[tilespmem:s18], [sflag:$0x1] =	stream.indirect_vreg.gather [hbm4b:s2+s10], $0x1, v1, vm0, $0x4038;
	[tilespmem:$0x7D00] =	vst v63  }
0x34: {  	s17 =	sadd.s32 $0x10, s17  }
0x35: {  	v2 =	vnsel vm1, $0x0, v2;
	p0 =	slt.u32 s17, $0x1F30  }
.Ltmp3:
0x36: {  	s18 =	smov.u32 s15;
	v1 =	vmin.u32 v2, $0x4E1FF;
	(pc) =	sbr.rel @p0 .LBB2_3-.Ltmp3, $3  }
0x37: {  	_ =	sdelay $0x1  }
0x38: {  	s16 =	sadd.s32 $0x10, s16  }
0x39: {  	vm1 =	vgt.s32 v0, $0x0;
	s15 =	sadd.s32 $0x10, s15;
	v2 =	vmov v0;
	(ifvalue) =	ssetifvalue $0x7FFFFFFF;
	v0 =	vld.msk [tilespmem:s16+$0x0 ss:$0x1], $0xffff  }
.Ltmp4:
0x3a: {  	_ = 	snop;
	(pc) =	sbr.rel .LBB2_4-.Ltmp4, $1  }
0x3b: {  	_ =	sdelay $0x3  }
.LBB2_6:
0x3c: {  	_ =	sfence.sel $0x180000  }
0x3d: {  	s2 =	simm.s32 $0x2;
	[bflag:$0x0] =	sbarrier.arrive $0xFFFF  }
0x3e: {  	s30 =	simm.s32 $0x3;
	[sflag:s2] =	ssyncpa.u1 $0x1  }
0x3f: {  	s31 =	simm.s32 $0x1;
	[sflag:s30] =	ssyncpa.u1 $0x1  }
0x40: {  	[sflag:s31] =	ssyncpa.u1 $0x1  }
0x41: {  	p0 =	sne.s32 s1, $0x0;
	_ =	strace $0x90000053  }
0x42: {  	s0 =	sadd.s32 @!p0 $0x100000, s0;
	[bflag:$0x2] =	sbarrier.arrive $0xFFFF  }
0x43: {  	[sflag:s0] =	ssyncadd.tile.s32 @!p0 $0x1;
	_ =	shalt  }
.Lfunc_end2:
_tile_overlayer_lowered:
.L_overlay_start_2:
0x44: {  	(tag) =	ssettag $0x2  }
0x45: {  	s0 =	rddreg [dreg:$0x0];
	s2 =	stileid.u32  }
0x46: {  	s1 =	rddreg [dreg:$0x1];
	p0 =	sne.s32 s2, $0x0  }
0x47: {  	s3 =	rddreg [dreg:$0x2];
	[bflag:$0x3] =	sbarrier.arrive $0xFFFF;
	s2 =	simm.s32 @!p0 $0x1C01  }
0x48: {  	[timem:s3], [sflag:s2] =	dma.local @!p0 [hbm:s0], s1  }
0x49: {  	s0 =	simm.s32 @!p0 $0x1  }
0x4a: {  	_ =	swait.ge @!p0 [sflag:s0], s1  }
0x4b: {  	s1 =	ssub.s32 @!p0 $0x0, s1;
	[sflag:s0] =	ssyncset.done @!p0 $0x0  }
0x4c: {  	[sflag:s0] =	ssyncadd.s32 @!p0 s1  }
0x4d: {  	[bflag:$0x3] =	sbarrier.arrive $0xFFFF  }
0x4e: {  	_ =	shalt  }

// kernel: kernel.10.cloned.1.call-start
scs
__scs_entry_jumppad:
0x0: {  	(pc) =	sbr.rel $0x88, $3  }
0x1: {  	(tag) =	ssettag $0x0;
	lr =	simm.s32 $0x1  }
0x2: {  	[smem:$0x3F99] =	sst lr;
	_ =	strace $0xD0000000  }
0x3: {  	_ = 	snop  }
0x4: {  	_ = 	snop  }
0x5: {  	_ = 	snop  }
0x6: {  	_ = 	snop  }
0x7: {  	_ = 	snop  }
__scs_overlays_trampoline_lowered:
0x8: {  	[smem:$0x3FA8] =	sst s0  }
0x9: {  	[smem:$0x3FA9] =	sst s1  }
0xa: {  	[smem:$0x3FAA] =	sst s2  }
0xb: {  	[smem:$0x3FAB] =	sst s3  }
0xc: {  	[smem:$0x3FAC] =	sst s4  }
0xd: {  	[smem:$0x3FAD] =	sst s5  }
0xe: {  	[smem:$0x3FAE] =	sst s6  }
0xf: {  	[smem:$0x3FAF] =	sst s7  }
0x10: {  	[smem:$0x3FB0] =	sst s8  }
0x11: {  	[smem:$0x3FB1] =	sst s9;
	s0 =	simm.s32 @!p0 $0x0  }
0x12: {  	s1 =	sld [smem:$0x3F97];
	s0 =	simm.s32 @p0 $0x1  }
0x13: {  	[smem:$0x3FB2] =	sst s0;
	s0 =	simm.s32 @!p1 $0x0  }
0x14: {  	s2 =	sld [smem:$0x3F96];
	s0 =	simm.s32 @p1 $0x1  }
0x15: {  	[smem:$0x3FB3] =	sst s0;
	s0 =	simm.s32 @!p2 $0x0  }
0x16: {  	s3 =	sld [smem:$0x3FDB];
	s0 =	simm.s32 @p2 $0x1  }
0x17: {  	s4 =	simm.s32 $0x1BF5;
	[smem:$0x3FB5] =	sst s0  }
0x18: {  	s0 =	sld [smem:$0x3F98];
	_ =	swait.ge [sflag:s4], $0x0  }
0x19: {  	s7 =	sld [smem:$0x3F99]  }
0x1a: {  	s8 =	sadd.s32 $0xFFFFE003, lr  }
0x1b: {  	s9 =	sadd.s32 $0xFFFFFEF7, lr;
	s5 =	simm.s32 $0xFFFFFFFF;
	p2 =	slt.u32 s8, $0xFFFFF086  }
0x1c: {  	p1 =	slt.u32 s9, $0xF7A;
	s5 =	simm.s32 @!p2 $0x0  }
0x1d: {  	s5 =	simm.s32 @p1 $0x1;
	p0 =	seq.s32 s7, s2  }
0x1e: {  	s7 =	smul.u32 @!p0 $0xF7A, s2;
	p2 =	seq.s32 @!p0 s5, $0x0  }
0x1f: {  	s9 =	smul.u32 $0xF7A, s1;
	s8 =	simm.s32 @!p0 $0x1BF5;
	p2 =	por !p2, p0  }
0x20: {  	[sflag:s8] =	ssyncset.s32 @!p0 $0xFFFFF086;
	s6 =	sadd.s32 @!p0 s3, s7;
	s7 =	simm.s32 @!p0 $0x108  }
0x21: {  	s3 =	sadd.s32 s3, s9;
	s6 =	sadd.s32 @!p0 $0x88, s6;
	s7 =	simm.s32 @p2 $0x1082  }
0x22: {  	[simem:s7], [sflag:s8] =	dma.local @!p0 [hbm:s6], $0xF7A  }
0x23: {  	s9 =	sor.u32 $0xD0000000, s2;
	s6 =	simm.s32 $0x108;
	_ =	swait.ge @!p0 [sflag:s8], $0x0  }
0x24: {  	s3 =	sadd.s32 $0x88, s3;
	s6 =	simm.s32 @!p1 $0x1082;
	[sflag:s4] =	ssyncset.s32 $0xFFFFF086  }
0x25: {  	[simem:s6], [sflag:s4] =	dma.local [hbm:s3], $0xF7A  }
0x26: {  	[smem:$0x3F99] =	sst s1;
	(tag) =	ssettag s2;
	_ =	strace s9  }
0x27: {  	s1 =	sld [smem:$0x3FA9]  }
0x28: {  	s2 =	sld [smem:$0x3FAA]  }
0x29: {  	s4 =	sld [smem:$0x3FAC]  }
0x2a: {  	p0 =	seq.s32 s5, $0x0;
	s5 =	sld [smem:$0x3FAD]  }
0x2b: {  	s6 =	sld [smem:$0x3FAE]  }
0x2c: {  	s7 =	sld [smem:$0x3FAF]  }
0x2d: {  	s3 =	simm.s32 $0x108;
	s8 =	sld [smem:$0x3FB0]  }
0x2e: {  	s3 =	simm.s32 @!p0 $0x1082;
	s9 =	sld [smem:$0x3FB1]  }
0x2f: {  	lr =	sadd.s32 s0, s3;
	s0 =	sld [smem:$0x3FA8]  }
0x30: {  	s3 =	sld [smem:$0x3FAB]  }
0x31: {  	[smem:$0x3FB4] =	sst s10  }
0x32: {  	s10 =	sld [smem:$0x3FB2];
	_ =	sdelay $0x3  }
0x33: {  	p0 =	seq.s32 s10, $0x1;
	s10 =	sld [smem:$0x3FB4];
	_ =	sdelay $0x3  }
0x34: {  	[smem:$0x3FB4] =	sst s10  }
0x35: {  	s10 =	sld [smem:$0x3FB3];
	_ =	sdelay $0x3  }
0x36: {  	p1 =	seq.s32 s10, $0x1;
	s10 =	sld [smem:$0x3FB4];
	_ =	sdelay $0x3  }
0x37: {  	[smem:$0x3FB4] =	sst s10  }
0x38: {  	s10 =	sld [smem:$0x3FB5]  }
0x39: {  	_ = 	snop;
	(pc) =	sbr.ind lr, $3  }
0x3a: {  	_ = 	snop  }
0x3b: {  	_ = 	snop  }
0x3c: {  	p2 =	seq.s32 s10, $0x1;
	s10 =	sld [smem:$0x3FB4]  }
0x3d: {  	_ =	shalt  }
0x3e: {  	_ =	shalt  }
0x3f: {  	_ =	shalt  }
0x40: {  	_ =	shalt  }
0x41: {  	_ =	shalt  }
0x42: {  	_ =	shalt  }
0x43: {  	_ =	shalt  }
0x44: {  	_ =	shalt  }
0x45: {  	_ =	shalt  }
0x46: {  	_ =	shalt  }
0x47: {  	_ =	shalt  }
0x48: {  	_ =	shalt  }
0x49: {  	_ =	shalt  }
0x4a: {  	_ =	shalt  }
0x4b: {  	_ =	shalt  }
0x4c: {  	_ =	shalt  }
0x4d: {  	_ =	shalt  }
0x4e: {  	_ =	shalt  }
0x4f: {  	_ =	shalt  }
0x50: {  	_ =	shalt  }
0x51: {  	_ =	shalt  }
0x52: {  	_ =	shalt  }
0x53: {  	_ =	shalt  }
0x54: {  	_ =	shalt  }
0x55: {  	_ =	shalt  }
0x56: {  	_ =	shalt  }
0x57: {  	_ =	shalt  }
0x58: {  	_ =	shalt  }
0x59: {  	_ =	shalt  }
0x5a: {  	_ =	shalt  }
0x5b: {  	_ =	shalt  }
0x5c: {  	_ =	shalt  }
0x5d: {  	_ =	shalt  }
0x5e: {  	_ =	shalt  }
0x5f: {  	_ =	shalt  }
0x60: {  	_ =	shalt  }
0x61: {  	_ =	shalt  }
0x62: {  	_ =	shalt  }
0x63: {  	_ =	shalt  }
0x64: {  	_ =	shalt  }
0x65: {  	_ =	shalt  }
0x66: {  	_ =	shalt  }
0x67: {  	_ =	shalt  }
0x68: {  	_ =	shalt  }
0x69: {  	_ =	shalt  }
0x6a: {  	_ =	shalt  }
0x6b: {  	_ =	shalt  }
0x6c: {  	_ =	shalt  }
0x6d: {  	_ =	shalt  }
0x6e: {  	_ =	shalt  }
0x6f: {  	_ =	shalt  }
0x70: {  	_ =	shalt  }
0x71: {  	_ =	shalt  }
0x72: {  	_ =	shalt  }
0x73: {  	_ =	shalt  }
0x74: {  	_ =	shalt  }
0x75: {  	_ =	shalt  }
0x76: {  	_ =	shalt  }
0x77: {  	_ =	shalt  }
0x78: {  	_ =	shalt  }
0x79: {  	_ =	shalt  }
0x7a: {  	_ =	shalt  }
0x7b: {  	_ =	shalt  }
0x7c: {  	_ =	shalt  }
0x7d: {  	_ =	shalt  }
0x7e: {  	_ =	shalt  }
0x7f: {  	_ =	shalt  }
0x80: {  	_ =	shalt  }
0x81: {  	_ =	shalt  }
0x82: {  	_ =	shalt  }
0x83: {  	_ =	shalt  }
0x84: {  	_ =	shalt  }
0x85: {  	_ =	shalt  }
0x86: {  	_ =	shalt  }
0x87: {  	_ =	shalt  }
.Lfunc_end0:
.L_simem_size_0:
called_computation.2_lowered:
.L_overlay_start_0:
0x88: {  	s2 =	sld [smem:$0x3FD9]  }
0x89: {  	s3 =	sld [smem:$0x3FFE];
	_ =	sdelay $0x1  }
0x8a: {  	s1 =	srdreg.scid  }
0x8b: {  	s0 =	sand.u32 $0x1, s1  }
0x8c: {  	s16 =	sshll.u32 s0, $0xA;
	s2 =	sadd.s32 s3, s2  }
0x8d: {  	s2 =	sadd.s32 s2, s16  }
0x8e: {  	[smem:$0x3FC0] =	sst s2  }
0x8f: {  	_ = 	snop  }
0x90: {  	(tm) =	ssettm $0x1  }
0x91: {  	s17 =	sld [smem:$0x3FFB];
	_ =	sdelay $0x3  }
0x92: {  	_ =	strace s17  }
0x93: {  	s2 =	sld [smem:$0x3FFC];
	_ =	sdelay $0x3  }
0x94: {  	_ =	strace s2  }
0x95: {  	s2 =	sld [smem:$0x3FFD];
	_ =	sdelay $0x3  }
0x96: {  	_ =	strace s2  }
0x97: {  	_ =	strace $0x8FFFFFFF  }
0x98: {  	s18 =	sld [smem:$0x3FDB];
	_ =	sdelay $0x1  }
0x99: {  	s19 =	simm.s32 $_scs_section_size  }
0x9a: {  	s4 =	simm.s32 $_size__tile_overlayer_lowered;
	s5 =	simm.s32 $_tile_overlayer_lowered  }
0x9b: {  	s22 =	simm.s32 $0x1BFF;
	s21 =	sshll.u32 s5, $0x1;
	s2 =	sadd.s32 s19, s18  }
0x9c: {  	s6 =	simm.s32 $0x0;
	s20 =	sshll.u32 s4, $0x1;
	s4 =	sadd.s32 s21, s2  }
0x9d: {  	[timem:s6], [sflag:s22] =	dma.local [hbm:s4], s20  }
0x9e: {  	_ =	swait.ge [sflag:s22], s20  }
0x9f: {  	s3 =	ssub.s32 $0x0, s20;
	[sflag:s22] =	ssyncset.done $0x0  }
0xa0: {  	[sflag:s22] =	ssyncadd.s32 s3;
	_ =	sdelay $0x1  }
0xa1: {  	s23 =	simm.s32 $0x1B8B  }
0xa2: {  	_ =	swait.ge [sflag:s23], $0x1  }
0xa3: {  	[sflag:s23] =	ssyncset.done $0x0  }
0xa4: {  	s25 =	simm.s32 $0x1B8E;
	s24 =	sld [smem:$0x3FFE];
	[sflag:s23] =	ssyncadd.s32 $0xFFFFFFFF  }
0xa5: {  	s26 =	simm.s32 $execute0_lowered;
	[smem:$0x3FD2] =	sst s25  }
0xa6: {  	s4 =	sshll.u32 s26, $0x1;
	_ =	strace $0x80000046;
	[dreg:$0x1] =	wrdreg $0xFFFFFFFF  }
0xa7: {  	s28 =	simm.s32 $_size_execute0_lowered;
	s2 =	sadd.s32 s2, s4;
	[dreg:$0x0] =	wrdreg $0x0  }
0xa8: {  	s4 =	sshll.u32 s28, $0x1;
	[dreg:$0x2] =	wrdreg s2  }
0xa9: {  	[dreg:$0x3] =	wrdreg s4  }
0xaa: {  	[dreg:$0x4] =	wrdreg $0xC0  }
0xab: {  	_ =	task [dreg:s6], $0x5FFFF  }
0xac: {  	[dreg:$0x1] =	wrdreg $0xFFFFFFFF  }
0xad: {  	[dreg:$0x0] =	wrdreg $0x60  }
0xae: {  	[dreg:$0x2] =	wrdreg s24  }
0xaf: {  	[dreg:$0x3] =	wrdreg $0x12800  }
0xb0: {  	[dreg:$0x4] =	wrdreg $0x9  }
0xb1: {  	_ =	task.clear_ibuf [dreg:s6], $0x5FFFF;
	_ =	strace $0x90000046  }
0xb2: {  	s29 =	simm.s32 $0x9;
	_ =	strace $0x80000048  }
0xb3: {  	_ =	swait.ge [sflag:s29], $0x1  }
0xb4: {  	[sflag:s29] =	ssyncadd.s32 $0xFFFFFFFF  }
0xb5: {  	_ =	strace $0x90000048  }
0xb6: {  	_ =	sfence  }
0xb7: {  	s30 =	sld [smem:$0x0];
	_ =	sdelay $0x2  }
0xb8: {  	s31 =	sshll.u32 s1, $0xD;
	s1 =	sshrl.u32 s1, $0x2  }
0xb9: {  	s3 =	sand.u32 $0x4000, s31;
	s1 =	sadd.s32 s1, s30  }
0xba: {  	s0 =	sor.u32 s3, s0;
	s1 =	sshll.u32 s1, $0x11  }
0xbb: {  	s0 =	sor.u32 s1, s0  }
0xbc: {  	s0 =	sadd.s32 $0x8F2B, s0  }
0xbd: {  	[sflag:s0] =	ssyncadd.remote.s32 $0x1  }
0xbe: {  	_ =	sfence.sel $0xFFFF  }
0xbf: {  	[dreg:$0x0] =	wrdreg $0xFFFFFFFF;
	(pc) =	sbr.abs _section_cstart, $3  }
0xc0: {  	[dreg:$0x1] =	wrdreg $0xFFFFFFFF  }
0xc1: {  	_ =	task.clear_ibuf [dreg:s6], $0x2FFFF;
	_ =	strace $0x9FFFFFFF  }
0xc2: {  	(tm) =	ssettm $0x7FFFFFFF  }
0xc3: {  	_ =	shalt  }
tec
execute0_lowered:
.L_overlay_start_1:
0x0: {  	(tag) =	ssettag $0x1  }
0x1: {  	s5 =	rddreg [dreg:$0x0]  }
0x2: {  	s0 =	srdreg.scid;
	s2 =	rddreg [dreg:$0x1]  }
0x3: {  	s3 =	simm.s32 $0x0;
	s14 =	simm.s32 $0x1;
	s15 =	simm.s32 $0x7D0  }
0x4: {  	s16 =	simm.s32 $0x800;
	s17 =	simm.s32 $0x0;
	s4 =	sand.u32 $0x1, s0  }
0x5: {  	s0 =	stileid.u32;
	[smem:$0x7FF] =	sst s3;
	s10 =	sadd.s32 $0xF400, s5  }
0x6: {  	s1 =	sshll.u32 s4, $0x4;
	s7 =	smul.u32 $0x270, s0;
	s8 =	ssub.s32 $0x2, s4  }
0x7: {  	s9 =	smul.u32 $0x2710, s4;
	p0 =	seq.s32 s0, $0xF;
	s6 =	sor.u32 s0, s1  }
0x8: {  	s1 =	rddreg [dreg:$0x2];
	_ =	strace $0x80000047;
	s28 =	sshrl.u32 s8, $0x1  }
0x9: {  	s6 =	smul.u32 $0x2710, s6;
	s8 =	ssub.s32 s8, s28;
	s29 =	sadd.s32 s7, s9  }
0xa: {  	s4 =	sadd.s32 s7, s2;
	s31 =	sshrl.u32 s9, $0x3;
	s30 =	sshrl.u32 s29, $0x3  }
0xb: {  	s7 =	sadd.s32 s10, s31;
	s8 =	smax.u32 s8, $0x1;
	s6 =	sshrl.u32 s6, $0x3  }
0xc: {  	s7 =	sadd.s32 $0x492, s7;
	s13 =	sadd.s32 s6, s5;
	s5 =	sadd.s32 $0x2490, s2  }
0xd: {  	s6 =	sadd.s32 s10, s30;
	s9 =	sadd.s32 $0x5600, s13;
	s10 =	sadd.s32 $0x56FA, s13  }
0xe: {  	v0 =	vimm.f32 $1.000000000e+00;
	v1 =	vimm.f32 $0.0e+00;
	s11 =	sadd.s32 $0x57F4, s13;
	s12 =	sadd.s32 $0x58EE, s13;
	s13 =	sadd.s32 $0x59E8, s13  }
.LBB2_1:
0xf: {  	s18 =	simm.s32 $0x40;
	s19 =	simm.s32 $0x0  }
.LBB2_2:
0x10: {  	p1 =	sne.s32 s18, $0x1F00;
	[tilespmem:s19+$0x800] =	vst v0;
	s19 =	smov.u32 s18;
	s18 =	sadd.s32 $0x40, s18  }
.Ltmp0:
0x11: {  	(pc) =	sbr.rel @p1 .LBB2_2-.Ltmp0, $2  }
0x12: {  	_ =	sdelay $0x2  }
0x13: {  	s19 =	sshra.s32 s19, $0x2  }
0x14: {  	[tilespmem:s19+$0x800] =	vst v0  }
0x15: {  	[tilespmem:$0x1000] =	vst v1  }
0x16: {  	[tilespmem:$0x1010] =	vst v1  }
0x17: {  	[tilespmem:$0x1020] =	vst v1  }
0x18: {  	[tilespmem:$0x1030] =	vst v1  }
0x19: {  	[tilespmem:$0x1040] =	vst v1  }
0x1a: {  	[tilespmem:$0x1050] =	vst v1  }
0x1b: {  	[tilespmem:$0x1060] =	vst v1  }
0x1c: {  	[tilespmem:$0x1070] =	vst v1  }
0x1d: {  	[tilespmem:$0x1080] =	vst v1  }
0x1e: {  	[tilespmem:$0x1090] =	vst v1  }
0x1f: {  	[tilespmem:$0x10A0] =	vst v1  }
0x20: {  	[tilespmem:$0x10B0] =	vst v1  }
0x21: {  	[tilespmem:$0x10C0] =	vst v1  }
0x22: {  	[tilespmem:$0x10D0] =	vst v1  }
0x23: {  	[tilespmem:$0x10E0] =	vst v1  }
0x24: {  	[tilespmem:$0x10F0] =	vst v1  }
0x25: {  	[tilespmem:$0x1100] =	vst v1  }
0x26: {  	[tilespmem:$0x1110] =	vst v1  }
0x27: {  	[tilespmem:$0x1120] =	vst v1  }
0x28: {  	[tilespmem:$0x1130] =	vst v1  }
0x29: {  	[tilespmem:$0x1140] =	vst v1  }
0x2a: {  	[tilespmem:$0x1150] =	vst v1  }
0x2b: {  	[tilespmem:$0x1160] =	vst v1  }
0x2c: {  	[tilespmem:$0x1170] =	vst v1  }
0x2d: {  	[tilespmem:$0x1180] =	vst v1  }
0x2e: {  	[tilespmem:$0x1190] =	vst v1  }
0x2f: {  	[tilespmem:$0x11A0] =	vst v1  }
0x30: {  	[tilespmem:$0x11B0] =	vst v1  }
0x31: {  	[tilespmem:$0x11C0] =	vst v1  }
0x32: {  	[tilespmem:$0x11D0] =	vst v1  }
0x33: {  	[tilespmem:$0x11E0] =	vst v1  }
0x34: {  	[tilespmem:$0x11F0] =	vst v1  }
0x35: {  	[tilespmem:$0x1200] =	vst v1  }
0x36: {  	[tilespmem:$0x1210] =	vst v1  }
0x37: {  	[tilespmem:$0x1220] =	vst v1  }
0x38: {  	[tilespmem:$0x1230] =	vst v1  }
0x39: {  	[tilespmem:$0x1240] =	vst v1  }
0x3a: {  	[tilespmem:$0x1250] =	vst v1  }
0x3b: {  	[tilespmem:$0x1260] =	vst v1  }
0x3c: {  	s19 =	simm.s32 @p0 $0x1000;
	s20 =	simm.s32 @p0 $0x1;
	[tilespmem:$0x1270] =	vst v1  }
0x3d: {  	[spmem:s5] =	stream.linear.scatter @p0 [tilespmem:s19], [sflag:$0x1], $0x280, $0x38;
	[tilespmem:$0x14F8] =	vst v63  }
0x3e: {  	_ =	swait.ge @p0 [sflag:s20], $0x280  }
0x3f: {  	[sflag:s20] =	ssyncset.done @p0 $0x0  }
0x40: {  	s21 =	simm.s32 @!p0 $0x1000;
	s18 =	simm.s32 @!p0 $0x1;
	[sflag:s20] =	ssyncadd.s32 @p0 $0xFFFFFD80  }
0x41: {  	[spmem:s4] =	stream.linear.scatter @!p0 [tilespmem:s21], [sflag:$0x1], $0x270, $0x38;
	[tilespmem:$0x14F8] =	vst v63  }
0x42: {  	_ =	swait.ge @!p0 [sflag:s18], $0x270  }
0x43: {  	[sflag:s18] =	ssyncset.done @!p0 $0x0  }
0x44: {  	[sflag:s18] =	ssyncadd.s32 @!p0 $0xFFFFFD90  }
0x45: {  	[bflag:$0x0] =	sbarrier.arrive $0xFFFF  }
0x46: {  	[tilespmem:s3], [sflag:$0x1] =	stream.linear.gather [hbm4b:s9+s3], $0x7D0, $0x38;
	[tilespmem:$0x14F8] =	vst v63  }
0x47: {  	_ =	swait.ge [sflag:s14], $0x7D0  }
0x48: {  	[sflag:s14] =	ssyncset.done $0x0  }
0x49: {  	[sflag:s14] =	ssyncadd.s32 $0xFFFFF830  }
0x4a: {  	[spmem:s2] =	stream.indirect.scatter.add.f32 [tilespmem:s16], [sflag:$0x1], $0x1, s3, s15, $0xb8;
	[tilespmem:$0x14F8] =	vst v63  }
0x4b: {  	_ =	swait.ge [sflag:s14], $0x7D0  }
0x4c: {  	[sflag:s14] =	ssyncset.done $0x0  }
0x4d: {  	[sflag:s14] =	ssyncadd.s32 $0xFFFFF830  }
0x4e: {  	[tilespmem:s3], [sflag:$0x1] =	stream.linear.gather [hbm4b:s10+s3], $0x7D0, $0x38;
	[tilespmem:$0x14F8] =	vst v63  }
0x4f: {  	_ =	swait.ge [sflag:s14], $0x7D0  }
0x50: {  	[sflag:s14] =	ssyncset.done $0x0  }
0x51: {  	[sflag:s14] =	ssyncadd.s32 $0xFFFFF830  }
0x52: {  	[spmem:s2] =	stream.indirect.scatter.add.f32 [tilespmem:s16], [sflag:$0x1], $0x1, s3, s15, $0xb8;
	[tilespmem:$0x14F8] =	vst v63  }
0x53: {  	_ =	swait.ge [sflag:s14], $0x7D0  }
0x54: {  	[sflag:s14] =	ssyncset.done $0x0  }
0x55: {  	[sflag:s14] =	ssyncadd.s32 $0xFFFFF830  }
0x56: {  	[tilespmem:s3], [sflag:$0x1] =	stream.linear.gather [hbm4b:s11+s3], $0x7D0, $0x38;
	[tilespmem:$0x14F8] =	vst v63  }
0x57: {  	_ =	swait.ge [sflag:s14], $0x7D0  }
0x58: {  	[sflag:s14] =	ssyncset.done $0x0  }
0x59: {  	[sflag:s14] =	ssyncadd.s32 $0xFFFFF830  }
0x5a: {  	[spmem:s2] =	stream.indirect.scatter.add.f32 [tilespmem:s16], [sflag:$0x1], $0x1, s3, s15, $0xb8;
	[tilespmem:$0x14F8] =	vst v63  }
0x5b: {  	_ =	swait.ge [sflag:s14], $0x7D0  }
0x5c: {  	[sflag:s14] =	ssyncset.done $0x0  }
0x5d: {  	[sflag:s14] =	ssyncadd.s32 $0xFFFFF830  }
0x5e: {  	[tilespmem:s3], [sflag:$0x1] =	stream.linear.gather [hbm4b:s12+s3], $0x7D0, $0x38;
	[tilespmem:$0x14F8] =	vst v63  }
0x5f: {  	_ =	swait.ge [sflag:s14], $0x7D0  }
0x60: {  	[sflag:s14] =	ssyncset.done $0x0  }
0x61: {  	[sflag:s14] =	ssyncadd.s32 $0xFFFFF830  }
0x62: {  	[spmem:s2] =	stream.indirect.scatter.add.f32 [tilespmem:s16], [sflag:$0x1], $0x1, s3, s15, $0xb8;
	[tilespmem:$0x14F8] =	vst v63  }
0x63: {  	_ =	swait.ge [sflag:s14], $0x7D0  }
0x64: {  	[sflag:s14] =	ssyncset.done $0x0  }
0x65: {  	[sflag:s14] =	ssyncadd.s32 $0xFFFFF830  }
0x66: {  	[tilespmem:s3], [sflag:$0x1] =	stream.linear.gather [hbm4b:s13+s3], $0x7D0, $0x38;
	[tilespmem:$0x14F8] =	vst v63  }
0x67: {  	_ =	swait.ge [sflag:s14], $0x7D0  }
0x68: {  	[sflag:s14] =	ssyncset.done $0x0  }
0x69: {  	[sflag:s14] =	ssyncadd.s32 $0xFFFFF830  }
0x6a: {  	[spmem:s2] =	stream.indirect.scatter.add.f32 [tilespmem:s16], [sflag:$0x1], $0x1, s3, s15, $0xb8;
	[tilespmem:$0x14F8] =	vst v63  }
0x6b: {  	_ =	swait.ge [sflag:s14], $0x7D0  }
0x6c: {  	[sflag:s14] =	ssyncset.done $0x0  }
0x6d: {  	[sflag:s14] =	ssyncadd.s32 $0xFFFFF830  }
0x6e: {  	[bflag:$0x0] =	sbarrier.arrive $0xFFFF  }
0x6f: {  	[tilespmem:s19], [sflag:$0x1] =	stream.linear.gather @p0 [spmem:s5], $0x280, $0x38;
	[tilespmem:$0x14F8] =	vst v63  }
0x70: {  	_ =	swait.ge @p0 [sflag:s20], $0x280  }
0x71: {  	[sflag:s20] =	ssyncset.done @p0 $0x0  }
0x72: {  	s22 =	simm.s32 @p0 $0x0;
	[sflag:s20] =	ssyncadd.s32 @p0 $0xFFFFFD80  }
0x73: {  	[hbm4b:s7+s22] =	stream.linear.scatter @p0 [tilespmem:s19], [sflag:$0x1], $0x280, $0x38;
	[tilespmem:$0x14F8] =	vst v63  }
0x74: {  	_ =	swait.ge @p0 [sflag:s20], $0x280  }
0x75: {  	[sflag:s20] =	ssyncset.done @p0 $0x0  }
0x76: {  	[sflag:s20] =	ssyncadd.s32 @p0 $0xFFFFFD80  }
0x77: {  	[tilespmem:s21], [sflag:$0x1] =	stream.linear.gather @!p0 [spmem:s4], $0x270, $0x38;
	[tilespmem:$0x14F8] =	vst v63  }
0x78: {  	s17 =	sadd.s32 $0x1, s17;
	_ =	swait.ge @!p0 [sflag:s18], $0x270  }
0x79: {  	p1 =	sne.s32 s17, s8;
	[sflag:s18] =	ssyncset.done @!p0 $0x0  }
.Ltmp1:
0x7a: {  	s19 =	simm.s32 @!p0 $0x0;
	[sflag:s18] =	ssyncadd.s32 @!p0 $0xFFFFFD90;
	(pc) =	sbr.rel @p1 .LBB2_1-.Ltmp1, $4  }
0x7b: {  	[hbm4b:s6+s19] =	stream.linear.scatter @!p0 [tilespmem:s21], [sflag:$0x1], $0x270, $0x38;
	[tilespmem:$0x14F8] =	vst v63  }
0x7c: {  	_ =	swait.ge @!p0 [sflag:s18], $0x270  }
0x7d: {  	[sflag:s18] =	ssyncset.done @!p0 $0x0  }
0x7e: {  	[sflag:s18] =	ssyncadd.s32 @!p0 $0xFFFFFD90  }
0x7f: {  	_ =	sfence.sel $0x180000  }
0x80: {  	[bflag:$0x0] =	sbarrier.arrive $0xFFFF  }
0x81: {  	p0 =	sne.s32 s0, $0x0;
	_ =	strace $0x90000047  }
0x82: {  	s0 =	sadd.s32 @!p0 $0x100000, s1;
	[bflag:$0x2] =	sbarrier.arrive $0xFFFF  }
0x83: {  	[sflag:s0] =	ssyncadd.tile.s32 @!p0 $0x1;
	_ =	shalt  }
.Lfunc_end2:
_tile_overlayer_lowered:
.L_overlay_start_2:
0x84: {  	(tag) =	ssettag $0x2  }
0x85: {  	s0 =	rddreg [dreg:$0x0];
	s2 =	stileid.u32  }
0x86: {  	s1 =	rddreg [dreg:$0x1];
	p0 =	sne.s32 s2, $0x0  }
0x87: {  	s3 =	rddreg [dreg:$0x2];
	[bflag:$0x3] =	sbarrier.arrive $0xFFFF;
	s2 =	simm.s32 @!p0 $0x1C01  }
0x88: {  	[timem:s3], [sflag:s2] =	dma.local @!p0 [hbm:s0], s1  }
0x89: {  	s0 =	simm.s32 @!p0 $0x1  }
0x8a: {  	_ =	swait.ge @!p0 [sflag:s0], s1  }
0x8b: {  	s1 =	ssub.s32 @!p0 $0x0, s1;
	[sflag:s0] =	ssyncset.done @!p0 $0x0  }
0x8c: {  	[sflag:s0] =	ssyncadd.s32 @!p0 s1  }
0x8d: {  	[bflag:$0x3] =	sbarrier.arrive $0xFFFF  }
0x8e: {  	_ =	shalt  }

// kernel: kernel.13.cloned.1.call-start
scs
__scs_entry_jumppad:
0x0: {  	(pc) =	sbr.rel $0x88, $3  }
0x1: {  	(tag) =	ssettag $0x0;
	lr =	simm.s32 $0x1  }
0x2: {  	[smem:$0x3F99] =	sst lr;
	_ =	strace $0xD0000000  }
0x3: {  	_ = 	snop  }
0x4: {  	_ = 	snop  }
0x5: {  	_ = 	snop  }
0x6: {  	_ = 	snop  }
0x7: {  	_ = 	snop  }
__scs_overlays_trampoline_lowered:
0x8: {  	[smem:$0x3FA8] =	sst s0  }
0x9: {  	[smem:$0x3FA9] =	sst s1  }
0xa: {  	[smem:$0x3FAA] =	sst s2  }
0xb: {  	[smem:$0x3FAB] =	sst s3  }
0xc: {  	[smem:$0x3FAC] =	sst s4  }
0xd: {  	[smem:$0x3FAD] =	sst s5  }
0xe: {  	[smem:$0x3FAE] =	sst s6  }
0xf: {  	[smem:$0x3FAF] =	sst s7  }
0x10: {  	[smem:$0x3FB0] =	sst s8  }
0x11: {  	[smem:$0x3FB1] =	sst s9;
	s0 =	simm.s32 @!p0 $0x0  }
0x12: {  	s1 =	sld [smem:$0x3F97];
	s0 =	simm.s32 @p0 $0x1  }
0x13: {  	[smem:$0x3FB2] =	sst s0;
	s0 =	simm.s32 @!p1 $0x0  }
0x14: {  	s2 =	sld [smem:$0x3F96];
	s0 =	simm.s32 @p1 $0x1  }
0x15: {  	[smem:$0x3FB3] =	sst s0;
	s0 =	simm.s32 @!p2 $0x0  }
0x16: {  	s3 =	sld [smem:$0x3FDB];
	s0 =	simm.s32 @p2 $0x1  }
0x17: {  	s4 =	simm.s32 $0x1BF5;
	[smem:$0x3FB5] =	sst s0  }
0x18: {  	s0 =	sld [smem:$0x3F98];
	_ =	swait.ge [sflag:s4], $0x0  }
0x19: {  	s7 =	sld [smem:$0x3F99]  }
0x1a: {  	s8 =	sadd.s32 $0xFFFFE003, lr  }
0x1b: {  	s9 =	sadd.s32 $0xFFFFFEF7, lr;
	s5 =	simm.s32 $0xFFFFFFFF;
	p2 =	slt.u32 s8, $0xFFFFF086  }
0x1c: {  	p1 =	slt.u32 s9, $0xF7A;
	s5 =	simm.s32 @!p2 $0x0  }
0x1d: {  	s5 =	simm.s32 @p1 $0x1;
	p0 =	seq.s32 s7, s2  }
0x1e: {  	s7 =	smul.u32 @!p0 $0xF7A, s2;
	p2 =	seq.s32 @!p0 s5, $0x0  }
0x1f: {  	s9 =	smul.u32 $0xF7A, s1;
	s8 =	simm.s32 @!p0 $0x1BF5;
	p2 =	por !p2, p0  }
0x20: {  	[sflag:s8] =	ssyncset.s32 @!p0 $0xFFFFF086;
	s6 =	sadd.s32 @!p0 s3, s7;
	s7 =	simm.s32 @!p0 $0x108  }
0x21: {  	s3 =	sadd.s32 s3, s9;
	s6 =	sadd.s32 @!p0 $0x88, s6;
	s7 =	simm.s32 @p2 $0x1082  }
0x22: {  	[simem:s7], [sflag:s8] =	dma.local @!p0 [hbm:s6], $0xF7A  }
0x23: {  	s9 =	sor.u32 $0xD0000000, s2;
	s6 =	simm.s32 $0x108;
	_ =	swait.ge @!p0 [sflag:s8], $0x0  }
0x24: {  	s3 =	sadd.s32 $0x88, s3;
	s6 =	simm.s32 @!p1 $0x1082;
	[sflag:s4] =	ssyncset.s32 $0xFFFFF086  }
0x25: {  	[simem:s6], [sflag:s4] =	dma.local [hbm:s3], $0xF7A  }
0x26: {  	[smem:$0x3F99] =	sst s1;
	(tag) =	ssettag s2;
	_ =	strace s9  }
0x27: {  	s1 =	sld [smem:$0x3FA9]  }
0x28: {  	s2 =	sld [smem:$0x3FAA]  }
0x29: {  	s4 =	sld [smem:$0x3FAC]  }
0x2a: {  	p0 =	seq.s32 s5, $0x0;
	s5 =	sld [smem:$0x3FAD]  }
0x2b: {  	s6 =	sld [smem:$0x3FAE]  }
0x2c: {  	s7 =	sld [smem:$0x3FAF]  }
0x2d: {  	s3 =	simm.s32 $0x108;
	s8 =	sld [smem:$0x3FB0]  }
0x2e: {  	s3 =	simm.s32 @!p0 $0x1082;
	s9 =	sld [smem:$0x3FB1]  }
0x2f: {  	lr =	sadd.s32 s0, s3;
	s0 =	sld [smem:$0x3FA8]  }
0x30: {  	s3 =	sld [smem:$0x3FAB]  }
0x31: {  	[smem:$0x3FB4] =	sst s10  }
0x32: {  	s10 =	sld [smem:$0x3FB2];
	_ =	sdelay $0x3  }
0x33: {  	p0 =	seq.s32 s10, $0x1;
	s10 =	sld [smem:$0x3FB4];
	_ =	sdelay $0x3  }
0x34: {  	[smem:$0x3FB4] =	sst s10  }
0x35: {  	s10 =	sld [smem:$0x3FB3];
	_ =	sdelay $0x3  }
0x36: {  	p1 =	seq.s32 s10, $0x1;
	s10 =	sld [smem:$0x3FB4];
	_ =	sdelay $0x3  }
0x37: {  	[smem:$0x3FB4] =	sst s10  }
0x38: {  	s10 =	sld [smem:$0x3FB5]  }
0x39: {  	_ = 	snop;
	(pc) =	sbr.ind lr, $3  }
0x3a: {  	_ = 	snop  }
0x3b: {  	_ = 	snop  }
0x3c: {  	p2 =	seq.s32 s10, $0x1;
	s10 =	sld [smem:$0x3FB4]  }
0x3d: {  	_ =	shalt  }
0x3e: {  	_ =	shalt  }
0x3f: {  	_ =	shalt  }
0x40: {  	_ =	shalt  }
0x41: {  	_ =	shalt  }
0x42: {  	_ =	shalt  }
0x43: {  	_ =	shalt  }
0x44: {  	_ =	shalt  }
0x45: {  	_ =	shalt  }
0x46: {  	_ =	shalt  }
0x47: {  	_ =	shalt  }
0x48: {  	_ =	shalt  }
0x49: {  	_ =	shalt  }
0x4a: {  	_ =	shalt  }
0x4b: {  	_ =	shalt  }
0x4c: {  	_ =	shalt  }
0x4d: {  	_ =	shalt  }
0x4e: {  	_ =	shalt  }
0x4f: {  	_ =	shalt  }
0x50: {  	_ =	shalt  }
0x51: {  	_ =	shalt  }
0x52: {  	_ =	shalt  }
0x53: {  	_ =	shalt  }
0x54: {  	_ =	shalt  }
0x55: {  	_ =	shalt  }
0x56: {  	_ =	shalt  }
0x57: {  	_ =	shalt  }
0x58: {  	_ =	shalt  }
0x59: {  	_ =	shalt  }
0x5a: {  	_ =	shalt  }
0x5b: {  	_ =	shalt  }
0x5c: {  	_ =	shalt  }
0x5d: {  	_ =	shalt  }
0x5e: {  	_ =	shalt  }
0x5f: {  	_ =	shalt  }
0x60: {  	_ =	shalt  }
0x61: {  	_ =	shalt  }
0x62: {  	_ =	shalt  }
0x63: {  	_ =	shalt  }
0x64: {  	_ =	shalt  }
0x65: {  	_ =	shalt  }
0x66: {  	_ =	shalt  }
0x67: {  	_ =	shalt  }
0x68: {  	_ =	shalt  }
0x69: {  	_ =	shalt  }
0x6a: {  	_ =	shalt  }
0x6b: {  	_ =	shalt  }
0x6c: {  	_ =	shalt  }
0x6d: {  	_ =	shalt  }
0x6e: {  	_ =	shalt  }
0x6f: {  	_ =	shalt  }
0x70: {  	_ =	shalt  }
0x71: {  	_ =	shalt  }
0x72: {  	_ =	shalt  }
0x73: {  	_ =	shalt  }
0x74: {  	_ =	shalt  }
0x75: {  	_ =	shalt  }
0x76: {  	_ =	shalt  }
0x77: {  	_ =	shalt  }
0x78: {  	_ =	shalt  }
0x79: {  	_ =	shalt  }
0x7a: {  	_ =	shalt  }
0x7b: {  	_ =	shalt  }
0x7c: {  	_ =	shalt  }
0x7d: {  	_ =	shalt  }
0x7e: {  	_ =	shalt  }
0x7f: {  	_ =	shalt  }
0x80: {  	_ =	shalt  }
0x81: {  	_ =	shalt  }
0x82: {  	_ =	shalt  }
0x83: {  	_ =	shalt  }
0x84: {  	_ =	shalt  }
0x85: {  	_ =	shalt  }
0x86: {  	_ =	shalt  }
0x87: {  	_ =	shalt  }
.Lfunc_end0:
.L_simem_size_0:
called_computation.3_lowered:
.L_overlay_start_0:
0x88: {  	s2 =	sld [smem:$0x3FD9]  }
0x89: {  	s3 =	sld [smem:$0x3FFE];
	_ =	sdelay $0x1  }
0x8a: {  	s1 =	srdreg.scid  }
0x8b: {  	s0 =	sand.u32 $0x1, s1  }
0x8c: {  	s14 =	sshll.u32 s0, $0xA;
	s2 =	sadd.s32 s3, s2  }
0x8d: {  	s2 =	sadd.s32 s2, s14  }
0x8e: {  	[smem:$0x3FC0] =	sst s2  }
0x8f: {  	_ = 	snop  }
0x90: {  	s2 =	sld [smem:$0x3FD0];
	_ =	sdelay $0x2  }
0x91: {  	s15 =	simm.s32 $0xA;
	s4 =	simm.s32 $0x10  }
0x92: {  	[smem:s4], [sflag:s15] =	dma.local [hbm:s2], $0x1  }
0x93: {  	_ =	swait.eq [sflag:s15], $0x1  }
0x94: {  	[sflag:s15] =	ssyncset.done $0x0  }
0x95: {  	[sflag:s15] =	ssyncadd.s32 $0xFFFFFFFF  }
0x96: {  	s16 =	sld [smem:$0x10];
	(tm) =	ssettm $0x1  }
0x97: {  	s17 =	sld [smem:$0x3FFB];
	_ =	sdelay $0x3  }
0x98: {  	_ =	strace s17  }
0x99: {  	s3 =	sld [smem:$0x3FFC];
	_ =	sdelay $0x3  }
0x9a: {  	_ =	strace s3  }
0x9b: {  	s3 =	sld [smem:$0x3FFD];
	_ =	sdelay $0x3  }
0x9c: {  	_ =	strace s3  }
0x9d: {  	_ =	strace $0x8FFFFFFF  }
0x9e: {  	s18 =	sld [smem:$0x3FDB];
	_ =	sdelay $0x1  }
0x9f: {  	s19 =	simm.s32 $_scs_section_size  }
0xa0: {  	s5 =	simm.s32 $_size__tile_overlayer_lowered;
	s6 =	simm.s32 $_tile_overlayer_lowered  }
0xa1: {  	s22 =	simm.s32 $0x1BFF;
	s21 =	sshll.u32 s6, $0x1;
	s3 =	sadd.s32 s19, s18  }
0xa2: {  	s7 =	simm.s32 $0x0;
	s20 =	sshll.u32 s5, $0x1;
	s5 =	sadd.s32 s21, s3  }
0xa3: {  	[timem:s7], [sflag:s22] =	dma.local [hbm:s5], s20  }
0xa4: {  	_ =	swait.ge [sflag:s22], s20  }
0xa5: {  	s4 =	ssub.s32 $0x0, s20;
	[sflag:s22] =	ssyncset.done $0x0  }
0xa6: {  	[sflag:s22] =	ssyncadd.s32 s4;
	_ =	sdelay $0x1  }
0xa7: {  	s23 =	simm.s32 $0x1B8B  }
0xa8: {  	_ =	swait.ge [sflag:s23], $0x1  }
0xa9: {  	[sflag:s23] =	ssyncset.done $0x0  }
0xaa: {  	s25 =	simm.s32 $0x1B8E;
	s24 =	sld [smem:$0x3FFE];
	[sflag:s23] =	ssyncadd.s32 $0xFFFFFFFF  }
0xab: {  	s26 =	simm.s32 $execute0_lowered;
	[smem:$0x3FD2] =	sst s25  }
0xac: {  	s5 =	sshll.u32 s26, $0x1;
	_ =	strace $0x80000049;
	[dreg:$0x1] =	wrdreg $0xFFFFFFFF  }
0xad: {  	s28 =	simm.s32 $_size_execute0_lowered;
	s3 =	sadd.s32 s3, s5;
	[dreg:$0x0] =	wrdreg $0x0  }
0xae: {  	s5 =	sshll.u32 s28, $0x1;
	[dreg:$0x2] =	wrdreg s3  }
0xaf: {  	[dreg:$0x3] =	wrdreg s5  }
0xb0: {  	[dreg:$0x4] =	wrdreg $0xC0  }
0xb1: {  	_ =	task [dreg:s7], $0x5FFFF  }
0xb2: {  	[dreg:$0x1] =	wrdreg $0xFFFFFFFF  }
0xb3: {  	[dreg:$0x0] =	wrdreg $0x60  }
0xb4: {  	[dreg:$0x2] =	wrdreg s24  }
0xb5: {  	[dreg:$0x3] =	wrdreg s16  }
0xb6: {  	[dreg:$0x4] =	wrdreg $0x66000  }
0xb7: {  	[dreg:$0x5] =	wrdreg $0x9  }
0xb8: {  	_ =	task.clear_ibuf [dreg:s7], $0x6FFFF;
	_ =	strace $0x90000049  }
0xb9: {  	s29 =	simm.s32 $0x9;
	_ =	strace $0x8000004B  }
0xba: {  	_ =	swait.ge [sflag:s29], $0x1  }
0xbb: {  	[sflag:s29] =	ssyncadd.s32 $0xFFFFFFFF  }
0xbc: {  	_ =	strace $0x9000004B  }
0xbd: {  	_ =	sfence  }
0xbe: {  	s30 =	sld [smem:$0x0];
	_ =	sdelay $0x2  }
0xbf: {  	s31 =	sshll.u32 s1, $0xD;
	s1 =	sshrl.u32 s1, $0x2  }
0xc0: {  	s3 =	sand.u32 $0x4000, s31;
	s1 =	sadd.s32 s1, s30  }
0xc1: {  	s0 =	sor.u32 s3, s0;
	s1 =	sshll.u32 s1, $0x11  }
0xc2: {  	s0 =	sor.u32 s1, s0  }
0xc3: {  	s0 =	sadd.s32 $0x8F2B, s0  }
0xc4: {  	[sflag:s0] =	ssyncadd.remote.s32 $0x1  }
0xc5: {  	_ =	sfence.sel $0xFFFF  }
0xc6: {  	[dreg:$0x0] =	wrdreg $0xFFFFFFFF;
	(pc) =	sbr.abs _section_cstart, $3  }
0xc7: {  	[dreg:$0x1] =	wrdreg $0xFFFFFFFF  }
0xc8: {  	_ =	task.clear_ibuf [dreg:s7], $0x2FFFF;
	_ =	strace $0x9FFFFFFF  }
0xc9: {  	(tm) =	ssettm $0x7FFFFFFF  }
tec
execute0_lowered:
.L_overlay_start_1:
0x0: {  	(tag) =	ssettag $0x1  }
0x1: {  	s0 =	rddreg [dreg:$0x0]  }
0x2: {  	s23 =	rddreg [dreg:$0x1];
	s1 =	srdreg.scid  }
0x3: {  	s2 =	rddreg [dreg:$0x2];
	s15 =	stileid.u32  }
0x4: {  	s3 =	simm.s32 $0x0;
	s28 =	simm.s32 $0x200;
	s5 =	smul.u32 $0x2710, s15  }
0x5: {  	s29 =	simm.s32 $0x1;
	s30 =	simm.s32 $0x0;
	s25 =	smul.u32 $0x4E000, s15  }
0x6: {  	s10 =	sand.u32 $0x1, s1;
	[smem:$0x7FF] =	sst s3;
	s11 =	smul.u32 $0x270, s15  }
0x7: {  	s9 =	sadd.s32 $0x124800, s2;
	p0 =	seq.s32 s15, $0xF;
	s4 =	smul.u32 $0x27100, s10  }
0x8: {  	_ =	strace $0x8000004A;
	s6 =	ssub.s32 $0x2, s10;
	s12 =	smul.u32 $0x2710, s10  }
0x9: {  	s14 =	smul.u32 $0x138800, s10;
	s10 =	sadd.s32 $0x12AC00, s2;
	s7 =	sshrl.u32 s6, $0x1  }
0xa: {  	s5 =	sadd.s32 s5, s4;
	s4 =	sadd.s32 $0xF400, s0;
	s21 =	ssub.s32 s6, s7  }
0xb: {  	s12 =	sadd.s32 s11, s12;
	s11 =	sadd.s32 $0x131000, s2;
	s16 =	sshrl.u32 s14, $0x3  }
0xc: {  	s24 =	sshrl.u32 s5, $0x3;
	s5 =	sshrl.u32 s25, $0x2;
	s13 =	sshll.u32 s12, $0x4  }
0xd: {  	s12 =	sadd.s32 $0x137400, s2;
	s21 =	smax.u32 s21, $0x1;
	s25 =	simm.s32 $0x100  }
0xe: {  	s22 =	sadd.s32 s24, s0;
	s0 =	sadd.s32 $0x5D800, s0;
	s5 =	sadd.s32 s5, s2  }
0xf: {  	s23 =	sadd.s32 s24, s23;
	s24 =	simm.s32 $0x2;
	s6 =	sadd.s32 $0x6400, s5  }
0x10: {  	s7 =	sadd.s32 $0xC800, s5;
	s8 =	sadd.s32 $0x12C00, s5;
	s13 =	sadd.s32 s0, s13  }
0x11: {  	s0 =	sadd.s32 s0, s16;
	s22 =	sadd.s32 $0x5600, s22;
	s26 =	sadd.s32 $0xC80, s13  }
0x12: {  	s31 =	sadd.s32 $0x1900, s13;
	s16 =	sadd.s32 $0x2580, s13;
	s17 =	sadd.s32 $0x24900, s0  }
0x13: {  	s18 =	sadd.s32 $0x25580, s0;
	s19 =	sadd.s32 $0x26200, s0;
	[dreg:$0x4] =	wrdreg s26  }
0x14: {  	v0 =	vimm.f32 $0.0e+00;
	s20 =	sadd.s32 $0x26E80, s0;
	[dreg:$0x5] =	wrdreg s31;
	s26 =	simm.s32 $0xC8  }
.LBB2_1:
0x15: {  	s31 =	simm.s32 $0x0;
	s0 =	simm.s32 $0x200  }
.LBB2_2:
0x16: {  	p1 =	sne.s32 s0, $0x18E00;
	[tilespmem:s31+$0x270] =	vst v0  }
0x17: {  	[tilespmem:s31+$0x200] =	vst v0  }
0x18: {  	[tilespmem:s31+$0x210] =	vst v0  }
.Ltmp0:
0x19: {  	[tilespmem:s31+$0x220] =	vst v0;
	(pc) =	sbr.rel @p1 .LBB2_2-.Ltmp0, $4  }
0x1a: {  	[tilespmem:s31+$0x230] =	vst v0  }
0x1b: {  	[tilespmem:s31+$0x240] =	vst v0  }
0x1c: {  	[tilespmem:s31+$0x250] =	vst v0  }
0x1d: {  	[tilespmem:s31+$0x260] =	vst v0;
	s31 =	sshra.s32 s0, $0x2;
	s0 =	sadd.s32 $0x200, s0  }
0x1e: {  	[tilespmem:s31+$0x270] =	vst v0  }
0x1f: {  	[tilespmem:s31+$0x200] =	vst v0  }
0x20: {  	[tilespmem:s31+$0x210] =	vst v0  }
0x21: {  	[tilespmem:s31+$0x220] =	vst v0  }
0x22: {  	[tilespmem:s31+$0x230] =	vst v0  }
0x23: {  	[tilespmem:s31+$0x240] =	vst v0  }
0x24: {  	[tilespmem:s31+$0x250] =	vst v0  }
0x25: {  	[tilespmem:s31+$0x260] =	vst v0;
	s0 =	simm.s32 @p0 $0x200;
	s31 =	simm.s32 @p0 $0x2  }
0x26: {  	[spmem:s9] =	stream.linear.scatter @p0 [tilespmem:s0], [sflag:$0x2], $0x6400, $0x38;
	[tilespmem:$0x19E80] =	vst v63  }
0x27: {  	_ =	swait.ge @p0 [sflag:s31], $0x6400  }
0x28: {  	[sflag:s31] =	ssyncset.done @p0 $0x0  }
0x29: {  	[sflag:s31] =	ssyncadd.s32 @p0 $0xFFFF9C00  }
0x2a: {  	[spmem:s10] =	stream.linear.scatter @p0 [tilespmem:s0], [sflag:$0x2], $0x6400, $0x38;
	[tilespmem:$0x19E80] =	vst v63  }
0x2b: {  	_ =	swait.ge @p0 [sflag:s31], $0x6400  }
0x2c: {  	[sflag:s31] =	ssyncset.done @p0 $0x0  }
0x2d: {  	[sflag:s31] =	ssyncadd.s32 @p0 $0xFFFF9C00  }
0x2e: {  	[spmem:s11] =	stream.linear.scatter @p0 [tilespmem:s0], [sflag:$0x2], $0x6400, $0x38;
	[tilespmem:$0x19E80] =	vst v63  }
0x2f: {  	_ =	swait.ge @p0 [sflag:s31], $0x6400  }
0x30: {  	[sflag:s31] =	ssyncset.done @p0 $0x0  }
0x31: {  	[sflag:s31] =	ssyncadd.s32 @p0 $0xFFFF9C00  }
0x32: {  	[spmem:s12] =	stream.linear.scatter @p0 [tilespmem:s0], [sflag:$0x2], $0x1400, $0x38;
	[tilespmem:$0x19E80] =	vst v63  }
0x33: {  	_ =	swait.ge @p0 [sflag:s31], $0x1400  }
0x34: {  	[sflag:s31] =	ssyncset.done @p0 $0x0  }
0x35: {  	s0 =	simm.s32 @!p0 $0x200;
	[sflag:s31] =	ssyncadd.s32 @p0 $0xFFFFEC00;
	s31 =	simm.s32 @!p0 $0x2  }
0x36: {  	[spmem:s5] =	stream.linear.scatter @!p0 [tilespmem:s0], [sflag:$0x2], $0x6400, $0x38;
	[tilespmem:$0x19E80] =	vst v63  }
0x37: {  	_ =	swait.ge @!p0 [sflag:s31], $0x6400  }
0x38: {  	[sflag:s31] =	ssyncset.done @!p0 $0x0  }
0x39: {  	[sflag:s31] =	ssyncadd.s32 @!p0 $0xFFFF9C00  }
0x3a: {  	[spmem:s6] =	stream.linear.scatter @!p0 [tilespmem:s0], [sflag:$0x2], $0x6400, $0x38;
	[tilespmem:$0x19E80] =	vst v63  }
0x3b: {  	_ =	swait.ge @!p0 [sflag:s31], $0x6400  }
0x3c: {  	[sflag:s31] =	ssyncset.done @!p0 $0x0  }
0x3d: {  	[sflag:s31] =	ssyncadd.s32 @!p0 $0xFFFF9C00  }
0x3e: {  	[spmem:s7] =	stream.linear.scatter @!p0 [tilespmem:s0], [sflag:$0x2], $0x6400, $0x38;
	[tilespmem:$0x19E80] =	vst v63  }
0x3f: {  	_ =	swait.ge @!p0 [sflag:s31], $0x6400  }
0x40: {  	[sflag:s31] =	ssyncset.done @!p0 $0x0  }
0x41: {  	[sflag:s31] =	ssyncadd.s32 @!p0 $0xFFFF9C00  }
0x42: {  	[spmem:s8] =	stream.linear.scatter @!p0 [tilespmem:s0], [sflag:$0x2], $0xC00, $0x38;
	[tilespmem:$0x19E80] =	vst v63  }
0x43: {  	_ =	swait.ge @!p0 [sflag:s31], $0xC00  }
0x44: {  	[sflag:s31] =	ssyncset.done @!p0 $0x0  }
0x45: {  	[sflag:s31] =	ssyncadd.s32 @!p0 $0xFFFFF400  }
0x46: {  	s14 =	sadd.s32 $0x0, s23;
	[bflag:$0x0] =	sbarrier.arrive $0xFFFF  }
0x47: {  	[tilespmem:s3], [sflag:$0x2] =	stream.linear.gather [hbm4b:s14+s3], $0xC8, $0x38;
	[tilespmem:$0x19E80] =	vst v63  }
0x48: {  	_ =	swait.ge [sflag:s24], $0xC8  }
0x49: {  	[sflag:s24] =	ssyncset.done $0x0  }
0x4a: {  	s15 =	sadd.s32 $0x0, s22;
	[sflag:s24] =	ssyncadd.s32 $0xFFFFFF38  }
0x4b: {  	[tilespmem:s25], [sflag:$0x2] =	stream.linear.gather [hbm4b:s15+s3], $0xC8, $0x38;
	[tilespmem:$0x19E80] =	vst v63  }
0x4c: {  	_ =	swait.ge [sflag:s24], $0xC8  }
0x4d: {  	[sflag:s24] =	ssyncset.done $0x0  }
0x4e: {  	[sflag:s24] =	ssyncadd.s32 $0xFFFFFF38  }
0x4f: {  	[tilespmem:s28], [sflag:$0x1] =	stream.indirect.gather [hbm4b:s4+s26], $0x80, s3, s26, $0xb8;
	[tilespmem:$0x19E80] =	vst v63  }
0x50: {  	_ =	swait.ge [sflag:s29], $0x6400  }
0x51: {  	[sflag:s29] =	ssyncset.done $0x0  }
0x52: {  	[sflag:s29] =	ssyncadd.s32 $0xFFFF9C00  }
0x53: {  	[spmem:s2] =	stream.indirect.scatter.add.f32 [tilespmem:s28], [sflag:$0x2], $0x80, s25, s26, $0xb8;
	[tilespmem:$0x19E80] =	vst v63  }
0x54: {  	_ =	swait.ge [sflag:s24], $0x6400  }
0x55: {  	s0 =	simm.s32 $0x32;
	s31 =	simm.s32 $0x19;
	[sflag:s24] =	ssyncset.done $0x0  }
.LBB2_4:
0x56: {  	s1 =	sadd.s32 s31, s23  }
0x57: {  	[sflag:s24] =	ssyncadd.s32 $0xFFFF9C00;
	s14 =	smov.u32 s0;
	s15 =	sadd.s32 $0x19, s0  }
0x58: {  	[tilespmem:s3], [sflag:$0x2] =	stream.linear.gather [hbm4b:s1+s3], $0xC8, $0x38;
	[tilespmem:$0x19E80] =	vst v63  }
0x59: {  	p1 =	sne.s32 s0, $0x4C9;
	_ =	swait.ge [sflag:s24], $0xC8  }
0x5a: {  	[sflag:s24] =	ssyncset.done $0x0  }
0x5b: {  	s0 =	sadd.s32 s31, s22;
	s31 =	smov.u32 s14;
	[sflag:s24] =	ssyncadd.s32 $0xFFFFFF38  }
0x5c: {  	[tilespmem:s25], [sflag:$0x2] =	stream.linear.gather [hbm4b:s0+s3], $0xC8, $0x38;
	[tilespmem:$0x19E80] =	vst v63  }
0x5d: {  	_ =	swait.ge [sflag:s24], $0xC8  }
0x5e: {  	[sflag:s24] =	ssyncset.done $0x0  }
0x5f: {  	[sflag:s24] =	ssyncadd.s32 $0xFFFFFF38  }
0x60: {  	[tilespmem:s28], [sflag:$0x1] =	stream.indirect.gather [hbm4b:s4+s26], $0x80, s3, s26, $0xb8;
	[tilespmem:$0x19E80] =	vst v63  }
0x61: {  	_ =	swait.ge [sflag:s29], $0x6400  }
.Ltmp1:
0x62: {  	[sflag:s29] =	ssyncset.done $0x0;
	(pc) =	sbr.rel @p1 .LBB2_4-.Ltmp1, $4  }
0x63: {  	[sflag:s29] =	ssyncadd.s32 $0xFFFF9C00  }
0x64: {  	[spmem:s2] =	stream.indirect.scatter.add.f32 [tilespmem:s28], [sflag:$0x2], $0x80, s25, s26, $0xb8;
	[tilespmem:$0x19E80] =	vst v63  }
0x65: {  	_ =	swait.ge [sflag:s24], $0x6400  }
0x66: {  	s0 =	smov.u32 s15;
	[sflag:s24] =	ssyncset.done $0x0  }
0x67: {  	s0 =	sadd.s32 s31, s23;
	[sflag:s24] =	ssyncadd.s32 $0xFFFF9C00  }
0x68: {  	[tilespmem:s3], [sflag:$0x2] =	stream.linear.gather [hbm4b:s0+s3], $0xC8, $0x38;
	[tilespmem:$0x19E80] =	vst v63  }
0x69: {  	_ =	swait.ge [sflag:s24], $0xC8  }
0x6a: {  	[sflag:s24] =	ssyncset.done $0x0  }
0x6b: {  	s31 =	sadd.s32 s31, s22;
	[sflag:s24] =	ssyncadd.s32 $0xFFFFFF38  }
0x6c: {  	[tilespmem:s25], [sflag:$0x2] =	stream.linear.gather [hbm4b:s31+s3], $0xC8, $0x38;
	[tilespmem:$0x19E80] =	vst v63  }
0x6d: {  	_ =	swait.ge [sflag:s24], $0xC8  }
0x6e: {  	[sflag:s24] =	ssyncset.done $0x0  }
0x6f: {  	[sflag:s24] =	ssyncadd.s32 $0xFFFFFF38  }
0x70: {  	[tilespmem:s28], [sflag:$0x1] =	stream.indirect.gather [hbm4b:s4+s26], $0x80, s3, s26, $0xb8;
	[tilespmem:$0x19E80] =	vst v63  }
0x71: {  	_ =	swait.ge [sflag:s29], $0x6400  }
0x72: {  	[sflag:s29] =	ssyncset.done $0x0  }
0x73: {  	[sflag:s29] =	ssyncadd.s32 $0xFFFF9C00  }
0x74: {  	[spmem:s2] =	stream.indirect.scatter.add.f32 [tilespmem:s28], [sflag:$0x2], $0x80, s25, s26, $0xb8;
	[tilespmem:$0x19E80] =	vst v63  }
0x75: {  	_ =	swait.ge [sflag:s24], $0x6400  }
0x76: {  	[sflag:s24] =	ssyncset.done $0x0  }
0x77: {  	[sflag:s24] =	ssyncadd.s32 $0xFFFF9C00  }
0x78: {  	s1 =	simm.s32 @p0 $0x2;
	s0 =	simm.s32 @p0 $0x200;
	[bflag:$0x0] =	sbarrier.arrive $0xFFFF  }
0x79: {  	[tilespmem:s0], [sflag:$0x2] =	stream.linear.gather @p0 [spmem:s9], $0x6400, $0x38;
	[tilespmem:$0x19E80] =	vst v63  }
0x7a: {  	_ =	swait.ge @p0 [sflag:s1], $0x6400  }
0x7b: {  	[sflag:s1] =	ssyncset.done @p0 $0x0  }
0x7c: {  	s14 =	simm.s32 @p0 $0x0;
	[sflag:s1] =	ssyncadd.s32 @p0 $0xFFFF9C00  }
0x7d: {  	[hbm4b:s17+s14] =	stream.linear.scatter @p0 [tilespmem:s0], [sflag:$0x2], $0x6400, $0x38;
	[tilespmem:$0x19E80] =	vst v63  }
0x7e: {  	_ =	swait.ge @p0 [sflag:s1], $0x6400  }
0x7f: {  	[sflag:s1] =	ssyncset.done @p0 $0x0  }
0x80: {  	[sflag:s1] =	ssyncadd.s32 @p0 $0xFFFF9C00  }
0x81: {  	[tilespmem:s0], [sflag:$0x2] =	stream.linear.gather @p0 [spmem:s10], $0x6400, $0x38;
	[tilespmem:$0x19E80] =	vst v63  }
0x82: {  	_ =	swait.ge @p0 [sflag:s1], $0x6400  }
0x83: {  	[sflag:s1] =	ssyncset.done @p0 $0x0  }
0x84: {  	[sflag:s1] =	ssyncadd.s32 @p0 $0xFFFF9C00  }
0x85: {  	[hbm4b:s18+s14] =	stream.linear.scatter @p0 [tilespmem:s0], [sflag:$0x2], $0x6400, $0x38;
	[tilespmem:$0x19E80] =	vst v63  }
0x86: {  	_ =	swait.ge @p0 [sflag:s1], $0x6400  }
0x87: {  	[sflag:s1] =	ssyncset.done @p0 $0x0  }
0x88: {  	[sflag:s1] =	ssyncadd.s32 @p0 $0xFFFF9C00  }
0x89: {  	[tilespmem:s0], [sflag:$0x2] =	stream.linear.gather @p0 [spmem:s11], $0x6400, $0x38;
	[tilespmem:$0x19E80] =	vst v63  }
0x8a: {  	_ =	swait.ge @p0 [sflag:s1], $0x6400  }
0x8b: {  	[sflag:s1] =	ssyncset.done @p0 $0x0  }
0x8c: {  	[sflag:s1] =	ssyncadd.s32 @p0 $0xFFFF9C00  }
0x8d: {  	[hbm4b:s19+s14] =	stream.linear.scatter @p0 [tilespmem:s0], [sflag:$0x2], $0x6400, $0x38;
	[tilespmem:$0x19E80] =	vst v63  }
0x8e: {  	_ =	swait.ge @p0 [sflag:s1], $0x6400  }
0x8f: {  	[sflag:s1] =	ssyncset.done @p0 $0x0  }
0x90: {  	[sflag:s1] =	ssyncadd.s32 @p0 $0xFFFF9C00  }
0x91: {  	[tilespmem:s0], [sflag:$0x2] =	stream.linear.gather @p0 [spmem:s12], $0x1400, $0x38;
	[tilespmem:$0x19E80] =	vst v63  }
0x92: {  	_ =	swait.ge @p0 [sflag:s1], $0x1400  }
0x93: {  	[sflag:s1] =	ssyncset.done @p0 $0x0  }
0x94: {  	[sflag:s1] =	ssyncadd.s32 @p0 $0xFFFFEC00  }
0x95: {  	[hbm4b:s20+s14] =	stream.linear.scatter @p0 [tilespmem:s0], [sflag:$0x2], $0x1400, $0x38;
	[tilespmem:$0x19E80] =	vst v63  }
0x96: {  	_ =	swait.ge @p0 [sflag:s1], $0x1400  }
0x97: {  	[sflag:s1] =	ssyncset.done @p0 $0x0  }
0x98: {  	s0 =	simm.s32 @!p0 $0x200;
	[sflag:s1] =	ssyncadd.s32 @p0 $0xFFFFEC00;
	s1 =	simm.s32 @!p0 $0x2  }
0x99: {  	[tilespmem:s0], [sflag:$0x2] =	stream.linear.gather @!p0 [spmem:s5], $0x6400, $0x38;
	[tilespmem:$0x19E80] =	vst v63  }
0x9a: {  	_ =	swait.ge @!p0 [sflag:s1], $0x6400  }
0x9b: {  	[sflag:s1] =	ssyncset.done @!p0 $0x0  }
0x9c: {  	s14 =	simm.s32 @!p0 $0x0;
	[sflag:s1] =	ssyncadd.s32 @!p0 $0xFFFF9C00  }
0x9d: {  	[hbm4b:s13+s14] =	stream.linear.scatter @!p0 [tilespmem:s0], [sflag:$0x2], $0x6400, $0x38;
	[tilespmem:$0x19E80] =	vst v63  }
0x9e: {  	_ =	swait.ge @!p0 [sflag:s1], $0x6400  }
0x9f: {  	[sflag:s1] =	ssyncset.done @!p0 $0x0  }
0xa0: {  	[sflag:s1] =	ssyncadd.s32 @!p0 $0xFFFF9C00  }
0xa1: {  	[tilespmem:s0], [sflag:$0x2] =	stream.linear.gather @!p0 [spmem:s6], $0x6400, $0x38;
	[tilespmem:$0x19E80] =	vst v63  }
0xa2: {  	_ =	swait.ge @!p0 [sflag:s1], $0x6400  }
0xa3: {  	[sflag:s1] =	ssyncset.done @!p0 $0x0  }
0xa4: {  	s15 =	rddreg [dreg:$0x4];
	[sflag:s1] =	ssyncadd.s32 @!p0 $0xFFFF9C00  }
0xa5: {  	[hbm4b:s15+s14] =	stream.linear.scatter @!p0 [tilespmem:s0], [sflag:$0x2], $0x6400, $0x38;
	[tilespmem:$0x19E80] =	vst v63  }
0xa6: {  	_ =	swait.ge @!p0 [sflag:s1], $0x6400  }
0xa7: {  	[sflag:s1] =	ssyncset.done @!p0 $0x0  }
0xa8: {  	[sflag:s1] =	ssyncadd.s32 @!p0 $0xFFFF9C00  }
0xa9: {  	[tilespmem:s0], [sflag:$0x2] =	stream.linear.gather @!p0 [spmem:s7], $0x6400, $0x38;
	[tilespmem:$0x19E80] =	vst v63  }
0xaa: {  	_ =	swait.ge @!p0 [sflag:s1], $0x6400  }
0xab: {  	[sflag:s1] =	ssyncset.done @!p0 $0x0  }
0xac: {  	s15 =	rddreg [dreg:$0x5];
	[sflag:s1] =	ssyncadd.s32 @!p0 $0xFFFF9C00  }
0xad: {  	[hbm4b:s15+s14] =	stream.linear.scatter @!p0 [tilespmem:s0], [sflag:$0x2], $0x6400, $0x38;
	[tilespmem:$0x19E80] =	vst v63  }
0xae: {  	_ =	swait.ge @!p0 [sflag:s1], $0x6400  }
0xaf: {  	[sflag:s1] =	ssyncset.done @!p0 $0x0  }
0xb0: {  	[sflag:s1] =	ssyncadd.s32 @!p0 $0xFFFF9C00  }
0xb1: {  	[tilespmem:s0], [sflag:$0x2] =	stream.linear.gather @!p0 [spmem:s8], $0xC00, $0x38;
	[tilespmem:$0x19E80] =	vst v63  }
0xb2: {  	s30 =	sadd.s32 $0x1, s30;
	_ =	swait.ge @!p0 [sflag:s1], $0xC00  }
0xb3: {  	p1 =	sne.s32 s30, s21;
	[sflag:s1] =	ssyncset.done @!p0 $0x0  }
.Ltmp2:
0xb4: {  	[sflag:s1] =	ssyncadd.s32 @!p0 $0xFFFFF400;
	(pc) =	sbr.rel @p1 .LBB2_1-.Ltmp2, $4  }
0xb5: {  	[hbm4b:s16+s14] =	stream.linear.scatter @!p0 [tilespmem:s0], [sflag:$0x2], $0xC00, $0x38;
	[tilespmem:$0x19E80] =	vst v63  }
0xb6: {  	_ =	swait.ge @!p0 [sflag:s1], $0xC00  }
0xb7: {  	[sflag:s1] =	ssyncset.done @!p0 $0x0  }
0xb8: {  	[sflag:s1] =	ssyncadd.s32 @!p0 $0xFFFFF400  }
0xb9: {  	_ =	sfence.sel $0x180000  }
0xba: {  	[bflag:$0x0] =	sbarrier.arrive $0xFFFF  }
0xbb: {  	_ =	strace $0x9000004A  }
0xbc: {  	s0 =	stileid.u32;
	[bflag:$0x2] =	sbarrier.arrive $0xFFFF  }
0xbd: {  	p0 =	sne.s32 s0, $0x0;
	s0 =	rddreg [dreg:$0x3]  }
0xbe: {  	s0 =	sadd.s32 @!p0 $0x100000, s0  }
0xbf: {  	[sflag:s0] =	ssyncadd.tile.s32 @!p0 $0x1;
	_ =	shalt  }
.Lfunc_end2:
_tile_overlayer_lowered:
.L_overlay_start_2:
0xc0: {  	(tag) =	ssettag $0x2  }
0xc1: {  	s0 =	rddreg [dreg:$0x0];
	s2 =	stileid.u32  }
0xc2: {  	s1 =	rddreg [dreg:$0x1];
	p0 =	sne.s32 s2, $0x0  }
0xc3: {  	s3 =	rddreg [dreg:$0x2];
	[bflag:$0x3] =	sbarrier.arrive $0xFFFF;
	s2 =	simm.s32 @!p0 $0x1C02  }
0xc4: {  	[timem:s3], [sflag:s2] =	dma.local @!p0 [hbm:s0], s1  }
0xc5: {  	s0 =	simm.s32 @!p0 $0x2  }
0xc6: {  	_ =	swait.ge @!p0 [sflag:s0], s1  }
0xc7: {  	s1 =	ssub.s32 @!p0 $0x0, s1;
	[sflag:s0] =	ssyncset.done @!p0 $0x0  }
0xc8: {  	[sflag:s0] =	ssyncadd.s32 @!p0 s1  }
0xc9: {  	[bflag:$0x3] =	sbarrier.arrive $0xFFFF  }
0xca: {  	_ =	shalt  }

// kernel: kernel.16.cloned.1.call-start
scs
__scs_entry_jumppad:
0x0: {  	(pc) =	sbr.rel $0x88, $3  }
0x1: {  	(tag) =	ssettag $0x0;
	lr =	simm.s32 $0x1  }
0x2: {  	[smem:$0x3F99] =	sst lr;
	_ =	strace $0xD0000000  }
0x3: {  	_ = 	snop  }
0x4: {  	_ = 	snop  }
0x5: {  	_ = 	snop  }
0x6: {  	_ = 	snop  }
0x7: {  	_ = 	snop  }
__scs_overlays_trampoline_lowered:
0x8: {  	[smem:$0x3FA8] =	sst s0  }
0x9: {  	[smem:$0x3FA9] =	sst s1  }
0xa: {  	[smem:$0x3FAA] =	sst s2  }
0xb: {  	[smem:$0x3FAB] =	sst s3  }
0xc: {  	[smem:$0x3FAC] =	sst s4  }
0xd: {  	[smem:$0x3FAD] =	sst s5  }
0xe: {  	[smem:$0x3FAE] =	sst s6  }
0xf: {  	[smem:$0x3FAF] =	sst s7  }
0x10: {  	[smem:$0x3FB0] =	sst s8  }
0x11: {  	[smem:$0x3FB1] =	sst s9;
	s0 =	simm.s32 @!p0 $0x0  }
0x12: {  	s1 =	sld [smem:$0x3F97];
	s0 =	simm.s32 @p0 $0x1  }
0x13: {  	[smem:$0x3FB2] =	sst s0;
	s0 =	simm.s32 @!p1 $0x0  }
0x14: {  	s2 =	sld [smem:$0x3F96];
	s0 =	simm.s32 @p1 $0x1  }
0x15: {  	[smem:$0x3FB3] =	sst s0;
	s0 =	simm.s32 @!p2 $0x0  }
0x16: {  	s3 =	sld [smem:$0x3FDB];
	s0 =	simm.s32 @p2 $0x1  }
0x17: {  	s4 =	simm.s32 $0x1BF5;
	[smem:$0x3FB5] =	sst s0  }
0x18: {  	s0 =	sld [smem:$0x3F98];
	_ =	swait.ge [sflag:s4], $0x0  }
0x19: {  	s7 =	sld [smem:$0x3F99]  }
0x1a: {  	s8 =	sadd.s32 $0xFFFFE003, lr  }
0x1b: {  	s9 =	sadd.s32 $0xFFFFFEF7, lr;
	s5 =	simm.s32 $0xFFFFFFFF;
	p2 =	slt.u32 s8, $0xFFFFF086  }
0x1c: {  	p1 =	slt.u32 s9, $0xF7A;
	s5 =	simm.s32 @!p2 $0x0  }
0x1d: {  	s5 =	simm.s32 @p1 $0x1;
	p0 =	seq.s32 s7, s2  }
0x1e: {  	s7 =	smul.u32 @!p0 $0xF7A, s2;
	p2 =	seq.s32 @!p0 s5, $0x0  }
0x1f: {  	s9 =	smul.u32 $0xF7A, s1;
	s8 =	simm.s32 @!p0 $0x1BF5;
	p2 =	por !p2, p0  }
0x20: {  	[sflag:s8] =	ssyncset.s32 @!p0 $0xFFFFF086;
	s6 =	sadd.s32 @!p0 s3, s7;
	s7 =	simm.s32 @!p0 $0x108  }
0x21: {  	s3 =	sadd.s32 s3, s9;
	s6 =	sadd.s32 @!p0 $0x88, s6;
	s7 =	simm.s32 @p2 $0x1082  }
0x22: {  	[simem:s7], [sflag:s8] =	dma.local @!p0 [hbm:s6], $0xF7A  }
0x23: {  	s9 =	sor.u32 $0xD0000000, s2;
	s6 =	simm.s32 $0x108;
	_ =	swait.ge @!p0 [sflag:s8], $0x0  }
0x24: {  	s3 =	sadd.s32 $0x88, s3;
	s6 =	simm.s32 @!p1 $0x1082;
	[sflag:s4] =	ssyncset.s32 $0xFFFFF086  }
0x25: {  	[simem:s6], [sflag:s4] =	dma.local [hbm:s3], $0xF7A  }
0x26: {  	[smem:$0x3F99] =	sst s1;
	(tag) =	ssettag s2;
	_ =	strace s9  }
0x27: {  	s1 =	sld [smem:$0x3FA9]  }
0x28: {  	s2 =	sld [smem:$0x3FAA]  }
0x29: {  	s4 =	sld [smem:$0x3FAC]  }
0x2a: {  	p0 =	seq.s32 s5, $0x0;
	s5 =	sld [smem:$0x3FAD]  }
0x2b: {  	s6 =	sld [smem:$0x3FAE]  }
0x2c: {  	s7 =	sld [smem:$0x3FAF]  }
0x2d: {  	s3 =	simm.s32 $0x108;
	s8 =	sld [smem:$0x3FB0]  }
0x2e: {  	s3 =	simm.s32 @!p0 $0x1082;
	s9 =	sld [smem:$0x3FB1]  }
0x2f: {  	lr =	sadd.s32 s0, s3;
	s0 =	sld [smem:$0x3FA8]  }
0x30: {  	s3 =	sld [smem:$0x3FAB]  }
0x31: {  	[smem:$0x3FB4] =	sst s10  }
0x32: {  	s10 =	sld [smem:$0x3FB2];
	_ =	sdelay $0x3  }
0x33: {  	p0 =	seq.s32 s10, $0x1;
	s10 =	sld [smem:$0x3FB4];
	_ =	sdelay $0x3  }
0x34: {  	[smem:$0x3FB4] =	sst s10  }
0x35: {  	s10 =	sld [smem:$0x3FB3];
	_ =	sdelay $0x3  }
0x36: {  	p1 =	seq.s32 s10, $0x1;
	s10 =	sld [smem:$0x3FB4];
	_ =	sdelay $0x3  }
0x37: {  	[smem:$0x3FB4] =	sst s10  }
0x38: {  	s10 =	sld [smem:$0x3FB5]  }
0x39: {  	_ = 	snop;
	(pc) =	sbr.ind lr, $3  }
0x3a: {  	_ = 	snop  }
0x3b: {  	_ = 	snop  }
0x3c: {  	p2 =	seq.s32 s10, $0x1;
	s10 =	sld [smem:$0x3FB4]  }
0x3d: {  	_ =	shalt  }
0x3e: {  	_ =	shalt  }
0x3f: {  	_ =	shalt  }
0x40: {  	_ =	shalt  }
0x41: {  	_ =	shalt  }
0x42: {  	_ =	shalt  }
0x43: {  	_ =	shalt  }
0x44: {  	_ =	shalt  }
0x45: {  	_ =	shalt  }
0x46: {  	_ =	shalt  }
0x47: {  	_ =	shalt  }
0x48: {  	_ =	shalt  }
0x49: {  	_ =	shalt  }
0x4a: {  	_ =	shalt  }
0x4b: {  	_ =	shalt  }
0x4c: {  	_ =	shalt  }
0x4d: {  	_ =	shalt  }
0x4e: {  	_ =	shalt  }
0x4f: {  	_ =	shalt  }
0x50: {  	_ =	shalt  }
0x51: {  	_ =	shalt  }
0x52: {  	_ =	shalt  }
0x53: {  	_ =	shalt  }
0x54: {  	_ =	shalt  }
0x55: {  	_ =	shalt  }
0x56: {  	_ =	shalt  }
0x57: {  	_ =	shalt  }
0x58: {  	_ =	shalt  }
0x59: {  	_ =	shalt  }
0x5a: {  	_ =	shalt  }
0x5b: {  	_ =	shalt  }
0x5c: {  	_ =	shalt  }
0x5d: {  	_ =	shalt  }
0x5e: {  	_ =	shalt  }
0x5f: {  	_ =	shalt  }
0x60: {  	_ =	shalt  }
0x61: {  	_ =	shalt  }
0x62: {  	_ =	shalt  }
0x63: {  	_ =	shalt  }
0x64: {  	_ =	shalt  }
0x65: {  	_ =	shalt  }
0x66: {  	_ =	shalt  }
0x67: {  	_ =	shalt  }
0x68: {  	_ =	shalt  }
0x69: {  	_ =	shalt  }
0x6a: {  	_ =	shalt  }
0x6b: {  	_ =	shalt  }
0x6c: {  	_ =	shalt  }
0x6d: {  	_ =	shalt  }
0x6e: {  	_ =	shalt  }
0x6f: {  	_ =	shalt  }
0x70: {  	_ =	shalt  }
0x71: {  	_ =	shalt  }
0x72: {  	_ =	shalt  }
0x73: {  	_ =	shalt  }
0x74: {  	_ =	shalt  }
0x75: {  	_ =	shalt  }
0x76: {  	_ =	shalt  }
0x77: {  	_ =	shalt  }
0x78: {  	_ =	shalt  }
0x79: {  	_ =	shalt  }
0x7a: {  	_ =	shalt  }
0x7b: {  	_ =	shalt  }
0x7c: {  	_ =	shalt  }
0x7d: {  	_ =	shalt  }
0x7e: {  	_ =	shalt  }
0x7f: {  	_ =	shalt  }
0x80: {  	_ =	shalt  }
0x81: {  	_ =	shalt  }
0x82: {  	_ =	shalt  }
0x83: {  	_ =	shalt  }
0x84: {  	_ =	shalt  }
0x85: {  	_ =	shalt  }
0x86: {  	_ =	shalt  }
0x87: {  	_ =	shalt  }
.Lfunc_end0:
.L_simem_size_0:
called_computation.4_lowered:
.L_overlay_start_0:
0x88: {  	s2 =	sld [smem:$0x3FD9]  }
0x89: {  	s3 =	sld [smem:$0x3FFE];
	_ =	sdelay $0x1  }
0x8a: {  	s1 =	srdreg.scid  }
0x8b: {  	s0 =	sand.u32 $0x1, s1  }
0x8c: {  	s14 =	sshll.u32 s0, $0xA;
	s2 =	sadd.s32 s3, s2  }
0x8d: {  	s2 =	sadd.s32 s2, s14  }
0x8e: {  	[smem:$0x3FC0] =	sst s2  }
0x8f: {  	_ = 	snop  }
0x90: {  	s2 =	sld [smem:$0x3FD0];
	_ =	sdelay $0x2  }
0x91: {  	s15 =	simm.s32 $0xA;
	s4 =	simm.s32 $0x10  }
0x92: {  	[smem:s4], [sflag:s15] =	dma.local [hbm:s2], $0x1  }
0x93: {  	_ =	swait.eq [sflag:s15], $0x1  }
0x94: {  	[sflag:s15] =	ssyncset.done $0x0  }
0x95: {  	[sflag:s15] =	ssyncadd.s32 $0xFFFFFFFF  }
0x96: {  	s16 =	sld [smem:$0x10];
	(tm) =	ssettm $0x1  }
0x97: {  	s17 =	sld [smem:$0x3FFB];
	_ =	sdelay $0x3  }
0x98: {  	_ =	strace s17  }
0x99: {  	s3 =	sld [smem:$0x3FFC];
	_ =	sdelay $0x3  }
0x9a: {  	_ =	strace s3  }
0x9b: {  	s3 =	sld [smem:$0x3FFD];
	_ =	sdelay $0x3  }
0x9c: {  	_ =	strace s3  }
0x9d: {  	_ =	strace $0x8FFFFFFF  }
0x9e: {  	s18 =	sld [smem:$0x3FDB];
	_ =	sdelay $0x1  }
0x9f: {  	s19 =	simm.s32 $_scs_section_size  }
0xa0: {  	s5 =	simm.s32 $_size__tile_overlayer_lowered;
	s6 =	simm.s32 $_tile_overlayer_lowered  }
0xa1: {  	s22 =	simm.s32 $0x1BFF;
	s21 =	sshll.u32 s6, $0x1;
	s3 =	sadd.s32 s19, s18  }
0xa2: {  	s7 =	simm.s32 $0x0;
	s20 =	sshll.u32 s5, $0x1;
	s5 =	sadd.s32 s21, s3  }
0xa3: {  	[timem:s7], [sflag:s22] =	dma.local [hbm:s5], s20  }
0xa4: {  	_ =	swait.ge [sflag:s22], s20  }
0xa5: {  	s4 =	ssub.s32 $0x0, s20;
	[sflag:s22] =	ssyncset.done $0x0  }
0xa6: {  	[sflag:s22] =	ssyncadd.s32 s4;
	_ =	sdelay $0x1  }
0xa7: {  	s23 =	simm.s32 $0x1B8B  }
0xa8: {  	_ =	swait.ge [sflag:s23], $0x1  }
0xa9: {  	[sflag:s23] =	ssyncset.done $0x0  }
0xaa: {  	s25 =	simm.s32 $0x1B8E;
	s24 =	sld [smem:$0x3FFE];
	[sflag:s23] =	ssyncadd.s32 $0xFFFFFFFF  }
0xab: {  	s26 =	simm.s32 $execute0_lowered;
	[smem:$0x3FD2] =	sst s25  }
0xac: {  	s5 =	sshll.u32 s26, $0x1;
	_ =	strace $0x8000004C;
	[dreg:$0x1] =	wrdreg $0xFFFFFFFF  }
0xad: {  	s28 =	simm.s32 $_size_execute0_lowered;
	s3 =	sadd.s32 s3, s5;
	[dreg:$0x0] =	wrdreg $0x0  }
0xae: {  	s5 =	sshll.u32 s28, $0x1;
	[dreg:$0x2] =	wrdreg s3  }
0xaf: {  	[dreg:$0x3] =	wrdreg s5  }
0xb0: {  	[dreg:$0x4] =	wrdreg $0xC0  }
0xb1: {  	_ =	task [dreg:s7], $0x5FFFF  }
0xb2: {  	[dreg:$0x1] =	wrdreg $0xFFFFFFFF  }
0xb3: {  	[dreg:$0x0] =	wrdreg $0x60  }
0xb4: {  	[dreg:$0x2] =	wrdreg s24  }
0xb5: {  	[dreg:$0x3] =	wrdreg s16  }
0xb6: {  	[dreg:$0x4] =	wrdreg $0x66000  }
0xb7: {  	[dreg:$0x5] =	wrdreg $0x9  }
0xb8: {  	_ =	task.clear_ibuf [dreg:s7], $0x6FFFF;
	_ =	strace $0x9000004C  }
0xb9: {  	s29 =	simm.s32 $0x9;
	_ =	strace $0x8000004E  }
0xba: {  	_ =	swait.ge [sflag:s29], $0x1  }
0xbb: {  	[sflag:s29] =	ssyncadd.s32 $0xFFFFFFFF  }
0xbc: {  	_ =	strace $0x9000004E  }
0xbd: {  	_ =	sfence  }
0xbe: {  	s30 =	sld [smem:$0x0];
	_ =	sdelay $0x2  }
0xbf: {  	s31 =	sshll.u32 s1, $0xD;
	s1 =	sshrl.u32 s1, $0x2  }
0xc0: {  	s3 =	sand.u32 $0x4000, s31;
	s1 =	sadd.s32 s1, s30  }
0xc1: {  	s0 =	sor.u32 s3, s0;
	s1 =	sshll.u32 s1, $0x11  }
0xc2: {  	s0 =	sor.u32 s1, s0  }
0xc3: {  	s0 =	sadd.s32 $0x8F2B, s0  }
0xc4: {  	[sflag:s0] =	ssyncadd.remote.s32 $0x1  }
0xc5: {  	_ =	sfence.sel $0xFFFF  }
0xc6: {  	[dreg:$0x0] =	wrdreg $0xFFFFFFFF;
	(pc) =	sbr.abs _section_cstart, $3  }
0xc7: {  	[dreg:$0x1] =	wrdreg $0xFFFFFFFF  }
0xc8: {  	_ =	task.clear_ibuf [dreg:s7], $0x2FFFF;
	_ =	strace $0x9FFFFFFF  }
0xc9: {  	(tm) =	ssettm $0x7FFFFFFF  }
tec
execute0_lowered:
.L_overlay_start_1:
0x0: {  	(tag) =	ssettag $0x1  }
0x1: {  	s0 =	rddreg [dreg:$0x0]  }
0x2: {  	s23 =	rddreg [dreg:$0x1];
	s1 =	srdreg.scid  }
0x3: {  	s2 =	rddreg [dreg:$0x2];
	s15 =	stileid.u32  }
0x4: {  	s3 =	simm.s32 $0x0;
	s28 =	simm.s32 $0x200;
	s5 =	smul.u32 $0x2710, s15  }
0x5: {  	s29 =	simm.s32 $0x1;
	s30 =	simm.s32 $0x0;
	s25 =	smul.u32 $0x4E000, s15  }
0x6: {  	s10 =	sand.u32 $0x1, s1;
	[smem:$0x7FF] =	sst s3;
	s11 =	smul.u32 $0x270, s15  }
0x7: {  	s9 =	sadd.s32 $0x124800, s2;
	p0 =	seq.s32 s15, $0xF;
	s4 =	smul.u32 $0x27100, s10  }
0x8: {  	_ =	strace $0x8000004D;
	s6 =	ssub.s32 $0x2, s10;
	s12 =	smul.u32 $0x2710, s10  }
0x9: {  	s14 =	smul.u32 $0x138800, s10;
	s10 =	sadd.s32 $0x12AC00, s2;
	s7 =	sshrl.u32 s6, $0x1  }
0xa: {  	s5 =	sadd.s32 s5, s4;
	s4 =	sadd.s32 $0xF400, s0;
	s21 =	ssub.s32 s6, s7  }
0xb: {  	s12 =	sadd.s32 s11, s12;
	s11 =	sadd.s32 $0x131000, s2;
	s16 =	sshrl.u32 s14, $0x3  }
0xc: {  	s24 =	sshrl.u32 s5, $0x3;
	s5 =	sshrl.u32 s25, $0x2;
	s13 =	sshll.u32 s12, $0x4  }
0xd: {  	s12 =	sadd.s32 $0x137400, s2;
	s21 =	smax.u32 s21, $0x1;
	s25 =	simm.s32 $0x100  }
0xe: {  	s22 =	sadd.s32 s24, s0;
	s0 =	sadd.s32 $0x5D800, s0;
	s5 =	sadd.s32 s5, s2  }
0xf: {  	s23 =	sadd.s32 s24, s23;
	s24 =	simm.s32 $0x2;
	s6 =	sadd.s32 $0x6400, s5  }
0x10: {  	s7 =	sadd.s32 $0xC800, s5;
	s8 =	sadd.s32 $0x12C00, s5;
	s13 =	sadd.s32 s0, s13  }
0x11: {  	s0 =	sadd.s32 s0, s16;
	s22 =	sadd.s32 $0x5600, s22;
	s26 =	sadd.s32 $0xC80, s13  }
0x12: {  	s31 =	sadd.s32 $0x1900, s13;
	s16 =	sadd.s32 $0x2580, s13;
	s17 =	sadd.s32 $0x24900, s0  }
0x13: {  	s18 =	sadd.s32 $0x25580, s0;
	s19 =	sadd.s32 $0x26200, s0;
	[dreg:$0x4] =	wrdreg s26  }
0x14: {  	v0 =	vimm.f32 $0.0e+00;
	s20 =	sadd.s32 $0x26E80, s0;
	[dreg:$0x5] =	wrdreg s31;
	s26 =	simm.s32 $0xC8  }
.LBB2_1:
0x15: {  	s31 =	simm.s32 $0x0;
	s0 =	simm.s32 $0x200  }
.LBB2_2:
0x16: {  	p1 =	sne.s32 s0, $0x18E00;
	[tilespmem:s31+$0x270] =	vst v0  }
0x17: {  	[tilespmem:s31+$0x200] =	vst v0  }
0x18: {  	[tilespmem:s31+$0x210] =	vst v0  }
.Ltmp0:
0x19: {  	[tilespmem:s31+$0x220] =	vst v0;
	(pc) =	sbr.rel @p1 .LBB2_2-.Ltmp0, $4  }
0x1a: {  	[tilespmem:s31+$0x230] =	vst v0  }
0x1b: {  	[tilespmem:s31+$0x240] =	vst v0  }
0x1c: {  	[tilespmem:s31+$0x250] =	vst v0  }
0x1d: {  	[tilespmem:s31+$0x260] =	vst v0;
	s31 =	sshra.s32 s0, $0x2;
	s0 =	sadd.s32 $0x200, s0  }
0x1e: {  	[tilespmem:s31+$0x270] =	vst v0  }
0x1f: {  	[tilespmem:s31+$0x200] =	vst v0  }
0x20: {  	[tilespmem:s31+$0x210] =	vst v0  }
0x21: {  	[tilespmem:s31+$0x220] =	vst v0  }
0x22: {  	[tilespmem:s31+$0x230] =	vst v0  }
0x23: {  	[tilespmem:s31+$0x240] =	vst v0  }
0x24: {  	[tilespmem:s31+$0x250] =	vst v0  }
0x25: {  	[tilespmem:s31+$0x260] =	vst v0;
	s0 =	simm.s32 @p0 $0x200;
	s31 =	simm.s32 @p0 $0x2  }
0x26: {  	[spmem:s9] =	stream.linear.scatter @p0 [tilespmem:s0], [sflag:$0x2], $0x6400, $0x38;
	[tilespmem:$0x19E80] =	vst v63  }
0x27: {  	_ =	swait.ge @p0 [sflag:s31], $0x6400  }
0x28: {  	[sflag:s31] =	ssyncset.done @p0 $0x0  }
0x29: {  	[sflag:s31] =	ssyncadd.s32 @p0 $0xFFFF9C00  }
0x2a: {  	[spmem:s10] =	stream.linear.scatter @p0 [tilespmem:s0], [sflag:$0x2], $0x6400, $0x38;
	[tilespmem:$0x19E80] =	vst v63  }
0x2b: {  	_ =	swait.ge @p0 [sflag:s31], $0x6400  }
0x2c: {  	[sflag:s31] =	ssyncset.done @p0 $0x0  }
0x2d: {  	[sflag:s31] =	ssyncadd.s32 @p0 $0xFFFF9C00  }
0x2e: {  	[spmem:s11] =	stream.linear.scatter @p0 [tilespmem:s0], [sflag:$0x2], $0x6400, $0x38;
	[tilespmem:$0x19E80] =	vst v63  }
0x2f: {  	_ =	swait.ge @p0 [sflag:s31], $0x6400  }
0x30: {  	[sflag:s31] =	ssyncset.done @p0 $0x0  }
0x31: {  	[sflag:s31] =	ssyncadd.s32 @p0 $0xFFFF9C00  }
0x32: {  	[spmem:s12] =	stream.linear.scatter @p0 [tilespmem:s0], [sflag:$0x2], $0x1400, $0x38;
	[tilespmem:$0x19E80] =	vst v63  }
0x33: {  	_ =	swait.ge @p0 [sflag:s31], $0x1400  }
0x34: {  	[sflag:s31] =	ssyncset.done @p0 $0x0  }
0x35: {  	s0 =	simm.s32 @!p0 $0x200;
	[sflag:s31] =	ssyncadd.s32 @p0 $0xFFFFEC00;
	s31 =	simm.s32 @!p0 $0x2  }
0x36: {  	[spmem:s5] =	stream.linear.scatter @!p0 [tilespmem:s0], [sflag:$0x2], $0x6400, $0x38;
	[tilespmem:$0x19E80] =	vst v63  }
0x37: {  	_ =	swait.ge @!p0 [sflag:s31], $0x6400  }
0x38: {  	[sflag:s31] =	ssyncset.done @!p0 $0x0  }
0x39: {  	[sflag:s31] =	ssyncadd.s32 @!p0 $0xFFFF9C00  }
0x3a: {  	[spmem:s6] =	stream.linear.scatter @!p0 [tilespmem:s0], [sflag:$0x2], $0x6400, $0x38;
	[tilespmem:$0x19E80] =	vst v63  }
0x3b: {  	_ =	swait.ge @!p0 [sflag:s31], $0x6400  }
0x3c: {  	[sflag:s31] =	ssyncset.done @!p0 $0x0  }
0x3d: {  	[sflag:s31] =	ssyncadd.s32 @!p0 $0xFFFF9C00  }
0x3e: {  	[spmem:s7] =	stream.linear.scatter @!p0 [tilespmem:s0], [sflag:$0x2], $0x6400, $0x38;
	[tilespmem:$0x19E80] =	vst v63  }
0x3f: {  	_ =	swait.ge @!p0 [sflag:s31], $0x6400  }
0x40: {  	[sflag:s31] =	ssyncset.done @!p0 $0x0  }
0x41: {  	[sflag:s31] =	ssyncadd.s32 @!p0 $0xFFFF9C00  }
0x42: {  	[spmem:s8] =	stream.linear.scatter @!p0 [tilespmem:s0], [sflag:$0x2], $0xC00, $0x38;
	[tilespmem:$0x19E80] =	vst v63  }
0x43: {  	_ =	swait.ge @!p0 [sflag:s31], $0xC00  }
0x44: {  	[sflag:s31] =	ssyncset.done @!p0 $0x0  }
0x45: {  	[sflag:s31] =	ssyncadd.s32 @!p0 $0xFFFFF400  }
0x46: {  	s14 =	sadd.s32 $0x0, s23;
	[bflag:$0x0] =	sbarrier.arrive $0xFFFF  }
0x47: {  	[tilespmem:s3], [sflag:$0x2] =	stream.linear.gather [hbm4b:s14+s3], $0xC8, $0x38;
	[tilespmem:$0x19E80] =	vst v63  }
0x48: {  	_ =	swait.ge [sflag:s24], $0xC8  }
0x49: {  	[sflag:s24] =	ssyncset.done $0x0  }
0x4a: {  	s15 =	sadd.s32 $0x0, s22;
	[sflag:s24] =	ssyncadd.s32 $0xFFFFFF38  }
0x4b: {  	[tilespmem:s25], [sflag:$0x2] =	stream.linear.gather [hbm4b:s15+s3], $0xC8, $0x38;
	[tilespmem:$0x19E80] =	vst v63  }
0x4c: {  	_ =	swait.ge [sflag:s24], $0xC8  }
0x4d: {  	[sflag:s24] =	ssyncset.done $0x0  }
0x4e: {  	[sflag:s24] =	ssyncadd.s32 $0xFFFFFF38  }
0x4f: {  	[tilespmem:s28], [sflag:$0x1] =	stream.indirect.gather [hbm4b:s4+s26], $0x80, s3, s26, $0xb8;
	[tilespmem:$0x19E80] =	vst v63  }
0x50: {  	_ =	swait.ge [sflag:s29], $0x6400  }
0x51: {  	[sflag:s29] =	ssyncset.done $0x0  }
0x52: {  	[sflag:s29] =	ssyncadd.s32 $0xFFFF9C00  }
0x53: {  	[spmem:s2] =	stream.indirect.scatter.add.f32 [tilespmem:s28], [sflag:$0x2], $0x80, s25, s26, $0xb8;
	[tilespmem:$0x19E80] =	vst v63  }
0x54: {  	_ =	swait.ge [sflag:s24], $0x6400  }
0x55: {  	s0 =	simm.s32 $0x32;
	s31 =	simm.s32 $0x19;
	[sflag:s24] =	ssyncset.done $0x0  }
.LBB2_4:
0x56: {  	s1 =	sadd.s32 s31, s23  }
0x57: {  	[sflag:s24] =	ssyncadd.s32 $0xFFFF9C00;
	s14 =	smov.u32 s0;
	s15 =	sadd.s32 $0x19, s0  }
0x58: {  	[tilespmem:s3], [sflag:$0x2] =	stream.linear.gather [hbm4b:s1+s3], $0xC8, $0x38;
	[tilespmem:$0x19E80] =	vst v63  }
0x59: {  	p1 =	sne.s32 s0, $0x4C9;
	_ =	swait.ge [sflag:s24], $0xC8  }
0x5a: {  	[sflag:s24] =	ssyncset.done $0x0  }
0x5b: {  	s0 =	sadd.s32 s31, s22;
	s31 =	smov.u32 s14;
	[sflag:s24] =	ssyncadd.s32 $0xFFFFFF38  }
0x5c: {  	[tilespmem:s25], [sflag:$0x2] =	stream.linear.gather [hbm4b:s0+s3], $0xC8, $0x38;
	[tilespmem:$0x19E80] =	vst v63  }
0x5d: {  	_ =	swait.ge [sflag:s24], $0xC8  }
0x5e: {  	[sflag:s24] =	ssyncset.done $0x0  }
0x5f: {  	[sflag:s24] =	ssyncadd.s32 $0xFFFFFF38  }
0x60: {  	[tilespmem:s28], [sflag:$0x1] =	stream.indirect.gather [hbm4b:s4+s26], $0x80, s3, s26, $0xb8;
	[tilespmem:$0x19E80] =	vst v63  }
0x61: {  	_ =	swait.ge [sflag:s29], $0x6400  }
.Ltmp1:
0x62: {  	[sflag:s29] =	ssyncset.done $0x0;
	(pc) =	sbr.rel @p1 .LBB2_4-.Ltmp1, $4  }
0x63: {  	[sflag:s29] =	ssyncadd.s32 $0xFFFF9C00  }
0x64: {  	[spmem:s2] =	stream.indirect.scatter.add.f32 [tilespmem:s28], [sflag:$0x2], $0x80, s25, s26, $0xb8;
	[tilespmem:$0x19E80] =	vst v63  }
0x65: {  	_ =	swait.ge [sflag:s24], $0x6400  }
0x66: {  	s0 =	smov.u32 s15;
	[sflag:s24] =	ssyncset.done $0x0  }
0x67: {  	s0 =	sadd.s32 s31, s23;
	[sflag:s24] =	ssyncadd.s32 $0xFFFF9C00  }
0x68: {  	[tilespmem:s3], [sflag:$0x2] =	stream.linear.gather [hbm4b:s0+s3], $0xC8, $0x38;
	[tilespmem:$0x19E80] =	vst v63  }
0x69: {  	_ =	swait.ge [sflag:s24], $0xC8  }
0x6a: {  	[sflag:s24] =	ssyncset.done $0x0  }
0x6b: {  	s31 =	sadd.s32 s31, s22;
	[sflag:s24] =	ssyncadd.s32 $0xFFFFFF38  }
0x6c: {  	[tilespmem:s25], [sflag:$0x2] =	stream.linear.gather [hbm4b:s31+s3], $0xC8, $0x38;
	[tilespmem:$0x19E80] =	vst v63  }
0x6d: {  	_ =	swait.ge [sflag:s24], $0xC8  }
0x6e: {  	[sflag:s24] =	ssyncset.done $0x0  }
0x6f: {  	[sflag:s24] =	ssyncadd.s32 $0xFFFFFF38  }
0x70: {  	[tilespmem:s28], [sflag:$0x1] =	stream.indirect.gather [hbm4b:s4+s26], $0x80, s3, s26, $0xb8;
	[tilespmem:$0x19E80] =	vst v63  }
0x71: {  	_ =	swait.ge [sflag:s29], $0x6400  }
0x72: {  	[sflag:s29] =	ssyncset.done $0x0  }
0x73: {  	[sflag:s29] =	ssyncadd.s32 $0xFFFF9C00  }
0x74: {  	[spmem:s2] =	stream.indirect.scatter.add.f32 [tilespmem:s28], [sflag:$0x2], $0x80, s25, s26, $0xb8;
	[tilespmem:$0x19E80] =	vst v63  }
0x75: {  	_ =	swait.ge [sflag:s24], $0x6400  }
0x76: {  	[sflag:s24] =	ssyncset.done $0x0  }
0x77: {  	[sflag:s24] =	ssyncadd.s32 $0xFFFF9C00  }
0x78: {  	s1 =	simm.s32 @p0 $0x2;
	s0 =	simm.s32 @p0 $0x200;
	[bflag:$0x0] =	sbarrier.arrive $0xFFFF  }
0x79: {  	[tilespmem:s0], [sflag:$0x2] =	stream.linear.gather @p0 [spmem:s9], $0x6400, $0x38;
	[tilespmem:$0x19E80] =	vst v63  }
0x7a: {  	_ =	swait.ge @p0 [sflag:s1], $0x6400  }
0x7b: {  	[sflag:s1] =	ssyncset.done @p0 $0x0  }
0x7c: {  	s14 =	simm.s32 @p0 $0x0;
	[sflag:s1] =	ssyncadd.s32 @p0 $0xFFFF9C00  }
0x7d: {  	[hbm4b:s17+s14] =	stream.linear.scatter @p0 [tilespmem:s0], [sflag:$0x2], $0x6400, $0x38;
	[tilespmem:$0x19E80] =	vst v63  }
0x7e: {  	_ =	swait.ge @p0 [sflag:s1], $0x6400  }
0x7f: {  	[sflag:s1] =	ssyncset.done @p0 $0x0  }
0x80: {  	[sflag:s1] =	ssyncadd.s32 @p0 $0xFFFF9C00  }
0x81: {  	[tilespmem:s0], [sflag:$0x2] =	stream.linear.gather @p0 [spmem:s10], $0x6400, $0x38;
	[tilespmem:$0x19E80] =	vst v63  }
0x82: {  	_ =	swait.ge @p0 [sflag:s1], $0x6400  }
0x83: {  	[sflag:s1] =	ssyncset.done @p0 $0x0  }
0x84: {  	[sflag:s1] =	ssyncadd.s32 @p0 $0xFFFF9C00  }
0x85: {  	[hbm4b:s18+s14] =	stream.linear.scatter @p0 [tilespmem:s0], [sflag:$0x2], $0x6400, $0x38;
	[tilespmem:$0x19E80] =	vst v63  }
0x86: {  	_ =	swait.ge @p0 [sflag:s1], $0x6400  }
0x87: {  	[sflag:s1] =	ssyncset.done @p0 $0x0  }
0x88: {  	[sflag:s1] =	ssyncadd.s32 @p0 $0xFFFF9C00  }
0x89: {  	[tilespmem:s0], [sflag:$0x2] =	stream.linear.gather @p0 [spmem:s11], $0x6400, $0x38;
	[tilespmem:$0x19E80] =	vst v63  }
0x8a: {  	_ =	swait.ge @p0 [sflag:s1], $0x6400  }
0x8b: {  	[sflag:s1] =	ssyncset.done @p0 $0x0  }
0x8c: {  	[sflag:s1] =	ssyncadd.s32 @p0 $0xFFFF9C00  }
0x8d: {  	[hbm4b:s19+s14] =	stream.linear.scatter @p0 [tilespmem:s0], [sflag:$0x2], $0x6400, $0x38;
	[tilespmem:$0x19E80] =	vst v63  }
0x8e: {  	_ =	swait.ge @p0 [sflag:s1], $0x6400  }
0x8f: {  	[sflag:s1] =	ssyncset.done @p0 $0x0  }
0x90: {  	[sflag:s1] =	ssyncadd.s32 @p0 $0xFFFF9C00  }
0x91: {  	[tilespmem:s0], [sflag:$0x2] =	stream.linear.gather @p0 [spmem:s12], $0x1400, $0x38;
	[tilespmem:$0x19E80] =	vst v63  }
0x92: {  	_ =	swait.ge @p0 [sflag:s1], $0x1400  }
0x93: {  	[sflag:s1] =	ssyncset.done @p0 $0x0  }
0x94: {  	[sflag:s1] =	ssyncadd.s32 @p0 $0xFFFFEC00  }
0x95: {  	[hbm4b:s20+s14] =	stream.linear.scatter @p0 [tilespmem:s0], [sflag:$0x2], $0x1400, $0x38;
	[tilespmem:$0x19E80] =	vst v63  }
0x96: {  	_ =	swait.ge @p0 [sflag:s1], $0x1400  }
0x97: {  	[sflag:s1] =	ssyncset.done @p0 $0x0  }
0x98: {  	s0 =	simm.s32 @!p0 $0x200;
	[sflag:s1] =	ssyncadd.s32 @p0 $0xFFFFEC00;
	s1 =	simm.s32 @!p0 $0x2  }
0x99: {  	[tilespmem:s0], [sflag:$0x2] =	stream.linear.gather @!p0 [spmem:s5], $0x6400, $0x38;
	[tilespmem:$0x19E80] =	vst v63  }
0x9a: {  	_ =	swait.ge @!p0 [sflag:s1], $0x6400  }
0x9b: {  	[sflag:s1] =	ssyncset.done @!p0 $0x0  }
0x9c: {  	s14 =	simm.s32 @!p0 $0x0;
	[sflag:s1] =	ssyncadd.s32 @!p0 $0xFFFF9C00  }
0x9d: {  	[hbm4b:s13+s14] =	stream.linear.scatter @!p0 [tilespmem:s0], [sflag:$0x2], $0x6400, $0x38;
	[tilespmem:$0x19E80] =	vst v63  }
0x9e: {  	_ =	swait.ge @!p0 [sflag:s1], $0x6400  }
0x9f: {  	[sflag:s1] =	ssyncset.done @!p0 $0x0  }
0xa0: {  	[sflag:s1] =	ssyncadd.s32 @!p0 $0xFFFF9C00  }
0xa1: {  	[tilespmem:s0], [sflag:$0x2] =	stream.linear.gather @!p0 [spmem:s6], $0x6400, $0x38;
	[tilespmem:$0x19E80] =	vst v63  }
0xa2: {  	_ =	swait.ge @!p0 [sflag:s1], $0x6400  }
0xa3: {  	[sflag:s1] =	ssyncset.done @!p0 $0x0  }
0xa4: {  	s15 =	rddreg [dreg:$0x4];
	[sflag:s1] =	ssyncadd.s32 @!p0 $0xFFFF9C00  }
0xa5: {  	[hbm4b:s15+s14] =	stream.linear.scatter @!p0 [tilespmem:s0], [sflag:$0x2], $0x6400, $0x38;
	[tilespmem:$0x19E80] =	vst v63  }
0xa6: {  	_ =	swait.ge @!p0 [sflag:s1], $0x6400  }
0xa7: {  	[sflag:s1] =	ssyncset.done @!p0 $0x0  }
0xa8: {  	[sflag:s1] =	ssyncadd.s32 @!p0 $0xFFFF9C00  }
0xa9: {  	[tilespmem:s0], [sflag:$0x2] =	stream.linear.gather @!p0 [spmem:s7], $0x6400, $0x38;
	[tilespmem:$0x19E80] =	vst v63  }
0xaa: {  	_ =	swait.ge @!p0 [sflag:s1], $0x6400  }
0xab: {  	[sflag:s1] =	ssyncset.done @!p0 $0x0  }
0xac: {  	s15 =	rddreg [dreg:$0x5];
	[sflag:s1] =	ssyncadd.s32 @!p0 $0xFFFF9C00  }
0xad: {  	[hbm4b:s15+s14] =	stream.linear.scatter @!p0 [tilespmem:s0], [sflag:$0x2], $0x6400, $0x38;
	[tilespmem:$0x19E80] =	vst v63  }
0xae: {  	_ =	swait.ge @!p0 [sflag:s1], $0x6400  }
0xaf: {  	[sflag:s1] =	ssyncset.done @!p0 $0x0  }
0xb0: {  	[sflag:s1] =	ssyncadd.s32 @!p0 $0xFFFF9C00  }
0xb1: {  	[tilespmem:s0], [sflag:$0x2] =	stream.linear.gather @!p0 [spmem:s8], $0xC00, $0x38;
	[tilespmem:$0x19E80] =	vst v63  }
0xb2: {  	s30 =	sadd.s32 $0x1, s30;
	_ =	swait.ge @!p0 [sflag:s1], $0xC00  }
0xb3: {  	p1 =	sne.s32 s30, s21;
	[sflag:s1] =	ssyncset.done @!p0 $0x0  }
.Ltmp2:
0xb4: {  	[sflag:s1] =	ssyncadd.s32 @!p0 $0xFFFFF400;
	(pc) =	sbr.rel @p1 .LBB2_1-.Ltmp2, $4  }
0xb5: {  	[hbm4b:s16+s14] =	stream.linear.scatter @!p0 [tilespmem:s0], [sflag:$0x2], $0xC00, $0x38;
	[tilespmem:$0x19E80] =	vst v63  }
0xb6: {  	_ =	swait.ge @!p0 [sflag:s1], $0xC00  }
0xb7: {  	[sflag:s1] =	ssyncset.done @!p0 $0x0  }
0xb8: {  	[sflag:s1] =	ssyncadd.s32 @!p0 $0xFFFFF400  }
0xb9: {  	_ =	sfence.sel $0x180000  }
0xba: {  	[bflag:$0x0] =	sbarrier.arrive $0xFFFF  }
0xbb: {  	_ =	strace $0x9000004D  }
0xbc: {  	s0 =	stileid.u32;
	[bflag:$0x2] =	sbarrier.arrive $0xFFFF  }
0xbd: {  	p0 =	sne.s32 s0, $0x0;
	s0 =	rddreg [dreg:$0x3]  }
0xbe: {  	s0 =	sadd.s32 @!p0 $0x100000, s0  }
0xbf: {  	[sflag:s0] =	ssyncadd.tile.s32 @!p0 $0x1;
	_ =	shalt  }
.Lfunc_end2:
_tile_overlayer_lowered:
.L_overlay_start_2:
0xc0: {  	(tag) =	ssettag $0x2  }
0xc1: {  	s0 =	rddreg [dreg:$0x0];
	s2 =	stileid.u32  }
0xc2: {  	s1 =	rddreg [dreg:$0x1];
	p0 =	sne.s32 s2, $0x0  }
0xc3: {  	s3 =	rddreg [dreg:$0x2];
	[bflag:$0x3] =	sbarrier.arrive $0xFFFF;
	s2 =	simm.s32 @!p0 $0x1C02  }
0xc4: {  	[timem:s3], [sflag:s2] =	dma.local @!p0 [hbm:s0], s1  }
0xc5: {  	s0 =	simm.s32 @!p0 $0x2  }
0xc6: {  	_ =	swait.ge @!p0 [sflag:s0], s1  }
0xc7: {  	s1 =	ssub.s32 @!p0 $0x0, s1;
	[sflag:s0] =	ssyncset.done @!p0 $0x0  }
0xc8: {  	[sflag:s0] =	ssyncadd.s32 @!p0 s1  }
0xc9: {  	[bflag:$0x3] =	sbarrier.arrive $0xFFFF  }
0xca: {  	_ =	shalt  }

// kernel: kernel.19.cloned.1.call-start
scs
__scs_entry_jumppad:
0x0: {  	(pc) =	sbr.rel $0x88, $3  }
0x1: {  	(tag) =	ssettag $0x0;
	lr =	simm.s32 $0x1  }
0x2: {  	[smem:$0x3F99] =	sst lr;
	_ =	strace $0xD0000000  }
0x3: {  	_ = 	snop  }
0x4: {  	_ = 	snop  }
0x5: {  	_ = 	snop  }
0x6: {  	_ = 	snop  }
0x7: {  	_ = 	snop  }
__scs_overlays_trampoline_lowered:
0x8: {  	[smem:$0x3FA8] =	sst s0  }
0x9: {  	[smem:$0x3FA9] =	sst s1  }
0xa: {  	[smem:$0x3FAA] =	sst s2  }
0xb: {  	[smem:$0x3FAB] =	sst s3  }
0xc: {  	[smem:$0x3FAC] =	sst s4  }
0xd: {  	[smem:$0x3FAD] =	sst s5  }
0xe: {  	[smem:$0x3FAE] =	sst s6  }
0xf: {  	[smem:$0x3FAF] =	sst s7  }
0x10: {  	[smem:$0x3FB0] =	sst s8  }
0x11: {  	[smem:$0x3FB1] =	sst s9;
	s0 =	simm.s32 @!p0 $0x0  }
0x12: {  	s1 =	sld [smem:$0x3F97];
	s0 =	simm.s32 @p0 $0x1  }
0x13: {  	[smem:$0x3FB2] =	sst s0;
	s0 =	simm.s32 @!p1 $0x0  }
0x14: {  	s2 =	sld [smem:$0x3F96];
	s0 =	simm.s32 @p1 $0x1  }
0x15: {  	[smem:$0x3FB3] =	sst s0;
	s0 =	simm.s32 @!p2 $0x0  }
0x16: {  	s3 =	sld [smem:$0x3FDB];
	s0 =	simm.s32 @p2 $0x1  }
0x17: {  	s4 =	simm.s32 $0x1BF5;
	[smem:$0x3FB5] =	sst s0  }
0x18: {  	s0 =	sld [smem:$0x3F98];
	_ =	swait.ge [sflag:s4], $0x0  }
0x19: {  	s7 =	sld [smem:$0x3F99]  }
0x1a: {  	s8 =	sadd.s32 $0xFFFFE003, lr  }
0x1b: {  	s9 =	sadd.s32 $0xFFFFFEF7, lr;
	s5 =	simm.s32 $0xFFFFFFFF;
	p2 =	slt.u32 s8, $0xFFFFF086  }
0x1c: {  	p1 =	slt.u32 s9, $0xF7A;
	s5 =	simm.s32 @!p2 $0x0  }
0x1d: {  	s5 =	simm.s32 @p1 $0x1;
	p0 =	seq.s32 s7, s2  }
0x1e: {  	s7 =	smul.u32 @!p0 $0xF7A, s2;
	p2 =	seq.s32 @!p0 s5, $0x0  }
0x1f: {  	s9 =	smul.u32 $0xF7A, s1;
	s8 =	simm.s32 @!p0 $0x1BF5;
	p2 =	por !p2, p0  }
0x20: {  	[sflag:s8] =	ssyncset.s32 @!p0 $0xFFFFF086;
	s6 =	sadd.s32 @!p0 s3, s7;
	s7 =	simm.s32 @!p0 $0x108  }
0x21: {  	s3 =	sadd.s32 s3, s9;
	s6 =	sadd.s32 @!p0 $0x88, s6;
	s7 =	simm.s32 @p2 $0x1082  }
0x22: {  	[simem:s7], [sflag:s8] =	dma.local @!p0 [hbm:s6], $0xF7A  }
0x23: {  	s9 =	sor.u32 $0xD0000000, s2;
	s6 =	simm.s32 $0x108;
	_ =	swait.ge @!p0 [sflag:s8], $0x0  }
0x24: {  	s3 =	sadd.s32 $0x88, s3;
	s6 =	simm.s32 @!p1 $0x1082;
	[sflag:s4] =	ssyncset.s32 $0xFFFFF086  }
0x25: {  	[simem:s6], [sflag:s4] =	dma.local [hbm:s3], $0xF7A  }
0x26: {  	[smem:$0x3F99] =	sst s1;
	(tag) =	ssettag s2;
	_ =	strace s9  }
0x27: {  	s1 =	sld [smem:$0x3FA9]  }
0x28: {  	s2 =	sld [smem:$0x3FAA]  }
0x29: {  	s4 =	sld [smem:$0x3FAC]  }
0x2a: {  	p0 =	seq.s32 s5, $0x0;
	s5 =	sld [smem:$0x3FAD]  }
0x2b: {  	s6 =	sld [smem:$0x3FAE]  }
0x2c: {  	s7 =	sld [smem:$0x3FAF]  }
0x2d: {  	s3 =	simm.s32 $0x108;
	s8 =	sld [smem:$0x3FB0]  }
0x2e: {  	s3 =	simm.s32 @!p0 $0x1082;
	s9 =	sld [smem:$0x3FB1]  }
0x2f: {  	lr =	sadd.s32 s0, s3;
	s0 =	sld [smem:$0x3FA8]  }
0x30: {  	s3 =	sld [smem:$0x3FAB]  }
0x31: {  	[smem:$0x3FB4] =	sst s10  }
0x32: {  	s10 =	sld [smem:$0x3FB2];
	_ =	sdelay $0x3  }
0x33: {  	p0 =	seq.s32 s10, $0x1;
	s10 =	sld [smem:$0x3FB4];
	_ =	sdelay $0x3  }
0x34: {  	[smem:$0x3FB4] =	sst s10  }
0x35: {  	s10 =	sld [smem:$0x3FB3];
	_ =	sdelay $0x3  }
0x36: {  	p1 =	seq.s32 s10, $0x1;
	s10 =	sld [smem:$0x3FB4];
	_ =	sdelay $0x3  }
0x37: {  	[smem:$0x3FB4] =	sst s10  }
0x38: {  	s10 =	sld [smem:$0x3FB5]  }
0x39: {  	_ = 	snop;
	(pc) =	sbr.ind lr, $3  }
0x3a: {  	_ = 	snop  }
0x3b: {  	_ = 	snop  }
0x3c: {  	p2 =	seq.s32 s10, $0x1;
	s10 =	sld [smem:$0x3FB4]  }
0x3d: {  	_ =	shalt  }
0x3e: {  	_ =	shalt  }
0x3f: {  	_ =	shalt  }
0x40: {  	_ =	shalt  }
0x41: {  	_ =	shalt  }
0x42: {  	_ =	shalt  }
0x43: {  	_ =	shalt  }
0x44: {  	_ =	shalt  }
0x45: {  	_ =	shalt  }
0x46: {  	_ =	shalt  }
0x47: {  	_ =	shalt  }
0x48: {  	_ =	shalt  }
0x49: {  	_ =	shalt  }
0x4a: {  	_ =	shalt  }
0x4b: {  	_ =	shalt  }
0x4c: {  	_ =	shalt  }
0x4d: {  	_ =	shalt  }
0x4e: {  	_ =	shalt  }
0x4f: {  	_ =	shalt  }
0x50: {  	_ =	shalt  }
0x51: {  	_ =	shalt  }
0x52: {  	_ =	shalt  }
0x53: {  	_ =	shalt  }
0x54: {  	_ =	shalt  }
0x55: {  	_ =	shalt  }
0x56: {  	_ =	shalt  }
0x57: {  	_ =	shalt  }
0x58: {  	_ =	shalt  }
0x59: {  	_ =	shalt  }
0x5a: {  	_ =	shalt  }
0x5b: {  	_ =	shalt  }
0x5c: {  	_ =	shalt  }
0x5d: {  	_ =	shalt  }
0x5e: {  	_ =	shalt  }
0x5f: {  	_ =	shalt  }
0x60: {  	_ =	shalt  }
0x61: {  	_ =	shalt  }
0x62: {  	_ =	shalt  }
0x63: {  	_ =	shalt  }
0x64: {  	_ =	shalt  }
0x65: {  	_ =	shalt  }
0x66: {  	_ =	shalt  }
0x67: {  	_ =	shalt  }
0x68: {  	_ =	shalt  }
0x69: {  	_ =	shalt  }
0x6a: {  	_ =	shalt  }
0x6b: {  	_ =	shalt  }
0x6c: {  	_ =	shalt  }
0x6d: {  	_ =	shalt  }
0x6e: {  	_ =	shalt  }
0x6f: {  	_ =	shalt  }
0x70: {  	_ =	shalt  }
0x71: {  	_ =	shalt  }
0x72: {  	_ =	shalt  }
0x73: {  	_ =	shalt  }
0x74: {  	_ =	shalt  }
0x75: {  	_ =	shalt  }
0x76: {  	_ =	shalt  }
0x77: {  	_ =	shalt  }
0x78: {  	_ =	shalt  }
0x79: {  	_ =	shalt  }
0x7a: {  	_ =	shalt  }
0x7b: {  	_ =	shalt  }
0x7c: {  	_ =	shalt  }
0x7d: {  	_ =	shalt  }
0x7e: {  	_ =	shalt  }
0x7f: {  	_ =	shalt  }
0x80: {  	_ =	shalt  }
0x81: {  	_ =	shalt  }
0x82: {  	_ =	shalt  }
0x83: {  	_ =	shalt  }
0x84: {  	_ =	shalt  }
0x85: {  	_ =	shalt  }
0x86: {  	_ =	shalt  }
0x87: {  	_ =	shalt  }
.Lfunc_end0:
.L_simem_size_0:
called_computation.5_lowered:
.L_overlay_start_0:
0x88: {  	s2 =	sld [smem:$0x3FD9]  }
0x89: {  	s3 =	sld [smem:$0x3FFE];
	_ =	sdelay $0x1  }
0x8a: {  	s1 =	srdreg.scid  }
0x8b: {  	s0 =	sand.u32 $0x1, s1  }
0x8c: {  	s14 =	sshll.u32 s0, $0xA;
	s2 =	sadd.s32 s3, s2  }
0x8d: {  	s2 =	sadd.s32 s2, s14  }
0x8e: {  	[smem:$0x3FC0] =	sst s2  }
0x8f: {  	_ = 	snop  }
0x90: {  	s2 =	sld [smem:$0x3FD0];
	_ =	sdelay $0x2  }
0x91: {  	s15 =	simm.s32 $0xA;
	s4 =	simm.s32 $0x10  }
0x92: {  	[smem:s4], [sflag:s15] =	dma.local [hbm:s2], $0x1  }
0x93: {  	_ =	swait.eq [sflag:s15], $0x1  }
0x94: {  	[sflag:s15] =	ssyncset.done $0x0  }
0x95: {  	[sflag:s15] =	ssyncadd.s32 $0xFFFFFFFF  }
0x96: {  	s16 =	sld [smem:$0x10];
	(tm) =	ssettm $0x1  }
0x97: {  	s17 =	sld [smem:$0x3FFB];
	_ =	sdelay $0x3  }
0x98: {  	_ =	strace s17  }
0x99: {  	s3 =	sld [smem:$0x3FFC];
	_ =	sdelay $0x3  }
0x9a: {  	_ =	strace s3  }
0x9b: {  	s3 =	sld [smem:$0x3FFD];
	_ =	sdelay $0x3  }
0x9c: {  	_ =	strace s3  }
0x9d: {  	_ =	strace $0x8FFFFFFF  }
0x9e: {  	s18 =	sld [smem:$0x3FDB];
	_ =	sdelay $0x1  }
0x9f: {  	s19 =	simm.s32 $_scs_section_size  }
0xa0: {  	s5 =	simm.s32 $_size__tile_overlayer_lowered;
	s6 =	simm.s32 $_tile_overlayer_lowered  }
0xa1: {  	s22 =	simm.s32 $0x1BFF;
	s21 =	sshll.u32 s6, $0x1;
	s3 =	sadd.s32 s19, s18  }
0xa2: {  	s7 =	simm.s32 $0x0;
	s20 =	sshll.u32 s5, $0x1;
	s5 =	sadd.s32 s21, s3  }
0xa3: {  	[timem:s7], [sflag:s22] =	dma.local [hbm:s5], s20  }
0xa4: {  	_ =	swait.ge [sflag:s22], s20  }
0xa5: {  	s4 =	ssub.s32 $0x0, s20;
	[sflag:s22] =	ssyncset.done $0x0  }
0xa6: {  	[sflag:s22] =	ssyncadd.s32 s4;
	_ =	sdelay $0x1  }
0xa7: {  	s23 =	simm.s32 $0x1B8B  }
0xa8: {  	_ =	swait.ge [sflag:s23], $0x1  }
0xa9: {  	[sflag:s23] =	ssyncset.done $0x0  }
0xaa: {  	s25 =	simm.s32 $0x1B8E;
	s24 =	sld [smem:$0x3FFE];
	[sflag:s23] =	ssyncadd.s32 $0xFFFFFFFF  }
0xab: {  	s26 =	simm.s32 $execute0_lowered;
	[smem:$0x3FD2] =	sst s25  }
0xac: {  	s5 =	sshll.u32 s26, $0x1;
	_ =	strace $0x8000004F;
	[dreg:$0x1] =	wrdreg $0xFFFFFFFF  }
0xad: {  	s28 =	simm.s32 $_size_execute0_lowered;
	s3 =	sadd.s32 s3, s5;
	[dreg:$0x0] =	wrdreg $0x0  }
0xae: {  	s5 =	sshll.u32 s28, $0x1;
	[dreg:$0x2] =	wrdreg s3  }
0xaf: {  	[dreg:$0x3] =	wrdreg s5  }
0xb0: {  	[dreg:$0x4] =	wrdreg $0xC0  }
0xb1: {  	_ =	task [dreg:s7], $0x5FFFF  }
0xb2: {  	[dreg:$0x1] =	wrdreg $0xFFFFFFFF  }
0xb3: {  	[dreg:$0x0] =	wrdreg $0x60  }
0xb4: {  	[dreg:$0x2] =	wrdreg s24  }
0xb5: {  	[dreg:$0x3] =	wrdreg s16  }
0xb6: {  	[dreg:$0x4] =	wrdreg $0x66000  }
0xb7: {  	[dreg:$0x5] =	wrdreg $0x9  }
0xb8: {  	_ =	task.clear_ibuf [dreg:s7], $0x6FFFF;
	_ =	strace $0x9000004F  }
0xb9: {  	s29 =	simm.s32 $0x9;
	_ =	strace $0x80000051  }
0xba: {  	_ =	swait.ge [sflag:s29], $0x1  }
0xbb: {  	[sflag:s29] =	ssyncadd.s32 $0xFFFFFFFF  }
0xbc: {  	_ =	strace $0x90000051  }
0xbd: {  	_ =	sfence  }
0xbe: {  	s30 =	sld [smem:$0x0];
	_ =	sdelay $0x2  }
0xbf: {  	s31 =	sshll.u32 s1, $0xD;
	s1 =	sshrl.u32 s1, $0x2  }
0xc0: {  	s3 =	sand.u32 $0x4000, s31;
	s1 =	sadd.s32 s1, s30  }
0xc1: {  	s0 =	sor.u32 s3, s0;
	s1 =	sshll.u32 s1, $0x11  }
0xc2: {  	s0 =	sor.u32 s1, s0  }
0xc3: {  	s0 =	sadd.s32 $0x8F2B, s0  }
0xc4: {  	[sflag:s0] =	ssyncadd.remote.s32 $0x1  }
0xc5: {  	_ =	sfence.sel $0xFFFF  }
0xc6: {  	[dreg:$0x0] =	wrdreg $0xFFFFFFFF;
	(pc) =	sbr.abs _section_cstart, $3  }
0xc7: {  	[dreg:$0x1] =	wrdreg $0xFFFFFFFF  }
0xc8: {  	_ =	task.clear_ibuf [dreg:s7], $0x2FFFF;
	_ =	strace $0x9FFFFFFF  }
0xc9: {  	(tm) =	ssettm $0x7FFFFFFF  }
tec
execute0_lowered:
.L_overlay_start_1:
0x0: {  	(tag) =	ssettag $0x1  }
0x1: {  	s0 =	rddreg [dreg:$0x0]  }
0x2: {  	s23 =	rddreg [dreg:$0x1];
	s1 =	srdreg.scid  }
0x3: {  	s2 =	rddreg [dreg:$0x2];
	s15 =	stileid.u32  }
0x4: {  	s3 =	simm.s32 $0x0;
	s28 =	simm.s32 $0x200;
	s5 =	smul.u32 $0x2710, s15  }
0x5: {  	s29 =	simm.s32 $0x1;
	s30 =	simm.s32 $0x0;
	s25 =	smul.u32 $0x4E000, s15  }
0x6: {  	s10 =	sand.u32 $0x1, s1;
	[smem:$0x7FF] =	sst s3;
	s11 =	smul.u32 $0x270, s15  }
0x7: {  	s9 =	sadd.s32 $0x124800, s2;
	p0 =	seq.s32 s15, $0xF;
	s4 =	smul.u32 $0x27100, s10  }
0x8: {  	_ =	strace $0x80000050;
	s6 =	ssub.s32 $0x2, s10;
	s12 =	smul.u32 $0x2710, s10  }
0x9: {  	s14 =	smul.u32 $0x138800, s10;
	s10 =	sadd.s32 $0x12AC00, s2;
	s7 =	sshrl.u32 s6, $0x1  }
0xa: {  	s5 =	sadd.s32 s5, s4;
	s4 =	sadd.s32 $0xF400, s0;
	s21 =	ssub.s32 s6, s7  }
0xb: {  	s12 =	sadd.s32 s11, s12;
	s11 =	sadd.s32 $0x131000, s2;
	s16 =	sshrl.u32 s14, $0x3  }
0xc: {  	s24 =	sshrl.u32 s5, $0x3;
	s5 =	sshrl.u32 s25, $0x2;
	s13 =	sshll.u32 s12, $0x4  }
0xd: {  	s12 =	sadd.s32 $0x137400, s2;
	s21 =	smax.u32 s21, $0x1;
	s25 =	simm.s32 $0x100  }
0xe: {  	s22 =	sadd.s32 s24, s0;
	s0 =	sadd.s32 $0x84A00, s0;
	s5 =	sadd.s32 s5, s2  }
0xf: {  	s23 =	sadd.s32 s24, s23;
	s24 =	simm.s32 $0x2;
	s6 =	sadd.s32 $0x6400, s5  }
0x10: {  	s7 =	sadd.s32 $0xC800, s5;
	s8 =	sadd.s32 $0x12C00, s5;
	s13 =	sadd.s32 s0, s13  }
0x11: {  	s0 =	sadd.s32 s0, s16;
	s22 =	sadd.s32 $0x5600, s22;
	s26 =	sadd.s32 $0xC80, s13  }
0x12: {  	s31 =	sadd.s32 $0x1900, s13;
	s16 =	sadd.s32 $0x2580, s13;
	s17 =	sadd.s32 $0x24900, s0  }
0x13: {  	s18 =	sadd.s32 $0x25580, s0;
	s19 =	sadd.s32 $0x26200, s0;
	[dreg:$0x4] =	wrdreg s26  }
0x14: {  	v0 =	vimm.f32 $0.0e+00;
	s20 =	sadd.s32 $0x26E80, s0;
	[dreg:$0x5] =	wrdreg s31;
	s26 =	simm.s32 $0xC8  }
.LBB2_1:
0x15: {  	s31 =	simm.s32 $0x0;
	s0 =	simm.s32 $0x200  }
.LBB2_2:
0x16: {  	p1 =	sne.s32 s0, $0x18E00;
	[tilespmem:s31+$0x270] =	vst v0  }
0x17: {  	[tilespmem:s31+$0x200] =	vst v0  }
0x18: {  	[tilespmem:s31+$0x210] =	vst v0  }
.Ltmp0:
0x19: {  	[tilespmem:s31+$0x220] =	vst v0;
	(pc) =	sbr.rel @p1 .LBB2_2-.Ltmp0, $4  }
0x1a: {  	[tilespmem:s31+$0x230] =	vst v0  }
0x1b: {  	[tilespmem:s31+$0x240] =	vst v0  }
0x1c: {  	[tilespmem:s31+$0x250] =	vst v0  }
0x1d: {  	[tilespmem:s31+$0x260] =	vst v0;
	s31 =	sshra.s32 s0, $0x2;
	s0 =	sadd.s32 $0x200, s0  }
0x1e: {  	[tilespmem:s31+$0x270] =	vst v0  }
0x1f: {  	[tilespmem:s31+$0x200] =	vst v0  }
0x20: {  	[tilespmem:s31+$0x210] =	vst v0  }
0x21: {  	[tilespmem:s31+$0x220] =	vst v0  }
0x22: {  	[tilespmem:s31+$0x230] =	vst v0  }
0x23: {  	[tilespmem:s31+$0x240] =	vst v0  }
0x24: {  	[tilespmem:s31+$0x250] =	vst v0  }
0x25: {  	[tilespmem:s31+$0x260] =	vst v0;
	s0 =	simm.s32 @p0 $0x200;
	s31 =	simm.s32 @p0 $0x2  }
0x26: {  	[spmem:s9] =	stream.linear.scatter @p0 [tilespmem:s0], [sflag:$0x2], $0x6400, $0x38;
	[tilespmem:$0x19E80] =	vst v63  }
0x27: {  	_ =	swait.ge @p0 [sflag:s31], $0x6400  }
0x28: {  	[sflag:s31] =	ssyncset.done @p0 $0x0  }
0x29: {  	[sflag:s31] =	ssyncadd.s32 @p0 $0xFFFF9C00  }
0x2a: {  	[spmem:s10] =	stream.linear.scatter @p0 [tilespmem:s0], [sflag:$0x2], $0x6400, $0x38;
	[tilespmem:$0x19E80] =	vst v63  }
0x2b: {  	_ =	swait.ge @p0 [sflag:s31], $0x6400  }
0x2c: {  	[sflag:s31] =	ssyncset.done @p0 $0x0  }
0x2d: {  	[sflag:s31] =	ssyncadd.s32 @p0 $0xFFFF9C00  }
0x2e: {  	[spmem:s11] =	stream.linear.scatter @p0 [tilespmem:s0], [sflag:$0x2], $0x6400, $0x38;
	[tilespmem:$0x19E80] =	vst v63  }
0x2f: {  	_ =	swait.ge @p0 [sflag:s31], $0x6400  }
0x30: {  	[sflag:s31] =	ssyncset.done @p0 $0x0  }
0x31: {  	[sflag:s31] =	ssyncadd.s32 @p0 $0xFFFF9C00  }
0x32: {  	[spmem:s12] =	stream.linear.scatter @p0 [tilespmem:s0], [sflag:$0x2], $0x1400, $0x38;
	[tilespmem:$0x19E80] =	vst v63  }
0x33: {  	_ =	swait.ge @p0 [sflag:s31], $0x1400  }
0x34: {  	[sflag:s31] =	ssyncset.done @p0 $0x0  }
0x35: {  	s0 =	simm.s32 @!p0 $0x200;
	[sflag:s31] =	ssyncadd.s32 @p0 $0xFFFFEC00;
	s31 =	simm.s32 @!p0 $0x2  }
0x36: {  	[spmem:s5] =	stream.linear.scatter @!p0 [tilespmem:s0], [sflag:$0x2], $0x6400, $0x38;
	[tilespmem:$0x19E80] =	vst v63  }
0x37: {  	_ =	swait.ge @!p0 [sflag:s31], $0x6400  }
0x38: {  	[sflag:s31] =	ssyncset.done @!p0 $0x0  }
0x39: {  	[sflag:s31] =	ssyncadd.s32 @!p0 $0xFFFF9C00  }
0x3a: {  	[spmem:s6] =	stream.linear.scatter @!p0 [tilespmem:s0], [sflag:$0x2], $0x6400, $0x38;
	[tilespmem:$0x19E80] =	vst v63  }
0x3b: {  	_ =	swait.ge @!p0 [sflag:s31], $0x6400  }
0x3c: {  	[sflag:s31] =	ssyncset.done @!p0 $0x0  }
0x3d: {  	[sflag:s31] =	ssyncadd.s32 @!p0 $0xFFFF9C00  }
0x3e: {  	[spmem:s7] =	stream.linear.scatter @!p0 [tilespmem:s0], [sflag:$0x2], $0x6400, $0x38;
	[tilespmem:$0x19E80] =	vst v63  }
0x3f: {  	_ =	swait.ge @!p0 [sflag:s31], $0x6400  }
0x40: {  	[sflag:s31] =	ssyncset.done @!p0 $0x0  }
0x41: {  	[sflag:s31] =	ssyncadd.s32 @!p0 $0xFFFF9C00  }
0x42: {  	[spmem:s8] =	stream.linear.scatter @!p0 [tilespmem:s0], [sflag:$0x2], $0xC00, $0x38;
	[tilespmem:$0x19E80] =	vst v63  }
0x43: {  	_ =	swait.ge @!p0 [sflag:s31], $0xC00  }
0x44: {  	[sflag:s31] =	ssyncset.done @!p0 $0x0  }
0x45: {  	[sflag:s31] =	ssyncadd.s32 @!p0 $0xFFFFF400  }
0x46: {  	s14 =	sadd.s32 $0x0, s23;
	[bflag:$0x0] =	sbarrier.arrive $0xFFFF  }
0x47: {  	[tilespmem:s3], [sflag:$0x2] =	stream.linear.gather [hbm4b:s14+s3], $0xC8, $0x38;
	[tilespmem:$0x19E80] =	vst v63  }
0x48: {  	_ =	swait.ge [sflag:s24], $0xC8  }
0x49: {  	[sflag:s24] =	ssyncset.done $0x0  }
0x4a: {  	s15 =	sadd.s32 $0x0, s22;
	[sflag:s24] =	ssyncadd.s32 $0xFFFFFF38  }
0x4b: {  	[tilespmem:s25], [sflag:$0x2] =	stream.linear.gather [hbm4b:s15+s3], $0xC8, $0x38;
	[tilespmem:$0x19E80] =	vst v63  }
0x4c: {  	_ =	swait.ge [sflag:s24], $0xC8  }
0x4d: {  	[sflag:s24] =	ssyncset.done $0x0  }
0x4e: {  	[sflag:s24] =	ssyncadd.s32 $0xFFFFFF38  }
0x4f: {  	[tilespmem:s28], [sflag:$0x1] =	stream.indirect.gather [hbm4b:s4+s26], $0x80, s3, s26, $0xb8;
	[tilespmem:$0x19E80] =	vst v63  }
0x50: {  	_ =	swait.ge [sflag:s29], $0x6400  }
0x51: {  	[sflag:s29] =	ssyncset.done $0x0  }
0x52: {  	[sflag:s29] =	ssyncadd.s32 $0xFFFF9C00  }
0x53: {  	[spmem:s2] =	stream.indirect.scatter.add.f32 [tilespmem:s28], [sflag:$0x2], $0x80, s25, s26, $0xb8;
	[tilespmem:$0x19E80] =	vst v63  }
0x54: {  	_ =	swait.ge [sflag:s24], $0x6400  }
0x55: {  	s0 =	simm.s32 $0x32;
	s31 =	simm.s32 $0x19;
	[sflag:s24] =	ssyncset.done $0x0  }
.LBB2_4:
0x56: {  	s1 =	sadd.s32 s31, s23  }
0x57: {  	[sflag:s24] =	ssyncadd.s32 $0xFFFF9C00;
	s14 =	smov.u32 s0;
	s15 =	sadd.s32 $0x19, s0  }
0x58: {  	[tilespmem:s3], [sflag:$0x2] =	stream.linear.gather [hbm4b:s1+s3], $0xC8, $0x38;
	[tilespmem:$0x19E80] =	vst v63  }
0x59: {  	p1 =	sne.s32 s0, $0x4C9;
	_ =	swait.ge [sflag:s24], $0xC8  }
0x5a: {  	[sflag:s24] =	ssyncset.done $0x0  }
0x5b: {  	s0 =	sadd.s32 s31, s22;
	s31 =	smov.u32 s14;
	[sflag:s24] =	ssyncadd.s32 $0xFFFFFF38  }
0x5c: {  	[tilespmem:s25], [sflag:$0x2] =	stream.linear.gather [hbm4b:s0+s3], $0xC8, $0x38;
	[tilespmem:$0x19E80] =	vst v63  }
0x5d: {  	_ =	swait.ge [sflag:s24], $0xC8  }
0x5e: {  	[sflag:s24] =	ssyncset.done $0x0  }
0x5f: {  	[sflag:s24] =	ssyncadd.s32 $0xFFFFFF38  }
0x60: {  	[tilespmem:s28], [sflag:$0x1] =	stream.indirect.gather [hbm4b:s4+s26], $0x80, s3, s26, $0xb8;
	[tilespmem:$0x19E80] =	vst v63  }
0x61: {  	_ =	swait.ge [sflag:s29], $0x6400  }
.Ltmp1:
0x62: {  	[sflag:s29] =	ssyncset.done $0x0;
	(pc) =	sbr.rel @p1 .LBB2_4-.Ltmp1, $4  }
0x63: {  	[sflag:s29] =	ssyncadd.s32 $0xFFFF9C00  }
0x64: {  	[spmem:s2] =	stream.indirect.scatter.add.f32 [tilespmem:s28], [sflag:$0x2], $0x80, s25, s26, $0xb8;
	[tilespmem:$0x19E80] =	vst v63  }
0x65: {  	_ =	swait.ge [sflag:s24], $0x6400  }
0x66: {  	s0 =	smov.u32 s15;
	[sflag:s24] =	ssyncset.done $0x0  }
0x67: {  	s0 =	sadd.s32 s31, s23;
	[sflag:s24] =	ssyncadd.s32 $0xFFFF9C00  }
0x68: {  	[tilespmem:s3], [sflag:$0x2] =	stream.linear.gather [hbm4b:s0+s3], $0xC8, $0x38;
	[tilespmem:$0x19E80] =	vst v63  }
0x69: {  	_ =	swait.ge [sflag:s24], $0xC8  }
0x6a: {  	[sflag:s24] =	ssyncset.done $0x0  }
0x6b: {  	s31 =	sadd.s32 s31, s22;
	[sflag:s24] =	ssyncadd.s32 $0xFFFFFF38  }
0x6c: {  	[tilespmem:s25], [sflag:$0x2] =	stream.linear.gather [hbm4b:s31+s3], $0xC8, $0x38;
	[tilespmem:$0x19E80] =	vst v63  }
0x6d: {  	_ =	swait.ge [sflag:s24], $0xC8  }
0x6e: {  	[sflag:s24] =	ssyncset.done $0x0  }
0x6f: {  	[sflag:s24] =	ssyncadd.s32 $0xFFFFFF38  }
0x70: {  	[tilespmem:s28], [sflag:$0x1] =	stream.indirect.gather [hbm4b:s4+s26], $0x80, s3, s26, $0xb8;
	[tilespmem:$0x19E80] =	vst v63  }
0x71: {  	_ =	swait.ge [sflag:s29], $0x6400  }
0x72: {  	[sflag:s29] =	ssyncset.done $0x0  }
0x73: {  	[sflag:s29] =	ssyncadd.s32 $0xFFFF9C00  }
0x74: {  	[spmem:s2] =	stream.indirect.scatter.add.f32 [tilespmem:s28], [sflag:$0x2], $0x80, s25, s26, $0xb8;
	[tilespmem:$0x19E80] =	vst v63  }
0x75: {  	_ =	swait.ge [sflag:s24], $0x6400  }
0x76: {  	[sflag:s24] =	ssyncset.done $0x0  }
0x77: {  	[sflag:s24] =	ssyncadd.s32 $0xFFFF9C00  }
0x78: {  	s1 =	simm.s32 @p0 $0x2;
	s0 =	simm.s32 @p0 $0x200;
	[bflag:$0x0] =	sbarrier.arrive $0xFFFF  }
0x79: {  	[tilespmem:s0], [sflag:$0x2] =	stream.linear.gather @p0 [spmem:s9], $0x6400, $0x38;
	[tilespmem:$0x19E80] =	vst v63  }
0x7a: {  	_ =	swait.ge @p0 [sflag:s1], $0x6400  }
0x7b: {  	[sflag:s1] =	ssyncset.done @p0 $0x0  }
0x7c: {  	s14 =	simm.s32 @p0 $0x0;
	[sflag:s1] =	ssyncadd.s32 @p0 $0xFFFF9C00  }
0x7d: {  	[hbm4b:s17+s14] =	stream.linear.scatter @p0 [tilespmem:s0], [sflag:$0x2], $0x6400, $0x38;
	[tilespmem:$0x19E80] =	vst v63  }
0x7e: {  	_ =	swait.ge @p0 [sflag:s1], $0x6400  }
0x7f: {  	[sflag:s1] =	ssyncset.done @p0 $0x0  }
0x80: {  	[sflag:s1] =	ssyncadd.s32 @p0 $0xFFFF9C00  }
0x81: {  	[tilespmem:s0], [sflag:$0x2] =	stream.linear.gather @p0 [spmem:s10], $0x6400, $0x38;
	[tilespmem:$0x19E80] =	vst v63  }
0x82: {  	_ =	swait.ge @p0 [sflag:s1], $0x6400  }
0x83: {  	[sflag:s1] =	ssyncset.done @p0 $0x0  }
0x84: {  	[sflag:s1] =	ssyncadd.s32 @p0 $0xFFFF9C00  }
0x85: {  	[hbm4b:s18+s14] =	stream.linear.scatter @p0 [tilespmem:s0], [sflag:$0x2], $0x6400, $0x38;
	[tilespmem:$0x19E80] =	vst v63  }
0x86: {  	_ =	swait.ge @p0 [sflag:s1], $0x6400  }
0x87: {  	[sflag:s1] =	ssyncset.done @p0 $0x0  }
0x88: {  	[sflag:s1] =	ssyncadd.s32 @p0 $0xFFFF9C00  }
0x89: {  	[tilespmem:s0], [sflag:$0x2] =	stream.linear.gather @p0 [spmem:s11], $0x6400, $0x38;
	[tilespmem:$0x19E80] =	vst v63  }
0x8a: {  	_ =	swait.ge @p0 [sflag:s1], $0x6400  }
0x8b: {  	[sflag:s1] =	ssyncset.done @p0 $0x0  }
0x8c: {  	[sflag:s1] =	ssyncadd.s32 @p0 $0xFFFF9C00  }
0x8d: {  	[hbm4b:s19+s14] =	stream.linear.scatter @p0 [tilespmem:s0], [sflag:$0x2], $0x6400, $0x38;
	[tilespmem:$0x19E80] =	vst v63  }
0x8e: {  	_ =	swait.ge @p0 [sflag:s1], $0x6400  }
0x8f: {  	[sflag:s1] =	ssyncset.done @p0 $0x0  }
0x90: {  	[sflag:s1] =	ssyncadd.s32 @p0 $0xFFFF9C00  }
0x91: {  	[tilespmem:s0], [sflag:$0x2] =	stream.linear.gather @p0 [spmem:s12], $0x1400, $0x38;
	[tilespmem:$0x19E80] =	vst v63  }
0x92: {  	_ =	swait.ge @p0 [sflag:s1], $0x1400  }
0x93: {  	[sflag:s1] =	ssyncset.done @p0 $0x0  }
0x94: {  	[sflag:s1] =	ssyncadd.s32 @p0 $0xFFFFEC00  }
0x95: {  	[hbm4b:s20+s14] =	stream.linear.scatter @p0 [tilespmem:s0], [sflag:$0x2], $0x1400, $0x38;
	[tilespmem:$0x19E80] =	vst v63  }
0x96: {  	_ =	swait.ge @p0 [sflag:s1], $0x1400  }
0x97: {  	[sflag:s1] =	ssyncset.done @p0 $0x0  }
0x98: {  	s0 =	simm.s32 @!p0 $0x200;
	[sflag:s1] =	ssyncadd.s32 @p0 $0xFFFFEC00;
	s1 =	simm.s32 @!p0 $0x2  }
0x99: {  	[tilespmem:s0], [sflag:$0x2] =	stream.linear.gather @!p0 [spmem:s5], $0x6400, $0x38;
	[tilespmem:$0x19E80] =	vst v63  }
0x9a: {  	_ =	swait.ge @!p0 [sflag:s1], $0x6400  }
0x9b: {  	[sflag:s1] =	ssyncset.done @!p0 $0x0  }
0x9c: {  	s14 =	simm.s32 @!p0 $0x0;
	[sflag:s1] =	ssyncadd.s32 @!p0 $0xFFFF9C00  }
0x9d: {  	[hbm4b:s13+s14] =	stream.linear.scatter @!p0 [tilespmem:s0], [sflag:$0x2], $0x6400, $0x38;
	[tilespmem:$0x19E80] =	vst v63  }
0x9e: {  	_ =	swait.ge @!p0 [sflag:s1], $0x6400  }
0x9f: {  	[sflag:s1] =	ssyncset.done @!p0 $0x0  }
0xa0: {  	[sflag:s1] =	ssyncadd.s32 @!p0 $0xFFFF9C00  }
0xa1: {  	[tilespmem:s0], [sflag:$0x2] =	stream.linear.gather @!p0 [spmem:s6], $0x6400, $0x38;
	[tilespmem:$0x19E80] =	vst v63  }
0xa2: {  	_ =	swait.ge @!p0 [sflag:s1], $0x6400  }
0xa3: {  	[sflag:s1] =	ssyncset.done @!p0 $0x0  }
0xa4: {  	s15 =	rddreg [dreg:$0x4];
	[sflag:s1] =	ssyncadd.s32 @!p0 $0xFFFF9C00  }
0xa5: {  	[hbm4b:s15+s14] =	stream.linear.scatter @!p0 [tilespmem:s0], [sflag:$0x2], $0x6400, $0x38;
	[tilespmem:$0x19E80] =	vst v63  }
0xa6: {  	_ =	swait.ge @!p0 [sflag:s1], $0x6400  }
0xa7: {  	[sflag:s1] =	ssyncset.done @!p0 $0x0  }
0xa8: {  	[sflag:s1] =	ssyncadd.s32 @!p0 $0xFFFF9C00  }
0xa9: {  	[tilespmem:s0], [sflag:$0x2] =	stream.linear.gather @!p0 [spmem:s7], $0x6400, $0x38;
	[tilespmem:$0x19E80] =	vst v63  }
0xaa: {  	_ =	swait.ge @!p0 [sflag:s1], $0x6400  }
0xab: {  	[sflag:s1] =	ssyncset.done @!p0 $0x0  }
0xac: {  	s15 =	rddreg [dreg:$0x5];
	[sflag:s1] =	ssyncadd.s32 @!p0 $0xFFFF9C00  }
0xad: {  	[hbm4b:s15+s14] =	stream.linear.scatter @!p0 [tilespmem:s0], [sflag:$0x2], $0x6400, $0x38;
	[tilespmem:$0x19E80] =	vst v63  }
0xae: {  	_ =	swait.ge @!p0 [sflag:s1], $0x6400  }
0xaf: {  	[sflag:s1] =	ssyncset.done @!p0 $0x0  }
0xb0: {  	[sflag:s1] =	ssyncadd.s32 @!p0 $0xFFFF9C00  }
0xb1: {  	[tilespmem:s0], [sflag:$0x2] =	stream.linear.gather @!p0 [spmem:s8], $0xC00, $0x38;
	[tilespmem:$0x19E80] =	vst v63  }
0xb2: {  	s30 =	sadd.s32 $0x1, s30;
	_ =	swait.ge @!p0 [sflag:s1], $0xC00  }
0xb3: {  	p1 =	sne.s32 s30, s21;
	[sflag:s1] =	ssyncset.done @!p0 $0x0  }
.Ltmp2:
0xb4: {  	[sflag:s1] =	ssyncadd.s32 @!p0 $0xFFFFF400;
	(pc) =	sbr.rel @p1 .LBB2_1-.Ltmp2, $4  }
0xb5: {  	[hbm4b:s16+s14] =	stream.linear.scatter @!p0 [tilespmem:s0], [sflag:$0x2], $0xC00, $0x38;
	[tilespmem:$0x19E80] =	vst v63  }
0xb6: {  	_ =	swait.ge @!p0 [sflag:s1], $0xC00  }
0xb7: {  	[sflag:s1] =	ssyncset.done @!p0 $0x0  }
0xb8: {  	[sflag:s1] =	ssyncadd.s32 @!p0 $0xFFFFF400  }
0xb9: {  	_ =	sfence.sel $0x180000  }
0xba: {  	[bflag:$0x0] =	sbarrier.arrive $0xFFFF  }
0xbb: {  	_ =	strace $0x90000050  }
0xbc: {  	s0 =	stileid.u32;
	[bflag:$0x2] =	sbarrier.arrive $0xFFFF  }
0xbd: {  	p0 =	sne.s32 s0, $0x0;
	s0 =	rddreg [dreg:$0x3]  }
0xbe: {  	s0 =	sadd.s32 @!p0 $0x100000, s0  }
0xbf: {  	[sflag:s0] =	ssyncadd.tile.s32 @!p0 $0x1;
	_ =	shalt  }
.Lfunc_end2:
_tile_overlayer_lowered:
.L_overlay_start_2:
0xc0: {  	(tag) =	ssettag $0x2  }
0xc1: {  	s0 =	rddreg [dreg:$0x0];
	s2 =	stileid.u32  }
0xc2: {  	s1 =	rddreg [dreg:$0x1];
	p0 =	sne.s32 s2, $0x0  }
0xc3: {  	s3 =	rddreg [dreg:$0x2];
	[bflag:$0x3] =	sbarrier.arrive $0xFFFF;
	s2 =	simm.s32 @!p0 $0x1C02  }
0xc4: {  	[timem:s3], [sflag:s2] =	dma.local @!p0 [hbm:s0], s1  }
0xc5: {  	s0 =	simm.s32 @!p0 $0x2  }
0xc6: {  	_ =	swait.ge @!p0 [sflag:s0], s1  }
0xc7: {  	s1 =	ssub.s32 @!p0 $0x0, s1;
	[sflag:s0] =	ssyncset.done @!p0 $0x0  }
0xc8: {  	[sflag:s0] =	ssyncadd.s32 @!p0 s1  }
0xc9: {  	[bflag:$0x3] =	sbarrier.arrive $0xFFFF  }
0xca: {  	_ =	shalt  }

</sc_bundles>
